<compile_context>
chip_gen: v7x
topology: tpu7x:2x2x1
jax: 0.10.2.dev20260603
libtpu: 0.0.44.dev20260713+nightly
codegen_flags: <defaults>
</compile_context>

<pallas_src>
import functools

import jax
import jax.numpy as jnp
from jax import lax
from jax.experimental import pallas as pl
from jax.experimental.pallas import tpu as pltpu
from jax.experimental.pallas import tpu_sc as plsc

_HI = jax.lax.Precision.HIGHEST


def _pack_pairs(x):
    *lead, w = x.shape
    xb = x.astype(jnp.bfloat16).reshape(*lead, w // 32, 2, 16)
    xb = jnp.swapaxes(xb, -1, -2)
    pk = lax.bitcast_convert_type(xb, jnp.float32)
    return pk.reshape(*lead, w // 2)


def _head_body(h_ref, q_ref, ws_ref, wqr_ref, wqrb_ref, r_ref, wr_ref,
               o_ref, ro_ref):
    D = h_ref.shape[2]
    b = pl.program_id(0)
    h = h_ref[0]
    hw = jnp.dot(h, ws_ref[...], preferred_element_type=jnp.float32,
                 precision=_HI)
    qw_all = jnp.dot(q_ref[...], wqr_ref[...],
                     preferred_element_type=jnp.float32,
                     precision=_HI) + wqrb_ref[...]
    row = lax.broadcasted_iota(jnp.int32, qw_all.shape, 0)
    qw = jnp.sum(jnp.where(row == b, qw_all, 0.0), axis=0, keepdims=True)
    o_ref[0, :, :D] = h
    o_ref[0, :, D:] = hw + qw

    @pl.when(b == 0)
    def _():
        r = r_ref[...]
        ro_ref[:, :D] = r
        ro_ref[:, D:] = jnp.dot(r, wr_ref[...],
                                preferred_element_type=jnp.float32,
                                precision=_HI)


def _post_body(p0_ref, p1_ref, w1_ref, b1_ref, w2_ref, b2_ref, o_ref):
    D = o_ref.shape[1]
    x0 = p0_ref[0]
    x1 = p1_ref[0]
    agg = x0[:, :D] + x1[:, :D]
    cnt = x0[:, D:D + 1] + x1[:, D:D + 1]
    h1 = jnp.dot(agg, w1_ref[...], preferred_element_type=jnp.float32,
                 precision=_HI) + b1_ref[...]
    sel = jnp.dot(h1, w2_ref[...], preferred_element_type=jnp.float32,
                  precision=_HI) + b2_ref[...]
    sel = jnp.maximum(sel, 0.0)
    o_ref[...] = jnp.where(cnt > 0.0, sel, 0.0)


def _build_sc(NROWS, D, A, R, NC0, NC1):
    HW = (D + A) // 2
    RW = (D + A) // 2
    MW = D + 16
    C = 32
    IDB = 8
    RPT = NROWS // 16
    NG = A // 16
    ND = D // 16

    mesh = plsc.VectorSubcoreMesh(core_axis_name="c", subcore_axis_name="s")

    @functools.partial(
        pl.kernel,
        out_type=jax.ShapeDtypeStruct((2, NROWS, MW), jnp.float32),
        mesh=mesh,
        compiler_params=pltpu.CompilerParams(needs_layout_passes=False,
                                             use_tc_tiling_on_sc=False),
        scratch_types=[
            pltpu.VMEM((3, IDB * C), jnp.int32),
            [pltpu.VMEM((C, HW), jnp.float32)] * 2,
            [pltpu.VMEM((C, RW), jnp.float32)] * 2,
            [pltpu.VMEM((C, MW), jnp.float32)] * 2,
            [pltpu.VMEM((C,), jnp.int32)] * 2,
            pltpu.VMEM((A,), jnp.float32),
            pltpu.VMEM_SHARED((NROWS, MW), jnp.float32),
            [pltpu.SemaphoreType.DMA] * 2,
            [pltpu.SemaphoreType.DMA] * 2,
        ],
    )
    def sc_fn(ids_h, head_h, rela_h, wa_h, out_h,
              ids_v, hb, rb, mb, ob, wa_v, acc, gsem, ssem):
        cid = lax.axis_index("c")
        sid = lax.axis_index("s")
        pltpu.sync_copy(wa_h, wa_v)

        z16 = jnp.zeros((16,), jnp.float32)

        def zrow(i, carry):
            for j in range(MW // 16):
                mb[0][i, pl.ds(j * 16, 16)] = z16
                mb[1][i, pl.ds(j * 16, 16)] = z16
            return carry

        lax.fori_loop(0, C, zrow, 0)
        base = sid * RPT
        pos = 0
        while pos < RPT:
            n = min(C, RPT - pos)
            src = mb[(pos // C) % 2]
            pltpu.sync_copy(src.at[pl.ds(0, n)], acc.at[pl.ds(base + pos, n)])
            pos += n

        plsc.subcore_barrier()

        one16 = jnp.ones((16,), jnp.float32)

        def orow(i, carry):
            mb[0][i, pl.ds(D, 16)] = one16
            mb[1][i, pl.ds(D, 16)] = one16
            return carry

        lax.fori_loop(0, C, orow, 0)

        wa_regs = [wa_v[pl.ds(g * 16, 16)] for g in range(NG)]
        idx15 = jnp.full((16,), 15, jnp.int32)
        nchunk = jnp.where(cid == 0, NC0, NC1)
        wbase = jnp.where(cid == 0, sid * (NC0 * C),
                          16 * (NC0 * C) + sid * (NC1 * C))

        def load_idblock(blk):
            pltpu.sync_copy(
                ids_h.at[:, pl.ds(wbase + blk * (IDB * C), IDB * C)], ids_v)

        SPL = 8

        def issue_gathers(t, buf):
            off = lax.rem(t, IDB) * C
            for q in range(C // SPL):
                pltpu.async_copy(
                    head_h.at[ids_v.at[0, pl.ds(off + q * SPL, SPL)]],
                    hb[buf].at[pl.ds(q * SPL, SPL)], gsem[buf])
                pltpu.async_copy(
                    rela_h.at[ids_v.at[1, pl.ds(off + q * SPL, SPL)]],
                    rb[buf].at[pl.ds(q * SPL, SPL)], gsem[buf])

        def wait_gathers(buf):
            pltpu.make_async_copy(head_h.at[pl.ds(0, C)], hb[buf],
                                  gsem[buf]).wait()
            pltpu.make_async_copy(head_h.at[pl.ds(0, C)], rb[buf],
                                  gsem[buf]).wait()

        def wait_scatter(buf):
            pltpu.make_async_copy(mb[buf], acc.at[ob[buf]], ssem[buf]).wait()

        def compute_chunk(buf):
            hv = hb[buf]
            rv = rb[buf]
            mv = mb[buf]

            @plsc.parallel_loop(0, C, unroll=4)
            def edge(i):
                s = None
                for k in range(A // 32):
                    hp = hv[i, pl.ds(D // 2 + k * 16, 16)]
                    rp = rv[i, pl.ds(D // 2 + k * 16, 16)]
                    ha = plsc.unpack(plsc.bitcast(hp, jnp.bfloat16),
                                     format=plsc.PackFormat.INTERLEAVED)
                    ra = plsc.unpack(plsc.bitcast(rp, jnp.bfloat16),
                                     format=plsc.PackFormat.INTERLEAVED)
                    for h2 in range(2):
                        x = jnp.maximum(ha[h2] + ra[h2], 0.0)
                        x = x * wa_regs[2 * k + h2]
                        s = x if s is None else s + x
                c = plsc.cumsum(s)
                z = lax.gather(
                    c, idx15[:, None],
                    lax.GatherDimensionNumbers(
                        offset_dims=(), collapsed_slice_dims=(0,),
                        start_index_map=(0,)),
                    (1,), mode=lax.GatherScatterMode.PROMISE_IN_BOUNDS)
                alpha = 1.0 / (1.0 + jnp.exp(-z))
                for k in range(D // 32):
                    hp = hv[i, pl.ds(k * 16, 16)]
                    rp = rv[i, pl.ds(k * 16, 16)]
                    hm = plsc.unpack(plsc.bitcast(hp, jnp.bfloat16),
                                     format=plsc.PackFormat.INTERLEAVED)
                    rm = plsc.unpack(plsc.bitcast(rp, jnp.bfloat16),
                                     format=plsc.PackFormat.INTERLEAVED)
                    for h2 in range(2):
                        g = 2 * k + h2
                        mv[i, pl.ds(g * 16, 16)] = (hm[h2] * rm[h2] * alpha)

        def step(t, buf, p):
            wait_gathers(buf)

            @pl.when(p >= 1)
            def _():
                wait_scatter(buf)

            off = lax.rem(t, IDB) * C
            for j in range(C // 16):
                ob[buf][pl.ds(j * 16, 16)] = ids_v[2, pl.ds(off + j * 16, 16)]

            @pl.when(jnp.logical_and(lax.rem(t + 1, IDB) == 0,
                                     t + 1 < nchunk))
            def _():
                load_idblock((t + 1) // IDB)

            @pl.when(t + 1 < nchunk)
            def _():
                issue_gathers(t + 1, 1 - buf)

            compute_chunk(buf)
            pltpu.async_copy(mb[buf], acc.at[ob[buf]], ssem[buf], add=True)

        load_idblock(0)
        issue_gathers(0, 0)

        def pair(p, carry):
            step(2 * p, 0, p)
            step(2 * p + 1, 1, p)
            return carry

        lax.fori_loop(0, nchunk // 2, pair, 0)
        wait_scatter(0)
        wait_scatter(1)
        plsc.subcore_barrier()
        pltpu.sync_copy(acc.at[pl.ds(sid * RPT, RPT)],
                        out_h.at[cid, pl.ds(sid * RPT, RPT)])

    return sc_fn


def kernel(query, q_sub, q_rel, hidden, edges, nodes, rela_embed,
           Ws, Wr, Wqr_W, Wqr_b, Wa, mlp_W1, mlp_b1, mlp_W2, mlp_b2):
    B, N, D = hidden.shape
    A = Ws.shape[1]
    R = rela_embed.shape[0]
    BN = B * N
    E = edges.shape[0]
    W = D + A
    MW = D + 16
    NROWS = -(-(BN + 16) // 128) * 128
    NW = 32
    C = 32
    IDB = 8
    NCHUNK = -(-E // (NW * IDB * C)) * IDB
    TOT = 2 * NCHUNK
    NC0 = 432
    NC1 = TOT - NC0
    E_pad = 16 * TOT * C

    head_tab, rela_tab = pl.pallas_call(
        _head_body,
        grid=(B,),
        in_specs=[
            pl.BlockSpec((1, N, D), lambda b: (b, 0, 0)),
            pl.BlockSpec((B, D), lambda b: (0, 0)),
            pl.BlockSpec((D, A), lambda b: (0, 0)),
            pl.BlockSpec((D, A), lambda b: (0, 0)),
            pl.BlockSpec((1, A), lambda b: (0, 0)),
            pl.BlockSpec((R, D), lambda b: (0, 0)),
            pl.BlockSpec((D, A), lambda b: (0, 0)),
        ],
        out_specs=[
            pl.BlockSpec((1, N, W), lambda b: (b, 0, 0)),
            pl.BlockSpec((R, W), lambda b: (0, 0)),
        ],
        out_shape=[
            jax.ShapeDtypeStruct((B, N, W), jnp.float32),
            jax.ShapeDtypeStruct((R, W), jnp.float32),
        ],
    )(hidden, query, Ws, Wqr_W, Wqr_b.reshape(1, A), rela_embed, Wr)
    head_tab = head_tab.reshape(BN, W)

    pad = E_pad - E
    sub_p = jnp.concatenate([edges[:, 1], jnp.zeros((pad,), jnp.int32)])
    rel_p = jnp.concatenate([edges[:, 2], jnp.zeros((pad,), jnp.int32)])
    obj_p = jnp.concatenate([edges[:, 3], jnp.full((pad,), BN, jnp.int32)])
    ids_p = jnp.stack([sub_p, rel_p, obj_p])

    head_pk = jnp.concatenate(
        [_pack_pairs(head_tab[:, :D]), _pack_pairs(head_tab[:, D:])], axis=1)
    rela_pk = jnp.concatenate(
        [_pack_pairs(rela_tab[:, :D]), _pack_pairs(rela_tab[:, D:])], axis=1)

    sc_fn = _build_sc(NROWS, D, A, R, NC0, NC1)
    parts = sc_fn(ids_p, head_pk, rela_pk, Wa.reshape(A))

    GB = 10
    RB = BN // GB
    out = pl.pallas_call(
        _post_body,
        grid=(GB,),
        in_specs=[
            pl.BlockSpec((1, RB, MW), lambda i: (0, i, 0)),
            pl.BlockSpec((1, RB, MW), lambda i: (1, i, 0)),
            pl.BlockSpec((D, D), lambda i: (0, 0)),
            pl.BlockSpec((1, D), lambda i: (0, 0)),
            pl.BlockSpec((D, D), lambda i: (0, 0)),
            pl.BlockSpec((1, D), lambda i: (0, 0)),
        ],
        out_specs=pl.BlockSpec((RB, D), lambda i: (i, 0)),
        out_shape=jax.ShapeDtypeStruct((BN, D), jnp.float32),
    )(parts, parts, mlp_W1, mlp_b1.reshape(1, D), mlp_W2,
      mlp_b2.reshape(1, D))
    return out.reshape(B, N, D)

# --- scband reference (transcript-rebuilt; emitter-appended) ---
"""Pipeline reference for scband-frame-work-67345087201450 (READ-ONLY COPY).

The authoritative reference and input builder live on the scoring server;
editing this copy changes nothing except your own understanding.
"""

import jax, jax.numpy as jnp
import numpy as np

B, N, D, A, R, E = 4, 2500, 128, 64, 401, 320000


def setup_inputs(seed: int = 0) -> dict:
    key = jax.random.key(seed)
    ks = jax.random.split(key, 20)
    query = jax.random.normal(ks[0], (B, D), dtype=jnp.float32)
    hidden = jax.random.normal(ks[1], (B, N, D), dtype=jnp.float32)
    id_bat = jax.random.randint(ks[2], (E,), 0, B, dtype=jnp.int32)
    id_sub = id_bat * N + jax.random.randint(ks[3], (E,), 0, N, dtype=jnp.int32)
    id_rel = jax.random.randint(ks[4], (E,), 0, R, dtype=jnp.int32)
    id_obj = id_bat * N + jax.random.randint(ks[5], (E,), 0, N, dtype=jnp.int32)
    edges = jnp.stack([id_bat, id_sub, id_rel, id_obj], axis=1)
    q_sub = jax.random.randint(ks[6], (B,), 0, N, dtype=jnp.int32)
    q_rel = jax.random.randint(ks[7], (B,), 0, R, dtype=jnp.int32)
    nodes = jax.random.randint(ks[8], (N,), 0, N, dtype=jnp.int32)
    s = 1.0 / np.sqrt(D)
    sa = 1.0 / np.sqrt(A)
    rela_embed = jax.random.normal(ks[9], (R, D), dtype=jnp.float32) * s
    Ws = jax.random.normal(ks[10], (D, A), dtype=jnp.float32) * s
    Wr = jax.random.normal(ks[11], (D, A), dtype=jnp.float32) * s
    Wqr_W = jax.random.normal(ks[12], (D, A), dtype=jnp.float32) * s
    Wqr_b = jnp.zeros((A,), dtype=jnp.float32)
    Wa = jax.random.normal(ks[13], (A, 1), dtype=jnp.float32) * sa
    mlp_W1 = jax.random.normal(ks[14], (D, D), dtype=jnp.float32) * s
    mlp_b1 = jnp.zeros((D,), dtype=jnp.float32)
    mlp_W2 = jax.random.normal(ks[15], (D, D), dtype=jnp.float32) * s
    mlp_b2 = jnp.zeros((D,), dtype=jnp.float32)
    return {"query": query, "q_sub": q_sub, "q_rel": q_rel, "hidden": hidden,
            "edges": edges, "nodes": nodes, "rela_embed": rela_embed,
            "Ws": Ws, "Wr": Wr, "Wqr_W": Wqr_W, "Wqr_b": Wqr_b, "Wa": Wa,
            "mlp_W1": mlp_W1, "mlp_b1": mlp_b1, "mlp_W2": mlp_W2, "mlp_b2": mlp_b2}


def reference(query, q_sub, q_rel, hidden, edges, nodes, rela_embed,
              Ws, Wr, Wqr_W, Wqr_b, Wa, mlp_W1, mlp_b1, mlp_W2, mlp_b2):
    batch_size, ent_num, dim_size = hidden.shape
    id_bat = edges[:, 0]
    id_sub = edges[:, 1]
    id_rel = edges[:, 2]
    id_obj = edges[:, 3]
    all_ent_hidden = hidden.reshape(batch_size * ent_num, dim_size)
    message_head = jnp.take(all_ent_hidden, id_sub, axis=0)
    message_rela = jnp.take(rela_embed, id_rel, axis=0)  # rela_embed lookup (rela_independent=False)
    message_quer = jnp.take(query, id_bat, axis=0)
    mess = message_head * message_rela  # distmult
    attn_h = jax.nn.relu(message_head @ Ws + message_rela @ Wr + message_quer @ Wqr_W + Wqr_b)
    alpha_2 = jax.nn.sigmoid(attn_h @ Wa)
    message = mess * alpha_2
    agg_dim_size = batch_size * ent_num
    message_agg = jax.ops.segment_sum(message, id_obj, num_segments=agg_dim_size)
    present = jnp.zeros((agg_dim_size,), dtype=bool).at[id_obj].set(True)
    sel = jax.nn.relu((message_agg @ mlp_W1 + mlp_b1) @ mlp_W2 + mlp_b2)
    new_hidden = jnp.where(present[:, None], sel, jnp.zeros_like(message_agg))
    return new_hidden.reshape(batch_size, ent_num, dim_size)

if __name__ == "__main__":
    import jax
    _d = setup_inputs()
    print(jax.jit(kernel)(*tuple(_d.values())))

</pallas_src>

<mosaic_0001>
#map = affine_map<(d0, d1) -> (0, 0)>
#map1 = affine_map<(d0, d1) -> (0)>
#map2 = affine_map<(d0, d1) -> (0, 0, 0)>
module attributes {stable_mosaic.version = 14 : i64} {
  func.func @sc_fn(%arg0: i32, %arg1: i32, %arg2: memref<3x327680xi32, #tpu.memory_space<hbm>>, %arg3: memref<10000x96xf32, #tpu.memory_space<hbm>>, %arg4: memref<401x96xf32, #tpu.memory_space<hbm>>, %arg5: memref<64xf32, #tpu.memory_space<hbm>>, %arg6: memref<2x10112x144xf32, #tpu.memory_space<hbm>>, %arg7: memref<3x256xi32, #tpu.memory_space<vmem>>, %arg8: memref<32x96xf32, #tpu.memory_space<vmem>>, %arg9: memref<32x96xf32, #tpu.memory_space<vmem>>, %arg10: memref<32x96xf32, #tpu.memory_space<vmem>>, %arg11: memref<32x96xf32, #tpu.memory_space<vmem>>, %arg12: memref<32x144xf32, #tpu.memory_space<vmem>>, %arg13: memref<32x144xf32, #tpu.memory_space<vmem>>, %arg14: memref<32xi32, #tpu.memory_space<vmem>>, %arg15: memref<32xi32, #tpu.memory_space<vmem>>, %arg16: memref<64xf32, #tpu.memory_space<vmem>>, %arg17: memref<10112x144xf32, #tpu.memory_space<vmem_shared>>, %arg18: memref<!tpu.dma_semaphore, #tpu.memory_space<semaphore_mem>>, %arg19: memref<!tpu.dma_semaphore, #tpu.memory_space<semaphore_mem>>, %arg20: memref<!tpu.dma_semaphore, #tpu.memory_space<semaphore_mem>>, %arg21: memref<!tpu.dma_semaphore, #tpu.memory_space<semaphore_mem>>) attributes {dimension_semantics = [#tpu.dimension_semantics<core_parallel>, #tpu.dimension_semantics<subcore_parallel>], iteration_bounds = array<i64: 2, 16>, scalar_prefetch = 0 : i64, scratch_operands = 15 : i64, tpu.core_type = #tpu.core_type<sc_vector_subcore>, window_params = [{transform_indices = #map}, {transform_indices = #map}, {transform_indices = #map}, {transform_indices = #map1}, {transform_indices = #map2}]} {
    "tpu.region"() ({
      %run_scoped3A = tpu.sem_alloc : memref<!tpu.dma_semaphore, #tpu.memory_space<semaphore_mem>>
      tpu.enqueue_dma source(%arg5 : memref<64xf32, #tpu.memory_space<hbm>>) target(%arg16 : memref<64xf32, #tpu.memory_space<vmem>>) target_semaphore(%run_scoped3A : memref<!tpu.dma_semaphore, #tpu.memory_space<semaphore_mem>>)
      tpu.wait_dma2 semaphore(%run_scoped3A : memref<!tpu.dma_semaphore, #tpu.memory_space<semaphore_mem>>) src(%arg5 : memref<64xf32, #tpu.memory_space<hbm>>) dst(%arg16 : memref<64xf32, #tpu.memory_space<vmem>>)
      tpu.yield
    }) : () -> ()
    %broadcast_in_dim3A = arith.constant 0.000000e+00 : f32
    %broadcast_in_dim3A_0 = vector.broadcast %broadcast_in_dim3A : f32 to vector<16xf32>
    %scan3A = arith.constant 0 : i32
    %scan3A_1 = arith.constant 0 : i32
    %scan3A_2 = arith.constant 32 : i32
    %scan3A_3 = arith.addi %scan3A_1, %scan3A_2 : i32
    %scan3A_4 = arith.constant 1 : i32
    scf.for %scan3A_205 = %scan3A_1 to %scan3A_3 step %scan3A_4  : i32 {
      %swap3A = arith.index_cast %scan3A_205 : i32 to index
      %swap3A_206 = arith.constant 0 : index
      %swap3A_207 = tpu.vector_load %arg12[%swap3A, %swap3A_206] {strides = array<i32>} : memref<32x144xf32, #tpu.memory_space<vmem>>, vector<16xf32>,
      tpu.vector_store %arg12[%swap3A, %swap3A_206], %broadcast_in_dim3A_0 {strides = array<i32>} : memref<32x144xf32, #tpu.memory_space<vmem>>, vector<16xf32>,
      %swap3A_208 = arith.index_cast %scan3A_205 : i32 to index
      %swap3A_209 = arith.constant 0 : index
      %swap3A_210 = tpu.vector_load %arg13[%swap3A_208, %swap3A_209] {strides = array<i32>} : memref<32x144xf32, #tpu.memory_space<vmem>>, vector<16xf32>,
      tpu.vector_store %arg13[%swap3A_208, %swap3A_209], %broadcast_in_dim3A_0 {strides = array<i32>} : memref<32x144xf32, #tpu.memory_space<vmem>>, vector<16xf32>,
      %swap3A_211 = arith.index_cast %scan3A_205 : i32 to index
      %swap3A_212 = arith.constant 16 : index
      %swap3A_213 = tpu.vector_load %arg12[%swap3A_211, %swap3A_212] {strides = array<i32>} : memref<32x144xf32, #tpu.memory_space<vmem>>, vector<16xf32>,
      tpu.vector_store %arg12[%swap3A_211, %swap3A_212], %broadcast_in_dim3A_0 {strides = array<i32>} : memref<32x144xf32, #tpu.memory_space<vmem>>, vector<16xf32>,
      %swap3A_214 = arith.index_cast %scan3A_205 : i32 to index
      %swap3A_215 = arith.constant 16 : index
      %swap3A_216 = tpu.vector_load %arg13[%swap3A_214, %swap3A_215] {strides = array<i32>} : memref<32x144xf32, #tpu.memory_space<vmem>>, vector<16xf32>,
      tpu.vector_store %arg13[%swap3A_214, %swap3A_215], %broadcast_in_dim3A_0 {strides = array<i32>} : memref<32x144xf32, #tpu.memory_space<vmem>>, vector<16xf32>,
      %swap3A_217 = arith.index_cast %scan3A_205 : i32 to index
      %swap3A_218 = arith.constant 32 : index
      %swap3A_219 = tpu.vector_load %arg12[%swap3A_217, %swap3A_218] {strides = array<i32>} : memref<32x144xf32, #tpu.memory_space<vmem>>, vector<16xf32>,
      tpu.vector_store %arg12[%swap3A_217, %swap3A_218], %broadcast_in_dim3A_0 {strides = array<i32>} : memref<32x144xf32, #tpu.memory_space<vmem>>, vector<16xf32>,
      %swap3A_220 = arith.index_cast %scan3A_205 : i32 to index
      %swap3A_221 = arith.constant 32 : index
      %swap3A_222 = tpu.vector_load %arg13[%swap3A_220, %swap3A_221] {strides = array<i32>} : memref<32x144xf32, #tpu.memory_space<vmem>>, vector<16xf32>,
      tpu.vector_store %arg13[%swap3A_220, %swap3A_221], %broadcast_in_dim3A_0 {strides = array<i32>} : memref<32x144xf32, #tpu.memory_space<vmem>>, vector<16xf32>,
      %swap3A_223 = arith.index_cast %scan3A_205 : i32 to index
      %swap3A_224 = arith.constant 48 : index
      %swap3A_225 = tpu.vector_load %arg12[%swap3A_223, %swap3A_224] {strides = array<i32>} : memref<32x144xf32, #tpu.memory_space<vmem>>, vector<16xf32>,
      tpu.vector_store %arg12[%swap3A_223, %swap3A_224], %broadcast_in_dim3A_0 {strides = array<i32>} : memref<32x144xf32, #tpu.memory_space<vmem>>, vector<16xf32>,
      %swap3A_226 = arith.index_cast %scan3A_205 : i32 to index
      %swap3A_227 = arith.constant 48 : index
      %swap3A_228 = tpu.vector_load %arg13[%swap3A_226, %swap3A_227] {strides = array<i32>} : memref<32x144xf32, #tpu.memory_space<vmem>>, vector<16xf32>,
      tpu.vector_store %arg13[%swap3A_226, %swap3A_227], %broadcast_in_dim3A_0 {strides = array<i32>} : memref<32x144xf32, #tpu.memory_space<vmem>>, vector<16xf32>,
      %swap3A_229 = arith.index_cast %scan3A_205 : i32 to index
      %swap3A_230 = arith.constant 64 : index
      %swap3A_231 = tpu.vector_load %arg12[%swap3A_229, %swap3A_230] {strides = array<i32>} : memref<32x144xf32, #tpu.memory_space<vmem>>, vector<16xf32>,
      tpu.vector_store %arg12[%swap3A_229, %swap3A_230], %broadcast_in_dim3A_0 {strides = array<i32>} : memref<32x144xf32, #tpu.memory_space<vmem>>, vector<16xf32>,
      %swap3A_232 = arith.index_cast %scan3A_205 : i32 to index
      %swap3A_233 = arith.constant 64 : index
      %swap3A_234 = tpu.vector_load %arg13[%swap3A_232, %swap3A_233] {strides = array<i32>} : memref<32x144xf32, #tpu.memory_space<vmem>>, vector<16xf32>,
      tpu.vector_store %arg13[%swap3A_232, %swap3A_233], %broadcast_in_dim3A_0 {strides = array<i32>} : memref<32x144xf32, #tpu.memory_space<vmem>>, vector<16xf32>,
      %swap3A_235 = arith.index_cast %scan3A_205 : i32 to index
      %swap3A_236 = arith.constant 80 : index
      %swap3A_237 = tpu.vector_load %arg12[%swap3A_235, %swap3A_236] {strides = array<i32>} : memref<32x144xf32, #tpu.memory_space<vmem>>, vector<16xf32>,
      tpu.vector_store %arg12[%swap3A_235, %swap3A_236], %broadcast_in_dim3A_0 {strides = array<i32>} : memref<32x144xf32, #tpu.memory_space<vmem>>, vector<16xf32>,
      %swap3A_238 = arith.index_cast %scan3A_205 : i32 to index
      %swap3A_239 = arith.constant 80 : index
      %swap3A_240 = tpu.vector_load %arg13[%swap3A_238, %swap3A_239] {strides = array<i32>} : memref<32x144xf32, #tpu.memory_space<vmem>>, vector<16xf32>,
      tpu.vector_store %arg13[%swap3A_238, %swap3A_239], %broadcast_in_dim3A_0 {strides = array<i32>} : memref<32x144xf32, #tpu.memory_space<vmem>>, vector<16xf32>,
      %swap3A_241 = arith.index_cast %scan3A_205 : i32 to index
      %swap3A_242 = arith.constant 96 : index
      %swap3A_243 = tpu.vector_load %arg12[%swap3A_241, %swap3A_242] {strides = array<i32>} : memref<32x144xf32, #tpu.memory_space<vmem>>, vector<16xf32>,
      tpu.vector_store %arg12[%swap3A_241, %swap3A_242], %broadcast_in_dim3A_0 {strides = array<i32>} : memref<32x144xf32, #tpu.memory_space<vmem>>, vector<16xf32>,
      %swap3A_244 = arith.index_cast %scan3A_205 : i32 to index
      %swap3A_245 = arith.constant 96 : index
      %swap3A_246 = tpu.vector_load %arg13[%swap3A_244, %swap3A_245] {strides = array<i32>} : memref<32x144xf32, #tpu.memory_space<vmem>>, vector<16xf32>,
      tpu.vector_store %arg13[%swap3A_244, %swap3A_245], %broadcast_in_dim3A_0 {strides = array<i32>} : memref<32x144xf32, #tpu.memory_space<vmem>>, vector<16xf32>,
      %swap3A_247 = arith.index_cast %scan3A_205 : i32 to index
      %swap3A_248 = arith.constant 112 : index
      %swap3A_249 = tpu.vector_load %arg12[%swap3A_247, %swap3A_248] {strides = array<i32>} : memref<32x144xf32, #tpu.memory_space<vmem>>, vector<16xf32>,
      tpu.vector_store %arg12[%swap3A_247, %swap3A_248], %broadcast_in_dim3A_0 {strides = array<i32>} : memref<32x144xf32, #tpu.memory_space<vmem>>, vector<16xf32>,
      %swap3A_250 = arith.index_cast %scan3A_205 : i32 to index
      %swap3A_251 = arith.constant 112 : index
      %swap3A_252 = tpu.vector_load %arg13[%swap3A_250, %swap3A_251] {strides = array<i32>} : memref<32x144xf32, #tpu.memory_space<vmem>>, vector<16xf32>,
      tpu.vector_store %arg13[%swap3A_250, %swap3A_251], %broadcast_in_dim3A_0 {strides = array<i32>} : memref<32x144xf32, #tpu.memory_space<vmem>>, vector<16xf32>,
      %swap3A_253 = arith.index_cast %scan3A_205 : i32 to index
      %swap3A_254 = arith.constant 128 : index
      %swap3A_255 = tpu.vector_load %arg12[%swap3A_253, %swap3A_254] {strides = array<i32>} : memref<32x144xf32, #tpu.memory_space<vmem>>, vector<16xf32>,
      tpu.vector_store %arg12[%swap3A_253, %swap3A_254], %broadcast_in_dim3A_0 {strides = array<i32>} : memref<32x144xf32, #tpu.memory_space<vmem>>, vector<16xf32>,
      %swap3A_256 = arith.index_cast %scan3A_205 : i32 to index
      %swap3A_257 = arith.constant 128 : index
      %swap3A_258 = tpu.vector_load %arg13[%swap3A_256, %swap3A_257] {strides = array<i32>} : memref<32x144xf32, #tpu.memory_space<vmem>>, vector<16xf32>,
      tpu.vector_store %arg13[%swap3A_256, %swap3A_257], %broadcast_in_dim3A_0 {strides = array<i32>} : memref<32x144xf32, #tpu.memory_space<vmem>>, vector<16xf32>,
    }
    %scan3A_5 = arith.constant 32 : i32
    %mul3A = arith.constant 632 : i32
    %mul3A_6 = arith.muli %arg1, %mul3A : i32
    %add3A = arith.constant 0 : i32
    %add3A_7 = arith.addi %mul3A_6, %add3A : i32
    "tpu.region"() ({
      %run_scoped3A = tpu.sem_alloc : memref<!tpu.dma_semaphore, #tpu.memory_space<semaphore_mem>>
      %dma_start3A_205 = arith.constant 0 : i32
      %dma_start3A_206 = arith.constant 0 : i32
      %dma_start3A_207 = tpu.memref_slice %arg12[%dma_start3A_205, %dma_start3A_206] : memref<32x144xf32, #tpu.memory_space<vmem>> -> memref<32x144xf32, #tpu.memory_space<vmem>>
      %dma_start3A_208 = arith.constant 0 : i32
      %dma_start3A_209 = tpu.memref_slice %arg17[%add3A_7, %dma_start3A_208] : memref<10112x144xf32, #tpu.memory_space<vmem_shared>> -> memref<32x144xf32, #tpu.memory_space<vmem_shared>>
      %dma_start3A_210 = arith.constant 0 : i32
      %dma_start3A_211 = tpu.memref_slice %arg17[%add3A_7, %dma_start3A_210] : memref<10112x144xf32, #tpu.memory_space<vmem_shared>> -> memref<32x144xf32, #tpu.memory_space<vmem_shared>>
      %dma_start3A_212 = arith.constant 0 : i32
      %dma_start3A_213 = arith.constant 0 : i32
      %dma_start3A_214 = tpu.memref_slice %arg12[%dma_start3A_212, %dma_start3A_213] : memref<32x144xf32, #tpu.memory_space<vmem>> -> memref<32x144xf32, #tpu.memory_space<vmem>>
      tpu.enqueue_dma source(%dma_start3A_214 : memref<32x144xf32, #tpu.memory_space<vmem>>) target(%dma_start3A_211 : memref<32x144xf32, #tpu.memory_space<vmem_shared>>) target_semaphore(%run_scoped3A : memref<!tpu.dma_semaphore, #tpu.memory_space<semaphore_mem>>)
      %dma_wait3A_215 = arith.constant 0 : i32
      %dma_wait3A_216 = arith.constant 0 : i32
      %dma_wait3A_217 = tpu.memref_slice %arg12[%dma_wait3A_215, %dma_wait3A_216] : memref<32x144xf32, #tpu.memory_space<vmem>> -> memref<32x144xf32, #tpu.memory_space<vmem>>
      %dma_wait3A_218 = arith.constant 0 : i32
      %dma_wait3A_219 = tpu.memref_slice %arg17[%add3A_7, %dma_wait3A_218] : memref<10112x144xf32, #tpu.memory_space<vmem_shared>> -> memref<32x144xf32, #tpu.memory_space<vmem_shared>>
      %dma_wait3A_220 = arith.constant 0 : i32
      %dma_wait3A_221 = tpu.memref_slice %arg17[%add3A_7, %dma_wait3A_220] : memref<10112x144xf32, #tpu.memory_space<vmem_shared>> -> memref<32x144xf32, #tpu.memory_space<vmem_shared>>
      %dma_wait3A_222 = arith.constant 0 : i32
      %dma_wait3A_223 = arith.constant 0 : i32
      %dma_wait3A_224 = tpu.memref_slice %arg12[%dma_wait3A_222, %dma_wait3A_223] : memref<32x144xf32, #tpu.memory_space<vmem>> -> memref<32x144xf32, #tpu.memory_space<vmem>>
      tpu.wait_dma2 semaphore(%run_scoped3A : memref<!tpu.dma_semaphore, #tpu.memory_space<semaphore_mem>>) src(%dma_wait3A_224 : memref<32x144xf32, #tpu.memory_space<vmem>>) dst(%dma_wait3A_221 : memref<32x144xf32, #tpu.memory_space<vmem_shared>>)
      tpu.yield
    }) : () -> ()
    %add3A_8 = arith.constant 32 : i32
    %add3A_9 = arith.addi %mul3A_6, %add3A_8 : i32
    "tpu.region"() ({
      %run_scoped3A = tpu.sem_alloc : memref<!tpu.dma_semaphore, #tpu.memory_space<semaphore_mem>>
      %dma_start3A_205 = arith.constant 0 : i32
      %dma_start3A_206 = arith.constant 0 : i32
      %dma_start3A_207 = tpu.memref_slice %arg13[%dma_start3A_205, %dma_start3A_206] : memref<32x144xf32, #tpu.memory_space<vmem>> -> memref<32x144xf32, #tpu.memory_space<vmem>>
      %dma_start3A_208 = arith.constant 0 : i32
      %dma_start3A_209 = tpu.memref_slice %arg17[%add3A_9, %dma_start3A_208] : memref<10112x144xf32, #tpu.memory_space<vmem_shared>> -> memref<32x144xf32, #tpu.memory_space<vmem_shared>>
      %dma_start3A_210 = arith.constant 0 : i32
      %dma_start3A_211 = tpu.memref_slice %arg17[%add3A_9, %dma_start3A_210] : memref<10112x144xf32, #tpu.memory_space<vmem_shared>> -> memref<32x144xf32, #tpu.memory_space<vmem_shared>>
      %dma_start3A_212 = arith.constant 0 : i32
      %dma_start3A_213 = arith.constant 0 : i32
      %dma_start3A_214 = tpu.memref_slice %arg13[%dma_start3A_212, %dma_start3A_213] : memref<32x144xf32, #tpu.memory_space<vmem>> -> memref<32x144xf32, #tpu.memory_space<vmem>>
      tpu.enqueue_dma source(%dma_start3A_214 : memref<32x144xf32, #tpu.memory_space<vmem>>) target(%dma_start3A_211 : memref<32x144xf32, #tpu.memory_space<vmem_shared>>) target_semaphore(%run_scoped3A : memref<!tpu.dma_semaphore, #tpu.memory_space<semaphore_mem>>)
      %dma_wait3A_215 = arith.constant 0 : i32
      %dma_wait3A_216 = arith.constant 0 : i32
      %dma_wait3A_217 = tpu.memref_slice %arg13[%dma_wait3A_215, %dma_wait3A_216] : memref<32x144xf32, #tpu.memory_space<vmem>> -> memref<32x144xf32, #tpu.memory_space<vmem>>
      %dma_wait3A_218 = arith.constant 0 : i32
      %dma_wait3A_219 = tpu.memref_slice %arg17[%add3A_9, %dma_wait3A_218] : memref<10112x144xf32, #tpu.memory_space<vmem_shared>> -> memref<32x144xf32, #tpu.memory_space<vmem_shared>>
      %dma_wait3A_220 = arith.constant 0 : i32
      %dma_wait3A_221 = tpu.memref_slice %arg17[%add3A_9, %dma_wait3A_220] : memref<10112x144xf32, #tpu.memory_space<vmem_shared>> -> memref<32x144xf32, #tpu.memory_space<vmem_shared>>
      %dma_wait3A_222 = arith.constant 0 : i32
      %dma_wait3A_223 = arith.constant 0 : i32
      %dma_wait3A_224 = tpu.memref_slice %arg13[%dma_wait3A_222, %dma_wait3A_223] : memref<32x144xf32, #tpu.memory_space<vmem>> -> memref<32x144xf32, #tpu.memory_space<vmem>>
      tpu.wait_dma2 semaphore(%run_scoped3A : memref<!tpu.dma_semaphore, #tpu.memory_space<semaphore_mem>>) src(%dma_wait3A_224 : memref<32x144xf32, #tpu.memory_space<vmem>>) dst(%dma_wait3A_221 : memref<32x144xf32, #tpu.memory_space<vmem_shared>>)
      tpu.yield
    }) : () -> ()
    %add3A_10 = arith.constant 64 : i32
    %add3A_11 = arith.addi %mul3A_6, %add3A_10 : i32
    "tpu.region"() ({
      %run_scoped3A = tpu.sem_alloc : memref<!tpu.dma_semaphore, #tpu.memory_space<semaphore_mem>>
      %dma_start3A_205 = arith.constant 0 : i32
      %dma_start3A_206 = arith.constant 0 : i32
      %dma_start3A_207 = tpu.memref_slice %arg12[%dma_start3A_205, %dma_start3A_206] : memref<32x144xf32, #tpu.memory_space<vmem>> -> memref<32x144xf32, #tpu.memory_space<vmem>>
      %dma_start3A_208 = arith.constant 0 : i32
      %dma_start3A_209 = tpu.memref_slice %arg17[%add3A_11, %dma_start3A_208] : memref<10112x144xf32, #tpu.memory_space<vmem_shared>> -> memref<32x144xf32, #tpu.memory_space<vmem_shared>>
      %dma_start3A_210 = arith.constant 0 : i32
      %dma_start3A_211 = tpu.memref_slice %arg17[%add3A_11, %dma_start3A_210] : memref<10112x144xf32, #tpu.memory_space<vmem_shared>> -> memref<32x144xf32, #tpu.memory_space<vmem_shared>>
      %dma_start3A_212 = arith.constant 0 : i32
      %dma_start3A_213 = arith.constant 0 : i32
      %dma_start3A_214 = tpu.memref_slice %arg12[%dma_start3A_212, %dma_start3A_213] : memref<32x144xf32, #tpu.memory_space<vmem>> -> memref<32x144xf32, #tpu.memory_space<vmem>>
      tpu.enqueue_dma source(%dma_start3A_214 : memref<32x144xf32, #tpu.memory_space<vmem>>) target(%dma_start3A_211 : memref<32x144xf32, #tpu.memory_space<vmem_shared>>) target_semaphore(%run_scoped3A : memref<!tpu.dma_semaphore, #tpu.memory_space<semaphore_mem>>)
      %dma_wait3A_215 = arith.constant 0 : i32
      %dma_wait3A_216 = arith.constant 0 : i32
      %dma_wait3A_217 = tpu.memref_slice %arg12[%dma_wait3A_215, %dma_wait3A_216] : memref<32x144xf32, #tpu.memory_space<vmem>> -> memref<32x144xf32, #tpu.memory_space<vmem>>
      %dma_wait3A_218 = arith.constant 0 : i32
      %dma_wait3A_219 = tpu.memref_slice %arg17[%add3A_11, %dma_wait3A_218] : memref<10112x144xf32, #tpu.memory_space<vmem_shared>> -> memref<32x144xf32, #tpu.memory_space<vmem_shared>>
      %dma_wait3A_220 = arith.constant 0 : i32
      %dma_wait3A_221 = tpu.memref_slice %arg17[%add3A_11, %dma_wait3A_220] : memref<10112x144xf32, #tpu.memory_space<vmem_shared>> -> memref<32x144xf32, #tpu.memory_space<vmem_shared>>
      %dma_wait3A_222 = arith.constant 0 : i32
      %dma_wait3A_223 = arith.constant 0 : i32
      %dma_wait3A_224 = tpu.memref_slice %arg12[%dma_wait3A_222, %dma_wait3A_223] : memref<32x144xf32, #tpu.memory_space<vmem>> -> memref<32x144xf32, #tpu.memory_space<vmem>>
      tpu.wait_dma2 semaphore(%run_scoped3A : memref<!tpu.dma_semaphore, #tpu.memory_space<semaphore_mem>>) src(%dma_wait3A_224 : memref<32x144xf32, #tpu.memory_space<vmem>>) dst(%dma_wait3A_221 : memref<32x144xf32, #tpu.memory_space<vmem_shared>>)
      tpu.yield
    }) : () -> ()
    %add3A_12 = arith.constant 96 : i32
    %add3A_13 = arith.addi %mul3A_6, %add3A_12 : i32
    "tpu.region"() ({
      %run_scoped3A = tpu.sem_alloc : memref<!tpu.dma_semaphore, #tpu.memory_space<semaphore_mem>>
      %dma_start3A_205 = arith.constant 0 : i32
      %dma_start3A_206 = arith.constant 0 : i32
      %dma_start3A_207 = tpu.memref_slice %arg13[%dma_start3A_205, %dma_start3A_206] : memref<32x144xf32, #tpu.memory_space<vmem>> -> memref<32x144xf32, #tpu.memory_space<vmem>>
      %dma_start3A_208 = arith.constant 0 : i32
      %dma_start3A_209 = tpu.memref_slice %arg17[%add3A_13, %dma_start3A_208] : memref<10112x144xf32, #tpu.memory_space<vmem_shared>> -> memref<32x144xf32, #tpu.memory_space<vmem_shared>>
      %dma_start3A_210 = arith.constant 0 : i32
      %dma_start3A_211 = tpu.memref_slice %arg17[%add3A_13, %dma_start3A_210] : memref<10112x144xf32, #tpu.memory_space<vmem_shared>> -> memref<32x144xf32, #tpu.memory_space<vmem_shared>>
      %dma_start3A_212 = arith.constant 0 : i32
      %dma_start3A_213 = arith.constant 0 : i32
      %dma_start3A_214 = tpu.memref_slice %arg13[%dma_start3A_212, %dma_start3A_213] : memref<32x144xf32, #tpu.memory_space<vmem>> -> memref<32x144xf32, #tpu.memory_space<vmem>>
      tpu.enqueue_dma source(%dma_start3A_214 : memref<32x144xf32, #tpu.memory_space<vmem>>) target(%dma_start3A_211 : memref<32x144xf32, #tpu.memory_space<vmem_shared>>) target_semaphore(%run_scoped3A : memref<!tpu.dma_semaphore, #tpu.memory_space<semaphore_mem>>)
      %dma_wait3A_215 = arith.constant 0 : i32
      %dma_wait3A_216 = arith.constant 0 : i32
      %dma_wait3A_217 = tpu.memref_slice %arg13[%dma_wait3A_215, %dma_wait3A_216] : memref<32x144xf32, #tpu.memory_space<vmem>> -> memref<32x144xf32, #tpu.memory_space<vmem>>
      %dma_wait3A_218 = arith.constant 0 : i32
      %dma_wait3A_219 = tpu.memref_slice %arg17[%add3A_13, %dma_wait3A_218] : memref<10112x144xf32, #tpu.memory_space<vmem_shared>> -> memref<32x144xf32, #tpu.memory_space<vmem_shared>>
      %dma_wait3A_220 = arith.constant 0 : i32
      %dma_wait3A_221 = tpu.memref_slice %arg17[%add3A_13, %dma_wait3A_220] : memref<10112x144xf32, #tpu.memory_space<vmem_shared>> -> memref<32x144xf32, #tpu.memory_space<vmem_shared>>
      %dma_wait3A_222 = arith.constant 0 : i32
      %dma_wait3A_223 = arith.constant 0 : i32
      %dma_wait3A_224 = tpu.memref_slice %arg13[%dma_wait3A_222, %dma_wait3A_223] : memref<32x144xf32, #tpu.memory_space<vmem>> -> memref<32x144xf32, #tpu.memory_space<vmem>>
      tpu.wait_dma2 semaphore(%run_scoped3A : memref<!tpu.dma_semaphore, #tpu.memory_space<semaphore_mem>>) src(%dma_wait3A_224 : memref<32x144xf32, #tpu.memory_space<vmem>>) dst(%dma_wait3A_221 : memref<32x144xf32, #tpu.memory_space<vmem_shared>>)
      tpu.yield
    }) : () -> ()
    %add3A_14 = arith.constant 128 : i32
    %add3A_15 = arith.addi %mul3A_6, %add3A_14 : i32
    "tpu.region"() ({
      %run_scoped3A = tpu.sem_alloc : memref<!tpu.dma_semaphore, #tpu.memory_space<semaphore_mem>>
      %dma_start3A_205 = arith.constant 0 : i32
      %dma_start3A_206 = arith.constant 0 : i32
      %dma_start3A_207 = tpu.memref_slice %arg12[%dma_start3A_205, %dma_start3A_206] : memref<32x144xf32, #tpu.memory_space<vmem>> -> memref<32x144xf32, #tpu.memory_space<vmem>>
      %dma_start3A_208 = arith.constant 0 : i32
      %dma_start3A_209 = tpu.memref_slice %arg17[%add3A_15, %dma_start3A_208] : memref<10112x144xf32, #tpu.memory_space<vmem_shared>> -> memref<32x144xf32, #tpu.memory_space<vmem_shared>>
      %dma_start3A_210 = arith.constant 0 : i32
      %dma_start3A_211 = tpu.memref_slice %arg17[%add3A_15, %dma_start3A_210] : memref<10112x144xf32, #tpu.memory_space<vmem_shared>> -> memref<32x144xf32, #tpu.memory_space<vmem_shared>>
      %dma_start3A_212 = arith.constant 0 : i32
      %dma_start3A_213 = arith.constant 0 : i32
      %dma_start3A_214 = tpu.memref_slice %arg12[%dma_start3A_212, %dma_start3A_213] : memref<32x144xf32, #tpu.memory_space<vmem>> -> memref<32x144xf32, #tpu.memory_space<vmem>>
      tpu.enqueue_dma source(%dma_start3A_214 : memref<32x144xf32, #tpu.memory_space<vmem>>) target(%dma_start3A_211 : memref<32x144xf32, #tpu.memory_space<vmem_shared>>) target_semaphore(%run_scoped3A : memref<!tpu.dma_semaphore, #tpu.memory_space<semaphore_mem>>)
      %dma_wait3A_215 = arith.constant 0 : i32
      %dma_wait3A_216 = arith.constant 0 : i32
      %dma_wait3A_217 = tpu.memref_slice %arg12[%dma_wait3A_215, %dma_wait3A_216] : memref<32x144xf32, #tpu.memory_space<vmem>> -> memref<32x144xf32, #tpu.memory_space<vmem>>
      %dma_wait3A_218 = arith.constant 0 : i32
      %dma_wait3A_219 = tpu.memref_slice %arg17[%add3A_15, %dma_wait3A_218] : memref<10112x144xf32, #tpu.memory_space<vmem_shared>> -> memref<32x144xf32, #tpu.memory_space<vmem_shared>>
      %dma_wait3A_220 = arith.constant 0 : i32
      %dma_wait3A_221 = tpu.memref_slice %arg17[%add3A_15, %dma_wait3A_220] : memref<10112x144xf32, #tpu.memory_space<vmem_shared>> -> memref<32x144xf32, #tpu.memory_space<vmem_shared>>
      %dma_wait3A_222 = arith.constant 0 : i32
      %dma_wait3A_223 = arith.constant 0 : i32
      %dma_wait3A_224 = tpu.memref_slice %arg12[%dma_wait3A_222, %dma_wait3A_223] : memref<32x144xf32, #tpu.memory_space<vmem>> -> memref<32x144xf32, #tpu.memory_space<vmem>>
      tpu.wait_dma2 semaphore(%run_scoped3A : memref<!tpu.dma_semaphore, #tpu.memory_space<semaphore_mem>>) src(%dma_wait3A_224 : memref<32x144xf32, #tpu.memory_space<vmem>>) dst(%dma_wait3A_221 : memref<32x144xf32, #tpu.memory_space<vmem_shared>>)
      tpu.yield
    }) : () -> ()
    %add3A_16 = arith.constant 160 : i32
    %add3A_17 = arith.addi %mul3A_6, %add3A_16 : i32
    "tpu.region"() ({
      %run_scoped3A = tpu.sem_alloc : memref<!tpu.dma_semaphore, #tpu.memory_space<semaphore_mem>>
      %dma_start3A_205 = arith.constant 0 : i32
      %dma_start3A_206 = arith.constant 0 : i32
      %dma_start3A_207 = tpu.memref_slice %arg13[%dma_start3A_205, %dma_start3A_206] : memref<32x144xf32, #tpu.memory_space<vmem>> -> memref<32x144xf32, #tpu.memory_space<vmem>>
      %dma_start3A_208 = arith.constant 0 : i32
      %dma_start3A_209 = tpu.memref_slice %arg17[%add3A_17, %dma_start3A_208] : memref<10112x144xf32, #tpu.memory_space<vmem_shared>> -> memref<32x144xf32, #tpu.memory_space<vmem_shared>>
      %dma_start3A_210 = arith.constant 0 : i32
      %dma_start3A_211 = tpu.memref_slice %arg17[%add3A_17, %dma_start3A_210] : memref<10112x144xf32, #tpu.memory_space<vmem_shared>> -> memref<32x144xf32, #tpu.memory_space<vmem_shared>>
      %dma_start3A_212 = arith.constant 0 : i32
      %dma_start3A_213 = arith.constant 0 : i32
      %dma_start3A_214 = tpu.memref_slice %arg13[%dma_start3A_212, %dma_start3A_213] : memref<32x144xf32, #tpu.memory_space<vmem>> -> memref<32x144xf32, #tpu.memory_space<vmem>>
      tpu.enqueue_dma source(%dma_start3A_214 : memref<32x144xf32, #tpu.memory_space<vmem>>) target(%dma_start3A_211 : memref<32x144xf32, #tpu.memory_space<vmem_shared>>) target_semaphore(%run_scoped3A : memref<!tpu.dma_semaphore, #tpu.memory_space<semaphore_mem>>)
      %dma_wait3A_215 = arith.constant 0 : i32
      %dma_wait3A_216 = arith.constant 0 : i32
      %dma_wait3A_217 = tpu.memref_slice %arg13[%dma_wait3A_215, %dma_wait3A_216] : memref<32x144xf32, #tpu.memory_space<vmem>> -> memref<32x144xf32, #tpu.memory_space<vmem>>
      %dma_wait3A_218 = arith.constant 0 : i32
      %dma_wait3A_219 = tpu.memref_slice %arg17[%add3A_17, %dma_wait3A_218] : memref<10112x144xf32, #tpu.memory_space<vmem_shared>> -> memref<32x144xf32, #tpu.memory_space<vmem_shared>>
      %dma_wait3A_220 = arith.constant 0 : i32
      %dma_wait3A_221 = tpu.memref_slice %arg17[%add3A_17, %dma_wait3A_220] : memref<10112x144xf32, #tpu.memory_space<vmem_shared>> -> memref<32x144xf32, #tpu.memory_space<vmem_shared>>
      %dma_wait3A_222 = arith.constant 0 : i32
      %dma_wait3A_223 = arith.constant 0 : i32
      %dma_wait3A_224 = tpu.memref_slice %arg13[%dma_wait3A_222, %dma_wait3A_223] : memref<32x144xf32, #tpu.memory_space<vmem>> -> memref<32x144xf32, #tpu.memory_space<vmem>>
      tpu.wait_dma2 semaphore(%run_scoped3A : memref<!tpu.dma_semaphore, #tpu.memory_space<semaphore_mem>>) src(%dma_wait3A_224 : memref<32x144xf32, #tpu.memory_space<vmem>>) dst(%dma_wait3A_221 : memref<32x144xf32, #tpu.memory_space<vmem_shared>>)
      tpu.yield
    }) : () -> ()
    %add3A_18 = arith.constant 192 : i32
    %add3A_19 = arith.addi %mul3A_6, %add3A_18 : i32
    "tpu.region"() ({
      %run_scoped3A = tpu.sem_alloc : memref<!tpu.dma_semaphore, #tpu.memory_space<semaphore_mem>>
      %dma_start3A_205 = arith.constant 0 : i32
      %dma_start3A_206 = arith.constant 0 : i32
      %dma_start3A_207 = tpu.memref_slice %arg12[%dma_start3A_205, %dma_start3A_206] : memref<32x144xf32, #tpu.memory_space<vmem>> -> memref<32x144xf32, #tpu.memory_space<vmem>>
      %dma_start3A_208 = arith.constant 0 : i32
      %dma_start3A_209 = tpu.memref_slice %arg17[%add3A_19, %dma_start3A_208] : memref<10112x144xf32, #tpu.memory_space<vmem_shared>> -> memref<32x144xf32, #tpu.memory_space<vmem_shared>>
      %dma_start3A_210 = arith.constant 0 : i32
      %dma_start3A_211 = tpu.memref_slice %arg17[%add3A_19, %dma_start3A_210] : memref<10112x144xf32, #tpu.memory_space<vmem_shared>> -> memref<32x144xf32, #tpu.memory_space<vmem_shared>>
      %dma_start3A_212 = arith.constant 0 : i32
      %dma_start3A_213 = arith.constant 0 : i32
      %dma_start3A_214 = tpu.memref_slice %arg12[%dma_start3A_212, %dma_start3A_213] : memref<32x144xf32, #tpu.memory_space<vmem>> -> memref<32x144xf32, #tpu.memory_space<vmem>>
      tpu.enqueue_dma source(%dma_start3A_214 : memref<32x144xf32, #tpu.memory_space<vmem>>) target(%dma_start3A_211 : memref<32x144xf32, #tpu.memory_space<vmem_shared>>) target_semaphore(%run_scoped3A : memref<!tpu.dma_semaphore, #tpu.memory_space<semaphore_mem>>)
      %dma_wait3A_215 = arith.constant 0 : i32
      %dma_wait3A_216 = arith.constant 0 : i32
      %dma_wait3A_217 = tpu.memref_slice %arg12[%dma_wait3A_215, %dma_wait3A_216] : memref<32x144xf32, #tpu.memory_space<vmem>> -> memref<32x144xf32, #tpu.memory_space<vmem>>
      %dma_wait3A_218 = arith.constant 0 : i32
      %dma_wait3A_219 = tpu.memref_slice %arg17[%add3A_19, %dma_wait3A_218] : memref<10112x144xf32, #tpu.memory_space<vmem_shared>> -> memref<32x144xf32, #tpu.memory_space<vmem_shared>>
      %dma_wait3A_220 = arith.constant 0 : i32
      %dma_wait3A_221 = tpu.memref_slice %arg17[%add3A_19, %dma_wait3A_220] : memref<10112x144xf32, #tpu.memory_space<vmem_shared>> -> memref<32x144xf32, #tpu.memory_space<vmem_shared>>
      %dma_wait3A_222 = arith.constant 0 : i32
      %dma_wait3A_223 = arith.constant 0 : i32
      %dma_wait3A_224 = tpu.memref_slice %arg12[%dma_wait3A_222, %dma_wait3A_223] : memref<32x144xf32, #tpu.memory_space<vmem>> -> memref<32x144xf32, #tpu.memory_space<vmem>>
      tpu.wait_dma2 semaphore(%run_scoped3A : memref<!tpu.dma_semaphore, #tpu.memory_space<semaphore_mem>>) src(%dma_wait3A_224 : memref<32x144xf32, #tpu.memory_space<vmem>>) dst(%dma_wait3A_221 : memref<32x144xf32, #tpu.memory_space<vmem_shared>>)
      tpu.yield
    }) : () -> ()
    %add3A_20 = arith.constant 224 : i32
    %add3A_21 = arith.addi %mul3A_6, %add3A_20 : i32
    "tpu.region"() ({
      %run_scoped3A = tpu.sem_alloc : memref<!tpu.dma_semaphore, #tpu.memory_space<semaphore_mem>>
      %dma_start3A_205 = arith.constant 0 : i32
      %dma_start3A_206 = arith.constant 0 : i32
      %dma_start3A_207 = tpu.memref_slice %arg13[%dma_start3A_205, %dma_start3A_206] : memref<32x144xf32, #tpu.memory_space<vmem>> -> memref<32x144xf32, #tpu.memory_space<vmem>>
      %dma_start3A_208 = arith.constant 0 : i32
      %dma_start3A_209 = tpu.memref_slice %arg17[%add3A_21, %dma_start3A_208] : memref<10112x144xf32, #tpu.memory_space<vmem_shared>> -> memref<32x144xf32, #tpu.memory_space<vmem_shared>>
      %dma_start3A_210 = arith.constant 0 : i32
      %dma_start3A_211 = tpu.memref_slice %arg17[%add3A_21, %dma_start3A_210] : memref<10112x144xf32, #tpu.memory_space<vmem_shared>> -> memref<32x144xf32, #tpu.memory_space<vmem_shared>>
      %dma_start3A_212 = arith.constant 0 : i32
      %dma_start3A_213 = arith.constant 0 : i32
      %dma_start3A_214 = tpu.memref_slice %arg13[%dma_start3A_212, %dma_start3A_213] : memref<32x144xf32, #tpu.memory_space<vmem>> -> memref<32x144xf32, #tpu.memory_space<vmem>>
      tpu.enqueue_dma source(%dma_start3A_214 : memref<32x144xf32, #tpu.memory_space<vmem>>) target(%dma_start3A_211 : memref<32x144xf32, #tpu.memory_space<vmem_shared>>) target_semaphore(%run_scoped3A : memref<!tpu.dma_semaphore, #tpu.memory_space<semaphore_mem>>)
      %dma_wait3A_215 = arith.constant 0 : i32
      %dma_wait3A_216 = arith.constant 0 : i32
      %dma_wait3A_217 = tpu.memref_slice %arg13[%dma_wait3A_215, %dma_wait3A_216] : memref<32x144xf32, #tpu.memory_space<vmem>> -> memref<32x144xf32, #tpu.memory_space<vmem>>
      %dma_wait3A_218 = arith.constant 0 : i32
      %dma_wait3A_219 = tpu.memref_slice %arg17[%add3A_21, %dma_wait3A_218] : memref<10112x144xf32, #tpu.memory_space<vmem_shared>> -> memref<32x144xf32, #tpu.memory_space<vmem_shared>>
      %dma_wait3A_220 = arith.constant 0 : i32
      %dma_wait3A_221 = tpu.memref_slice %arg17[%add3A_21, %dma_wait3A_220] : memref<10112x144xf32, #tpu.memory_space<vmem_shared>> -> memref<32x144xf32, #tpu.memory_space<vmem_shared>>
      %dma_wait3A_222 = arith.constant 0 : i32
      %dma_wait3A_223 = arith.constant 0 : i32
      %dma_wait3A_224 = tpu.memref_slice %arg13[%dma_wait3A_222, %dma_wait3A_223] : memref<32x144xf32, #tpu.memory_space<vmem>> -> memref<32x144xf32, #tpu.memory_space<vmem>>
      tpu.wait_dma2 semaphore(%run_scoped3A : memref<!tpu.dma_semaphore, #tpu.memory_space<semaphore_mem>>) src(%dma_wait3A_224 : memref<32x144xf32, #tpu.memory_space<vmem>>) dst(%dma_wait3A_221 : memref<32x144xf32, #tpu.memory_space<vmem_shared>>)
      tpu.yield
    }) : () -> ()
    %add3A_22 = arith.constant 256 : i32
    %add3A_23 = arith.addi %mul3A_6, %add3A_22 : i32
    "tpu.region"() ({
      %run_scoped3A = tpu.sem_alloc : memref<!tpu.dma_semaphore, #tpu.memory_space<semaphore_mem>>
      %dma_start3A_205 = arith.constant 0 : i32
      %dma_start3A_206 = arith.constant 0 : i32
      %dma_start3A_207 = tpu.memref_slice %arg12[%dma_start3A_205, %dma_start3A_206] : memref<32x144xf32, #tpu.memory_space<vmem>> -> memref<32x144xf32, #tpu.memory_space<vmem>>
      %dma_start3A_208 = arith.constant 0 : i32
      %dma_start3A_209 = tpu.memref_slice %arg17[%add3A_23, %dma_start3A_208] : memref<10112x144xf32, #tpu.memory_space<vmem_shared>> -> memref<32x144xf32, #tpu.memory_space<vmem_shared>>
      %dma_start3A_210 = arith.constant 0 : i32
      %dma_start3A_211 = tpu.memref_slice %arg17[%add3A_23, %dma_start3A_210] : memref<10112x144xf32, #tpu.memory_space<vmem_shared>> -> memref<32x144xf32, #tpu.memory_space<vmem_shared>>
      %dma_start3A_212 = arith.constant 0 : i32
      %dma_start3A_213 = arith.constant 0 : i32
      %dma_start3A_214 = tpu.memref_slice %arg12[%dma_start3A_212, %dma_start3A_213] : memref<32x144xf32, #tpu.memory_space<vmem>> -> memref<32x144xf32, #tpu.memory_space<vmem>>
      tpu.enqueue_dma source(%dma_start3A_214 : memref<32x144xf32, #tpu.memory_space<vmem>>) target(%dma_start3A_211 : memref<32x144xf32, #tpu.memory_space<vmem_shared>>) target_semaphore(%run_scoped3A : memref<!tpu.dma_semaphore, #tpu.memory_space<semaphore_mem>>)
      %dma_wait3A_215 = arith.constant 0 : i32
      %dma_wait3A_216 = arith.constant 0 : i32
      %dma_wait3A_217 = tpu.memref_slice %arg12[%dma_wait3A_215, %dma_wait3A_216] : memref<32x144xf32, #tpu.memory_space<vmem>> -> memref<32x144xf32, #tpu.memory_space<vmem>>
      %dma_wait3A_218 = arith.constant 0 : i32
      %dma_wait3A_219 = tpu.memref_slice %arg17[%add3A_23, %dma_wait3A_218] : memref<10112x144xf32, #tpu.memory_space<vmem_shared>> -> memref<32x144xf32, #tpu.memory_space<vmem_shared>>
      %dma_wait3A_220 = arith.constant 0 : i32
      %dma_wait3A_221 = tpu.memref_slice %arg17[%add3A_23, %dma_wait3A_220] : memref<10112x144xf32, #tpu.memory_space<vmem_shared>> -> memref<32x144xf32, #tpu.memory_space<vmem_shared>>
      %dma_wait3A_222 = arith.constant 0 : i32
      %dma_wait3A_223 = arith.constant 0 : i32
      %dma_wait3A_224 = tpu.memref_slice %arg12[%dma_wait3A_222, %dma_wait3A_223] : memref<32x144xf32, #tpu.memory_space<vmem>> -> memref<32x144xf32, #tpu.memory_space<vmem>>
      tpu.wait_dma2 semaphore(%run_scoped3A : memref<!tpu.dma_semaphore, #tpu.memory_space<semaphore_mem>>) src(%dma_wait3A_224 : memref<32x144xf32, #tpu.memory_space<vmem>>) dst(%dma_wait3A_221 : memref<32x144xf32, #tpu.memory_space<vmem_shared>>)
      tpu.yield
    }) : () -> ()
    %add3A_24 = arith.constant 288 : i32
    %add3A_25 = arith.addi %mul3A_6, %add3A_24 : i32
    "tpu.region"() ({
      %run_scoped3A = tpu.sem_alloc : memref<!tpu.dma_semaphore, #tpu.memory_space<semaphore_mem>>
      %dma_start3A_205 = arith.constant 0 : i32
      %dma_start3A_206 = arith.constant 0 : i32
      %dma_start3A_207 = tpu.memref_slice %arg13[%dma_start3A_205, %dma_start3A_206] : memref<32x144xf32, #tpu.memory_space<vmem>> -> memref<32x144xf32, #tpu.memory_space<vmem>>
      %dma_start3A_208 = arith.constant 0 : i32
      %dma_start3A_209 = tpu.memref_slice %arg17[%add3A_25, %dma_start3A_208] : memref<10112x144xf32, #tpu.memory_space<vmem_shared>> -> memref<32x144xf32, #tpu.memory_space<vmem_shared>>
      %dma_start3A_210 = arith.constant 0 : i32
      %dma_start3A_211 = tpu.memref_slice %arg17[%add3A_25, %dma_start3A_210] : memref<10112x144xf32, #tpu.memory_space<vmem_shared>> -> memref<32x144xf32, #tpu.memory_space<vmem_shared>>
      %dma_start3A_212 = arith.constant 0 : i32
      %dma_start3A_213 = arith.constant 0 : i32
      %dma_start3A_214 = tpu.memref_slice %arg13[%dma_start3A_212, %dma_start3A_213] : memref<32x144xf32, #tpu.memory_space<vmem>> -> memref<32x144xf32, #tpu.memory_space<vmem>>
      tpu.enqueue_dma source(%dma_start3A_214 : memref<32x144xf32, #tpu.memory_space<vmem>>) target(%dma_start3A_211 : memref<32x144xf32, #tpu.memory_space<vmem_shared>>) target_semaphore(%run_scoped3A : memref<!tpu.dma_semaphore, #tpu.memory_space<semaphore_mem>>)
      %dma_wait3A_215 = arith.constant 0 : i32
      %dma_wait3A_216 = arith.constant 0 : i32
      %dma_wait3A_217 = tpu.memref_slice %arg13[%dma_wait3A_215, %dma_wait3A_216] : memref<32x144xf32, #tpu.memory_space<vmem>> -> memref<32x144xf32, #tpu.memory_space<vmem>>
      %dma_wait3A_218 = arith.constant 0 : i32
      %dma_wait3A_219 = tpu.memref_slice %arg17[%add3A_25, %dma_wait3A_218] : memref<10112x144xf32, #tpu.memory_space<vmem_shared>> -> memref<32x144xf32, #tpu.memory_space<vmem_shared>>
      %dma_wait3A_220 = arith.constant 0 : i32
      %dma_wait3A_221 = tpu.memref_slice %arg17[%add3A_25, %dma_wait3A_220] : memref<10112x144xf32, #tpu.memory_space<vmem_shared>> -> memref<32x144xf32, #tpu.memory_space<vmem_shared>>
      %dma_wait3A_222 = arith.constant 0 : i32
      %dma_wait3A_223 = arith.constant 0 : i32
      %dma_wait3A_224 = tpu.memref_slice %arg13[%dma_wait3A_222, %dma_wait3A_223] : memref<32x144xf32, #tpu.memory_space<vmem>> -> memref<32x144xf32, #tpu.memory_space<vmem>>
      tpu.wait_dma2 semaphore(%run_scoped3A : memref<!tpu.dma_semaphore, #tpu.memory_space<semaphore_mem>>) src(%dma_wait3A_224 : memref<32x144xf32, #tpu.memory_space<vmem>>) dst(%dma_wait3A_221 : memref<32x144xf32, #tpu.memory_space<vmem_shared>>)
      tpu.yield
    }) : () -> ()
    %add3A_26 = arith.constant 320 : i32
    %add3A_27 = arith.addi %mul3A_6, %add3A_26 : i32
    "tpu.region"() ({
      %run_scoped3A = tpu.sem_alloc : memref<!tpu.dma_semaphore, #tpu.memory_space<semaphore_mem>>
      %dma_start3A_205 = arith.constant 0 : i32
      %dma_start3A_206 = arith.constant 0 : i32
      %dma_start3A_207 = tpu.memref_slice %arg12[%dma_start3A_205, %dma_start3A_206] : memref<32x144xf32, #tpu.memory_space<vmem>> -> memref<32x144xf32, #tpu.memory_space<vmem>>
      %dma_start3A_208 = arith.constant 0 : i32
      %dma_start3A_209 = tpu.memref_slice %arg17[%add3A_27, %dma_start3A_208] : memref<10112x144xf32, #tpu.memory_space<vmem_shared>> -> memref<32x144xf32, #tpu.memory_space<vmem_shared>>
      %dma_start3A_210 = arith.constant 0 : i32
      %dma_start3A_211 = tpu.memref_slice %arg17[%add3A_27, %dma_start3A_210] : memref<10112x144xf32, #tpu.memory_space<vmem_shared>> -> memref<32x144xf32, #tpu.memory_space<vmem_shared>>
      %dma_start3A_212 = arith.constant 0 : i32
      %dma_start3A_213 = arith.constant 0 : i32
      %dma_start3A_214 = tpu.memref_slice %arg12[%dma_start3A_212, %dma_start3A_213] : memref<32x144xf32, #tpu.memory_space<vmem>> -> memref<32x144xf32, #tpu.memory_space<vmem>>
      tpu.enqueue_dma source(%dma_start3A_214 : memref<32x144xf32, #tpu.memory_space<vmem>>) target(%dma_start3A_211 : memref<32x144xf32, #tpu.memory_space<vmem_shared>>) target_semaphore(%run_scoped3A : memref<!tpu.dma_semaphore, #tpu.memory_space<semaphore_mem>>)
      %dma_wait3A_215 = arith.constant 0 : i32
      %dma_wait3A_216 = arith.constant 0 : i32
      %dma_wait3A_217 = tpu.memref_slice %arg12[%dma_wait3A_215, %dma_wait3A_216] : memref<32x144xf32, #tpu.memory_space<vmem>> -> memref<32x144xf32, #tpu.memory_space<vmem>>
      %dma_wait3A_218 = arith.constant 0 : i32
      %dma_wait3A_219 = tpu.memref_slice %arg17[%add3A_27, %dma_wait3A_218] : memref<10112x144xf32, #tpu.memory_space<vmem_shared>> -> memref<32x144xf32, #tpu.memory_space<vmem_shared>>
      %dma_wait3A_220 = arith.constant 0 : i32
      %dma_wait3A_221 = tpu.memref_slice %arg17[%add3A_27, %dma_wait3A_220] : memref<10112x144xf32, #tpu.memory_space<vmem_shared>> -> memref<32x144xf32, #tpu.memory_space<vmem_shared>>
      %dma_wait3A_222 = arith.constant 0 : i32
      %dma_wait3A_223 = arith.constant 0 : i32
      %dma_wait3A_224 = tpu.memref_slice %arg12[%dma_wait3A_222, %dma_wait3A_223] : memref<32x144xf32, #tpu.memory_space<vmem>> -> memref<32x144xf32, #tpu.memory_space<vmem>>
      tpu.wait_dma2 semaphore(%run_scoped3A : memref<!tpu.dma_semaphore, #tpu.memory_space<semaphore_mem>>) src(%dma_wait3A_224 : memref<32x144xf32, #tpu.memory_space<vmem>>) dst(%dma_wait3A_221 : memref<32x144xf32, #tpu.memory_space<vmem_shared>>)
      tpu.yield
    }) : () -> ()
    %add3A_28 = arith.constant 352 : i32
    %add3A_29 = arith.addi %mul3A_6, %add3A_28 : i32
    "tpu.region"() ({
      %run_scoped3A = tpu.sem_alloc : memref<!tpu.dma_semaphore, #tpu.memory_space<semaphore_mem>>
      %dma_start3A_205 = arith.constant 0 : i32
      %dma_start3A_206 = arith.constant 0 : i32
      %dma_start3A_207 = tpu.memref_slice %arg13[%dma_start3A_205, %dma_start3A_206] : memref<32x144xf32, #tpu.memory_space<vmem>> -> memref<32x144xf32, #tpu.memory_space<vmem>>
      %dma_start3A_208 = arith.constant 0 : i32
      %dma_start3A_209 = tpu.memref_slice %arg17[%add3A_29, %dma_start3A_208] : memref<10112x144xf32, #tpu.memory_space<vmem_shared>> -> memref<32x144xf32, #tpu.memory_space<vmem_shared>>
      %dma_start3A_210 = arith.constant 0 : i32
      %dma_start3A_211 = tpu.memref_slice %arg17[%add3A_29, %dma_start3A_210] : memref<10112x144xf32, #tpu.memory_space<vmem_shared>> -> memref<32x144xf32, #tpu.memory_space<vmem_shared>>
      %dma_start3A_212 = arith.constant 0 : i32
      %dma_start3A_213 = arith.constant 0 : i32
      %dma_start3A_214 = tpu.memref_slice %arg13[%dma_start3A_212, %dma_start3A_213] : memref<32x144xf32, #tpu.memory_space<vmem>> -> memref<32x144xf32, #tpu.memory_space<vmem>>
      tpu.enqueue_dma source(%dma_start3A_214 : memref<32x144xf32, #tpu.memory_space<vmem>>) target(%dma_start3A_211 : memref<32x144xf32, #tpu.memory_space<vmem_shared>>) target_semaphore(%run_scoped3A : memref<!tpu.dma_semaphore, #tpu.memory_space<semaphore_mem>>)
      %dma_wait3A_215 = arith.constant 0 : i32
      %dma_wait3A_216 = arith.constant 0 : i32
      %dma_wait3A_217 = tpu.memref_slice %arg13[%dma_wait3A_215, %dma_wait3A_216] : memref<32x144xf32, #tpu.memory_space<vmem>> -> memref<32x144xf32, #tpu.memory_space<vmem>>
      %dma_wait3A_218 = arith.constant 0 : i32
      %dma_wait3A_219 = tpu.memref_slice %arg17[%add3A_29, %dma_wait3A_218] : memref<10112x144xf32, #tpu.memory_space<vmem_shared>> -> memref<32x144xf32, #tpu.memory_space<vmem_shared>>
      %dma_wait3A_220 = arith.constant 0 : i32
      %dma_wait3A_221 = tpu.memref_slice %arg17[%add3A_29, %dma_wait3A_220] : memref<10112x144xf32, #tpu.memory_space<vmem_shared>> -> memref<32x144xf32, #tpu.memory_space<vmem_shared>>
      %dma_wait3A_222 = arith.constant 0 : i32
      %dma_wait3A_223 = arith.constant 0 : i32
      %dma_wait3A_224 = tpu.memref_slice %arg13[%dma_wait3A_222, %dma_wait3A_223] : memref<32x144xf32, #tpu.memory_space<vmem>> -> memref<32x144xf32, #tpu.memory_space<vmem>>
      tpu.wait_dma2 semaphore(%run_scoped3A : memref<!tpu.dma_semaphore, #tpu.memory_space<semaphore_mem>>) src(%dma_wait3A_224 : memref<32x144xf32, #tpu.memory_space<vmem>>) dst(%dma_wait3A_221 : memref<32x144xf32, #tpu.memory_space<vmem_shared>>)
      tpu.yield
    }) : () -> ()
    %add3A_30 = arith.constant 384 : i32
    %add3A_31 = arith.addi %mul3A_6, %add3A_30 : i32
    "tpu.region"() ({
      %run_scoped3A = tpu.sem_alloc : memref<!tpu.dma_semaphore, #tpu.memory_space<semaphore_mem>>
      %dma_start3A_205 = arith.constant 0 : i32
      %dma_start3A_206 = arith.constant 0 : i32
      %dma_start3A_207 = tpu.memref_slice %arg12[%dma_start3A_205, %dma_start3A_206] : memref<32x144xf32, #tpu.memory_space<vmem>> -> memref<32x144xf32, #tpu.memory_space<vmem>>
      %dma_start3A_208 = arith.constant 0 : i32
      %dma_start3A_209 = tpu.memref_slice %arg17[%add3A_31, %dma_start3A_208] : memref<10112x144xf32, #tpu.memory_space<vmem_shared>> -> memref<32x144xf32, #tpu.memory_space<vmem_shared>>
      %dma_start3A_210 = arith.constant 0 : i32
      %dma_start3A_211 = tpu.memref_slice %arg17[%add3A_31, %dma_start3A_210] : memref<10112x144xf32, #tpu.memory_space<vmem_shared>> -> memref<32x144xf32, #tpu.memory_space<vmem_shared>>
      %dma_start3A_212 = arith.constant 0 : i32
      %dma_start3A_213 = arith.constant 0 : i32
      %dma_start3A_214 = tpu.memref_slice %arg12[%dma_start3A_212, %dma_start3A_213] : memref<32x144xf32, #tpu.memory_space<vmem>> -> memref<32x144xf32, #tpu.memory_space<vmem>>
      tpu.enqueue_dma source(%dma_start3A_214 : memref<32x144xf32, #tpu.memory_space<vmem>>) target(%dma_start3A_211 : memref<32x144xf32, #tpu.memory_space<vmem_shared>>) target_semaphore(%run_scoped3A : memref<!tpu.dma_semaphore, #tpu.memory_space<semaphore_mem>>)
      %dma_wait3A_215 = arith.constant 0 : i32
      %dma_wait3A_216 = arith.constant 0 : i32
      %dma_wait3A_217 = tpu.memref_slice %arg12[%dma_wait3A_215, %dma_wait3A_216] : memref<32x144xf32, #tpu.memory_space<vmem>> -> memref<32x144xf32, #tpu.memory_space<vmem>>
      %dma_wait3A_218 = arith.constant 0 : i32
      %dma_wait3A_219 = tpu.memref_slice %arg17[%add3A_31, %dma_wait3A_218] : memref<10112x144xf32, #tpu.memory_space<vmem_shared>> -> memref<32x144xf32, #tpu.memory_space<vmem_shared>>
      %dma_wait3A_220 = arith.constant 0 : i32
      %dma_wait3A_221 = tpu.memref_slice %arg17[%add3A_31, %dma_wait3A_220] : memref<10112x144xf32, #tpu.memory_space<vmem_shared>> -> memref<32x144xf32, #tpu.memory_space<vmem_shared>>
      %dma_wait3A_222 = arith.constant 0 : i32
      %dma_wait3A_223 = arith.constant 0 : i32
      %dma_wait3A_224 = tpu.memref_slice %arg12[%dma_wait3A_222, %dma_wait3A_223] : memref<32x144xf32, #tpu.memory_space<vmem>> -> memref<32x144xf32, #tpu.memory_space<vmem>>
      tpu.wait_dma2 semaphore(%run_scoped3A : memref<!tpu.dma_semaphore, #tpu.memory_space<semaphore_mem>>) src(%dma_wait3A_224 : memref<32x144xf32, #tpu.memory_space<vmem>>) dst(%dma_wait3A_221 : memref<32x144xf32, #tpu.memory_space<vmem_shared>>)
      tpu.yield
    }) : () -> ()
    %add3A_32 = arith.constant 416 : i32
    %add3A_33 = arith.addi %mul3A_6, %add3A_32 : i32
    "tpu.region"() ({
      %run_scoped3A = tpu.sem_alloc : memref<!tpu.dma_semaphore, #tpu.memory_space<semaphore_mem>>
      %dma_start3A_205 = arith.constant 0 : i32
      %dma_start3A_206 = arith.constant 0 : i32
      %dma_start3A_207 = tpu.memref_slice %arg13[%dma_start3A_205, %dma_start3A_206] : memref<32x144xf32, #tpu.memory_space<vmem>> -> memref<32x144xf32, #tpu.memory_space<vmem>>
      %dma_start3A_208 = arith.constant 0 : i32
      %dma_start3A_209 = tpu.memref_slice %arg17[%add3A_33, %dma_start3A_208] : memref<10112x144xf32, #tpu.memory_space<vmem_shared>> -> memref<32x144xf32, #tpu.memory_space<vmem_shared>>
      %dma_start3A_210 = arith.constant 0 : i32
      %dma_start3A_211 = tpu.memref_slice %arg17[%add3A_33, %dma_start3A_210] : memref<10112x144xf32, #tpu.memory_space<vmem_shared>> -> memref<32x144xf32, #tpu.memory_space<vmem_shared>>
      %dma_start3A_212 = arith.constant 0 : i32
      %dma_start3A_213 = arith.constant 0 : i32
      %dma_start3A_214 = tpu.memref_slice %arg13[%dma_start3A_212, %dma_start3A_213] : memref<32x144xf32, #tpu.memory_space<vmem>> -> memref<32x144xf32, #tpu.memory_space<vmem>>
      tpu.enqueue_dma source(%dma_start3A_214 : memref<32x144xf32, #tpu.memory_space<vmem>>) target(%dma_start3A_211 : memref<32x144xf32, #tpu.memory_space<vmem_shared>>) target_semaphore(%run_scoped3A : memref<!tpu.dma_semaphore, #tpu.memory_space<semaphore_mem>>)
      %dma_wait3A_215 = arith.constant 0 : i32
      %dma_wait3A_216 = arith.constant 0 : i32
      %dma_wait3A_217 = tpu.memref_slice %arg13[%dma_wait3A_215, %dma_wait3A_216] : memref<32x144xf32, #tpu.memory_space<vmem>> -> memref<32x144xf32, #tpu.memory_space<vmem>>
      %dma_wait3A_218 = arith.constant 0 : i32
      %dma_wait3A_219 = tpu.memref_slice %arg17[%add3A_33, %dma_wait3A_218] : memref<10112x144xf32, #tpu.memory_space<vmem_shared>> -> memref<32x144xf32, #tpu.memory_space<vmem_shared>>
      %dma_wait3A_220 = arith.constant 0 : i32
      %dma_wait3A_221 = tpu.memref_slice %arg17[%add3A_33, %dma_wait3A_220] : memref<10112x144xf32, #tpu.memory_space<vmem_shared>> -> memref<32x144xf32, #tpu.memory_space<vmem_shared>>
      %dma_wait3A_222 = arith.constant 0 : i32
      %dma_wait3A_223 = arith.constant 0 : i32
      %dma_wait3A_224 = tpu.memref_slice %arg13[%dma_wait3A_222, %dma_wait3A_223] : memref<32x144xf32, #tpu.memory_space<vmem>> -> memref<32x144xf32, #tpu.memory_space<vmem>>
      tpu.wait_dma2 semaphore(%run_scoped3A : memref<!tpu.dma_semaphore, #tpu.memory_space<semaphore_mem>>) src(%dma_wait3A_224 : memref<32x144xf32, #tpu.memory_space<vmem>>) dst(%dma_wait3A_221 : memref<32x144xf32, #tpu.memory_space<vmem_shared>>)
      tpu.yield
    }) : () -> ()
    %add3A_34 = arith.constant 448 : i32
    %add3A_35 = arith.addi %mul3A_6, %add3A_34 : i32
    "tpu.region"() ({
      %run_scoped3A = tpu.sem_alloc : memref<!tpu.dma_semaphore, #tpu.memory_space<semaphore_mem>>
      %dma_start3A_205 = arith.constant 0 : i32
      %dma_start3A_206 = arith.constant 0 : i32
      %dma_start3A_207 = tpu.memref_slice %arg12[%dma_start3A_205, %dma_start3A_206] : memref<32x144xf32, #tpu.memory_space<vmem>> -> memref<32x144xf32, #tpu.memory_space<vmem>>
      %dma_start3A_208 = arith.constant 0 : i32
      %dma_start3A_209 = tpu.memref_slice %arg17[%add3A_35, %dma_start3A_208] : memref<10112x144xf32, #tpu.memory_space<vmem_shared>> -> memref<32x144xf32, #tpu.memory_space<vmem_shared>>
      %dma_start3A_210 = arith.constant 0 : i32
      %dma_start3A_211 = tpu.memref_slice %arg17[%add3A_35, %dma_start3A_210] : memref<10112x144xf32, #tpu.memory_space<vmem_shared>> -> memref<32x144xf32, #tpu.memory_space<vmem_shared>>
      %dma_start3A_212 = arith.constant 0 : i32
      %dma_start3A_213 = arith.constant 0 : i32
      %dma_start3A_214 = tpu.memref_slice %arg12[%dma_start3A_212, %dma_start3A_213] : memref<32x144xf32, #tpu.memory_space<vmem>> -> memref<32x144xf32, #tpu.memory_space<vmem>>
      tpu.enqueue_dma source(%dma_start3A_214 : memref<32x144xf32, #tpu.memory_space<vmem>>) target(%dma_start3A_211 : memref<32x144xf32, #tpu.memory_space<vmem_shared>>) target_semaphore(%run_scoped3A : memref<!tpu.dma_semaphore, #tpu.memory_space<semaphore_mem>>)
      %dma_wait3A_215 = arith.constant 0 : i32
      %dma_wait3A_216 = arith.constant 0 : i32
      %dma_wait3A_217 = tpu.memref_slice %arg12[%dma_wait3A_215, %dma_wait3A_216] : memref<32x144xf32, #tpu.memory_space<vmem>> -> memref<32x144xf32, #tpu.memory_space<vmem>>
      %dma_wait3A_218 = arith.constant 0 : i32
      %dma_wait3A_219 = tpu.memref_slice %arg17[%add3A_35, %dma_wait3A_218] : memref<10112x144xf32, #tpu.memory_space<vmem_shared>> -> memref<32x144xf32, #tpu.memory_space<vmem_shared>>
      %dma_wait3A_220 = arith.constant 0 : i32
      %dma_wait3A_221 = tpu.memref_slice %arg17[%add3A_35, %dma_wait3A_220] : memref<10112x144xf32, #tpu.memory_space<vmem_shared>> -> memref<32x144xf32, #tpu.memory_space<vmem_shared>>
      %dma_wait3A_222 = arith.constant 0 : i32
      %dma_wait3A_223 = arith.constant 0 : i32
      %dma_wait3A_224 = tpu.memref_slice %arg12[%dma_wait3A_222, %dma_wait3A_223] : memref<32x144xf32, #tpu.memory_space<vmem>> -> memref<32x144xf32, #tpu.memory_space<vmem>>
      tpu.wait_dma2 semaphore(%run_scoped3A : memref<!tpu.dma_semaphore, #tpu.memory_space<semaphore_mem>>) src(%dma_wait3A_224 : memref<32x144xf32, #tpu.memory_space<vmem>>) dst(%dma_wait3A_221 : memref<32x144xf32, #tpu.memory_space<vmem_shared>>)
      tpu.yield
    }) : () -> ()
    %add3A_36 = arith.constant 480 : i32
    %add3A_37 = arith.addi %mul3A_6, %add3A_36 : i32
    "tpu.region"() ({
      %run_scoped3A = tpu.sem_alloc : memref<!tpu.dma_semaphore, #tpu.memory_space<semaphore_mem>>
      %dma_start3A_205 = arith.constant 0 : i32
      %dma_start3A_206 = arith.constant 0 : i32
      %dma_start3A_207 = tpu.memref_slice %arg13[%dma_start3A_205, %dma_start3A_206] : memref<32x144xf32, #tpu.memory_space<vmem>> -> memref<32x144xf32, #tpu.memory_space<vmem>>
      %dma_start3A_208 = arith.constant 0 : i32
      %dma_start3A_209 = tpu.memref_slice %arg17[%add3A_37, %dma_start3A_208] : memref<10112x144xf32, #tpu.memory_space<vmem_shared>> -> memref<32x144xf32, #tpu.memory_space<vmem_shared>>
      %dma_start3A_210 = arith.constant 0 : i32
      %dma_start3A_211 = tpu.memref_slice %arg17[%add3A_37, %dma_start3A_210] : memref<10112x144xf32, #tpu.memory_space<vmem_shared>> -> memref<32x144xf32, #tpu.memory_space<vmem_shared>>
      %dma_start3A_212 = arith.constant 0 : i32
      %dma_start3A_213 = arith.constant 0 : i32
      %dma_start3A_214 = tpu.memref_slice %arg13[%dma_start3A_212, %dma_start3A_213] : memref<32x144xf32, #tpu.memory_space<vmem>> -> memref<32x144xf32, #tpu.memory_space<vmem>>
      tpu.enqueue_dma source(%dma_start3A_214 : memref<32x144xf32, #tpu.memory_space<vmem>>) target(%dma_start3A_211 : memref<32x144xf32, #tpu.memory_space<vmem_shared>>) target_semaphore(%run_scoped3A : memref<!tpu.dma_semaphore, #tpu.memory_space<semaphore_mem>>)
      %dma_wait3A_215 = arith.constant 0 : i32
      %dma_wait3A_216 = arith.constant 0 : i32
      %dma_wait3A_217 = tpu.memref_slice %arg13[%dma_wait3A_215, %dma_wait3A_216] : memref<32x144xf32, #tpu.memory_space<vmem>> -> memref<32x144xf32, #tpu.memory_space<vmem>>
      %dma_wait3A_218 = arith.constant 0 : i32
      %dma_wait3A_219 = tpu.memref_slice %arg17[%add3A_37, %dma_wait3A_218] : memref<10112x144xf32, #tpu.memory_space<vmem_shared>> -> memref<32x144xf32, #tpu.memory_space<vmem_shared>>
      %dma_wait3A_220 = arith.constant 0 : i32
      %dma_wait3A_221 = tpu.memref_slice %arg17[%add3A_37, %dma_wait3A_220] : memref<10112x144xf32, #tpu.memory_space<vmem_shared>> -> memref<32x144xf32, #tpu.memory_space<vmem_shared>>
      %dma_wait3A_222 = arith.constant 0 : i32
      %dma_wait3A_223 = arith.constant 0 : i32
      %dma_wait3A_224 = tpu.memref_slice %arg13[%dma_wait3A_222, %dma_wait3A_223] : memref<32x144xf32, #tpu.memory_space<vmem>> -> memref<32x144xf32, #tpu.memory_space<vmem>>
      tpu.wait_dma2 semaphore(%run_scoped3A : memref<!tpu.dma_semaphore, #tpu.memory_space<semaphore_mem>>) src(%dma_wait3A_224 : memref<32x144xf32, #tpu.memory_space<vmem>>) dst(%dma_wait3A_221 : memref<32x144xf32, #tpu.memory_space<vmem_shared>>)
      tpu.yield
    }) : () -> ()
    %add3A_38 = arith.constant 512 : i32
    %add3A_39 = arith.addi %mul3A_6, %add3A_38 : i32
    "tpu.region"() ({
      %run_scoped3A = tpu.sem_alloc : memref<!tpu.dma_semaphore, #tpu.memory_space<semaphore_mem>>
      %dma_start3A_205 = arith.constant 0 : i32
      %dma_start3A_206 = arith.constant 0 : i32
      %dma_start3A_207 = tpu.memref_slice %arg12[%dma_start3A_205, %dma_start3A_206] : memref<32x144xf32, #tpu.memory_space<vmem>> -> memref<32x144xf32, #tpu.memory_space<vmem>>
      %dma_start3A_208 = arith.constant 0 : i32
      %dma_start3A_209 = tpu.memref_slice %arg17[%add3A_39, %dma_start3A_208] : memref<10112x144xf32, #tpu.memory_space<vmem_shared>> -> memref<32x144xf32, #tpu.memory_space<vmem_shared>>
      %dma_start3A_210 = arith.constant 0 : i32
      %dma_start3A_211 = tpu.memref_slice %arg17[%add3A_39, %dma_start3A_210] : memref<10112x144xf32, #tpu.memory_space<vmem_shared>> -> memref<32x144xf32, #tpu.memory_space<vmem_shared>>
      %dma_start3A_212 = arith.constant 0 : i32
      %dma_start3A_213 = arith.constant 0 : i32
      %dma_start3A_214 = tpu.memref_slice %arg12[%dma_start3A_212, %dma_start3A_213] : memref<32x144xf32, #tpu.memory_space<vmem>> -> memref<32x144xf32, #tpu.memory_space<vmem>>
      tpu.enqueue_dma source(%dma_start3A_214 : memref<32x144xf32, #tpu.memory_space<vmem>>) target(%dma_start3A_211 : memref<32x144xf32, #tpu.memory_space<vmem_shared>>) target_semaphore(%run_scoped3A : memref<!tpu.dma_semaphore, #tpu.memory_space<semaphore_mem>>)
      %dma_wait3A_215 = arith.constant 0 : i32
      %dma_wait3A_216 = arith.constant 0 : i32
      %dma_wait3A_217 = tpu.memref_slice %arg12[%dma_wait3A_215, %dma_wait3A_216] : memref<32x144xf32, #tpu.memory_space<vmem>> -> memref<32x144xf32, #tpu.memory_space<vmem>>
      %dma_wait3A_218 = arith.constant 0 : i32
      %dma_wait3A_219 = tpu.memref_slice %arg17[%add3A_39, %dma_wait3A_218] : memref<10112x144xf32, #tpu.memory_space<vmem_shared>> -> memref<32x144xf32, #tpu.memory_space<vmem_shared>>
      %dma_wait3A_220 = arith.constant 0 : i32
      %dma_wait3A_221 = tpu.memref_slice %arg17[%add3A_39, %dma_wait3A_220] : memref<10112x144xf32, #tpu.memory_space<vmem_shared>> -> memref<32x144xf32, #tpu.memory_space<vmem_shared>>
      %dma_wait3A_222 = arith.constant 0 : i32
      %dma_wait3A_223 = arith.constant 0 : i32
      %dma_wait3A_224 = tpu.memref_slice %arg12[%dma_wait3A_222, %dma_wait3A_223] : memref<32x144xf32, #tpu.memory_space<vmem>> -> memref<32x144xf32, #tpu.memory_space<vmem>>
      tpu.wait_dma2 semaphore(%run_scoped3A : memref<!tpu.dma_semaphore, #tpu.memory_space<semaphore_mem>>) src(%dma_wait3A_224 : memref<32x144xf32, #tpu.memory_space<vmem>>) dst(%dma_wait3A_221 : memref<32x144xf32, #tpu.memory_space<vmem_shared>>)
      tpu.yield
    }) : () -> ()
    %add3A_40 = arith.constant 544 : i32
    %add3A_41 = arith.addi %mul3A_6, %add3A_40 : i32
    "tpu.region"() ({
      %run_scoped3A = tpu.sem_alloc : memref<!tpu.dma_semaphore, #tpu.memory_space<semaphore_mem>>
      %dma_start3A_205 = arith.constant 0 : i32
      %dma_start3A_206 = arith.constant 0 : i32
      %dma_start3A_207 = tpu.memref_slice %arg13[%dma_start3A_205, %dma_start3A_206] : memref<32x144xf32, #tpu.memory_space<vmem>> -> memref<32x144xf32, #tpu.memory_space<vmem>>
      %dma_start3A_208 = arith.constant 0 : i32
      %dma_start3A_209 = tpu.memref_slice %arg17[%add3A_41, %dma_start3A_208] : memref<10112x144xf32, #tpu.memory_space<vmem_shared>> -> memref<32x144xf32, #tpu.memory_space<vmem_shared>>
      %dma_start3A_210 = arith.constant 0 : i32
      %dma_start3A_211 = tpu.memref_slice %arg17[%add3A_41, %dma_start3A_210] : memref<10112x144xf32, #tpu.memory_space<vmem_shared>> -> memref<32x144xf32, #tpu.memory_space<vmem_shared>>
      %dma_start3A_212 = arith.constant 0 : i32
      %dma_start3A_213 = arith.constant 0 : i32
      %dma_start3A_214 = tpu.memref_slice %arg13[%dma_start3A_212, %dma_start3A_213] : memref<32x144xf32, #tpu.memory_space<vmem>> -> memref<32x144xf32, #tpu.memory_space<vmem>>
      tpu.enqueue_dma source(%dma_start3A_214 : memref<32x144xf32, #tpu.memory_space<vmem>>) target(%dma_start3A_211 : memref<32x144xf32, #tpu.memory_space<vmem_shared>>) target_semaphore(%run_scoped3A : memref<!tpu.dma_semaphore, #tpu.memory_space<semaphore_mem>>)
      %dma_wait3A_215 = arith.constant 0 : i32
      %dma_wait3A_216 = arith.constant 0 : i32
      %dma_wait3A_217 = tpu.memref_slice %arg13[%dma_wait3A_215, %dma_wait3A_216] : memref<32x144xf32, #tpu.memory_space<vmem>> -> memref<32x144xf32, #tpu.memory_space<vmem>>
      %dma_wait3A_218 = arith.constant 0 : i32
      %dma_wait3A_219 = tpu.memref_slice %arg17[%add3A_41, %dma_wait3A_218] : memref<10112x144xf32, #tpu.memory_space<vmem_shared>> -> memref<32x144xf32, #tpu.memory_space<vmem_shared>>
      %dma_wait3A_220 = arith.constant 0 : i32
      %dma_wait3A_221 = tpu.memref_slice %arg17[%add3A_41, %dma_wait3A_220] : memref<10112x144xf32, #tpu.memory_space<vmem_shared>> -> memref<32x144xf32, #tpu.memory_space<vmem_shared>>
      %dma_wait3A_222 = arith.constant 0 : i32
      %dma_wait3A_223 = arith.constant 0 : i32
      %dma_wait3A_224 = tpu.memref_slice %arg13[%dma_wait3A_222, %dma_wait3A_223] : memref<32x144xf32, #tpu.memory_space<vmem>> -> memref<32x144xf32, #tpu.memory_space<vmem>>
      tpu.wait_dma2 semaphore(%run_scoped3A : memref<!tpu.dma_semaphore, #tpu.memory_space<semaphore_mem>>) src(%dma_wait3A_224 : memref<32x144xf32, #tpu.memory_space<vmem>>) dst(%dma_wait3A_221 : memref<32x144xf32, #tpu.memory_space<vmem_shared>>)
      tpu.yield
    }) : () -> ()
    %add3A_42 = arith.constant 576 : i32
    %add3A_43 = arith.addi %mul3A_6, %add3A_42 : i32
    "tpu.region"() ({
      %run_scoped3A = tpu.sem_alloc : memref<!tpu.dma_semaphore, #tpu.memory_space<semaphore_mem>>
      %dma_start3A_205 = arith.constant 0 : i32
      %dma_start3A_206 = arith.constant 0 : i32
      %dma_start3A_207 = tpu.memref_slice %arg12[%dma_start3A_205, %dma_start3A_206] : memref<32x144xf32, #tpu.memory_space<vmem>> -> memref<32x144xf32, #tpu.memory_space<vmem>>
      %dma_start3A_208 = arith.constant 0 : i32
      %dma_start3A_209 = tpu.memref_slice %arg17[%add3A_43, %dma_start3A_208] : memref<10112x144xf32, #tpu.memory_space<vmem_shared>> -> memref<32x144xf32, #tpu.memory_space<vmem_shared>>
      %dma_start3A_210 = arith.constant 0 : i32
      %dma_start3A_211 = tpu.memref_slice %arg17[%add3A_43, %dma_start3A_210] : memref<10112x144xf32, #tpu.memory_space<vmem_shared>> -> memref<32x144xf32, #tpu.memory_space<vmem_shared>>
      %dma_start3A_212 = arith.constant 0 : i32
      %dma_start3A_213 = arith.constant 0 : i32
      %dma_start3A_214 = tpu.memref_slice %arg12[%dma_start3A_212, %dma_start3A_213] : memref<32x144xf32, #tpu.memory_space<vmem>> -> memref<32x144xf32, #tpu.memory_space<vmem>>
      tpu.enqueue_dma source(%dma_start3A_214 : memref<32x144xf32, #tpu.memory_space<vmem>>) target(%dma_start3A_211 : memref<32x144xf32, #tpu.memory_space<vmem_shared>>) target_semaphore(%run_scoped3A : memref<!tpu.dma_semaphore, #tpu.memory_space<semaphore_mem>>)
      %dma_wait3A_215 = arith.constant 0 : i32
      %dma_wait3A_216 = arith.constant 0 : i32
      %dma_wait3A_217 = tpu.memref_slice %arg12[%dma_wait3A_215, %dma_wait3A_216] : memref<32x144xf32, #tpu.memory_space<vmem>> -> memref<32x144xf32, #tpu.memory_space<vmem>>
      %dma_wait3A_218 = arith.constant 0 : i32
      %dma_wait3A_219 = tpu.memref_slice %arg17[%add3A_43, %dma_wait3A_218] : memref<10112x144xf32, #tpu.memory_space<vmem_shared>> -> memref<32x144xf32, #tpu.memory_space<vmem_shared>>
      %dma_wait3A_220 = arith.constant 0 : i32
      %dma_wait3A_221 = tpu.memref_slice %arg17[%add3A_43, %dma_wait3A_220] : memref<10112x144xf32, #tpu.memory_space<vmem_shared>> -> memref<32x144xf32, #tpu.memory_space<vmem_shared>>
      %dma_wait3A_222 = arith.constant 0 : i32
      %dma_wait3A_223 = arith.constant 0 : i32
      %dma_wait3A_224 = tpu.memref_slice %arg12[%dma_wait3A_222, %dma_wait3A_223] : memref<32x144xf32, #tpu.memory_space<vmem>> -> memref<32x144xf32, #tpu.memory_space<vmem>>
      tpu.wait_dma2 semaphore(%run_scoped3A : memref<!tpu.dma_semaphore, #tpu.memory_space<semaphore_mem>>) src(%dma_wait3A_224 : memref<32x144xf32, #tpu.memory_space<vmem>>) dst(%dma_wait3A_221 : memref<32x144xf32, #tpu.memory_space<vmem_shared>>)
      tpu.yield
    }) : () -> ()
    %add3A_44 = arith.constant 608 : i32
    %add3A_45 = arith.addi %mul3A_6, %add3A_44 : i32
    "tpu.region"() ({
      %run_scoped3A = tpu.sem_alloc : memref<!tpu.dma_semaphore, #tpu.memory_space<semaphore_mem>>
      %dma_start3A_205 = arith.constant 0 : i32
      %dma_start3A_206 = arith.constant 0 : i32
      %dma_start3A_207 = tpu.memref_slice %arg13[%dma_start3A_205, %dma_start3A_206] : memref<32x144xf32, #tpu.memory_space<vmem>> -> memref<24x144xf32, #tpu.memory_space<vmem>>
      %dma_start3A_208 = arith.constant 0 : i32
      %dma_start3A_209 = tpu.memref_slice %arg17[%add3A_45, %dma_start3A_208] : memref<10112x144xf32, #tpu.memory_space<vmem_shared>> -> memref<24x144xf32, #tpu.memory_space<vmem_shared>>
      %dma_start3A_210 = arith.constant 0 : i32
      %dma_start3A_211 = tpu.memref_slice %arg17[%add3A_45, %dma_start3A_210] : memref<10112x144xf32, #tpu.memory_space<vmem_shared>> -> memref<24x144xf32, #tpu.memory_space<vmem_shared>>
      %dma_start3A_212 = arith.constant 0 : i32
      %dma_start3A_213 = arith.constant 0 : i32
      %dma_start3A_214 = tpu.memref_slice %arg13[%dma_start3A_212, %dma_start3A_213] : memref<32x144xf32, #tpu.memory_space<vmem>> -> memref<24x144xf32, #tpu.memory_space<vmem>>
      tpu.enqueue_dma source(%dma_start3A_214 : memref<24x144xf32, #tpu.memory_space<vmem>>) target(%dma_start3A_211 : memref<24x144xf32, #tpu.memory_space<vmem_shared>>) target_semaphore(%run_scoped3A : memref<!tpu.dma_semaphore, #tpu.memory_space<semaphore_mem>>)
      %dma_wait3A_215 = arith.constant 0 : i32
      %dma_wait3A_216 = arith.constant 0 : i32
      %dma_wait3A_217 = tpu.memref_slice %arg13[%dma_wait3A_215, %dma_wait3A_216] : memref<32x144xf32, #tpu.memory_space<vmem>> -> memref<24x144xf32, #tpu.memory_space<vmem>>
      %dma_wait3A_218 = arith.constant 0 : i32
      %dma_wait3A_219 = tpu.memref_slice %arg17[%add3A_45, %dma_wait3A_218] : memref<10112x144xf32, #tpu.memory_space<vmem_shared>> -> memref<24x144xf32, #tpu.memory_space<vmem_shared>>
      %dma_wait3A_220 = arith.constant 0 : i32
      %dma_wait3A_221 = tpu.memref_slice %arg17[%add3A_45, %dma_wait3A_220] : memref<10112x144xf32, #tpu.memory_space<vmem_shared>> -> memref<24x144xf32, #tpu.memory_space<vmem_shared>>
      %dma_wait3A_222 = arith.constant 0 : i32
      %dma_wait3A_223 = arith.constant 0 : i32
      %dma_wait3A_224 = tpu.memref_slice %arg13[%dma_wait3A_222, %dma_wait3A_223] : memref<32x144xf32, #tpu.memory_space<vmem>> -> memref<24x144xf32, #tpu.memory_space<vmem>>
      tpu.wait_dma2 semaphore(%run_scoped3A : memref<!tpu.dma_semaphore, #tpu.memory_space<semaphore_mem>>) src(%dma_wait3A_224 : memref<24x144xf32, #tpu.memory_space<vmem>>) dst(%dma_wait3A_221 : memref<24x144xf32, #tpu.memory_space<vmem_shared>>)
      tpu.yield
    }) : () -> ()
    %barrier3A = arith.constant 0 : index
    tpu.barrier barrier_id(%barrier3A)
    %broadcast_in_dim3A_46 = arith.constant 1.000000e+00 : f32
    %broadcast_in_dim3A_47 = vector.broadcast %broadcast_in_dim3A_46 : f32 to vector<16xf32>
    %scan3A_48 = arith.constant 0 : i32
    %scan3A_49 = arith.constant 0 : i32
    %scan3A_50 = arith.constant 32 : i32
    %scan3A_51 = arith.addi %scan3A_49, %scan3A_50 : i32
    %scan3A_52 = arith.constant 1 : i32
    scf.for %scan3A_205 = %scan3A_49 to %scan3A_51 step %scan3A_52  : i32 {
      %swap3A = arith.index_cast %scan3A_205 : i32 to index
      %swap3A_206 = arith.constant 128 : index
      %swap3A_207 = tpu.vector_load %arg12[%swap3A, %swap3A_206] {strides = array<i32>} : memref<32x144xf32, #tpu.memory_space<vmem>>, vector<16xf32>,
      tpu.vector_store %arg12[%swap3A, %swap3A_206], %broadcast_in_dim3A_47 {strides = array<i32>} : memref<32x144xf32, #tpu.memory_space<vmem>>, vector<16xf32>,
      %swap3A_208 = arith.index_cast %scan3A_205 : i32 to index
      %swap3A_209 = arith.constant 128 : index
      %swap3A_210 = tpu.vector_load %arg13[%swap3A_208, %swap3A_209] {strides = array<i32>} : memref<32x144xf32, #tpu.memory_space<vmem>>, vector<16xf32>,
      tpu.vector_store %arg13[%swap3A_208, %swap3A_209], %broadcast_in_dim3A_47 {strides = array<i32>} : memref<32x144xf32, #tpu.memory_space<vmem>>, vector<16xf32>,
    }
    %scan3A_53 = arith.constant 32 : i32
    %get3A = arith.constant 0 : index
    %get3A_54 = tpu.vector_load %arg16[%get3A] {strides = array<i32>} : memref<64xf32, #tpu.memory_space<vmem>>, vector<16xf32>,
    %get3A_55 = arith.constant 16 : index
    %get3A_56 = tpu.vector_load %arg16[%get3A_55] {strides = array<i32>} : memref<64xf32, #tpu.memory_space<vmem>>, vector<16xf32>,
    %get3A_57 = arith.constant 32 : index
    %get3A_58 = tpu.vector_load %arg16[%get3A_57] {strides = array<i32>} : memref<64xf32, #tpu.memory_space<vmem>>, vector<16xf32>,
    %get3A_59 = arith.constant 48 : index
    %get3A_60 = tpu.vector_load %arg16[%get3A_59] {strides = array<i32>} : memref<64xf32, #tpu.memory_space<vmem>>, vector<16xf32>,
    %broadcast_in_dim3A_61 = arith.constant 15 : i32
    %broadcast_in_dim3A_62 = vector.broadcast %broadcast_in_dim3A_61 : i32 to vector<16xi32>
    %eq3A = arith.constant 0 : i32
    %eq3A_63 = arith.cmpi eq, %arg0, %eq3A : i32
    %jit3A = arith.constant 432 : i32
    %jit3A_64 = arith.constant 208 : i32
    %select_n3A = arith.select %eq3A_63, %jit3A, %jit3A_64 : i32
    %eq3A_65 = arith.constant 0 : i32
    %eq3A_66 = arith.cmpi eq, %arg0, %eq3A_65 : i32
    %mul3A_67 = arith.constant 13824 : i32
    %mul3A_68 = arith.muli %arg1, %mul3A_67 : i32
    %mul3A_69 = arith.constant 6656 : i32
    %mul3A_70 = arith.muli %arg1, %mul3A_69 : i32
    %add3A_71 = arith.constant 221184 : i32
    %add3A_72 = arith.addi %add3A_71, %mul3A_70 : i32
    %select_n3A_73 = arith.select %eq3A_66, %mul3A_68, %add3A_72 : i32
    %add3A_74 = arith.constant 0 : i32
    %add3A_75 = arith.addi %select_n3A_73, %add3A_74 : i32
    "tpu.region"() ({
      %run_scoped3A = tpu.sem_alloc : memref<!tpu.dma_semaphore, #tpu.memory_space<semaphore_mem>>
      %dma_start3A_205 = arith.constant 0 : i32
      %dma_start3A_206 = tpu.memref_slice %arg2[%dma_start3A_205, %add3A_75] : memref<3x327680xi32, #tpu.memory_space<hbm>> -> memref<3x256xi32, #tpu.memory_space<hbm>>
      %dma_start3A_207 = arith.constant 0 : i32
      %dma_start3A_208 = tpu.memref_slice %arg2[%dma_start3A_207, %add3A_75] : memref<3x327680xi32, #tpu.memory_space<hbm>> -> memref<3x256xi32, #tpu.memory_space<hbm>>
      tpu.enqueue_dma source(%dma_start3A_208 : memref<3x256xi32, #tpu.memory_space<hbm>>) target(%arg7 : memref<3x256xi32, #tpu.memory_space<vmem>>) target_semaphore(%run_scoped3A : memref<!tpu.dma_semaphore, #tpu.memory_space<semaphore_mem>>)
      %dma_wait3A_209 = arith.constant 0 : i32
      %dma_wait3A_210 = tpu.memref_slice %arg2[%dma_wait3A_209, %add3A_75] : memref<3x327680xi32, #tpu.memory_space<hbm>> -> memref<3x256xi32, #tpu.memory_space<hbm>>
      %dma_wait3A_211 = arith.constant 0 : i32
      %dma_wait3A_212 = tpu.memref_slice %arg2[%dma_wait3A_211, %add3A_75] : memref<3x327680xi32, #tpu.memory_space<hbm>> -> memref<3x256xi32, #tpu.memory_space<hbm>>
      tpu.wait_dma2 semaphore(%run_scoped3A : memref<!tpu.dma_semaphore, #tpu.memory_space<semaphore_mem>>) src(%dma_wait3A_212 : memref<3x256xi32, #tpu.memory_space<hbm>>) dst(%arg7 : memref<3x256xi32, #tpu.memory_space<vmem>>)
      tpu.yield
    }) : () -> ()
    %rem3A = arith.constant 0 : i32
    %rem3A_76 = arith.constant 8 : i32
    %rem3A_77 = arith.remsi %rem3A, %rem3A_76 : i32
    %mul3A_78 = arith.constant 32 : i32
    %mul3A_79 = arith.muli %rem3A_77, %mul3A_78 : i32
    %add3A_80 = arith.constant 0 : i32
    %add3A_81 = arith.addi %mul3A_79, %add3A_80 : i32
    %dma_start3A = arith.constant 0 : i32
    %dma_start3A_82 = arith.constant 0 : i32
    %dma_start3A_83 = arith.constant 0 : i32
    %dma_start3A_84 = tpu.memref_slice %arg8[%dma_start3A_82, %dma_start3A_83] : memref<32x96xf32, #tpu.memory_space<vmem>> -> memref<8x96xf32, #tpu.memory_space<vmem>>
    %dma_start3A_85 = tpu.memref_slice %arg7[%dma_start3A, %add3A_81] : memref<3x256xi32, #tpu.memory_space<vmem>> -> memref<1x8xi32, #tpu.memory_space<vmem>>
    %dma_start3A_86 = tpu.memref_squeeze %dma_start3A_85 : memref<1x8xi32, #tpu.memory_space<vmem>> -> memref<8xi32, #tpu.memory_space<vmem>>
    %dma_start3A_87 = arith.constant 0 : i32
    %dma_start3A_88 = arith.constant 0 : i32
    %dma_start3A_89 = tpu.memref_slice %arg3[%dma_start3A_87, %dma_start3A_88] : memref<10000x96xf32, #tpu.memory_space<hbm>> -> memref<10000x96xf32, #tpu.memory_space<hbm>>
    tpu.enqueue_indirect_dma source(%dma_start3A_89 : memref<10000x96xf32, #tpu.memory_space<hbm>>) target(%dma_start3A_84 : memref<8x96xf32, #tpu.memory_space<vmem>>) offsets(%dma_start3A_86 : memref<8xi32, #tpu.memory_space<vmem>>) semaphore(%arg18 : memref<!tpu.dma_semaphore, #tpu.memory_space<semaphore_mem>>)
    %add3A_90 = arith.constant 0 : i32
    %add3A_91 = arith.addi %mul3A_79, %add3A_90 : i32
    %dma_start3A_92 = arith.constant 1 : i32
    %dma_start3A_93 = arith.constant 0 : i32
    %dma_start3A_94 = arith.constant 0 : i32
    %dma_start3A_95 = tpu.memref_slice %arg10[%dma_start3A_93, %dma_start3A_94] : memref<32x96xf32, #tpu.memory_space<vmem>> -> memref<8x96xf32, #tpu.memory_space<vmem>>
    %dma_start3A_96 = tpu.memref_slice %arg7[%dma_start3A_92, %add3A_91] : memref<3x256xi32, #tpu.memory_space<vmem>> -> memref<1x8xi32, #tpu.memory_space<vmem>>
    %dma_start3A_97 = tpu.memref_squeeze %dma_start3A_96 : memref<1x8xi32, #tpu.memory_space<vmem>> -> memref<8xi32, #tpu.memory_space<vmem>>
    %dma_start3A_98 = arith.constant 0 : i32
    %dma_start3A_99 = arith.constant 0 : i32
    %dma_start3A_100 = tpu.memref_slice %arg4[%dma_start3A_98, %dma_start3A_99] : memref<401x96xf32, #tpu.memory_space<hbm>> -> memref<401x96xf32, #tpu.memory_space<hbm>>
    tpu.enqueue_indirect_dma source(%dma_start3A_100 : memref<401x96xf32, #tpu.memory_space<hbm>>) target(%dma_start3A_95 : memref<8x96xf32, #tpu.memory_space<vmem>>) offsets(%dma_start3A_97 : memref<8xi32, #tpu.memory_space<vmem>>) semaphore(%arg18 : memref<!tpu.dma_semaphore, #tpu.memory_space<semaphore_mem>>)
    %add3A_101 = arith.constant 8 : i32
    %add3A_102 = arith.addi %mul3A_79, %add3A_101 : i32
    %dma_start3A_103 = arith.constant 0 : i32
    %dma_start3A_104 = arith.constant 8 : i32
    %dma_start3A_105 = arith.constant 0 : i32
    %dma_start3A_106 = tpu.memref_slice %arg8[%dma_start3A_104, %dma_start3A_105] : memref<32x96xf32, #tpu.memory_space<vmem>> -> memref<8x96xf32, #tpu.memory_space<vmem>>
    %dma_start3A_107 = tpu.memref_slice %arg7[%dma_start3A_103, %add3A_102] : memref<3x256xi32, #tpu.memory_space<vmem>> -> memref<1x8xi32, #tpu.memory_space<vmem>>
    %dma_start3A_108 = tpu.memref_squeeze %dma_start3A_107 : memref<1x8xi32, #tpu.memory_space<vmem>> -> memref<8xi32, #tpu.memory_space<vmem>>
    %dma_start3A_109 = arith.constant 0 : i32
    %dma_start3A_110 = arith.constant 0 : i32
    %dma_start3A_111 = tpu.memref_slice %arg3[%dma_start3A_109, %dma_start3A_110] : memref<10000x96xf32, #tpu.memory_space<hbm>> -> memref<10000x96xf32, #tpu.memory_space<hbm>>
    tpu.enqueue_indirect_dma source(%dma_start3A_111 : memref<10000x96xf32, #tpu.memory_space<hbm>>) target(%dma_start3A_106 : memref<8x96xf32, #tpu.memory_space<vmem>>) offsets(%dma_start3A_108 : memref<8xi32, #tpu.memory_space<vmem>>) semaphore(%arg18 : memref<!tpu.dma_semaphore, #tpu.memory_space<semaphore_mem>>)
    %add3A_112 = arith.constant 8 : i32
    %add3A_113 = arith.addi %mul3A_79, %add3A_112 : i32
    %dma_start3A_114 = arith.constant 1 : i32
    %dma_start3A_115 = arith.constant 8 : i32
    %dma_start3A_116 = arith.constant 0 : i32
    %dma_start3A_117 = tpu.memref_slice %arg10[%dma_start3A_115, %dma_start3A_116] : memref<32x96xf32, #tpu.memory_space<vmem>> -> memref<8x96xf32, #tpu.memory_space<vmem>>
    %dma_start3A_118 = tpu.memref_slice %arg7[%dma_start3A_114, %add3A_113] : memref<3x256xi32, #tpu.memory_space<vmem>> -> memref<1x8xi32, #tpu.memory_space<vmem>>
    %dma_start3A_119 = tpu.memref_squeeze %dma_start3A_118 : memref<1x8xi32, #tpu.memory_space<vmem>> -> memref<8xi32, #tpu.memory_space<vmem>>
    %dma_start3A_120 = arith.constant 0 : i32
    %dma_start3A_121 = arith.constant 0 : i32
    %dma_start3A_122 = tpu.memref_slice %arg4[%dma_start3A_120, %dma_start3A_121] : memref<401x96xf32, #tpu.memory_space<hbm>> -> memref<401x96xf32, #tpu.memory_space<hbm>>
    tpu.enqueue_indirect_dma source(%dma_start3A_122 : memref<401x96xf32, #tpu.memory_space<hbm>>) target(%dma_start3A_117 : memref<8x96xf32, #tpu.memory_space<vmem>>) offsets(%dma_start3A_119 : memref<8xi32, #tpu.memory_space<vmem>>) semaphore(%arg18 : memref<!tpu.dma_semaphore, #tpu.memory_space<semaphore_mem>>)
    %add3A_123 = arith.constant 16 : i32
    %add3A_124 = arith.addi %mul3A_79, %add3A_123 : i32
    %dma_start3A_125 = arith.constant 0 : i32
    %dma_start3A_126 = arith.constant 16 : i32
    %dma_start3A_127 = arith.constant 0 : i32
    %dma_start3A_128 = tpu.memref_slice %arg8[%dma_start3A_126, %dma_start3A_127] : memref<32x96xf32, #tpu.memory_space<vmem>> -> memref<8x96xf32, #tpu.memory_space<vmem>>
    %dma_start3A_129 = tpu.memref_slice %arg7[%dma_start3A_125, %add3A_124] : memref<3x256xi32, #tpu.memory_space<vmem>> -> memref<1x8xi32, #tpu.memory_space<vmem>>
    %dma_start3A_130 = tpu.memref_squeeze %dma_start3A_129 : memref<1x8xi32, #tpu.memory_space<vmem>> -> memref<8xi32, #tpu.memory_space<vmem>>
    %dma_start3A_131 = arith.constant 0 : i32
    %dma_start3A_132 = arith.constant 0 : i32
    %dma_start3A_133 = tpu.memref_slice %arg3[%dma_start3A_131, %dma_start3A_132] : memref<10000x96xf32, #tpu.memory_space<hbm>> -> memref<10000x96xf32, #tpu.memory_space<hbm>>
    tpu.enqueue_indirect_dma source(%dma_start3A_133 : memref<10000x96xf32, #tpu.memory_space<hbm>>) target(%dma_start3A_128 : memref<8x96xf32, #tpu.memory_space<vmem>>) offsets(%dma_start3A_130 : memref<8xi32, #tpu.memory_space<vmem>>) semaphore(%arg18 : memref<!tpu.dma_semaphore, #tpu.memory_space<semaphore_mem>>)
    %add3A_134 = arith.constant 16 : i32
    %add3A_135 = arith.addi %mul3A_79, %add3A_134 : i32
    %dma_start3A_136 = arith.constant 1 : i32
    %dma_start3A_137 = arith.constant 16 : i32
    %dma_start3A_138 = arith.constant 0 : i32
    %dma_start3A_139 = tpu.memref_slice %arg10[%dma_start3A_137, %dma_start3A_138] : memref<32x96xf32, #tpu.memory_space<vmem>> -> memref<8x96xf32, #tpu.memory_space<vmem>>
    %dma_start3A_140 = tpu.memref_slice %arg7[%dma_start3A_136, %add3A_135] : memref<3x256xi32, #tpu.memory_space<vmem>> -> memref<1x8xi32, #tpu.memory_space<vmem>>
    %dma_start3A_141 = tpu.memref_squeeze %dma_start3A_140 : memref<1x8xi32, #tpu.memory_space<vmem>> -> memref<8xi32, #tpu.memory_space<vmem>>
    %dma_start3A_142 = arith.constant 0 : i32
    %dma_start3A_143 = arith.constant 0 : i32
    %dma_start3A_144 = tpu.memref_slice %arg4[%dma_start3A_142, %dma_start3A_143] : memref<401x96xf32, #tpu.memory_space<hbm>> -> memref<401x96xf32, #tpu.memory_space<hbm>>
    tpu.enqueue_indirect_dma source(%dma_start3A_144 : memref<401x96xf32, #tpu.memory_space<hbm>>) target(%dma_start3A_139 : memref<8x96xf32, #tpu.memory_space<vmem>>) offsets(%dma_start3A_141 : memref<8xi32, #tpu.memory_space<vmem>>) semaphore(%arg18 : memref<!tpu.dma_semaphore, #tpu.memory_space<semaphore_mem>>)
    %add3A_145 = arith.constant 24 : i32
    %add3A_146 = arith.addi %mul3A_79, %add3A_145 : i32
    %dma_start3A_147 = arith.constant 0 : i32
    %dma_start3A_148 = arith.constant 24 : i32
    %dma_start3A_149 = arith.constant 0 : i32
    %dma_start3A_150 = tpu.memref_slice %arg8[%dma_start3A_148, %dma_start3A_149] : memref<32x96xf32, #tpu.memory_space<vmem>> -> memref<8x96xf32, #tpu.memory_space<vmem>>
    %dma_start3A_151 = tpu.memref_slice %arg7[%dma_start3A_147, %add3A_146] : memref<3x256xi32, #tpu.memory_space<vmem>> -> memref<1x8xi32, #tpu.memory_space<vmem>>
    %dma_start3A_152 = tpu.memref_squeeze %dma_start3A_151 : memref<1x8xi32, #tpu.memory_space<vmem>> -> memref<8xi32, #tpu.memory_space<vmem>>
    %dma_start3A_153 = arith.constant 0 : i32
    %dma_start3A_154 = arith.constant 0 : i32
    %dma_start3A_155 = tpu.memref_slice %arg3[%dma_start3A_153, %dma_start3A_154] : memref<10000x96xf32, #tpu.memory_space<hbm>> -> memref<10000x96xf32, #tpu.memory_space<hbm>>
    tpu.enqueue_indirect_dma source(%dma_start3A_155 : memref<10000x96xf32, #tpu.memory_space<hbm>>) target(%dma_start3A_150 : memref<8x96xf32, #tpu.memory_space<vmem>>) offsets(%dma_start3A_152 : memref<8xi32, #tpu.memory_space<vmem>>) semaphore(%arg18 : memref<!tpu.dma_semaphore, #tpu.memory_space<semaphore_mem>>)
    %add3A_156 = arith.constant 24 : i32
    %add3A_157 = arith.addi %mul3A_79, %add3A_156 : i32
    %dma_start3A_158 = arith.constant 1 : i32
    %dma_start3A_159 = arith.constant 24 : i32
    %dma_start3A_160 = arith.constant 0 : i32
    %dma_start3A_161 = tpu.memref_slice %arg10[%dma_start3A_159, %dma_start3A_160] : memref<32x96xf32, #tpu.memory_space<vmem>> -> memref<8x96xf32, #tpu.memory_space<vmem>>
    %dma_start3A_162 = tpu.memref_slice %arg7[%dma_start3A_158, %add3A_157] : memref<3x256xi32, #tpu.memory_space<vmem>> -> memref<1x8xi32, #tpu.memory_space<vmem>>
    %dma_start3A_163 = tpu.memref_squeeze %dma_start3A_162 : memref<1x8xi32, #tpu.memory_space<vmem>> -> memref<8xi32, #tpu.memory_space<vmem>>
    %dma_start3A_164 = arith.constant 0 : i32
    %dma_start3A_165 = arith.constant 0 : i32
    %dma_start3A_166 = tpu.memref_slice %arg4[%dma_start3A_164, %dma_start3A_165] : memref<401x96xf32, #tpu.memory_space<hbm>> -> memref<401x96xf32, #tpu.memory_space<hbm>>
    tpu.enqueue_indirect_dma source(%dma_start3A_166 : memref<401x96xf32, #tpu.memory_space<hbm>>) target(%dma_start3A_161 : memref<8x96xf32, #tpu.memory_space<vmem>>) offsets(%dma_start3A_163 : memref<8xi32, #tpu.memory_space<vmem>>) semaphore(%arg18 : memref<!tpu.dma_semaphore, #tpu.memory_space<semaphore_mem>>)
    %jit3A_167 = arith.constant 2 : i32
    %div3A = arith.divsi %select_n3A, %jit3A_167 : i32
    %sign3A = arith.constant 0 : i32
    %sign3A_168 = arith.cmpi sgt, %select_n3A, %sign3A : i32
    %sign3A_169 = arith.extui %sign3A_168 : i1 to i32
    %sign3A_170 = arith.constant 0 : i32
    %sign3A_171 = arith.cmpi slt, %select_n3A, %sign3A_170 : i32
    %sign3A_172 = arith.extui %sign3A_171 : i1 to i32
    %sign3A_173 = arith.subi %sign3A_169, %sign3A_172 : i32
    %sign3A_174 = arith.constant 0 : i32
    %sign3A_175 = arith.cmpi sgt, %jit3A_167, %sign3A_174 : i32
    %sign3A_176 = arith.extui %sign3A_175 : i1 to i32
    %sign3A_177 = arith.constant 0 : i32
    %sign3A_178 = arith.cmpi slt, %jit3A_167, %sign3A_177 : i32
    %sign3A_179 = arith.extui %sign3A_178 : i1 to i32
    %sign3A_180 = arith.subi %sign3A_176, %sign3A_179 : i32
    %ne3A = arith.cmpi ne, %sign3A_173, %sign3A_180 : i32
    %rem3A_181 = arith.remsi %select_n3A, %jit3A_167 : i32
    %ne3A_182 = arith.constant 0 : i32
    %ne3A_183 = arith.cmpi ne, %rem3A_181, %ne3A_182 : i32
    %and3A = arith.andi %ne3A, %ne3A_183 : i1
    %sub3A = arith.constant 1 : i32
    %sub3A_184 = arith.subi %div3A, %sub3A : i32
    %select_n3A_185 = arith.select %and3A, %sub3A_184, %div3A : i32
    %while3A = arith.constant 0 : i32
    %while3A_186 = arith.constant 0 : i32
    %while3A_187 = arith.subi %select_n3A_185, %while3A_186 : i32
    %while3A_188 = arith.addi %while3A_186, %while3A_187 : i32
    %while3A_189 = arith.constant 1 : i32
    %while3A_190 = arith.divsi %while3A_187, %while3A_189 : i32
    %while3A_191 = arith.muli %while3A_190, %while3A_189 : i32
    %while3A_192 = arith.addi %while3A_186, %while3A_191 : i32
    %while3A_193 = arith.constant 1 : i32
    scf.for %while3A_205 = %while3A_186 to %while3A_192 step %while3A_193  : i32 {
      %mul3A_206 = arith.constant 2 : i32
      %mul3A_207 = arith.muli %mul3A_206, %while3A_205 : i32
      %dma_wait3A_208 = arith.constant 0 : i32
      %dma_wait3A_209 = arith.constant 0 : i32
      %dma_wait3A_210 = tpu.memref_slice %arg3[%dma_wait3A_208, %dma_wait3A_209] : memref<10000x96xf32, #tpu.memory_space<hbm>> -> memref<32x96xf32, #tpu.memory_space<hbm>>
      %dma_wait3A_211 = arith.constant 0 : i32
      %dma_wait3A_212 = arith.constant 0 : i32
      %dma_wait3A_213 = tpu.memref_slice %arg3[%dma_wait3A_211, %dma_wait3A_212] : memref<10000x96xf32, #tpu.memory_space<hbm>> -> memref<32x96xf32, #tpu.memory_space<hbm>>
      tpu.wait_dma2 semaphore(%arg18 : memref<!tpu.dma_semaphore, #tpu.memory_space<semaphore_mem>>) src(%dma_wait3A_213 : memref<32x96xf32, #tpu.memory_space<hbm>>) dst(%arg8 : memref<32x96xf32, #tpu.memory_space<vmem>>)
      %dma_wait3A_214 = arith.constant 0 : i32
      %dma_wait3A_215 = arith.constant 0 : i32
      %dma_wait3A_216 = tpu.memref_slice %arg3[%dma_wait3A_214, %dma_wait3A_215] : memref<10000x96xf32, #tpu.memory_space<hbm>> -> memref<32x96xf32, #tpu.memory_space<hbm>>
      %dma_wait3A_217 = arith.constant 0 : i32
      %dma_wait3A_218 = arith.constant 0 : i32
      %dma_wait3A_219 = tpu.memref_slice %arg3[%dma_wait3A_217, %dma_wait3A_218] : memref<10000x96xf32, #tpu.memory_space<hbm>> -> memref<32x96xf32, #tpu.memory_space<hbm>>
      tpu.wait_dma2 semaphore(%arg18 : memref<!tpu.dma_semaphore, #tpu.memory_space<semaphore_mem>>) src(%dma_wait3A_219 : memref<32x96xf32, #tpu.memory_space<hbm>>) dst(%arg10 : memref<32x96xf32, #tpu.memory_space<vmem>>)
      %ge3A = arith.constant 1 : i32
      %ge3A_220 = arith.cmpi sge, %while3A_205, %ge3A : i32
      %convert_element_type3A = arith.extui %ge3A_220 : i1 to i32
      %cond3A = arith.constant 0 : i32
      %cond3A_221 = arith.cmpi ne, %convert_element_type3A, %cond3A : i32
      scf.if %cond3A_221 {
        %dma_wait3A_330 = arith.constant 0 : i32
        %dma_wait3A_331 = arith.constant 0 : i32
        %dma_wait3A_332 = tpu.memref_slice %arg17[%dma_wait3A_330, %dma_wait3A_331] : memref<10112x144xf32, #tpu.memory_space<vmem_shared>> -> memref<10112x144xf32, #tpu.memory_space<vmem_shared>>
        tpu.wait_indirect_dma semaphore(%arg20 : memref<!tpu.dma_semaphore, #tpu.memory_space<semaphore_mem>>) src(%arg12 : memref<32x144xf32, #tpu.memory_space<vmem>>) dst(%dma_wait3A_332 : memref<10112x144xf32, #tpu.memory_space<vmem_shared>>)
      } else {
      }
      %rem3A_222 = arith.constant 8 : i32
      %rem3A_223 = arith.remsi %mul3A_207, %rem3A_222 : i32
      %mul3A_224 = arith.constant 32 : i32
      %mul3A_225 = arith.muli %rem3A_223, %mul3A_224 : i32
      %add3A_226 = arith.constant 0 : i32
      %add3A_227 = arith.addi %mul3A_225, %add3A_226 : i32
      %get3A_228 = arith.constant 2 : i32
      %get3A_229 = arith.index_cast %get3A_228 : i32 to index
      %get3A_230 = arith.index_cast %add3A_227 : i32 to index
      %get3A_231 = tpu.vector_load %arg7[%get3A_229, %get3A_230] {strides = array<i32>} : memref<3x256xi32, #tpu.memory_space<vmem>>, vector<16xi32>,
      %swap3A = arith.constant 0 : index
      %swap3A_232 = tpu.vector_load %arg14[%swap3A] {strides = array<i32>} : memref<32xi32, #tpu.memory_space<vmem>>, vector<16xi32>,
      tpu.vector_store %arg14[%swap3A], %get3A_231 {strides = array<i32>} : memref<32xi32, #tpu.memory_space<vmem>>, vector<16xi32>,
      %add3A_233 = arith.constant 16 : i32
      %add3A_234 = arith.addi %mul3A_225, %add3A_233 : i32
      %get3A_235 = arith.constant 2 : i32
      %get3A_236 = arith.index_cast %get3A_235 : i32 to index
      %get3A_237 = arith.index_cast %add3A_234 : i32 to index
      %get3A_238 = tpu.vector_load %arg7[%get3A_236, %get3A_237] {strides = array<i32>} : memref<3x256xi32, #tpu.memory_space<vmem>>, vector<16xi32>,
      %swap3A_239 = arith.constant 16 : index
      %swap3A_240 = tpu.vector_load %arg14[%swap3A_239] {strides = array<i32>} : memref<32xi32, #tpu.memory_space<vmem>>, vector<16xi32>,
      tpu.vector_store %arg14[%swap3A_239], %get3A_238 {strides = array<i32>} : memref<32xi32, #tpu.memory_space<vmem>>, vector<16xi32>,
      %add3A_241 = arith.constant 1 : i32
      %add3A_242 = arith.addi %mul3A_207, %add3A_241 : i32
      %rem3A_243 = arith.constant 8 : i32
      %rem3A_244 = arith.remsi %add3A_242, %rem3A_243 : i32
      %eq3A_245 = arith.constant 0 : i32
      %eq3A_246 = arith.cmpi eq, %rem3A_244, %eq3A_245 : i32
      %add3A_247 = arith.constant 1 : i32
      %add3A_248 = arith.addi %mul3A_207, %add3A_247 : i32
      %lt3A = arith.cmpi slt, %add3A_248, %select_n3A : i32
      %and3A_249 = arith.andi %eq3A_246, %lt3A : i1
      %convert_element_type3A_250 = arith.extui %and3A_249 : i1 to i32
      %cond3A_251 = arith.constant 0 : i32
      %cond3A_252 = arith.cmpi ne, %convert_element_type3A_250, %cond3A_251 : i32
      scf.if %cond3A_252 {
        %add3A_330 = arith.constant 1 : i32
        %add3A_331 = arith.addi %mul3A_207, %add3A_330 : i32
        %jit3A_332 = arith.constant 8 : i32
        %div3A_333 = arith.divsi %add3A_331, %jit3A_332 : i32
        %sign3A_334 = arith.constant 0 : i32
        %sign3A_335 = arith.cmpi sgt, %add3A_331, %sign3A_334 : i32
        %sign3A_336 = arith.extui %sign3A_335 : i1 to i32
        %sign3A_337 = arith.constant 0 : i32
        %sign3A_338 = arith.cmpi slt, %add3A_331, %sign3A_337 : i32
        %sign3A_339 = arith.extui %sign3A_338 : i1 to i32
        %sign3A_340 = arith.subi %sign3A_336, %sign3A_339 : i32
        %sign3A_341 = arith.constant 0 : i32
        %sign3A_342 = arith.cmpi sgt, %jit3A_332, %sign3A_341 : i32
        %sign3A_343 = arith.extui %sign3A_342 : i1 to i32
        %sign3A_344 = arith.constant 0 : i32
        %sign3A_345 = arith.cmpi slt, %jit3A_332, %sign3A_344 : i32
        %sign3A_346 = arith.extui %sign3A_345 : i1 to i32
        %sign3A_347 = arith.subi %sign3A_343, %sign3A_346 : i32
        %ne3A_348 = arith.cmpi ne, %sign3A_340, %sign3A_347 : i32
        %rem3A_349 = arith.remsi %add3A_331, %jit3A_332 : i32
        %ne3A_350 = arith.constant 0 : i32
        %ne3A_351 = arith.cmpi ne, %rem3A_349, %ne3A_350 : i32
        %and3A_352 = arith.andi %ne3A_348, %ne3A_351 : i1
        %sub3A_353 = arith.constant 1 : i32
        %sub3A_354 = arith.subi %div3A_333, %sub3A_353 : i32
        %select_n3A_355 = arith.select %and3A_352, %sub3A_354, %div3A_333 : i32
        %mul3A_356 = arith.constant 256 : i32
        %mul3A_357 = arith.muli %select_n3A_355, %mul3A_356 : i32
        %add3A_358 = arith.addi %select_n3A_73, %mul3A_357 : i32
        "tpu.region"() ({
          %run_scoped3A = tpu.sem_alloc : memref<!tpu.dma_semaphore, #tpu.memory_space<semaphore_mem>>
          %dma_start3A_359 = arith.constant 0 : i32
          %dma_start3A_360 = tpu.memref_slice %arg2[%dma_start3A_359, %add3A_358] : memref<3x327680xi32, #tpu.memory_space<hbm>> -> memref<3x256xi32, #tpu.memory_space<hbm>>
          %dma_start3A_361 = arith.constant 0 : i32
          %dma_start3A_362 = tpu.memref_slice %arg2[%dma_start3A_361, %add3A_358] : memref<3x327680xi32, #tpu.memory_space<hbm>> -> memref<3x256xi32, #tpu.memory_space<hbm>>
          tpu.enqueue_dma source(%dma_start3A_362 : memref<3x256xi32, #tpu.memory_space<hbm>>) target(%arg7 : memref<3x256xi32, #tpu.memory_space<vmem>>) target_semaphore(%run_scoped3A : memref<!tpu.dma_semaphore, #tpu.memory_space<semaphore_mem>>)
          %dma_wait3A_363 = arith.constant 0 : i32
          %dma_wait3A_364 = tpu.memref_slice %arg2[%dma_wait3A_363, %add3A_358] : memref<3x327680xi32, #tpu.memory_space<hbm>> -> memref<3x256xi32, #tpu.memory_space<hbm>>
          %dma_wait3A_365 = arith.constant 0 : i32
          %dma_wait3A_366 = tpu.memref_slice %arg2[%dma_wait3A_365, %add3A_358] : memref<3x327680xi32, #tpu.memory_space<hbm>> -> memref<3x256xi32, #tpu.memory_space<hbm>>
          tpu.wait_dma2 semaphore(%run_scoped3A : memref<!tpu.dma_semaphore, #tpu.memory_space<semaphore_mem>>) src(%dma_wait3A_366 : memref<3x256xi32, #tpu.memory_space<hbm>>) dst(%arg7 : memref<3x256xi32, #tpu.memory_space<vmem>>)
          tpu.yield
        }) : () -> ()
      } else {
      }
      %add3A_253 = arith.constant 1 : i32
      %add3A_254 = arith.addi %mul3A_207, %add3A_253 : i32
      %lt3A_255 = arith.cmpi slt, %add3A_254, %select_n3A : i32
      %convert_element_type3A_256 = arith.extui %lt3A_255 : i1 to i32
      %cond3A_257 = arith.constant 0 : i32
      %cond3A_258 = arith.cmpi ne, %convert_element_type3A_256, %cond3A_257 : i32
      scf.if %cond3A_258 {
        %add3A_330 = arith.constant 1 : i32
        %add3A_331 = arith.addi %mul3A_207, %add3A_330 : i32
        %rem3A_332 = arith.constant 8 : i32
        %rem3A_333 = arith.remsi %add3A_331, %rem3A_332 : i32
        %mul3A_334 = arith.constant 32 : i32
        %mul3A_335 = arith.muli %rem3A_333, %mul3A_334 : i32
        %add3A_336 = arith.constant 0 : i32
        %add3A_337 = arith.addi %mul3A_335, %add3A_336 : i32
        %dma_start3A_338 = arith.constant 0 : i32
        %dma_start3A_339 = arith.constant 0 : i32
        %dma_start3A_340 = arith.constant 0 : i32
        %dma_start3A_341 = tpu.memref_slice %arg9[%dma_start3A_339, %dma_start3A_340] : memref<32x96xf32, #tpu.memory_space<vmem>> -> memref<8x96xf32, #tpu.memory_space<vmem>>
        %dma_start3A_342 = tpu.memref_slice %arg7[%dma_start3A_338, %add3A_337] : memref<3x256xi32, #tpu.memory_space<vmem>> -> memref<1x8xi32, #tpu.memory_space<vmem>>
        %dma_start3A_343 = tpu.memref_squeeze %dma_start3A_342 : memref<1x8xi32, #tpu.memory_space<vmem>> -> memref<8xi32, #tpu.memory_space<vmem>>
        %dma_start3A_344 = arith.constant 0 : i32
        %dma_start3A_345 = arith.constant 0 : i32
        %dma_start3A_346 = tpu.memref_slice %arg3[%dma_start3A_344, %dma_start3A_345] : memref<10000x96xf32, #tpu.memory_space<hbm>> -> memref<10000x96xf32, #tpu.memory_space<hbm>>
        tpu.enqueue_indirect_dma source(%dma_start3A_346 : memref<10000x96xf32, #tpu.memory_space<hbm>>) target(%dma_start3A_341 : memref<8x96xf32, #tpu.memory_space<vmem>>) offsets(%dma_start3A_343 : memref<8xi32, #tpu.memory_space<vmem>>) semaphore(%arg19 : memref<!tpu.dma_semaphore, #tpu.memory_space<semaphore_mem>>)
        %add3A_347 = arith.constant 0 : i32
        %add3A_348 = arith.addi %mul3A_335, %add3A_347 : i32
        %dma_start3A_349 = arith.constant 1 : i32
        %dma_start3A_350 = arith.constant 0 : i32
        %dma_start3A_351 = arith.constant 0 : i32
        %dma_start3A_352 = tpu.memref_slice %arg11[%dma_start3A_350, %dma_start3A_351] : memref<32x96xf32, #tpu.memory_space<vmem>> -> memref<8x96xf32, #tpu.memory_space<vmem>>
        %dma_start3A_353 = tpu.memref_slice %arg7[%dma_start3A_349, %add3A_348] : memref<3x256xi32, #tpu.memory_space<vmem>> -> memref<1x8xi32, #tpu.memory_space<vmem>>
        %dma_start3A_354 = tpu.memref_squeeze %dma_start3A_353 : memref<1x8xi32, #tpu.memory_space<vmem>> -> memref<8xi32, #tpu.memory_space<vmem>>
        %dma_start3A_355 = arith.constant 0 : i32
        %dma_start3A_356 = arith.constant 0 : i32
        %dma_start3A_357 = tpu.memref_slice %arg4[%dma_start3A_355, %dma_start3A_356] : memref<401x96xf32, #tpu.memory_space<hbm>> -> memref<401x96xf32, #tpu.memory_space<hbm>>
        tpu.enqueue_indirect_dma source(%dma_start3A_357 : memref<401x96xf32, #tpu.memory_space<hbm>>) target(%dma_start3A_352 : memref<8x96xf32, #tpu.memory_space<vmem>>) offsets(%dma_start3A_354 : memref<8xi32, #tpu.memory_space<vmem>>) semaphore(%arg19 : memref<!tpu.dma_semaphore, #tpu.memory_space<semaphore_mem>>)
        %add3A_358 = arith.constant 8 : i32
        %add3A_359 = arith.addi %mul3A_335, %add3A_358 : i32
        %dma_start3A_360 = arith.constant 0 : i32
        %dma_start3A_361 = arith.constant 8 : i32
        %dma_start3A_362 = arith.constant 0 : i32
        %dma_start3A_363 = tpu.memref_slice %arg9[%dma_start3A_361, %dma_start3A_362] : memref<32x96xf32, #tpu.memory_space<vmem>> -> memref<8x96xf32, #tpu.memory_space<vmem>>
        %dma_start3A_364 = tpu.memref_slice %arg7[%dma_start3A_360, %add3A_359] : memref<3x256xi32, #tpu.memory_space<vmem>> -> memref<1x8xi32, #tpu.memory_space<vmem>>
        %dma_start3A_365 = tpu.memref_squeeze %dma_start3A_364 : memref<1x8xi32, #tpu.memory_space<vmem>> -> memref<8xi32, #tpu.memory_space<vmem>>
        %dma_start3A_366 = arith.constant 0 : i32
        %dma_start3A_367 = arith.constant 0 : i32
        %dma_start3A_368 = tpu.memref_slice %arg3[%dma_start3A_366, %dma_start3A_367] : memref<10000x96xf32, #tpu.memory_space<hbm>> -> memref<10000x96xf32, #tpu.memory_space<hbm>>
        tpu.enqueue_indirect_dma source(%dma_start3A_368 : memref<10000x96xf32, #tpu.memory_space<hbm>>) target(%dma_start3A_363 : memref<8x96xf32, #tpu.memory_space<vmem>>) offsets(%dma_start3A_365 : memref<8xi32, #tpu.memory_space<vmem>>) semaphore(%arg19 : memref<!tpu.dma_semaphore, #tpu.memory_space<semaphore_mem>>)
        %add3A_369 = arith.constant 8 : i32
        %add3A_370 = arith.addi %mul3A_335, %add3A_369 : i32
        %dma_start3A_371 = arith.constant 1 : i32
        %dma_start3A_372 = arith.constant 8 : i32
        %dma_start3A_373 = arith.constant 0 : i32
        %dma_start3A_374 = tpu.memref_slice %arg11[%dma_start3A_372, %dma_start3A_373] : memref<32x96xf32, #tpu.memory_space<vmem>> -> memref<8x96xf32, #tpu.memory_space<vmem>>
        %dma_start3A_375 = tpu.memref_slice %arg7[%dma_start3A_371, %add3A_370] : memref<3x256xi32, #tpu.memory_space<vmem>> -> memref<1x8xi32, #tpu.memory_space<vmem>>
        %dma_start3A_376 = tpu.memref_squeeze %dma_start3A_375 : memref<1x8xi32, #tpu.memory_space<vmem>> -> memref<8xi32, #tpu.memory_space<vmem>>
        %dma_start3A_377 = arith.constant 0 : i32
        %dma_start3A_378 = arith.constant 0 : i32
        %dma_start3A_379 = tpu.memref_slice %arg4[%dma_start3A_377, %dma_start3A_378] : memref<401x96xf32, #tpu.memory_space<hbm>> -> memref<401x96xf32, #tpu.memory_space<hbm>>
        tpu.enqueue_indirect_dma source(%dma_start3A_379 : memref<401x96xf32, #tpu.memory_space<hbm>>) target(%dma_start3A_374 : memref<8x96xf32, #tpu.memory_space<vmem>>) offsets(%dma_start3A_376 : memref<8xi32, #tpu.memory_space<vmem>>) semaphore(%arg19 : memref<!tpu.dma_semaphore, #tpu.memory_space<semaphore_mem>>)
        %add3A_380 = arith.constant 16 : i32
        %add3A_381 = arith.addi %mul3A_335, %add3A_380 : i32
        %dma_start3A_382 = arith.constant 0 : i32
        %dma_start3A_383 = arith.constant 16 : i32
        %dma_start3A_384 = arith.constant 0 : i32
        %dma_start3A_385 = tpu.memref_slice %arg9[%dma_start3A_383, %dma_start3A_384] : memref<32x96xf32, #tpu.memory_space<vmem>> -> memref<8x96xf32, #tpu.memory_space<vmem>>
        %dma_start3A_386 = tpu.memref_slice %arg7[%dma_start3A_382, %add3A_381] : memref<3x256xi32, #tpu.memory_space<vmem>> -> memref<1x8xi32, #tpu.memory_space<vmem>>
        %dma_start3A_387 = tpu.memref_squeeze %dma_start3A_386 : memref<1x8xi32, #tpu.memory_space<vmem>> -> memref<8xi32, #tpu.memory_space<vmem>>
        %dma_start3A_388 = arith.constant 0 : i32
        %dma_start3A_389 = arith.constant 0 : i32
        %dma_start3A_390 = tpu.memref_slice %arg3[%dma_start3A_388, %dma_start3A_389] : memref<10000x96xf32, #tpu.memory_space<hbm>> -> memref<10000x96xf32, #tpu.memory_space<hbm>>
        tpu.enqueue_indirect_dma source(%dma_start3A_390 : memref<10000x96xf32, #tpu.memory_space<hbm>>) target(%dma_start3A_385 : memref<8x96xf32, #tpu.memory_space<vmem>>) offsets(%dma_start3A_387 : memref<8xi32, #tpu.memory_space<vmem>>) semaphore(%arg19 : memref<!tpu.dma_semaphore, #tpu.memory_space<semaphore_mem>>)
        %add3A_391 = arith.constant 16 : i32
        %add3A_392 = arith.addi %mul3A_335, %add3A_391 : i32
        %dma_start3A_393 = arith.constant 1 : i32
        %dma_start3A_394 = arith.constant 16 : i32
        %dma_start3A_395 = arith.constant 0 : i32
        %dma_start3A_396 = tpu.memref_slice %arg11[%dma_start3A_394, %dma_start3A_395] : memref<32x96xf32, #tpu.memory_space<vmem>> -> memref<8x96xf32, #tpu.memory_space<vmem>>
        %dma_start3A_397 = tpu.memref_slice %arg7[%dma_start3A_393, %add3A_392] : memref<3x256xi32, #tpu.memory_space<vmem>> -> memref<1x8xi32, #tpu.memory_space<vmem>>
        %dma_start3A_398 = tpu.memref_squeeze %dma_start3A_397 : memref<1x8xi32, #tpu.memory_space<vmem>> -> memref<8xi32, #tpu.memory_space<vmem>>
        %dma_start3A_399 = arith.constant 0 : i32
        %dma_start3A_400 = arith.constant 0 : i32
        %dma_start3A_401 = tpu.memref_slice %arg4[%dma_start3A_399, %dma_start3A_400] : memref<401x96xf32, #tpu.memory_space<hbm>> -> memref<401x96xf32, #tpu.memory_space<hbm>>
        tpu.enqueue_indirect_dma source(%dma_start3A_401 : memref<401x96xf32, #tpu.memory_space<hbm>>) target(%dma_start3A_396 : memref<8x96xf32, #tpu.memory_space<vmem>>) offsets(%dma_start3A_398 : memref<8xi32, #tpu.memory_space<vmem>>) semaphore(%arg19 : memref<!tpu.dma_semaphore, #tpu.memory_space<semaphore_mem>>)
        %add3A_402 = arith.constant 24 : i32
        %add3A_403 = arith.addi %mul3A_335, %add3A_402 : i32
        %dma_start3A_404 = arith.constant 0 : i32
        %dma_start3A_405 = arith.constant 24 : i32
        %dma_start3A_406 = arith.constant 0 : i32
        %dma_start3A_407 = tpu.memref_slice %arg9[%dma_start3A_405, %dma_start3A_406] : memref<32x96xf32, #tpu.memory_space<vmem>> -> memref<8x96xf32, #tpu.memory_space<vmem>>
        %dma_start3A_408 = tpu.memref_slice %arg7[%dma_start3A_404, %add3A_403] : memref<3x256xi32, #tpu.memory_space<vmem>> -> memref<1x8xi32, #tpu.memory_space<vmem>>
        %dma_start3A_409 = tpu.memref_squeeze %dma_start3A_408 : memref<1x8xi32, #tpu.memory_space<vmem>> -> memref<8xi32, #tpu.memory_space<vmem>>
        %dma_start3A_410 = arith.constant 0 : i32
        %dma_start3A_411 = arith.constant 0 : i32
        %dma_start3A_412 = tpu.memref_slice %arg3[%dma_start3A_410, %dma_start3A_411] : memref<10000x96xf32, #tpu.memory_space<hbm>> -> memref<10000x96xf32, #tpu.memory_space<hbm>>
        tpu.enqueue_indirect_dma source(%dma_start3A_412 : memref<10000x96xf32, #tpu.memory_space<hbm>>) target(%dma_start3A_407 : memref<8x96xf32, #tpu.memory_space<vmem>>) offsets(%dma_start3A_409 : memref<8xi32, #tpu.memory_space<vmem>>) semaphore(%arg19 : memref<!tpu.dma_semaphore, #tpu.memory_space<semaphore_mem>>)
        %add3A_413 = arith.constant 24 : i32
        %add3A_414 = arith.addi %mul3A_335, %add3A_413 : i32
        %dma_start3A_415 = arith.constant 1 : i32
        %dma_start3A_416 = arith.constant 24 : i32
        %dma_start3A_417 = arith.constant 0 : i32
        %dma_start3A_418 = tpu.memref_slice %arg11[%dma_start3A_416, %dma_start3A_417] : memref<32x96xf32, #tpu.memory_space<vmem>> -> memref<8x96xf32, #tpu.memory_space<vmem>>
        %dma_start3A_419 = tpu.memref_slice %arg7[%dma_start3A_415, %add3A_414] : memref<3x256xi32, #tpu.memory_space<vmem>> -> memref<1x8xi32, #tpu.memory_space<vmem>>
        %dma_start3A_420 = tpu.memref_squeeze %dma_start3A_419 : memref<1x8xi32, #tpu.memory_space<vmem>> -> memref<8xi32, #tpu.memory_space<vmem>>
        %dma_start3A_421 = arith.constant 0 : i32
        %dma_start3A_422 = arith.constant 0 : i32
        %dma_start3A_423 = tpu.memref_slice %arg4[%dma_start3A_421, %dma_start3A_422] : memref<401x96xf32, #tpu.memory_space<hbm>> -> memref<401x96xf32, #tpu.memory_space<hbm>>
        tpu.enqueue_indirect_dma source(%dma_start3A_423 : memref<401x96xf32, #tpu.memory_space<hbm>>) target(%dma_start3A_418 : memref<8x96xf32, #tpu.memory_space<vmem>>) offsets(%dma_start3A_420 : memref<8xi32, #tpu.memory_space<vmem>>) semaphore(%arg19 : memref<!tpu.dma_semaphore, #tpu.memory_space<semaphore_mem>>)
      } else {
      }
      %parallel_loop3A = arith.constant 0 : i32
      %parallel_loop3A_259 = arith.constant 32 : i32
      %parallel_loop3A_260 = arith.constant 1 : i32
      scf.for %parallel_loop3A_330 = %parallel_loop3A to %parallel_loop3A_259 step %parallel_loop3A_260  : i32 {
        %parallel_loop3A_331 = arith.index_cast %parallel_loop3A_330 : i32 to index
        %parallel_loop3A_332 = arith.constant 64 : index
        %parallel_loop3A_333 = tpu.vector_load %arg8[%parallel_loop3A_331, %parallel_loop3A_332] {strides = array<i32>} : memref<32x96xf32, #tpu.memory_space<vmem>>, vector<16xf32>,
        %parallel_loop3A_334 = arith.index_cast %parallel_loop3A_330 : i32 to index
        %parallel_loop3A_335 = arith.constant 64 : index
        %parallel_loop3A_336 = tpu.vector_load %arg10[%parallel_loop3A_334, %parallel_loop3A_335] {strides = array<i32>} : memref<32x96xf32, #tpu.memory_space<vmem>>, vector<16xf32>,
        %parallel_loop3A_337 = vector.bitcast %parallel_loop3A_333 : vector<16xf32> to vector<32xbf16>
        %parallel_loop3A_338 = tpu.unpack_subelements %parallel_loop3A_337, 0 {pack_format = #tpu.pack_format<interleaved>} : vector<32xbf16> -> vector<16xf32>
        %parallel_loop3A_339 = tpu.unpack_subelements %parallel_loop3A_337, 1 {pack_format = #tpu.pack_format<interleaved>} : vector<32xbf16> -> vector<16xf32>
        %parallel_loop3A_340 = vector.bitcast %parallel_loop3A_336 : vector<16xf32> to vector<32xbf16>
        %parallel_loop3A_341 = tpu.unpack_subelements %parallel_loop3A_340, 0 {pack_format = #tpu.pack_format<interleaved>} : vector<32xbf16> -> vector<16xf32>
        %parallel_loop3A_342 = tpu.unpack_subelements %parallel_loop3A_340, 1 {pack_format = #tpu.pack_format<interleaved>} : vector<32xbf16> -> vector<16xf32>
        %parallel_loop3A_343 = arith.addf %parallel_loop3A_338, %parallel_loop3A_341 : vector<16xf32>
        %parallel_loop3A_344 = arith.constant 0.000000e+00 : f32
        %parallel_loop3A_345 = vector.broadcast %parallel_loop3A_344 : f32 to vector<16xf32>
        %parallel_loop3A_346 = arith.maximumf %parallel_loop3A_343, %parallel_loop3A_345 : vector<16xf32>
        %parallel_loop3A_347 = arith.mulf %parallel_loop3A_346, %get3A_54 : vector<16xf32>
        %parallel_loop3A_348 = arith.addf %parallel_loop3A_339, %parallel_loop3A_342 : vector<16xf32>
        %parallel_loop3A_349 = arith.constant 0.000000e+00 : f32
        %parallel_loop3A_350 = vector.broadcast %parallel_loop3A_349 : f32 to vector<16xf32>
        %parallel_loop3A_351 = arith.maximumf %parallel_loop3A_348, %parallel_loop3A_350 : vector<16xf32>
        %parallel_loop3A_352 = arith.mulf %parallel_loop3A_351, %get3A_56 : vector<16xf32>
        %parallel_loop3A_353 = arith.addf %parallel_loop3A_347, %parallel_loop3A_352 : vector<16xf32>
        %parallel_loop3A_354 = arith.index_cast %parallel_loop3A_330 : i32 to index
        %parallel_loop3A_355 = arith.constant 80 : index
        %parallel_loop3A_356 = tpu.vector_load %arg8[%parallel_loop3A_354, %parallel_loop3A_355] {strides = array<i32>} : memref<32x96xf32, #tpu.memory_space<vmem>>, vector<16xf32>,
        %parallel_loop3A_357 = arith.index_cast %parallel_loop3A_330 : i32 to index
        %parallel_loop3A_358 = arith.constant 80 : index
        %parallel_loop3A_359 = tpu.vector_load %arg10[%parallel_loop3A_357, %parallel_loop3A_358] {strides = array<i32>} : memref<32x96xf32, #tpu.memory_space<vmem>>, vector<16xf32>,
        %parallel_loop3A_360 = vector.bitcast %parallel_loop3A_356 : vector<16xf32> to vector<32xbf16>
        %parallel_loop3A_361 = tpu.unpack_subelements %parallel_loop3A_360, 0 {pack_format = #tpu.pack_format<interleaved>} : vector<32xbf16> -> vector<16xf32>
        %parallel_loop3A_362 = tpu.unpack_subelements %parallel_loop3A_360, 1 {pack_format = #tpu.pack_format<interleaved>} : vector<32xbf16> -> vector<16xf32>
        %parallel_loop3A_363 = vector.bitcast %parallel_loop3A_359 : vector<16xf32> to vector<32xbf16>
        %parallel_loop3A_364 = tpu.unpack_subelements %parallel_loop3A_363, 0 {pack_format = #tpu.pack_format<interleaved>} : vector<32xbf16> -> vector<16xf32>
        %parallel_loop3A_365 = tpu.unpack_subelements %parallel_loop3A_363, 1 {pack_format = #tpu.pack_format<interleaved>} : vector<32xbf16> -> vector<16xf32>
        %parallel_loop3A_366 = arith.addf %parallel_loop3A_361, %parallel_loop3A_364 : vector<16xf32>
        %parallel_loop3A_367 = arith.constant 0.000000e+00 : f32
        %parallel_loop3A_368 = vector.broadcast %parallel_loop3A_367 : f32 to vector<16xf32>
        %parallel_loop3A_369 = arith.maximumf %parallel_loop3A_366, %parallel_loop3A_368 : vector<16xf32>
        %parallel_loop3A_370 = arith.mulf %parallel_loop3A_369, %get3A_58 : vector<16xf32>
        %parallel_loop3A_371 = arith.addf %parallel_loop3A_353, %parallel_loop3A_370 : vector<16xf32>
        %parallel_loop3A_372 = arith.addf %parallel_loop3A_362, %parallel_loop3A_365 : vector<16xf32>
        %parallel_loop3A_373 = arith.constant 0.000000e+00 : f32
        %parallel_loop3A_374 = vector.broadcast %parallel_loop3A_373 : f32 to vector<16xf32>
        %parallel_loop3A_375 = arith.maximumf %parallel_loop3A_372, %parallel_loop3A_374 : vector<16xf32>
        %parallel_loop3A_376 = arith.mulf %parallel_loop3A_375, %get3A_60 : vector<16xf32>
        %parallel_loop3A_377 = arith.addf %parallel_loop3A_371, %parallel_loop3A_376 : vector<16xf32>
        %parallel_loop3A_378 = arith.constant true
        %parallel_loop3A_379 = vector.broadcast %parallel_loop3A_378 : i1 to vector<16xi1>
        %parallel_loop3A_380 = tpu.scan <sum>, %parallel_loop3A_377 masked %parallel_loop3A_379 : vector<16xf32>, vector<16xi1> -> vector<16xf32>
        %parallel_loop3A_381 = vector.shape_cast %broadcast_in_dim3A_62 : vector<16xi32> to vector<16x1xi32>
        %parallel_loop3A_382 = vector.shape_cast %parallel_loop3A_381 : vector<16x1xi32> to vector<16xi32>
        %parallel_loop3A_383 = tpu.dynamic_gather %parallel_loop3A_380[%parallel_loop3A_382] in [0] : vector<16xf32>, vector<16xi32> -> vector<16xf32>
        %parallel_loop3A_384 = arith.constant 0.000000e+00 : f32
        %parallel_loop3A_385 = vector.broadcast %parallel_loop3A_384 : f32 to vector<16xf32>
        %parallel_loop3A_386 = arith.subf %parallel_loop3A_385, %parallel_loop3A_383 : vector<16xf32>
        %parallel_loop3A_387 = math.exp %parallel_loop3A_386 : vector<16xf32>
        %parallel_loop3A_388 = arith.constant 1.000000e+00 : f32
        %parallel_loop3A_389 = vector.broadcast %parallel_loop3A_388 : f32 to vector<16xf32>
        %parallel_loop3A_390 = arith.addf %parallel_loop3A_389, %parallel_loop3A_387 : vector<16xf32>
        %parallel_loop3A_391 = arith.constant 1.000000e+00 : f32
        %parallel_loop3A_392 = vector.broadcast %parallel_loop3A_391 : f32 to vector<16xf32>
        %parallel_loop3A_393 = arith.divf %parallel_loop3A_392, %parallel_loop3A_390 : vector<16xf32>
        %parallel_loop3A_394 = arith.index_cast %parallel_loop3A_330 : i32 to index
        %parallel_loop3A_395 = arith.constant 0 : index
        %parallel_loop3A_396 = tpu.vector_load %arg8[%parallel_loop3A_394, %parallel_loop3A_395] {strides = array<i32>} : memref<32x96xf32, #tpu.memory_space<vmem>>, vector<16xf32>,
        %parallel_loop3A_397 = arith.index_cast %parallel_loop3A_330 : i32 to index
        %parallel_loop3A_398 = arith.constant 0 : index
        %parallel_loop3A_399 = tpu.vector_load %arg10[%parallel_loop3A_397, %parallel_loop3A_398] {strides = array<i32>} : memref<32x96xf32, #tpu.memory_space<vmem>>, vector<16xf32>,
        %parallel_loop3A_400 = vector.bitcast %parallel_loop3A_396 : vector<16xf32> to vector<32xbf16>
        %parallel_loop3A_401 = tpu.unpack_subelements %parallel_loop3A_400, 0 {pack_format = #tpu.pack_format<interleaved>} : vector<32xbf16> -> vector<16xf32>
        %parallel_loop3A_402 = tpu.unpack_subelements %parallel_loop3A_400, 1 {pack_format = #tpu.pack_format<interleaved>} : vector<32xbf16> -> vector<16xf32>
        %parallel_loop3A_403 = vector.bitcast %parallel_loop3A_399 : vector<16xf32> to vector<32xbf16>
        %parallel_loop3A_404 = tpu.unpack_subelements %parallel_loop3A_403, 0 {pack_format = #tpu.pack_format<interleaved>} : vector<32xbf16> -> vector<16xf32>
        %parallel_loop3A_405 = tpu.unpack_subelements %parallel_loop3A_403, 1 {pack_format = #tpu.pack_format<interleaved>} : vector<32xbf16> -> vector<16xf32>
        %parallel_loop3A_406 = arith.mulf %parallel_loop3A_401, %parallel_loop3A_404 : vector<16xf32>
        %parallel_loop3A_407 = arith.mulf %parallel_loop3A_406, %parallel_loop3A_393 : vector<16xf32>
        %parallel_loop3A_408 = arith.index_cast %parallel_loop3A_330 : i32 to index
        %parallel_loop3A_409 = arith.constant 0 : index
        %parallel_loop3A_410 = tpu.vector_load %arg12[%parallel_loop3A_408, %parallel_loop3A_409] {strides = array<i32>} : memref<32x144xf32, #tpu.memory_space<vmem>>, vector<16xf32>,
        tpu.vector_store %arg12[%parallel_loop3A_408, %parallel_loop3A_409], %parallel_loop3A_407 {strides = array<i32>} : memref<32x144xf32, #tpu.memory_space<vmem>>, vector<16xf32>,
        %parallel_loop3A_411 = arith.mulf %parallel_loop3A_402, %parallel_loop3A_405 : vector<16xf32>
        %parallel_loop3A_412 = arith.mulf %parallel_loop3A_411, %parallel_loop3A_393 : vector<16xf32>
        %parallel_loop3A_413 = arith.index_cast %parallel_loop3A_330 : i32 to index
        %parallel_loop3A_414 = arith.constant 16 : index
        %parallel_loop3A_415 = tpu.vector_load %arg12[%parallel_loop3A_413, %parallel_loop3A_414] {strides = array<i32>} : memref<32x144xf32, #tpu.memory_space<vmem>>, vector<16xf32>,
        tpu.vector_store %arg12[%parallel_loop3A_413, %parallel_loop3A_414], %parallel_loop3A_412 {strides = array<i32>} : memref<32x144xf32, #tpu.memory_space<vmem>>, vector<16xf32>,
        %parallel_loop3A_416 = arith.index_cast %parallel_loop3A_330 : i32 to index
        %parallel_loop3A_417 = arith.constant 16 : index
        %parallel_loop3A_418 = tpu.vector_load %arg8[%parallel_loop3A_416, %parallel_loop3A_417] {strides = array<i32>} : memref<32x96xf32, #tpu.memory_space<vmem>>, vector<16xf32>,
        %parallel_loop3A_419 = arith.index_cast %parallel_loop3A_330 : i32 to index
        %parallel_loop3A_420 = arith.constant 16 : index
        %parallel_loop3A_421 = tpu.vector_load %arg10[%parallel_loop3A_419, %parallel_loop3A_420] {strides = array<i32>} : memref<32x96xf32, #tpu.memory_space<vmem>>, vector<16xf32>,
        %parallel_loop3A_422 = vector.bitcast %parallel_loop3A_418 : vector<16xf32> to vector<32xbf16>
        %parallel_loop3A_423 = tpu.unpack_subelements %parallel_loop3A_422, 0 {pack_format = #tpu.pack_format<interleaved>} : vector<32xbf16> -> vector<16xf32>
        %parallel_loop3A_424 = tpu.unpack_subelements %parallel_loop3A_422, 1 {pack_format = #tpu.pack_format<interleaved>} : vector<32xbf16> -> vector<16xf32>
        %parallel_loop3A_425 = vector.bitcast %parallel_loop3A_421 : vector<16xf32> to vector<32xbf16>
        %parallel_loop3A_426 = tpu.unpack_subelements %parallel_loop3A_425, 0 {pack_format = #tpu.pack_format<interleaved>} : vector<32xbf16> -> vector<16xf32>
        %parallel_loop3A_427 = tpu.unpack_subelements %parallel_loop3A_425, 1 {pack_format = #tpu.pack_format<interleaved>} : vector<32xbf16> -> vector<16xf32>
        %parallel_loop3A_428 = arith.mulf %parallel_loop3A_423, %parallel_loop3A_426 : vector<16xf32>
        %parallel_loop3A_429 = arith.mulf %parallel_loop3A_428, %parallel_loop3A_393 : vector<16xf32>
        %parallel_loop3A_430 = arith.index_cast %parallel_loop3A_330 : i32 to index
        %parallel_loop3A_431 = arith.constant 32 : index
        %parallel_loop3A_432 = tpu.vector_load %arg12[%parallel_loop3A_430, %parallel_loop3A_431] {strides = array<i32>} : memref<32x144xf32, #tpu.memory_space<vmem>>, vector<16xf32>,
        tpu.vector_store %arg12[%parallel_loop3A_430, %parallel_loop3A_431], %parallel_loop3A_429 {strides = array<i32>} : memref<32x144xf32, #tpu.memory_space<vmem>>, vector<16xf32>,
        %parallel_loop3A_433 = arith.mulf %parallel_loop3A_424, %parallel_loop3A_427 : vector<16xf32>
        %parallel_loop3A_434 = arith.mulf %parallel_loop3A_433, %parallel_loop3A_393 : vector<16xf32>
        %parallel_loop3A_435 = arith.index_cast %parallel_loop3A_330 : i32 to index
        %parallel_loop3A_436 = arith.constant 48 : index
        %parallel_loop3A_437 = tpu.vector_load %arg12[%parallel_loop3A_435, %parallel_loop3A_436] {strides = array<i32>} : memref<32x144xf32, #tpu.memory_space<vmem>>, vector<16xf32>,
        tpu.vector_store %arg12[%parallel_loop3A_435, %parallel_loop3A_436], %parallel_loop3A_434 {strides = array<i32>} : memref<32x144xf32, #tpu.memory_space<vmem>>, vector<16xf32>,
        %parallel_loop3A_438 = arith.index_cast %parallel_loop3A_330 : i32 to index
        %parallel_loop3A_439 = arith.constant 32 : index
        %parallel_loop3A_440 = tpu.vector_load %arg8[%parallel_loop3A_438, %parallel_loop3A_439] {strides = array<i32>} : memref<32x96xf32, #tpu.memory_space<vmem>>, vector<16xf32>,
        %parallel_loop3A_441 = arith.index_cast %parallel_loop3A_330 : i32 to index
        %parallel_loop3A_442 = arith.constant 32 : index
        %parallel_loop3A_443 = tpu.vector_load %arg10[%parallel_loop3A_441, %parallel_loop3A_442] {strides = array<i32>} : memref<32x96xf32, #tpu.memory_space<vmem>>, vector<16xf32>,
        %parallel_loop3A_444 = vector.bitcast %parallel_loop3A_440 : vector<16xf32> to vector<32xbf16>
        %parallel_loop3A_445 = tpu.unpack_subelements %parallel_loop3A_444, 0 {pack_format = #tpu.pack_format<interleaved>} : vector<32xbf16> -> vector<16xf32>
        %parallel_loop3A_446 = tpu.unpack_subelements %parallel_loop3A_444, 1 {pack_format = #tpu.pack_format<interleaved>} : vector<32xbf16> -> vector<16xf32>
        %parallel_loop3A_447 = vector.bitcast %parallel_loop3A_443 : vector<16xf32> to vector<32xbf16>
        %parallel_loop3A_448 = tpu.unpack_subelements %parallel_loop3A_447, 0 {pack_format = #tpu.pack_format<interleaved>} : vector<32xbf16> -> vector<16xf32>
        %parallel_loop3A_449 = tpu.unpack_subelements %parallel_loop3A_447, 1 {pack_format = #tpu.pack_format<interleaved>} : vector<32xbf16> -> vector<16xf32>
        %parallel_loop3A_450 = arith.mulf %parallel_loop3A_445, %parallel_loop3A_448 : vector<16xf32>
        %parallel_loop3A_451 = arith.mulf %parallel_loop3A_450, %parallel_loop3A_393 : vector<16xf32>
        %parallel_loop3A_452 = arith.index_cast %parallel_loop3A_330 : i32 to index
        %parallel_loop3A_453 = arith.constant 64 : index
        %parallel_loop3A_454 = tpu.vector_load %arg12[%parallel_loop3A_452, %parallel_loop3A_453] {strides = array<i32>} : memref<32x144xf32, #tpu.memory_space<vmem>>, vector<16xf32>,
        tpu.vector_store %arg12[%parallel_loop3A_452, %parallel_loop3A_453], %parallel_loop3A_451 {strides = array<i32>} : memref<32x144xf32, #tpu.memory_space<vmem>>, vector<16xf32>,
        %parallel_loop3A_455 = arith.mulf %parallel_loop3A_446, %parallel_loop3A_449 : vector<16xf32>
        %parallel_loop3A_456 = arith.mulf %parallel_loop3A_455, %parallel_loop3A_393 : vector<16xf32>
        %parallel_loop3A_457 = arith.index_cast %parallel_loop3A_330 : i32 to index
        %parallel_loop3A_458 = arith.constant 80 : index
        %parallel_loop3A_459 = tpu.vector_load %arg12[%parallel_loop3A_457, %parallel_loop3A_458] {strides = array<i32>} : memref<32x144xf32, #tpu.memory_space<vmem>>, vector<16xf32>,
        tpu.vector_store %arg12[%parallel_loop3A_457, %parallel_loop3A_458], %parallel_loop3A_456 {strides = array<i32>} : memref<32x144xf32, #tpu.memory_space<vmem>>, vector<16xf32>,
        %parallel_loop3A_460 = arith.index_cast %parallel_loop3A_330 : i32 to index
        %parallel_loop3A_461 = arith.constant 48 : index
        %parallel_loop3A_462 = tpu.vector_load %arg8[%parallel_loop3A_460, %parallel_loop3A_461] {strides = array<i32>} : memref<32x96xf32, #tpu.memory_space<vmem>>, vector<16xf32>,
        %parallel_loop3A_463 = arith.index_cast %parallel_loop3A_330 : i32 to index
        %parallel_loop3A_464 = arith.constant 48 : index
        %parallel_loop3A_465 = tpu.vector_load %arg10[%parallel_loop3A_463, %parallel_loop3A_464] {strides = array<i32>} : memref<32x96xf32, #tpu.memory_space<vmem>>, vector<16xf32>,
        %parallel_loop3A_466 = vector.bitcast %parallel_loop3A_462 : vector<16xf32> to vector<32xbf16>
        %parallel_loop3A_467 = tpu.unpack_subelements %parallel_loop3A_466, 0 {pack_format = #tpu.pack_format<interleaved>} : vector<32xbf16> -> vector<16xf32>
        %parallel_loop3A_468 = tpu.unpack_subelements %parallel_loop3A_466, 1 {pack_format = #tpu.pack_format<interleaved>} : vector<32xbf16> -> vector<16xf32>
        %parallel_loop3A_469 = vector.bitcast %parallel_loop3A_465 : vector<16xf32> to vector<32xbf16>
        %parallel_loop3A_470 = tpu.unpack_subelements %parallel_loop3A_469, 0 {pack_format = #tpu.pack_format<interleaved>} : vector<32xbf16> -> vector<16xf32>
        %parallel_loop3A_471 = tpu.unpack_subelements %parallel_loop3A_469, 1 {pack_format = #tpu.pack_format<interleaved>} : vector<32xbf16> -> vector<16xf32>
        %parallel_loop3A_472 = arith.mulf %parallel_loop3A_467, %parallel_loop3A_470 : vector<16xf32>
        %parallel_loop3A_473 = arith.mulf %parallel_loop3A_472, %parallel_loop3A_393 : vector<16xf32>
        %parallel_loop3A_474 = arith.index_cast %parallel_loop3A_330 : i32 to index
        %parallel_loop3A_475 = arith.constant 96 : index
        %parallel_loop3A_476 = tpu.vector_load %arg12[%parallel_loop3A_474, %parallel_loop3A_475] {strides = array<i32>} : memref<32x144xf32, #tpu.memory_space<vmem>>, vector<16xf32>,
        tpu.vector_store %arg12[%parallel_loop3A_474, %parallel_loop3A_475], %parallel_loop3A_473 {strides = array<i32>} : memref<32x144xf32, #tpu.memory_space<vmem>>, vector<16xf32>,
        %parallel_loop3A_477 = arith.mulf %parallel_loop3A_468, %parallel_loop3A_471 : vector<16xf32>
        %parallel_loop3A_478 = arith.mulf %parallel_loop3A_477, %parallel_loop3A_393 : vector<16xf32>
        %parallel_loop3A_479 = arith.index_cast %parallel_loop3A_330 : i32 to index
        %parallel_loop3A_480 = arith.constant 112 : index
        %parallel_loop3A_481 = tpu.vector_load %arg12[%parallel_loop3A_479, %parallel_loop3A_480] {strides = array<i32>} : memref<32x144xf32, #tpu.memory_space<vmem>>, vector<16xf32>,
        tpu.vector_store %arg12[%parallel_loop3A_479, %parallel_loop3A_480], %parallel_loop3A_478 {strides = array<i32>} : memref<32x144xf32, #tpu.memory_space<vmem>>, vector<16xf32>,
      } {sc.loop_unroll_factor = 4 : i64, sc.parallel_access}
      %dma_start3A_261 = arith.constant 0 : i32
      %dma_start3A_262 = arith.constant 0 : i32
      %dma_start3A_263 = tpu.memref_slice %arg17[%dma_start3A_261, %dma_start3A_262] : memref<10112x144xf32, #tpu.memory_space<vmem_shared>> -> memref<10112x144xf32, #tpu.memory_space<vmem_shared>>
      tpu.enqueue_indirect_dma source(%arg12 : memref<32x144xf32, #tpu.memory_space<vmem>>) target(%dma_start3A_263 : memref<10112x144xf32, #tpu.memory_space<vmem_shared>>) offsets(%arg14 : memref<32xi32, #tpu.memory_space<vmem>>) semaphore(%arg20 : memref<!tpu.dma_semaphore, #tpu.memory_space<semaphore_mem>>) {add = true}
      %mul3A_264 = arith.constant 2 : i32
      %mul3A_265 = arith.muli %mul3A_264, %while3A_205 : i32
      %add3A_266 = arith.constant 1 : i32
      %add3A_267 = arith.addi %mul3A_265, %add3A_266 : i32
      %dma_wait3A_268 = arith.constant 0 : i32
      %dma_wait3A_269 = arith.constant 0 : i32
      %dma_wait3A_270 = tpu.memref_slice %arg3[%dma_wait3A_268, %dma_wait3A_269] : memref<10000x96xf32, #tpu.memory_space<hbm>> -> memref<32x96xf32, #tpu.memory_space<hbm>>
      %dma_wait3A_271 = arith.constant 0 : i32
      %dma_wait3A_272 = arith.constant 0 : i32
      %dma_wait3A_273 = tpu.memref_slice %arg3[%dma_wait3A_271, %dma_wait3A_272] : memref<10000x96xf32, #tpu.memory_space<hbm>> -> memref<32x96xf32, #tpu.memory_space<hbm>>
      tpu.wait_dma2 semaphore(%arg19 : memref<!tpu.dma_semaphore, #tpu.memory_space<semaphore_mem>>) src(%dma_wait3A_273 : memref<32x96xf32, #tpu.memory_space<hbm>>) dst(%arg9 : memref<32x96xf32, #tpu.memory_space<vmem>>)
      %dma_wait3A_274 = arith.constant 0 : i32
      %dma_wait3A_275 = arith.constant 0 : i32
      %dma_wait3A_276 = tpu.memref_slice %arg3[%dma_wait3A_274, %dma_wait3A_275] : memref<10000x96xf32, #tpu.memory_space<hbm>> -> memref<32x96xf32, #tpu.memory_space<hbm>>
      %dma_wait3A_277 = arith.constant 0 : i32
      %dma_wait3A_278 = arith.constant 0 : i32
      %dma_wait3A_279 = tpu.memref_slice %arg3[%dma_wait3A_277, %dma_wait3A_278] : memref<10000x96xf32, #tpu.memory_space<hbm>> -> memref<32x96xf32, #tpu.memory_space<hbm>>
      tpu.wait_dma2 semaphore(%arg19 : memref<!tpu.dma_semaphore, #tpu.memory_space<semaphore_mem>>) src(%dma_wait3A_279 : memref<32x96xf32, #tpu.memory_space<hbm>>) dst(%arg11 : memref<32x96xf32, #tpu.memory_space<vmem>>)
      %ge3A_280 = arith.constant 1 : i32
      %ge3A_281 = arith.cmpi sge, %while3A_205, %ge3A_280 : i32
      %convert_element_type3A_282 = arith.extui %ge3A_281 : i1 to i32
      %cond3A_283 = arith.constant 0 : i32
      %cond3A_284 = arith.cmpi ne, %convert_element_type3A_282, %cond3A_283 : i32
      scf.if %cond3A_284 {
        %dma_wait3A_330 = arith.constant 0 : i32
        %dma_wait3A_331 = arith.constant 0 : i32
        %dma_wait3A_332 = tpu.memref_slice %arg17[%dma_wait3A_330, %dma_wait3A_331] : memref<10112x144xf32, #tpu.memory_space<vmem_shared>> -> memref<10112x144xf32, #tpu.memory_space<vmem_shared>>
        tpu.wait_indirect_dma semaphore(%arg21 : memref<!tpu.dma_semaphore, #tpu.memory_space<semaphore_mem>>) src(%arg13 : memref<32x144xf32, #tpu.memory_space<vmem>>) dst(%dma_wait3A_332 : memref<10112x144xf32, #tpu.memory_space<vmem_shared>>)
      } else {
      }
      %rem3A_285 = arith.constant 8 : i32
      %rem3A_286 = arith.remsi %add3A_267, %rem3A_285 : i32
      %mul3A_287 = arith.constant 32 : i32
      %mul3A_288 = arith.muli %rem3A_286, %mul3A_287 : i32
      %add3A_289 = arith.constant 0 : i32
      %add3A_290 = arith.addi %mul3A_288, %add3A_289 : i32
      %get3A_291 = arith.constant 2 : i32
      %get3A_292 = arith.index_cast %get3A_291 : i32 to index
      %get3A_293 = arith.index_cast %add3A_290 : i32 to index
      %get3A_294 = tpu.vector_load %arg7[%get3A_292, %get3A_293] {strides = array<i32>} : memref<3x256xi32, #tpu.memory_space<vmem>>, vector<16xi32>,
      %swap3A_295 = arith.constant 0 : index
      %swap3A_296 = tpu.vector_load %arg15[%swap3A_295] {strides = array<i32>} : memref<32xi32, #tpu.memory_space<vmem>>, vector<16xi32>,
      tpu.vector_store %arg15[%swap3A_295], %get3A_294 {strides = array<i32>} : memref<32xi32, #tpu.memory_space<vmem>>, vector<16xi32>,
      %add3A_297 = arith.constant 16 : i32
      %add3A_298 = arith.addi %mul3A_288, %add3A_297 : i32
      %get3A_299 = arith.constant 2 : i32
      %get3A_300 = arith.index_cast %get3A_299 : i32 to index
      %get3A_301 = arith.index_cast %add3A_298 : i32 to index
      %get3A_302 = tpu.vector_load %arg7[%get3A_300, %get3A_301] {strides = array<i32>} : memref<3x256xi32, #tpu.memory_space<vmem>>, vector<16xi32>,
      %swap3A_303 = arith.constant 16 : index
      %swap3A_304 = tpu.vector_load %arg15[%swap3A_303] {strides = array<i32>} : memref<32xi32, #tpu.memory_space<vmem>>, vector<16xi32>,
      tpu.vector_store %arg15[%swap3A_303], %get3A_302 {strides = array<i32>} : memref<32xi32, #tpu.memory_space<vmem>>, vector<16xi32>,
      %add3A_305 = arith.constant 1 : i32
      %add3A_306 = arith.addi %add3A_267, %add3A_305 : i32
      %rem3A_307 = arith.constant 8 : i32
      %rem3A_308 = arith.remsi %add3A_306, %rem3A_307 : i32
      %eq3A_309 = arith.constant 0 : i32
      %eq3A_310 = arith.cmpi eq, %rem3A_308, %eq3A_309 : i32
      %add3A_311 = arith.constant 1 : i32
      %add3A_312 = arith.addi %add3A_267, %add3A_311 : i32
      %lt3A_313 = arith.cmpi slt, %add3A_312, %select_n3A : i32
      %and3A_314 = arith.andi %eq3A_310, %lt3A_313 : i1
      %convert_element_type3A_315 = arith.extui %and3A_314 : i1 to i32
      %cond3A_316 = arith.constant 0 : i32
      %cond3A_317 = arith.cmpi ne, %convert_element_type3A_315, %cond3A_316 : i32
      scf.if %cond3A_317 {
        %add3A_330 = arith.constant 1 : i32
        %add3A_331 = arith.addi %add3A_267, %add3A_330 : i32
        %jit3A_332 = arith.constant 8 : i32
        %div3A_333 = arith.divsi %add3A_331, %jit3A_332 : i32
        %sign3A_334 = arith.constant 0 : i32
        %sign3A_335 = arith.cmpi sgt, %add3A_331, %sign3A_334 : i32
        %sign3A_336 = arith.extui %sign3A_335 : i1 to i32
        %sign3A_337 = arith.constant 0 : i32
        %sign3A_338 = arith.cmpi slt, %add3A_331, %sign3A_337 : i32
        %sign3A_339 = arith.extui %sign3A_338 : i1 to i32
        %sign3A_340 = arith.subi %sign3A_336, %sign3A_339 : i32
        %sign3A_341 = arith.constant 0 : i32
        %sign3A_342 = arith.cmpi sgt, %jit3A_332, %sign3A_341 : i32
        %sign3A_343 = arith.extui %sign3A_342 : i1 to i32
        %sign3A_344 = arith.constant 0 : i32
        %sign3A_345 = arith.cmpi slt, %jit3A_332, %sign3A_344 : i32
        %sign3A_346 = arith.extui %sign3A_345 : i1 to i32
        %sign3A_347 = arith.subi %sign3A_343, %sign3A_346 : i32
        %ne3A_348 = arith.cmpi ne, %sign3A_340, %sign3A_347 : i32
        %rem3A_349 = arith.remsi %add3A_331, %jit3A_332 : i32
        %ne3A_350 = arith.constant 0 : i32
        %ne3A_351 = arith.cmpi ne, %rem3A_349, %ne3A_350 : i32
        %and3A_352 = arith.andi %ne3A_348, %ne3A_351 : i1
        %sub3A_353 = arith.constant 1 : i32
        %sub3A_354 = arith.subi %div3A_333, %sub3A_353 : i32
        %select_n3A_355 = arith.select %and3A_352, %sub3A_354, %div3A_333 : i32
        %mul3A_356 = arith.constant 256 : i32
        %mul3A_357 = arith.muli %select_n3A_355, %mul3A_356 : i32
        %add3A_358 = arith.addi %select_n3A_73, %mul3A_357 : i32
        "tpu.region"() ({
          %run_scoped3A = tpu.sem_alloc : memref<!tpu.dma_semaphore, #tpu.memory_space<semaphore_mem>>
          %dma_start3A_359 = arith.constant 0 : i32
          %dma_start3A_360 = tpu.memref_slice %arg2[%dma_start3A_359, %add3A_358] : memref<3x327680xi32, #tpu.memory_space<hbm>> -> memref<3x256xi32, #tpu.memory_space<hbm>>
          %dma_start3A_361 = arith.constant 0 : i32
          %dma_start3A_362 = tpu.memref_slice %arg2[%dma_start3A_361, %add3A_358] : memref<3x327680xi32, #tpu.memory_space<hbm>> -> memref<3x256xi32, #tpu.memory_space<hbm>>
          tpu.enqueue_dma source(%dma_start3A_362 : memref<3x256xi32, #tpu.memory_space<hbm>>) target(%arg7 : memref<3x256xi32, #tpu.memory_space<vmem>>) target_semaphore(%run_scoped3A : memref<!tpu.dma_semaphore, #tpu.memory_space<semaphore_mem>>)
          %dma_wait3A_363 = arith.constant 0 : i32
          %dma_wait3A_364 = tpu.memref_slice %arg2[%dma_wait3A_363, %add3A_358] : memref<3x327680xi32, #tpu.memory_space<hbm>> -> memref<3x256xi32, #tpu.memory_space<hbm>>
          %dma_wait3A_365 = arith.constant 0 : i32
          %dma_wait3A_366 = tpu.memref_slice %arg2[%dma_wait3A_365, %add3A_358] : memref<3x327680xi32, #tpu.memory_space<hbm>> -> memref<3x256xi32, #tpu.memory_space<hbm>>
          tpu.wait_dma2 semaphore(%run_scoped3A : memref<!tpu.dma_semaphore, #tpu.memory_space<semaphore_mem>>) src(%dma_wait3A_366 : memref<3x256xi32, #tpu.memory_space<hbm>>) dst(%arg7 : memref<3x256xi32, #tpu.memory_space<vmem>>)
          tpu.yield
        }) : () -> ()
      } else {
      }
      %add3A_318 = arith.constant 1 : i32
      %add3A_319 = arith.addi %add3A_267, %add3A_318 : i32
      %lt3A_320 = arith.cmpi slt, %add3A_319, %select_n3A : i32
      %convert_element_type3A_321 = arith.extui %lt3A_320 : i1 to i32
      %cond3A_322 = arith.constant 0 : i32
      %cond3A_323 = arith.cmpi ne, %convert_element_type3A_321, %cond3A_322 : i32
      scf.if %cond3A_323 {
        %add3A_330 = arith.constant 1 : i32
        %add3A_331 = arith.addi %add3A_267, %add3A_330 : i32
        %rem3A_332 = arith.constant 8 : i32
        %rem3A_333 = arith.remsi %add3A_331, %rem3A_332 : i32
        %mul3A_334 = arith.constant 32 : i32
        %mul3A_335 = arith.muli %rem3A_333, %mul3A_334 : i32
        %add3A_336 = arith.constant 0 : i32
        %add3A_337 = arith.addi %mul3A_335, %add3A_336 : i32
        %dma_start3A_338 = arith.constant 0 : i32
        %dma_start3A_339 = arith.constant 0 : i32
        %dma_start3A_340 = arith.constant 0 : i32
        %dma_start3A_341 = tpu.memref_slice %arg8[%dma_start3A_339, %dma_start3A_340] : memref<32x96xf32, #tpu.memory_space<vmem>> -> memref<8x96xf32, #tpu.memory_space<vmem>>
        %dma_start3A_342 = tpu.memref_slice %arg7[%dma_start3A_338, %add3A_337] : memref<3x256xi32, #tpu.memory_space<vmem>> -> memref<1x8xi32, #tpu.memory_space<vmem>>
        %dma_start3A_343 = tpu.memref_squeeze %dma_start3A_342 : memref<1x8xi32, #tpu.memory_space<vmem>> -> memref<8xi32, #tpu.memory_space<vmem>>
        %dma_start3A_344 = arith.constant 0 : i32
        %dma_start3A_345 = arith.constant 0 : i32
        %dma_start3A_346 = tpu.memref_slice %arg3[%dma_start3A_344, %dma_start3A_345] : memref<10000x96xf32, #tpu.memory_space<hbm>> -> memref<10000x96xf32, #tpu.memory_space<hbm>>
        tpu.enqueue_indirect_dma source(%dma_start3A_346 : memref<10000x96xf32, #tpu.memory_space<hbm>>) target(%dma_start3A_341 : memref<8x96xf32, #tpu.memory_space<vmem>>) offsets(%dma_start3A_343 : memref<8xi32, #tpu.memory_space<vmem>>) semaphore(%arg18 : memref<!tpu.dma_semaphore, #tpu.memory_space<semaphore_mem>>)
        %add3A_347 = arith.constant 0 : i32
        %add3A_348 = arith.addi %mul3A_335, %add3A_347 : i32
        %dma_start3A_349 = arith.constant 1 : i32
        %dma_start3A_350 = arith.constant 0 : i32
        %dma_start3A_351 = arith.constant 0 : i32
        %dma_start3A_352 = tpu.memref_slice %arg10[%dma_start3A_350, %dma_start3A_351] : memref<32x96xf32, #tpu.memory_space<vmem>> -> memref<8x96xf32, #tpu.memory_space<vmem>>
        %dma_start3A_353 = tpu.memref_slice %arg7[%dma_start3A_349, %add3A_348] : memref<3x256xi32, #tpu.memory_space<vmem>> -> memref<1x8xi32, #tpu.memory_space<vmem>>
        %dma_start3A_354 = tpu.memref_squeeze %dma_start3A_353 : memref<1x8xi32, #tpu.memory_space<vmem>> -> memref<8xi32, #tpu.memory_space<vmem>>
        %dma_start3A_355 = arith.constant 0 : i32
        %dma_start3A_356 = arith.constant 0 : i32
        %dma_start3A_357 = tpu.memref_slice %arg4[%dma_start3A_355, %dma_start3A_356] : memref<401x96xf32, #tpu.memory_space<hbm>> -> memref<401x96xf32, #tpu.memory_space<hbm>>
        tpu.enqueue_indirect_dma source(%dma_start3A_357 : memref<401x96xf32, #tpu.memory_space<hbm>>) target(%dma_start3A_352 : memref<8x96xf32, #tpu.memory_space<vmem>>) offsets(%dma_start3A_354 : memref<8xi32, #tpu.memory_space<vmem>>) semaphore(%arg18 : memref<!tpu.dma_semaphore, #tpu.memory_space<semaphore_mem>>)
        %add3A_358 = arith.constant 8 : i32
        %add3A_359 = arith.addi %mul3A_335, %add3A_358 : i32
        %dma_start3A_360 = arith.constant 0 : i32
        %dma_start3A_361 = arith.constant 8 : i32
        %dma_start3A_362 = arith.constant 0 : i32
        %dma_start3A_363 = tpu.memref_slice %arg8[%dma_start3A_361, %dma_start3A_362] : memref<32x96xf32, #tpu.memory_space<vmem>> -> memref<8x96xf32, #tpu.memory_space<vmem>>
        %dma_start3A_364 = tpu.memref_slice %arg7[%dma_start3A_360, %add3A_359] : memref<3x256xi32, #tpu.memory_space<vmem>> -> memref<1x8xi32, #tpu.memory_space<vmem>>
        %dma_start3A_365 = tpu.memref_squeeze %dma_start3A_364 : memref<1x8xi32, #tpu.memory_space<vmem>> -> memref<8xi32, #tpu.memory_space<vmem>>
        %dma_start3A_366 = arith.constant 0 : i32
        %dma_start3A_367 = arith.constant 0 : i32
        %dma_start3A_368 = tpu.memref_slice %arg3[%dma_start3A_366, %dma_start3A_367] : memref<10000x96xf32, #tpu.memory_space<hbm>> -> memref<10000x96xf32, #tpu.memory_space<hbm>>
        tpu.enqueue_indirect_dma source(%dma_start3A_368 : memref<10000x96xf32, #tpu.memory_space<hbm>>) target(%dma_start3A_363 : memref<8x96xf32, #tpu.memory_space<vmem>>) offsets(%dma_start3A_365 : memref<8xi32, #tpu.memory_space<vmem>>) semaphore(%arg18 : memref<!tpu.dma_semaphore, #tpu.memory_space<semaphore_mem>>)
        %add3A_369 = arith.constant 8 : i32
        %add3A_370 = arith.addi %mul3A_335, %add3A_369 : i32
        %dma_start3A_371 = arith.constant 1 : i32
        %dma_start3A_372 = arith.constant 8 : i32
        %dma_start3A_373 = arith.constant 0 : i32
        %dma_start3A_374 = tpu.memref_slice %arg10[%dma_start3A_372, %dma_start3A_373] : memref<32x96xf32, #tpu.memory_space<vmem>> -> memref<8x96xf32, #tpu.memory_space<vmem>>
        %dma_start3A_375 = tpu.memref_slice %arg7[%dma_start3A_371, %add3A_370] : memref<3x256xi32, #tpu.memory_space<vmem>> -> memref<1x8xi32, #tpu.memory_space<vmem>>
        %dma_start3A_376 = tpu.memref_squeeze %dma_start3A_375 : memref<1x8xi32, #tpu.memory_space<vmem>> -> memref<8xi32, #tpu.memory_space<vmem>>
        %dma_start3A_377 = arith.constant 0 : i32
        %dma_start3A_378 = arith.constant 0 : i32
        %dma_start3A_379 = tpu.memref_slice %arg4[%dma_start3A_377, %dma_start3A_378] : memref<401x96xf32, #tpu.memory_space<hbm>> -> memref<401x96xf32, #tpu.memory_space<hbm>>
        tpu.enqueue_indirect_dma source(%dma_start3A_379 : memref<401x96xf32, #tpu.memory_space<hbm>>) target(%dma_start3A_374 : memref<8x96xf32, #tpu.memory_space<vmem>>) offsets(%dma_start3A_376 : memref<8xi32, #tpu.memory_space<vmem>>) semaphore(%arg18 : memref<!tpu.dma_semaphore, #tpu.memory_space<semaphore_mem>>)
        %add3A_380 = arith.constant 16 : i32
        %add3A_381 = arith.addi %mul3A_335, %add3A_380 : i32
        %dma_start3A_382 = arith.constant 0 : i32
        %dma_start3A_383 = arith.constant 16 : i32
        %dma_start3A_384 = arith.constant 0 : i32
        %dma_start3A_385 = tpu.memref_slice %arg8[%dma_start3A_383, %dma_start3A_384] : memref<32x96xf32, #tpu.memory_space<vmem>> -> memref<8x96xf32, #tpu.memory_space<vmem>>
        %dma_start3A_386 = tpu.memref_slice %arg7[%dma_start3A_382, %add3A_381] : memref<3x256xi32, #tpu.memory_space<vmem>> -> memref<1x8xi32, #tpu.memory_space<vmem>>
        %dma_start3A_387 = tpu.memref_squeeze %dma_start3A_386 : memref<1x8xi32, #tpu.memory_space<vmem>> -> memref<8xi32, #tpu.memory_space<vmem>>
        %dma_start3A_388 = arith.constant 0 : i32
        %dma_start3A_389 = arith.constant 0 : i32
        %dma_start3A_390 = tpu.memref_slice %arg3[%dma_start3A_388, %dma_start3A_389] : memref<10000x96xf32, #tpu.memory_space<hbm>> -> memref<10000x96xf32, #tpu.memory_space<hbm>>
        tpu.enqueue_indirect_dma source(%dma_start3A_390 : memref<10000x96xf32, #tpu.memory_space<hbm>>) target(%dma_start3A_385 : memref<8x96xf32, #tpu.memory_space<vmem>>) offsets(%dma_start3A_387 : memref<8xi32, #tpu.memory_space<vmem>>) semaphore(%arg18 : memref<!tpu.dma_semaphore, #tpu.memory_space<semaphore_mem>>)
        %add3A_391 = arith.constant 16 : i32
        %add3A_392 = arith.addi %mul3A_335, %add3A_391 : i32
        %dma_start3A_393 = arith.constant 1 : i32
        %dma_start3A_394 = arith.constant 16 : i32
        %dma_start3A_395 = arith.constant 0 : i32
        %dma_start3A_396 = tpu.memref_slice %arg10[%dma_start3A_394, %dma_start3A_395] : memref<32x96xf32, #tpu.memory_space<vmem>> -> memref<8x96xf32, #tpu.memory_space<vmem>>
        %dma_start3A_397 = tpu.memref_slice %arg7[%dma_start3A_393, %add3A_392] : memref<3x256xi32, #tpu.memory_space<vmem>> -> memref<1x8xi32, #tpu.memory_space<vmem>>
        %dma_start3A_398 = tpu.memref_squeeze %dma_start3A_397 : memref<1x8xi32, #tpu.memory_space<vmem>> -> memref<8xi32, #tpu.memory_space<vmem>>
        %dma_start3A_399 = arith.constant 0 : i32
        %dma_start3A_400 = arith.constant 0 : i32
        %dma_start3A_401 = tpu.memref_slice %arg4[%dma_start3A_399, %dma_start3A_400] : memref<401x96xf32, #tpu.memory_space<hbm>> -> memref<401x96xf32, #tpu.memory_space<hbm>>
        tpu.enqueue_indirect_dma source(%dma_start3A_401 : memref<401x96xf32, #tpu.memory_space<hbm>>) target(%dma_start3A_396 : memref<8x96xf32, #tpu.memory_space<vmem>>) offsets(%dma_start3A_398 : memref<8xi32, #tpu.memory_space<vmem>>) semaphore(%arg18 : memref<!tpu.dma_semaphore, #tpu.memory_space<semaphore_mem>>)
        %add3A_402 = arith.constant 24 : i32
        %add3A_403 = arith.addi %mul3A_335, %add3A_402 : i32
        %dma_start3A_404 = arith.constant 0 : i32
        %dma_start3A_405 = arith.constant 24 : i32
        %dma_start3A_406 = arith.constant 0 : i32
        %dma_start3A_407 = tpu.memref_slice %arg8[%dma_start3A_405, %dma_start3A_406] : memref<32x96xf32, #tpu.memory_space<vmem>> -> memref<8x96xf32, #tpu.memory_space<vmem>>
        %dma_start3A_408 = tpu.memref_slice %arg7[%dma_start3A_404, %add3A_403] : memref<3x256xi32, #tpu.memory_space<vmem>> -> memref<1x8xi32, #tpu.memory_space<vmem>>
        %dma_start3A_409 = tpu.memref_squeeze %dma_start3A_408 : memref<1x8xi32, #tpu.memory_space<vmem>> -> memref<8xi32, #tpu.memory_space<vmem>>
        %dma_start3A_410 = arith.constant 0 : i32
        %dma_start3A_411 = arith.constant 0 : i32
        %dma_start3A_412 = tpu.memref_slice %arg3[%dma_start3A_410, %dma_start3A_411] : memref<10000x96xf32, #tpu.memory_space<hbm>> -> memref<10000x96xf32, #tpu.memory_space<hbm>>
        tpu.enqueue_indirect_dma source(%dma_start3A_412 : memref<10000x96xf32, #tpu.memory_space<hbm>>) target(%dma_start3A_407 : memref<8x96xf32, #tpu.memory_space<vmem>>) offsets(%dma_start3A_409 : memref<8xi32, #tpu.memory_space<vmem>>) semaphore(%arg18 : memref<!tpu.dma_semaphore, #tpu.memory_space<semaphore_mem>>)
        %add3A_413 = arith.constant 24 : i32
        %add3A_414 = arith.addi %mul3A_335, %add3A_413 : i32
        %dma_start3A_415 = arith.constant 1 : i32
        %dma_start3A_416 = arith.constant 24 : i32
        %dma_start3A_417 = arith.constant 0 : i32
        %dma_start3A_418 = tpu.memref_slice %arg10[%dma_start3A_416, %dma_start3A_417] : memref<32x96xf32, #tpu.memory_space<vmem>> -> memref<8x96xf32, #tpu.memory_space<vmem>>
        %dma_start3A_419 = tpu.memref_slice %arg7[%dma_start3A_415, %add3A_414] : memref<3x256xi32, #tpu.memory_space<vmem>> -> memref<1x8xi32, #tpu.memory_space<vmem>>
        %dma_start3A_420 = tpu.memref_squeeze %dma_start3A_419 : memref<1x8xi32, #tpu.memory_space<vmem>> -> memref<8xi32, #tpu.memory_space<vmem>>
        %dma_start3A_421 = arith.constant 0 : i32
        %dma_start3A_422 = arith.constant 0 : i32
        %dma_start3A_423 = tpu.memref_slice %arg4[%dma_start3A_421, %dma_start3A_422] : memref<401x96xf32, #tpu.memory_space<hbm>> -> memref<401x96xf32, #tpu.memory_space<hbm>>
        tpu.enqueue_indirect_dma source(%dma_start3A_423 : memref<401x96xf32, #tpu.memory_space<hbm>>) target(%dma_start3A_418 : memref<8x96xf32, #tpu.memory_space<vmem>>) offsets(%dma_start3A_420 : memref<8xi32, #tpu.memory_space<vmem>>) semaphore(%arg18 : memref<!tpu.dma_semaphore, #tpu.memory_space<semaphore_mem>>)
      } else {
      }
      %parallel_loop3A_324 = arith.constant 0 : i32
      %parallel_loop3A_325 = arith.constant 32 : i32
      %parallel_loop3A_326 = arith.constant 1 : i32
      scf.for %parallel_loop3A_330 = %parallel_loop3A_324 to %parallel_loop3A_325 step %parallel_loop3A_326  : i32 {
        %parallel_loop3A_331 = arith.index_cast %parallel_loop3A_330 : i32 to index
        %parallel_loop3A_332 = arith.constant 64 : index
        %parallel_loop3A_333 = tpu.vector_load %arg9[%parallel_loop3A_331, %parallel_loop3A_332] {strides = array<i32>} : memref<32x96xf32, #tpu.memory_space<vmem>>, vector<16xf32>,
        %parallel_loop3A_334 = arith.index_cast %parallel_loop3A_330 : i32 to index
        %parallel_loop3A_335 = arith.constant 64 : index
        %parallel_loop3A_336 = tpu.vector_load %arg11[%parallel_loop3A_334, %parallel_loop3A_335] {strides = array<i32>} : memref<32x96xf32, #tpu.memory_space<vmem>>, vector<16xf32>,
        %parallel_loop3A_337 = vector.bitcast %parallel_loop3A_333 : vector<16xf32> to vector<32xbf16>
        %parallel_loop3A_338 = tpu.unpack_subelements %parallel_loop3A_337, 0 {pack_format = #tpu.pack_format<interleaved>} : vector<32xbf16> -> vector<16xf32>
        %parallel_loop3A_339 = tpu.unpack_subelements %parallel_loop3A_337, 1 {pack_format = #tpu.pack_format<interleaved>} : vector<32xbf16> -> vector<16xf32>
        %parallel_loop3A_340 = vector.bitcast %parallel_loop3A_336 : vector<16xf32> to vector<32xbf16>
        %parallel_loop3A_341 = tpu.unpack_subelements %parallel_loop3A_340, 0 {pack_format = #tpu.pack_format<interleaved>} : vector<32xbf16> -> vector<16xf32>
        %parallel_loop3A_342 = tpu.unpack_subelements %parallel_loop3A_340, 1 {pack_format = #tpu.pack_format<interleaved>} : vector<32xbf16> -> vector<16xf32>
        %parallel_loop3A_343 = arith.addf %parallel_loop3A_338, %parallel_loop3A_341 : vector<16xf32>
        %parallel_loop3A_344 = arith.constant 0.000000e+00 : f32
        %parallel_loop3A_345 = vector.broadcast %parallel_loop3A_344 : f32 to vector<16xf32>
        %parallel_loop3A_346 = arith.maximumf %parallel_loop3A_343, %parallel_loop3A_345 : vector<16xf32>
        %parallel_loop3A_347 = arith.mulf %parallel_loop3A_346, %get3A_54 : vector<16xf32>
        %parallel_loop3A_348 = arith.addf %parallel_loop3A_339, %parallel_loop3A_342 : vector<16xf32>
        %parallel_loop3A_349 = arith.constant 0.000000e+00 : f32
        %parallel_loop3A_350 = vector.broadcast %parallel_loop3A_349 : f32 to vector<16xf32>
        %parallel_loop3A_351 = arith.maximumf %parallel_loop3A_348, %parallel_loop3A_350 : vector<16xf32>
        %parallel_loop3A_352 = arith.mulf %parallel_loop3A_351, %get3A_56 : vector<16xf32>
        %parallel_loop3A_353 = arith.addf %parallel_loop3A_347, %parallel_loop3A_352 : vector<16xf32>
        %parallel_loop3A_354 = arith.index_cast %parallel_loop3A_330 : i32 to index
        %parallel_loop3A_355 = arith.constant 80 : index
        %parallel_loop3A_356 = tpu.vector_load %arg9[%parallel_loop3A_354, %parallel_loop3A_355] {strides = array<i32>} : memref<32x96xf32, #tpu.memory_space<vmem>>, vector<16xf32>,
        %parallel_loop3A_357 = arith.index_cast %parallel_loop3A_330 : i32 to index
        %parallel_loop3A_358 = arith.constant 80 : index
        %parallel_loop3A_359 = tpu.vector_load %arg11[%parallel_loop3A_357, %parallel_loop3A_358] {strides = array<i32>} : memref<32x96xf32, #tpu.memory_space<vmem>>, vector<16xf32>,
        %parallel_loop3A_360 = vector.bitcast %parallel_loop3A_356 : vector<16xf32> to vector<32xbf16>
        %parallel_loop3A_361 = tpu.unpack_subelements %parallel_loop3A_360, 0 {pack_format = #tpu.pack_format<interleaved>} : vector<32xbf16> -> vector<16xf32>
        %parallel_loop3A_362 = tpu.unpack_subelements %parallel_loop3A_360, 1 {pack_format = #tpu.pack_format<interleaved>} : vector<32xbf16> -> vector<16xf32>
        %parallel_loop3A_363 = vector.bitcast %parallel_loop3A_359 : vector<16xf32> to vector<32xbf16>
        %parallel_loop3A_364 = tpu.unpack_subelements %parallel_loop3A_363, 0 {pack_format = #tpu.pack_format<interleaved>} : vector<32xbf16> -> vector<16xf32>
        %parallel_loop3A_365 = tpu.unpack_subelements %parallel_loop3A_363, 1 {pack_format = #tpu.pack_format<interleaved>} : vector<32xbf16> -> vector<16xf32>
        %parallel_loop3A_366 = arith.addf %parallel_loop3A_361, %parallel_loop3A_364 : vector<16xf32>
        %parallel_loop3A_367 = arith.constant 0.000000e+00 : f32
        %parallel_loop3A_368 = vector.broadcast %parallel_loop3A_367 : f32 to vector<16xf32>
        %parallel_loop3A_369 = arith.maximumf %parallel_loop3A_366, %parallel_loop3A_368 : vector<16xf32>
        %parallel_loop3A_370 = arith.mulf %parallel_loop3A_369, %get3A_58 : vector<16xf32>
        %parallel_loop3A_371 = arith.addf %parallel_loop3A_353, %parallel_loop3A_370 : vector<16xf32>
        %parallel_loop3A_372 = arith.addf %parallel_loop3A_362, %parallel_loop3A_365 : vector<16xf32>
        %parallel_loop3A_373 = arith.constant 0.000000e+00 : f32
        %parallel_loop3A_374 = vector.broadcast %parallel_loop3A_373 : f32 to vector<16xf32>
        %parallel_loop3A_375 = arith.maximumf %parallel_loop3A_372, %parallel_loop3A_374 : vector<16xf32>
        %parallel_loop3A_376 = arith.mulf %parallel_loop3A_375, %get3A_60 : vector<16xf32>
        %parallel_loop3A_377 = arith.addf %parallel_loop3A_371, %parallel_loop3A_376 : vector<16xf32>
        %parallel_loop3A_378 = arith.constant true
        %parallel_loop3A_379 = vector.broadcast %parallel_loop3A_378 : i1 to vector<16xi1>
        %parallel_loop3A_380 = tpu.scan <sum>, %parallel_loop3A_377 masked %parallel_loop3A_379 : vector<16xf32>, vector<16xi1> -> vector<16xf32>
        %parallel_loop3A_381 = vector.shape_cast %broadcast_in_dim3A_62 : vector<16xi32> to vector<16x1xi32>
        %parallel_loop3A_382 = vector.shape_cast %parallel_loop3A_381 : vector<16x1xi32> to vector<16xi32>
        %parallel_loop3A_383 = tpu.dynamic_gather %parallel_loop3A_380[%parallel_loop3A_382] in [0] : vector<16xf32>, vector<16xi32> -> vector<16xf32>
        %parallel_loop3A_384 = arith.constant 0.000000e+00 : f32
        %parallel_loop3A_385 = vector.broadcast %parallel_loop3A_384 : f32 to vector<16xf32>
        %parallel_loop3A_386 = arith.subf %parallel_loop3A_385, %parallel_loop3A_383 : vector<16xf32>
        %parallel_loop3A_387 = math.exp %parallel_loop3A_386 : vector<16xf32>
        %parallel_loop3A_388 = arith.constant 1.000000e+00 : f32
        %parallel_loop3A_389 = vector.broadcast %parallel_loop3A_388 : f32 to vector<16xf32>
        %parallel_loop3A_390 = arith.addf %parallel_loop3A_389, %parallel_loop3A_387 : vector<16xf32>
        %parallel_loop3A_391 = arith.constant 1.000000e+00 : f32
        %parallel_loop3A_392 = vector.broadcast %parallel_loop3A_391 : f32 to vector<16xf32>
        %parallel_loop3A_393 = arith.divf %parallel_loop3A_392, %parallel_loop3A_390 : vector<16xf32>
        %parallel_loop3A_394 = arith.index_cast %parallel_loop3A_330 : i32 to index
        %parallel_loop3A_395 = arith.constant 0 : index
        %parallel_loop3A_396 = tpu.vector_load %arg9[%parallel_loop3A_394, %parallel_loop3A_395] {strides = array<i32>} : memref<32x96xf32, #tpu.memory_space<vmem>>, vector<16xf32>,
        %parallel_loop3A_397 = arith.index_cast %parallel_loop3A_330 : i32 to index
        %parallel_loop3A_398 = arith.constant 0 : index
        %parallel_loop3A_399 = tpu.vector_load %arg11[%parallel_loop3A_397, %parallel_loop3A_398] {strides = array<i32>} : memref<32x96xf32, #tpu.memory_space<vmem>>, vector<16xf32>,
        %parallel_loop3A_400 = vector.bitcast %parallel_loop3A_396 : vector<16xf32> to vector<32xbf16>
        %parallel_loop3A_401 = tpu.unpack_subelements %parallel_loop3A_400, 0 {pack_format = #tpu.pack_format<interleaved>} : vector<32xbf16> -> vector<16xf32>
        %parallel_loop3A_402 = tpu.unpack_subelements %parallel_loop3A_400, 1 {pack_format = #tpu.pack_format<interleaved>} : vector<32xbf16> -> vector<16xf32>
        %parallel_loop3A_403 = vector.bitcast %parallel_loop3A_399 : vector<16xf32> to vector<32xbf16>
        %parallel_loop3A_404 = tpu.unpack_subelements %parallel_loop3A_403, 0 {pack_format = #tpu.pack_format<interleaved>} : vector<32xbf16> -> vector<16xf32>
        %parallel_loop3A_405 = tpu.unpack_subelements %parallel_loop3A_403, 1 {pack_format = #tpu.pack_format<interleaved>} : vector<32xbf16> -> vector<16xf32>
        %parallel_loop3A_406 = arith.mulf %parallel_loop3A_401, %parallel_loop3A_404 : vector<16xf32>
        %parallel_loop3A_407 = arith.mulf %parallel_loop3A_406, %parallel_loop3A_393 : vector<16xf32>
        %parallel_loop3A_408 = arith.index_cast %parallel_loop3A_330 : i32 to index
        %parallel_loop3A_409 = arith.constant 0 : index
        %parallel_loop3A_410 = tpu.vector_load %arg13[%parallel_loop3A_408, %parallel_loop3A_409] {strides = array<i32>} : memref<32x144xf32, #tpu.memory_space<vmem>>, vector<16xf32>,
        tpu.vector_store %arg13[%parallel_loop3A_408, %parallel_loop3A_409], %parallel_loop3A_407 {strides = array<i32>} : memref<32x144xf32, #tpu.memory_space<vmem>>, vector<16xf32>,
        %parallel_loop3A_411 = arith.mulf %parallel_loop3A_402, %parallel_loop3A_405 : vector<16xf32>
        %parallel_loop3A_412 = arith.mulf %parallel_loop3A_411, %parallel_loop3A_393 : vector<16xf32>
        %parallel_loop3A_413 = arith.index_cast %parallel_loop3A_330 : i32 to index
        %parallel_loop3A_414 = arith.constant 16 : index
        %parallel_loop3A_415 = tpu.vector_load %arg13[%parallel_loop3A_413, %parallel_loop3A_414] {strides = array<i32>} : memref<32x144xf32, #tpu.memory_space<vmem>>, vector<16xf32>,
        tpu.vector_store %arg13[%parallel_loop3A_413, %parallel_loop3A_414], %parallel_loop3A_412 {strides = array<i32>} : memref<32x144xf32, #tpu.memory_space<vmem>>, vector<16xf32>,
        %parallel_loop3A_416 = arith.index_cast %parallel_loop3A_330 : i32 to index
        %parallel_loop3A_417 = arith.constant 16 : index
        %parallel_loop3A_418 = tpu.vector_load %arg9[%parallel_loop3A_416, %parallel_loop3A_417] {strides = array<i32>} : memref<32x96xf32, #tpu.memory_space<vmem>>, vector<16xf32>,
        %parallel_loop3A_419 = arith.index_cast %parallel_loop3A_330 : i32 to index
        %parallel_loop3A_420 = arith.constant 16 : index
        %parallel_loop3A_421 = tpu.vector_load %arg11[%parallel_loop3A_419, %parallel_loop3A_420] {strides = array<i32>} : memref<32x96xf32, #tpu.memory_space<vmem>>, vector<16xf32>,
        %parallel_loop3A_422 = vector.bitcast %parallel_loop3A_418 : vector<16xf32> to vector<32xbf16>
        %parallel_loop3A_423 = tpu.unpack_subelements %parallel_loop3A_422, 0 {pack_format = #tpu.pack_format<interleaved>} : vector<32xbf16> -> vector<16xf32>
        %parallel_loop3A_424 = tpu.unpack_subelements %parallel_loop3A_422, 1 {pack_format = #tpu.pack_format<interleaved>} : vector<32xbf16> -> vector<16xf32>
        %parallel_loop3A_425 = vector.bitcast %parallel_loop3A_421 : vector<16xf32> to vector<32xbf16>
        %parallel_loop3A_426 = tpu.unpack_subelements %parallel_loop3A_425, 0 {pack_format = #tpu.pack_format<interleaved>} : vector<32xbf16> -> vector<16xf32>
        %parallel_loop3A_427 = tpu.unpack_subelements %parallel_loop3A_425, 1 {pack_format = #tpu.pack_format<interleaved>} : vector<32xbf16> -> vector<16xf32>
        %parallel_loop3A_428 = arith.mulf %parallel_loop3A_423, %parallel_loop3A_426 : vector<16xf32>
        %parallel_loop3A_429 = arith.mulf %parallel_loop3A_428, %parallel_loop3A_393 : vector<16xf32>
        %parallel_loop3A_430 = arith.index_cast %parallel_loop3A_330 : i32 to index
        %parallel_loop3A_431 = arith.constant 32 : index
        %parallel_loop3A_432 = tpu.vector_load %arg13[%parallel_loop3A_430, %parallel_loop3A_431] {strides = array<i32>} : memref<32x144xf32, #tpu.memory_space<vmem>>, vector<16xf32>,
        tpu.vector_store %arg13[%parallel_loop3A_430, %parallel_loop3A_431], %parallel_loop3A_429 {strides = array<i32>} : memref<32x144xf32, #tpu.memory_space<vmem>>, vector<16xf32>,
        %parallel_loop3A_433 = arith.mulf %parallel_loop3A_424, %parallel_loop3A_427 : vector<16xf32>
        %parallel_loop3A_434 = arith.mulf %parallel_loop3A_433, %parallel_loop3A_393 : vector<16xf32>
        %parallel_loop3A_435 = arith.index_cast %parallel_loop3A_330 : i32 to index
        %parallel_loop3A_436 = arith.constant 48 : index
        %parallel_loop3A_437 = tpu.vector_load %arg13[%parallel_loop3A_435, %parallel_loop3A_436] {strides = array<i32>} : memref<32x144xf32, #tpu.memory_space<vmem>>, vector<16xf32>,
        tpu.vector_store %arg13[%parallel_loop3A_435, %parallel_loop3A_436], %parallel_loop3A_434 {strides = array<i32>} : memref<32x144xf32, #tpu.memory_space<vmem>>, vector<16xf32>,
        %parallel_loop3A_438 = arith.index_cast %parallel_loop3A_330 : i32 to index
        %parallel_loop3A_439 = arith.constant 32 : index
        %parallel_loop3A_440 = tpu.vector_load %arg9[%parallel_loop3A_438, %parallel_loop3A_439] {strides = array<i32>} : memref<32x96xf32, #tpu.memory_space<vmem>>, vector<16xf32>,
        %parallel_loop3A_441 = arith.index_cast %parallel_loop3A_330 : i32 to index
        %parallel_loop3A_442 = arith.constant 32 : index
        %parallel_loop3A_443 = tpu.vector_load %arg11[%parallel_loop3A_441, %parallel_loop3A_442] {strides = array<i32>} : memref<32x96xf32, #tpu.memory_space<vmem>>, vector<16xf32>,
        %parallel_loop3A_444 = vector.bitcast %parallel_loop3A_440 : vector<16xf32> to vector<32xbf16>
        %parallel_loop3A_445 = tpu.unpack_subelements %parallel_loop3A_444, 0 {pack_format = #tpu.pack_format<interleaved>} : vector<32xbf16> -> vector<16xf32>
        %parallel_loop3A_446 = tpu.unpack_subelements %parallel_loop3A_444, 1 {pack_format = #tpu.pack_format<interleaved>} : vector<32xbf16> -> vector<16xf32>
        %parallel_loop3A_447 = vector.bitcast %parallel_loop3A_443 : vector<16xf32> to vector<32xbf16>
        %parallel_loop3A_448 = tpu.unpack_subelements %parallel_loop3A_447, 0 {pack_format = #tpu.pack_format<interleaved>} : vector<32xbf16> -> vector<16xf32>
        %parallel_loop3A_449 = tpu.unpack_subelements %parallel_loop3A_447, 1 {pack_format = #tpu.pack_format<interleaved>} : vector<32xbf16> -> vector<16xf32>
        %parallel_loop3A_450 = arith.mulf %parallel_loop3A_445, %parallel_loop3A_448 : vector<16xf32>
        %parallel_loop3A_451 = arith.mulf %parallel_loop3A_450, %parallel_loop3A_393 : vector<16xf32>
        %parallel_loop3A_452 = arith.index_cast %parallel_loop3A_330 : i32 to index
        %parallel_loop3A_453 = arith.constant 64 : index
        %parallel_loop3A_454 = tpu.vector_load %arg13[%parallel_loop3A_452, %parallel_loop3A_453] {strides = array<i32>} : memref<32x144xf32, #tpu.memory_space<vmem>>, vector<16xf32>,
        tpu.vector_store %arg13[%parallel_loop3A_452, %parallel_loop3A_453], %parallel_loop3A_451 {strides = array<i32>} : memref<32x144xf32, #tpu.memory_space<vmem>>, vector<16xf32>,
        %parallel_loop3A_455 = arith.mulf %parallel_loop3A_446, %parallel_loop3A_449 : vector<16xf32>
        %parallel_loop3A_456 = arith.mulf %parallel_loop3A_455, %parallel_loop3A_393 : vector<16xf32>
        %parallel_loop3A_457 = arith.index_cast %parallel_loop3A_330 : i32 to index
        %parallel_loop3A_458 = arith.constant 80 : index
        %parallel_loop3A_459 = tpu.vector_load %arg13[%parallel_loop3A_457, %parallel_loop3A_458] {strides = array<i32>} : memref<32x144xf32, #tpu.memory_space<vmem>>, vector<16xf32>,
        tpu.vector_store %arg13[%parallel_loop3A_457, %parallel_loop3A_458], %parallel_loop3A_456 {strides = array<i32>} : memref<32x144xf32, #tpu.memory_space<vmem>>, vector<16xf32>,
        %parallel_loop3A_460 = arith.index_cast %parallel_loop3A_330 : i32 to index
        %parallel_loop3A_461 = arith.constant 48 : index
        %parallel_loop3A_462 = tpu.vector_load %arg9[%parallel_loop3A_460, %parallel_loop3A_461] {strides = array<i32>} : memref<32x96xf32, #tpu.memory_space<vmem>>, vector<16xf32>,
        %parallel_loop3A_463 = arith.index_cast %parallel_loop3A_330 : i32 to index
        %parallel_loop3A_464 = arith.constant 48 : index
        %parallel_loop3A_465 = tpu.vector_load %arg11[%parallel_loop3A_463, %parallel_loop3A_464] {strides = array<i32>} : memref<32x96xf32, #tpu.memory_space<vmem>>, vector<16xf32>,
        %parallel_loop3A_466 = vector.bitcast %parallel_loop3A_462 : vector<16xf32> to vector<32xbf16>
        %parallel_loop3A_467 = tpu.unpack_subelements %parallel_loop3A_466, 0 {pack_format = #tpu.pack_format<interleaved>} : vector<32xbf16> -> vector<16xf32>
        %parallel_loop3A_468 = tpu.unpack_subelements %parallel_loop3A_466, 1 {pack_format = #tpu.pack_format<interleaved>} : vector<32xbf16> -> vector<16xf32>
        %parallel_loop3A_469 = vector.bitcast %parallel_loop3A_465 : vector<16xf32> to vector<32xbf16>
        %parallel_loop3A_470 = tpu.unpack_subelements %parallel_loop3A_469, 0 {pack_format = #tpu.pack_format<interleaved>} : vector<32xbf16> -> vector<16xf32>
        %parallel_loop3A_471 = tpu.unpack_subelements %parallel_loop3A_469, 1 {pack_format = #tpu.pack_format<interleaved>} : vector<32xbf16> -> vector<16xf32>
        %parallel_loop3A_472 = arith.mulf %parallel_loop3A_467, %parallel_loop3A_470 : vector<16xf32>
        %parallel_loop3A_473 = arith.mulf %parallel_loop3A_472, %parallel_loop3A_393 : vector<16xf32>
        %parallel_loop3A_474 = arith.index_cast %parallel_loop3A_330 : i32 to index
        %parallel_loop3A_475 = arith.constant 96 : index
        %parallel_loop3A_476 = tpu.vector_load %arg13[%parallel_loop3A_474, %parallel_loop3A_475] {strides = array<i32>} : memref<32x144xf32, #tpu.memory_space<vmem>>, vector<16xf32>,
        tpu.vector_store %arg13[%parallel_loop3A_474, %parallel_loop3A_475], %parallel_loop3A_473 {strides = array<i32>} : memref<32x144xf32, #tpu.memory_space<vmem>>, vector<16xf32>,
        %parallel_loop3A_477 = arith.mulf %parallel_loop3A_468, %parallel_loop3A_471 : vector<16xf32>
        %parallel_loop3A_478 = arith.mulf %parallel_loop3A_477, %parallel_loop3A_393 : vector<16xf32>
        %parallel_loop3A_479 = arith.index_cast %parallel_loop3A_330 : i32 to index
        %parallel_loop3A_480 = arith.constant 112 : index
        %parallel_loop3A_481 = tpu.vector_load %arg13[%parallel_loop3A_479, %parallel_loop3A_480] {strides = array<i32>} : memref<32x144xf32, #tpu.memory_space<vmem>>, vector<16xf32>,
        tpu.vector_store %arg13[%parallel_loop3A_479, %parallel_loop3A_480], %parallel_loop3A_478 {strides = array<i32>} : memref<32x144xf32, #tpu.memory_space<vmem>>, vector<16xf32>,
      } {sc.loop_unroll_factor = 4 : i64, sc.parallel_access}
      %dma_start3A_327 = arith.constant 0 : i32
      %dma_start3A_328 = arith.constant 0 : i32
      %dma_start3A_329 = tpu.memref_slice %arg17[%dma_start3A_327, %dma_start3A_328] : memref<10112x144xf32, #tpu.memory_space<vmem_shared>> -> memref<10112x144xf32, #tpu.memory_space<vmem_shared>>
      tpu.enqueue_indirect_dma source(%arg13 : memref<32x144xf32, #tpu.memory_space<vmem>>) target(%dma_start3A_329 : memref<10112x144xf32, #tpu.memory_space<vmem_shared>>) offsets(%arg15 : memref<32xi32, #tpu.memory_space<vmem>>) semaphore(%arg21 : memref<!tpu.dma_semaphore, #tpu.memory_space<semaphore_mem>>) {add = true}
    }
    %while3A_194 = arith.constant 1 : i32
    scf.for %while3A_205 = %while3A_192 to %while3A_188 step %while3A_194  : i32 {
      %mul3A_206 = arith.constant 2 : i32
      %mul3A_207 = arith.muli %mul3A_206, %while3A_205 : i32
      %dma_wait3A_208 = arith.constant 0 : i32
      %dma_wait3A_209 = arith.constant 0 : i32
      %dma_wait3A_210 = tpu.memref_slice %arg3[%dma_wait3A_208, %dma_wait3A_209] : memref<10000x96xf32, #tpu.memory_space<hbm>> -> memref<32x96xf32, #tpu.memory_space<hbm>>
      %dma_wait3A_211 = arith.constant 0 : i32
      %dma_wait3A_212 = arith.constant 0 : i32
      %dma_wait3A_213 = tpu.memref_slice %arg3[%dma_wait3A_211, %dma_wait3A_212] : memref<10000x96xf32, #tpu.memory_space<hbm>> -> memref<32x96xf32, #tpu.memory_space<hbm>>
      tpu.wait_dma2 semaphore(%arg18 : memref<!tpu.dma_semaphore, #tpu.memory_space<semaphore_mem>>) src(%dma_wait3A_213 : memref<32x96xf32, #tpu.memory_space<hbm>>) dst(%arg8 : memref<32x96xf32, #tpu.memory_space<vmem>>)
      %dma_wait3A_214 = arith.constant 0 : i32
      %dma_wait3A_215 = arith.constant 0 : i32
      %dma_wait3A_216 = tpu.memref_slice %arg3[%dma_wait3A_214, %dma_wait3A_215] : memref<10000x96xf32, #tpu.memory_space<hbm>> -> memref<32x96xf32, #tpu.memory_space<hbm>>
      %dma_wait3A_217 = arith.constant 0 : i32
      %dma_wait3A_218 = arith.constant 0 : i32
      %dma_wait3A_219 = tpu.memref_slice %arg3[%dma_wait3A_217, %dma_wait3A_218] : memref<10000x96xf32, #tpu.memory_space<hbm>> -> memref<32x96xf32, #tpu.memory_space<hbm>>
      tpu.wait_dma2 semaphore(%arg18 : memref<!tpu.dma_semaphore, #tpu.memory_space<semaphore_mem>>) src(%dma_wait3A_219 : memref<32x96xf32, #tpu.memory_space<hbm>>) dst(%arg10 : memref<32x96xf32, #tpu.memory_space<vmem>>)
      %ge3A = arith.constant 1 : i32
      %ge3A_220 = arith.cmpi sge, %while3A_205, %ge3A : i32
      %convert_element_type3A = arith.extui %ge3A_220 : i1 to i32
      %cond3A = arith.constant 0 : i32
      %cond3A_221 = arith.cmpi ne, %convert_element_type3A, %cond3A : i32
      scf.if %cond3A_221 {
        %dma_wait3A_330 = arith.constant 0 : i32
        %dma_wait3A_331 = arith.constant 0 : i32
        %dma_wait3A_332 = tpu.memref_slice %arg17[%dma_wait3A_330, %dma_wait3A_331] : memref<10112x144xf32, #tpu.memory_space<vmem_shared>> -> memref<10112x144xf32, #tpu.memory_space<vmem_shared>>
        tpu.wait_indirect_dma semaphore(%arg20 : memref<!tpu.dma_semaphore, #tpu.memory_space<semaphore_mem>>) src(%arg12 : memref<32x144xf32, #tpu.memory_space<vmem>>) dst(%dma_wait3A_332 : memref<10112x144xf32, #tpu.memory_space<vmem_shared>>)
      } else {
      }
      %rem3A_222 = arith.constant 8 : i32
      %rem3A_223 = arith.remsi %mul3A_207, %rem3A_222 : i32
      %mul3A_224 = arith.constant 32 : i32
      %mul3A_225 = arith.muli %rem3A_223, %mul3A_224 : i32
      %add3A_226 = arith.constant 0 : i32
      %add3A_227 = arith.addi %mul3A_225, %add3A_226 : i32
      %get3A_228 = arith.constant 2 : i32
      %get3A_229 = arith.index_cast %get3A_228 : i32 to index
      %get3A_230 = arith.index_cast %add3A_227 : i32 to index
      %get3A_231 = tpu.vector_load %arg7[%get3A_229, %get3A_230] {strides = array<i32>} : memref<3x256xi32, #tpu.memory_space<vmem>>, vector<16xi32>,
      %swap3A = arith.constant 0 : index
      %swap3A_232 = tpu.vector_load %arg14[%swap3A] {strides = array<i32>} : memref<32xi32, #tpu.memory_space<vmem>>, vector<16xi32>,
      tpu.vector_store %arg14[%swap3A], %get3A_231 {strides = array<i32>} : memref<32xi32, #tpu.memory_space<vmem>>, vector<16xi32>,
      %add3A_233 = arith.constant 16 : i32
      %add3A_234 = arith.addi %mul3A_225, %add3A_233 : i32
      %get3A_235 = arith.constant 2 : i32
      %get3A_236 = arith.index_cast %get3A_235 : i32 to index
      %get3A_237 = arith.index_cast %add3A_234 : i32 to index
      %get3A_238 = tpu.vector_load %arg7[%get3A_236, %get3A_237] {strides = array<i32>} : memref<3x256xi32, #tpu.memory_space<vmem>>, vector<16xi32>,
      %swap3A_239 = arith.constant 16 : index
      %swap3A_240 = tpu.vector_load %arg14[%swap3A_239] {strides = array<i32>} : memref<32xi32, #tpu.memory_space<vmem>>, vector<16xi32>,
      tpu.vector_store %arg14[%swap3A_239], %get3A_238 {strides = array<i32>} : memref<32xi32, #tpu.memory_space<vmem>>, vector<16xi32>,
      %add3A_241 = arith.constant 1 : i32
      %add3A_242 = arith.addi %mul3A_207, %add3A_241 : i32
      %rem3A_243 = arith.constant 8 : i32
      %rem3A_244 = arith.remsi %add3A_242, %rem3A_243 : i32
      %eq3A_245 = arith.constant 0 : i32
      %eq3A_246 = arith.cmpi eq, %rem3A_244, %eq3A_245 : i32
      %add3A_247 = arith.constant 1 : i32
      %add3A_248 = arith.addi %mul3A_207, %add3A_247 : i32
      %lt3A = arith.cmpi slt, %add3A_248, %select_n3A : i32
      %and3A_249 = arith.andi %eq3A_246, %lt3A : i1
      %convert_element_type3A_250 = arith.extui %and3A_249 : i1 to i32
      %cond3A_251 = arith.constant 0 : i32
      %cond3A_252 = arith.cmpi ne, %convert_element_type3A_250, %cond3A_251 : i32
      scf.if %cond3A_252 {
        %add3A_330 = arith.constant 1 : i32
        %add3A_331 = arith.addi %mul3A_207, %add3A_330 : i32
        %jit3A_332 = arith.constant 8 : i32
        %div3A_333 = arith.divsi %add3A_331, %jit3A_332 : i32
        %sign3A_334 = arith.constant 0 : i32
        %sign3A_335 = arith.cmpi sgt, %add3A_331, %sign3A_334 : i32
        %sign3A_336 = arith.extui %sign3A_335 : i1 to i32
        %sign3A_337 = arith.constant 0 : i32
        %sign3A_338 = arith.cmpi slt, %add3A_331, %sign3A_337 : i32
        %sign3A_339 = arith.extui %sign3A_338 : i1 to i32
        %sign3A_340 = arith.subi %sign3A_336, %sign3A_339 : i32
        %sign3A_341 = arith.constant 0 : i32
        %sign3A_342 = arith.cmpi sgt, %jit3A_332, %sign3A_341 : i32
        %sign3A_343 = arith.extui %sign3A_342 : i1 to i32
        %sign3A_344 = arith.constant 0 : i32
        %sign3A_345 = arith.cmpi slt, %jit3A_332, %sign3A_344 : i32
        %sign3A_346 = arith.extui %sign3A_345 : i1 to i32
        %sign3A_347 = arith.subi %sign3A_343, %sign3A_346 : i32
        %ne3A_348 = arith.cmpi ne, %sign3A_340, %sign3A_347 : i32
        %rem3A_349 = arith.remsi %add3A_331, %jit3A_332 : i32
        %ne3A_350 = arith.constant 0 : i32
        %ne3A_351 = arith.cmpi ne, %rem3A_349, %ne3A_350 : i32
        %and3A_352 = arith.andi %ne3A_348, %ne3A_351 : i1
        %sub3A_353 = arith.constant 1 : i32
        %sub3A_354 = arith.subi %div3A_333, %sub3A_353 : i32
        %select_n3A_355 = arith.select %and3A_352, %sub3A_354, %div3A_333 : i32
        %mul3A_356 = arith.constant 256 : i32
        %mul3A_357 = arith.muli %select_n3A_355, %mul3A_356 : i32
        %add3A_358 = arith.addi %select_n3A_73, %mul3A_357 : i32
        "tpu.region"() ({
          %run_scoped3A = tpu.sem_alloc : memref<!tpu.dma_semaphore, #tpu.memory_space<semaphore_mem>>
          %dma_start3A_359 = arith.constant 0 : i32
          %dma_start3A_360 = tpu.memref_slice %arg2[%dma_start3A_359, %add3A_358] : memref<3x327680xi32, #tpu.memory_space<hbm>> -> memref<3x256xi32, #tpu.memory_space<hbm>>
          %dma_start3A_361 = arith.constant 0 : i32
          %dma_start3A_362 = tpu.memref_slice %arg2[%dma_start3A_361, %add3A_358] : memref<3x327680xi32, #tpu.memory_space<hbm>> -> memref<3x256xi32, #tpu.memory_space<hbm>>
          tpu.enqueue_dma source(%dma_start3A_362 : memref<3x256xi32, #tpu.memory_space<hbm>>) target(%arg7 : memref<3x256xi32, #tpu.memory_space<vmem>>) target_semaphore(%run_scoped3A : memref<!tpu.dma_semaphore, #tpu.memory_space<semaphore_mem>>)
          %dma_wait3A_363 = arith.constant 0 : i32
          %dma_wait3A_364 = tpu.memref_slice %arg2[%dma_wait3A_363, %add3A_358] : memref<3x327680xi32, #tpu.memory_space<hbm>> -> memref<3x256xi32, #tpu.memory_space<hbm>>
          %dma_wait3A_365 = arith.constant 0 : i32
          %dma_wait3A_366 = tpu.memref_slice %arg2[%dma_wait3A_365, %add3A_358] : memref<3x327680xi32, #tpu.memory_space<hbm>> -> memref<3x256xi32, #tpu.memory_space<hbm>>
          tpu.wait_dma2 semaphore(%run_scoped3A : memref<!tpu.dma_semaphore, #tpu.memory_space<semaphore_mem>>) src(%dma_wait3A_366 : memref<3x256xi32, #tpu.memory_space<hbm>>) dst(%arg7 : memref<3x256xi32, #tpu.memory_space<vmem>>)
          tpu.yield
        }) : () -> ()
      } else {
      }
      %add3A_253 = arith.constant 1 : i32
      %add3A_254 = arith.addi %mul3A_207, %add3A_253 : i32
      %lt3A_255 = arith.cmpi slt, %add3A_254, %select_n3A : i32
      %convert_element_type3A_256 = arith.extui %lt3A_255 : i1 to i32
      %cond3A_257 = arith.constant 0 : i32
      %cond3A_258 = arith.cmpi ne, %convert_element_type3A_256, %cond3A_257 : i32
      scf.if %cond3A_258 {
        %add3A_330 = arith.constant 1 : i32
        %add3A_331 = arith.addi %mul3A_207, %add3A_330 : i32
        %rem3A_332 = arith.constant 8 : i32
        %rem3A_333 = arith.remsi %add3A_331, %rem3A_332 : i32
        %mul3A_334 = arith.constant 32 : i32
        %mul3A_335 = arith.muli %rem3A_333, %mul3A_334 : i32
        %add3A_336 = arith.constant 0 : i32
        %add3A_337 = arith.addi %mul3A_335, %add3A_336 : i32
        %dma_start3A_338 = arith.constant 0 : i32
        %dma_start3A_339 = arith.constant 0 : i32
        %dma_start3A_340 = arith.constant 0 : i32
        %dma_start3A_341 = tpu.memref_slice %arg9[%dma_start3A_339, %dma_start3A_340] : memref<32x96xf32, #tpu.memory_space<vmem>> -> memref<8x96xf32, #tpu.memory_space<vmem>>
        %dma_start3A_342 = tpu.memref_slice %arg7[%dma_start3A_338, %add3A_337] : memref<3x256xi32, #tpu.memory_space<vmem>> -> memref<1x8xi32, #tpu.memory_space<vmem>>
        %dma_start3A_343 = tpu.memref_squeeze %dma_start3A_342 : memref<1x8xi32, #tpu.memory_space<vmem>> -> memref<8xi32, #tpu.memory_space<vmem>>
        %dma_start3A_344 = arith.constant 0 : i32
        %dma_start3A_345 = arith.constant 0 : i32
        %dma_start3A_346 = tpu.memref_slice %arg3[%dma_start3A_344, %dma_start3A_345] : memref<10000x96xf32, #tpu.memory_space<hbm>> -> memref<10000x96xf32, #tpu.memory_space<hbm>>
        tpu.enqueue_indirect_dma source(%dma_start3A_346 : memref<10000x96xf32, #tpu.memory_space<hbm>>) target(%dma_start3A_341 : memref<8x96xf32, #tpu.memory_space<vmem>>) offsets(%dma_start3A_343 : memref<8xi32, #tpu.memory_space<vmem>>) semaphore(%arg19 : memref<!tpu.dma_semaphore, #tpu.memory_space<semaphore_mem>>)
        %add3A_347 = arith.constant 0 : i32
        %add3A_348 = arith.addi %mul3A_335, %add3A_347 : i32
        %dma_start3A_349 = arith.constant 1 : i32
        %dma_start3A_350 = arith.constant 0 : i32
        %dma_start3A_351 = arith.constant 0 : i32
        %dma_start3A_352 = tpu.memref_slice %arg11[%dma_start3A_350, %dma_start3A_351] : memref<32x96xf32, #tpu.memory_space<vmem>> -> memref<8x96xf32, #tpu.memory_space<vmem>>
        %dma_start3A_353 = tpu.memref_slice %arg7[%dma_start3A_349, %add3A_348] : memref<3x256xi32, #tpu.memory_space<vmem>> -> memref<1x8xi32, #tpu.memory_space<vmem>>
        %dma_start3A_354 = tpu.memref_squeeze %dma_start3A_353 : memref<1x8xi32, #tpu.memory_space<vmem>> -> memref<8xi32, #tpu.memory_space<vmem>>
        %dma_start3A_355 = arith.constant 0 : i32
        %dma_start3A_356 = arith.constant 0 : i32
        %dma_start3A_357 = tpu.memref_slice %arg4[%dma_start3A_355, %dma_start3A_356] : memref<401x96xf32, #tpu.memory_space<hbm>> -> memref<401x96xf32, #tpu.memory_space<hbm>>
        tpu.enqueue_indirect_dma source(%dma_start3A_357 : memref<401x96xf32, #tpu.memory_space<hbm>>) target(%dma_start3A_352 : memref<8x96xf32, #tpu.memory_space<vmem>>) offsets(%dma_start3A_354 : memref<8xi32, #tpu.memory_space<vmem>>) semaphore(%arg19 : memref<!tpu.dma_semaphore, #tpu.memory_space<semaphore_mem>>)
        %add3A_358 = arith.constant 8 : i32
        %add3A_359 = arith.addi %mul3A_335, %add3A_358 : i32
        %dma_start3A_360 = arith.constant 0 : i32
        %dma_start3A_361 = arith.constant 8 : i32
        %dma_start3A_362 = arith.constant 0 : i32
        %dma_start3A_363 = tpu.memref_slice %arg9[%dma_start3A_361, %dma_start3A_362] : memref<32x96xf32, #tpu.memory_space<vmem>> -> memref<8x96xf32, #tpu.memory_space<vmem>>
        %dma_start3A_364 = tpu.memref_slice %arg7[%dma_start3A_360, %add3A_359] : memref<3x256xi32, #tpu.memory_space<vmem>> -> memref<1x8xi32, #tpu.memory_space<vmem>>
        %dma_start3A_365 = tpu.memref_squeeze %dma_start3A_364 : memref<1x8xi32, #tpu.memory_space<vmem>> -> memref<8xi32, #tpu.memory_space<vmem>>
        %dma_start3A_366 = arith.constant 0 : i32
        %dma_start3A_367 = arith.constant 0 : i32
        %dma_start3A_368 = tpu.memref_slice %arg3[%dma_start3A_366, %dma_start3A_367] : memref<10000x96xf32, #tpu.memory_space<hbm>> -> memref<10000x96xf32, #tpu.memory_space<hbm>>
        tpu.enqueue_indirect_dma source(%dma_start3A_368 : memref<10000x96xf32, #tpu.memory_space<hbm>>) target(%dma_start3A_363 : memref<8x96xf32, #tpu.memory_space<vmem>>) offsets(%dma_start3A_365 : memref<8xi32, #tpu.memory_space<vmem>>) semaphore(%arg19 : memref<!tpu.dma_semaphore, #tpu.memory_space<semaphore_mem>>)
        %add3A_369 = arith.constant 8 : i32
        %add3A_370 = arith.addi %mul3A_335, %add3A_369 : i32
        %dma_start3A_371 = arith.constant 1 : i32
        %dma_start3A_372 = arith.constant 8 : i32
        %dma_start3A_373 = arith.constant 0 : i32
        %dma_start3A_374 = tpu.memref_slice %arg11[%dma_start3A_372, %dma_start3A_373] : memref<32x96xf32, #tpu.memory_space<vmem>> -> memref<8x96xf32, #tpu.memory_space<vmem>>
        %dma_start3A_375 = tpu.memref_slice %arg7[%dma_start3A_371, %add3A_370] : memref<3x256xi32, #tpu.memory_space<vmem>> -> memref<1x8xi32, #tpu.memory_space<vmem>>
        %dma_start3A_376 = tpu.memref_squeeze %dma_start3A_375 : memref<1x8xi32, #tpu.memory_space<vmem>> -> memref<8xi32, #tpu.memory_space<vmem>>
        %dma_start3A_377 = arith.constant 0 : i32
        %dma_start3A_378 = arith.constant 0 : i32
        %dma_start3A_379 = tpu.memref_slice %arg4[%dma_start3A_377, %dma_start3A_378] : memref<401x96xf32, #tpu.memory_space<hbm>> -> memref<401x96xf32, #tpu.memory_space<hbm>>
        tpu.enqueue_indirect_dma source(%dma_start3A_379 : memref<401x96xf32, #tpu.memory_space<hbm>>) target(%dma_start3A_374 : memref<8x96xf32, #tpu.memory_space<vmem>>) offsets(%dma_start3A_376 : memref<8xi32, #tpu.memory_space<vmem>>) semaphore(%arg19 : memref<!tpu.dma_semaphore, #tpu.memory_space<semaphore_mem>>)
        %add3A_380 = arith.constant 16 : i32
        %add3A_381 = arith.addi %mul3A_335, %add3A_380 : i32
        %dma_start3A_382 = arith.constant 0 : i32
        %dma_start3A_383 = arith.constant 16 : i32
        %dma_start3A_384 = arith.constant 0 : i32
        %dma_start3A_385 = tpu.memref_slice %arg9[%dma_start3A_383, %dma_start3A_384] : memref<32x96xf32, #tpu.memory_space<vmem>> -> memref<8x96xf32, #tpu.memory_space<vmem>>
        %dma_start3A_386 = tpu.memref_slice %arg7[%dma_start3A_382, %add3A_381] : memref<3x256xi32, #tpu.memory_space<vmem>> -> memref<1x8xi32, #tpu.memory_space<vmem>>
        %dma_start3A_387 = tpu.memref_squeeze %dma_start3A_386 : memref<1x8xi32, #tpu.memory_space<vmem>> -> memref<8xi32, #tpu.memory_space<vmem>>
        %dma_start3A_388 = arith.constant 0 : i32
        %dma_start3A_389 = arith.constant 0 : i32
        %dma_start3A_390 = tpu.memref_slice %arg3[%dma_start3A_388, %dma_start3A_389] : memref<10000x96xf32, #tpu.memory_space<hbm>> -> memref<10000x96xf32, #tpu.memory_space<hbm>>
        tpu.enqueue_indirect_dma source(%dma_start3A_390 : memref<10000x96xf32, #tpu.memory_space<hbm>>) target(%dma_start3A_385 : memref<8x96xf32, #tpu.memory_space<vmem>>) offsets(%dma_start3A_387 : memref<8xi32, #tpu.memory_space<vmem>>) semaphore(%arg19 : memref<!tpu.dma_semaphore, #tpu.memory_space<semaphore_mem>>)
        %add3A_391 = arith.constant 16 : i32
        %add3A_392 = arith.addi %mul3A_335, %add3A_391 : i32
        %dma_start3A_393 = arith.constant 1 : i32
        %dma_start3A_394 = arith.constant 16 : i32
        %dma_start3A_395 = arith.constant 0 : i32
        %dma_start3A_396 = tpu.memref_slice %arg11[%dma_start3A_394, %dma_start3A_395] : memref<32x96xf32, #tpu.memory_space<vmem>> -> memref<8x96xf32, #tpu.memory_space<vmem>>
        %dma_start3A_397 = tpu.memref_slice %arg7[%dma_start3A_393, %add3A_392] : memref<3x256xi32, #tpu.memory_space<vmem>> -> memref<1x8xi32, #tpu.memory_space<vmem>>
        %dma_start3A_398 = tpu.memref_squeeze %dma_start3A_397 : memref<1x8xi32, #tpu.memory_space<vmem>> -> memref<8xi32, #tpu.memory_space<vmem>>
        %dma_start3A_399 = arith.constant 0 : i32
        %dma_start3A_400 = arith.constant 0 : i32
        %dma_start3A_401 = tpu.memref_slice %arg4[%dma_start3A_399, %dma_start3A_400] : memref<401x96xf32, #tpu.memory_space<hbm>> -> memref<401x96xf32, #tpu.memory_space<hbm>>
        tpu.enqueue_indirect_dma source(%dma_start3A_401 : memref<401x96xf32, #tpu.memory_space<hbm>>) target(%dma_start3A_396 : memref<8x96xf32, #tpu.memory_space<vmem>>) offsets(%dma_start3A_398 : memref<8xi32, #tpu.memory_space<vmem>>) semaphore(%arg19 : memref<!tpu.dma_semaphore, #tpu.memory_space<semaphore_mem>>)
        %add3A_402 = arith.constant 24 : i32
        %add3A_403 = arith.addi %mul3A_335, %add3A_402 : i32
        %dma_start3A_404 = arith.constant 0 : i32
        %dma_start3A_405 = arith.constant 24 : i32
        %dma_start3A_406 = arith.constant 0 : i32
        %dma_start3A_407 = tpu.memref_slice %arg9[%dma_start3A_405, %dma_start3A_406] : memref<32x96xf32, #tpu.memory_space<vmem>> -> memref<8x96xf32, #tpu.memory_space<vmem>>
        %dma_start3A_408 = tpu.memref_slice %arg7[%dma_start3A_404, %add3A_403] : memref<3x256xi32, #tpu.memory_space<vmem>> -> memref<1x8xi32, #tpu.memory_space<vmem>>
        %dma_start3A_409 = tpu.memref_squeeze %dma_start3A_408 : memref<1x8xi32, #tpu.memory_space<vmem>> -> memref<8xi32, #tpu.memory_space<vmem>>
        %dma_start3A_410 = arith.constant 0 : i32
        %dma_start3A_411 = arith.constant 0 : i32
        %dma_start3A_412 = tpu.memref_slice %arg3[%dma_start3A_410, %dma_start3A_411] : memref<10000x96xf32, #tpu.memory_space<hbm>> -> memref<10000x96xf32, #tpu.memory_space<hbm>>
        tpu.enqueue_indirect_dma source(%dma_start3A_412 : memref<10000x96xf32, #tpu.memory_space<hbm>>) target(%dma_start3A_407 : memref<8x96xf32, #tpu.memory_space<vmem>>) offsets(%dma_start3A_409 : memref<8xi32, #tpu.memory_space<vmem>>) semaphore(%arg19 : memref<!tpu.dma_semaphore, #tpu.memory_space<semaphore_mem>>)
        %add3A_413 = arith.constant 24 : i32
        %add3A_414 = arith.addi %mul3A_335, %add3A_413 : i32
        %dma_start3A_415 = arith.constant 1 : i32
        %dma_start3A_416 = arith.constant 24 : i32
        %dma_start3A_417 = arith.constant 0 : i32
        %dma_start3A_418 = tpu.memref_slice %arg11[%dma_start3A_416, %dma_start3A_417] : memref<32x96xf32, #tpu.memory_space<vmem>> -> memref<8x96xf32, #tpu.memory_space<vmem>>
        %dma_start3A_419 = tpu.memref_slice %arg7[%dma_start3A_415, %add3A_414] : memref<3x256xi32, #tpu.memory_space<vmem>> -> memref<1x8xi32, #tpu.memory_space<vmem>>
        %dma_start3A_420 = tpu.memref_squeeze %dma_start3A_419 : memref<1x8xi32, #tpu.memory_space<vmem>> -> memref<8xi32, #tpu.memory_space<vmem>>
        %dma_start3A_421 = arith.constant 0 : i32
        %dma_start3A_422 = arith.constant 0 : i32
        %dma_start3A_423 = tpu.memref_slice %arg4[%dma_start3A_421, %dma_start3A_422] : memref<401x96xf32, #tpu.memory_space<hbm>> -> memref<401x96xf32, #tpu.memory_space<hbm>>
        tpu.enqueue_indirect_dma source(%dma_start3A_423 : memref<401x96xf32, #tpu.memory_space<hbm>>) target(%dma_start3A_418 : memref<8x96xf32, #tpu.memory_space<vmem>>) offsets(%dma_start3A_420 : memref<8xi32, #tpu.memory_space<vmem>>) semaphore(%arg19 : memref<!tpu.dma_semaphore, #tpu.memory_space<semaphore_mem>>)
      } else {
      }
      %parallel_loop3A = arith.constant 0 : i32
      %parallel_loop3A_259 = arith.constant 32 : i32
      %parallel_loop3A_260 = arith.constant 1 : i32
      scf.for %parallel_loop3A_330 = %parallel_loop3A to %parallel_loop3A_259 step %parallel_loop3A_260  : i32 {
        %parallel_loop3A_331 = arith.index_cast %parallel_loop3A_330 : i32 to index
        %parallel_loop3A_332 = arith.constant 64 : index
        %parallel_loop3A_333 = tpu.vector_load %arg8[%parallel_loop3A_331, %parallel_loop3A_332] {strides = array<i32>} : memref<32x96xf32, #tpu.memory_space<vmem>>, vector<16xf32>,
        %parallel_loop3A_334 = arith.index_cast %parallel_loop3A_330 : i32 to index
        %parallel_loop3A_335 = arith.constant 64 : index
        %parallel_loop3A_336 = tpu.vector_load %arg10[%parallel_loop3A_334, %parallel_loop3A_335] {strides = array<i32>} : memref<32x96xf32, #tpu.memory_space<vmem>>, vector<16xf32>,
        %parallel_loop3A_337 = vector.bitcast %parallel_loop3A_333 : vector<16xf32> to vector<32xbf16>
        %parallel_loop3A_338 = tpu.unpack_subelements %parallel_loop3A_337, 0 {pack_format = #tpu.pack_format<interleaved>} : vector<32xbf16> -> vector<16xf32>
        %parallel_loop3A_339 = tpu.unpack_subelements %parallel_loop3A_337, 1 {pack_format = #tpu.pack_format<interleaved>} : vector<32xbf16> -> vector<16xf32>
        %parallel_loop3A_340 = vector.bitcast %parallel_loop3A_336 : vector<16xf32> to vector<32xbf16>
        %parallel_loop3A_341 = tpu.unpack_subelements %parallel_loop3A_340, 0 {pack_format = #tpu.pack_format<interleaved>} : vector<32xbf16> -> vector<16xf32>
        %parallel_loop3A_342 = tpu.unpack_subelements %parallel_loop3A_340, 1 {pack_format = #tpu.pack_format<interleaved>} : vector<32xbf16> -> vector<16xf32>
        %parallel_loop3A_343 = arith.addf %parallel_loop3A_338, %parallel_loop3A_341 : vector<16xf32>
        %parallel_loop3A_344 = arith.constant 0.000000e+00 : f32
        %parallel_loop3A_345 = vector.broadcast %parallel_loop3A_344 : f32 to vector<16xf32>
        %parallel_loop3A_346 = arith.maximumf %parallel_loop3A_343, %parallel_loop3A_345 : vector<16xf32>
        %parallel_loop3A_347 = arith.mulf %parallel_loop3A_346, %get3A_54 : vector<16xf32>
        %parallel_loop3A_348 = arith.addf %parallel_loop3A_339, %parallel_loop3A_342 : vector<16xf32>
        %parallel_loop3A_349 = arith.constant 0.000000e+00 : f32
        %parallel_loop3A_350 = vector.broadcast %parallel_loop3A_349 : f32 to vector<16xf32>
        %parallel_loop3A_351 = arith.maximumf %parallel_loop3A_348, %parallel_loop3A_350 : vector<16xf32>
        %parallel_loop3A_352 = arith.mulf %parallel_loop3A_351, %get3A_56 : vector<16xf32>
        %parallel_loop3A_353 = arith.addf %parallel_loop3A_347, %parallel_loop3A_352 : vector<16xf32>
        %parallel_loop3A_354 = arith.index_cast %parallel_loop3A_330 : i32 to index
        %parallel_loop3A_355 = arith.constant 80 : index
        %parallel_loop3A_356 = tpu.vector_load %arg8[%parallel_loop3A_354, %parallel_loop3A_355] {strides = array<i32>} : memref<32x96xf32, #tpu.memory_space<vmem>>, vector<16xf32>,
        %parallel_loop3A_357 = arith.index_cast %parallel_loop3A_330 : i32 to index
        %parallel_loop3A_358 = arith.constant 80 : index
        %parallel_loop3A_359 = tpu.vector_load %arg10[%parallel_loop3A_357, %parallel_loop3A_358] {strides = array<i32>} : memref<32x96xf32, #tpu.memory_space<vmem>>, vector<16xf32>,
        %parallel_loop3A_360 = vector.bitcast %parallel_loop3A_356 : vector<16xf32> to vector<32xbf16>
        %parallel_loop3A_361 = tpu.unpack_subelements %parallel_loop3A_360, 0 {pack_format = #tpu.pack_format<interleaved>} : vector<32xbf16> -> vector<16xf32>
        %parallel_loop3A_362 = tpu.unpack_subelements %parallel_loop3A_360, 1 {pack_format = #tpu.pack_format<interleaved>} : vector<32xbf16> -> vector<16xf32>
        %parallel_loop3A_363 = vector.bitcast %parallel_loop3A_359 : vector<16xf32> to vector<32xbf16>
        %parallel_loop3A_364 = tpu.unpack_subelements %parallel_loop3A_363, 0 {pack_format = #tpu.pack_format<interleaved>} : vector<32xbf16> -> vector<16xf32>
        %parallel_loop3A_365 = tpu.unpack_subelements %parallel_loop3A_363, 1 {pack_format = #tpu.pack_format<interleaved>} : vector<32xbf16> -> vector<16xf32>
        %parallel_loop3A_366 = arith.addf %parallel_loop3A_361, %parallel_loop3A_364 : vector<16xf32>
        %parallel_loop3A_367 = arith.constant 0.000000e+00 : f32
        %parallel_loop3A_368 = vector.broadcast %parallel_loop3A_367 : f32 to vector<16xf32>
        %parallel_loop3A_369 = arith.maximumf %parallel_loop3A_366, %parallel_loop3A_368 : vector<16xf32>
        %parallel_loop3A_370 = arith.mulf %parallel_loop3A_369, %get3A_58 : vector<16xf32>
        %parallel_loop3A_371 = arith.addf %parallel_loop3A_353, %parallel_loop3A_370 : vector<16xf32>
        %parallel_loop3A_372 = arith.addf %parallel_loop3A_362, %parallel_loop3A_365 : vector<16xf32>
        %parallel_loop3A_373 = arith.constant 0.000000e+00 : f32
        %parallel_loop3A_374 = vector.broadcast %parallel_loop3A_373 : f32 to vector<16xf32>
        %parallel_loop3A_375 = arith.maximumf %parallel_loop3A_372, %parallel_loop3A_374 : vector<16xf32>
        %parallel_loop3A_376 = arith.mulf %parallel_loop3A_375, %get3A_60 : vector<16xf32>
        %parallel_loop3A_377 = arith.addf %parallel_loop3A_371, %parallel_loop3A_376 : vector<16xf32>
        %parallel_loop3A_378 = arith.constant true
        %parallel_loop3A_379 = vector.broadcast %parallel_loop3A_378 : i1 to vector<16xi1>
        %parallel_loop3A_380 = tpu.scan <sum>, %parallel_loop3A_377 masked %parallel_loop3A_379 : vector<16xf32>, vector<16xi1> -> vector<16xf32>
        %parallel_loop3A_381 = vector.shape_cast %broadcast_in_dim3A_62 : vector<16xi32> to vector<16x1xi32>
        %parallel_loop3A_382 = vector.shape_cast %parallel_loop3A_381 : vector<16x1xi32> to vector<16xi32>
        %parallel_loop3A_383 = tpu.dynamic_gather %parallel_loop3A_380[%parallel_loop3A_382] in [0] : vector<16xf32>, vector<16xi32> -> vector<16xf32>
        %parallel_loop3A_384 = arith.constant 0.000000e+00 : f32
        %parallel_loop3A_385 = vector.broadcast %parallel_loop3A_384 : f32 to vector<16xf32>
        %parallel_loop3A_386 = arith.subf %parallel_loop3A_385, %parallel_loop3A_383 : vector<16xf32>
        %parallel_loop3A_387 = math.exp %parallel_loop3A_386 : vector<16xf32>
        %parallel_loop3A_388 = arith.constant 1.000000e+00 : f32
        %parallel_loop3A_389 = vector.broadcast %parallel_loop3A_388 : f32 to vector<16xf32>
        %parallel_loop3A_390 = arith.addf %parallel_loop3A_389, %parallel_loop3A_387 : vector<16xf32>
        %parallel_loop3A_391 = arith.constant 1.000000e+00 : f32
        %parallel_loop3A_392 = vector.broadcast %parallel_loop3A_391 : f32 to vector<16xf32>
        %parallel_loop3A_393 = arith.divf %parallel_loop3A_392, %parallel_loop3A_390 : vector<16xf32>
        %parallel_loop3A_394 = arith.index_cast %parallel_loop3A_330 : i32 to index
        %parallel_loop3A_395 = arith.constant 0 : index
        %parallel_loop3A_396 = tpu.vector_load %arg8[%parallel_loop3A_394, %parallel_loop3A_395] {strides = array<i32>} : memref<32x96xf32, #tpu.memory_space<vmem>>, vector<16xf32>,
        %parallel_loop3A_397 = arith.index_cast %parallel_loop3A_330 : i32 to index
        %parallel_loop3A_398 = arith.constant 0 : index
        %parallel_loop3A_399 = tpu.vector_load %arg10[%parallel_loop3A_397, %parallel_loop3A_398] {strides = array<i32>} : memref<32x96xf32, #tpu.memory_space<vmem>>, vector<16xf32>,
        %parallel_loop3A_400 = vector.bitcast %parallel_loop3A_396 : vector<16xf32> to vector<32xbf16>
        %parallel_loop3A_401 = tpu.unpack_subelements %parallel_loop3A_400, 0 {pack_format = #tpu.pack_format<interleaved>} : vector<32xbf16> -> vector<16xf32>
        %parallel_loop3A_402 = tpu.unpack_subelements %parallel_loop3A_400, 1 {pack_format = #tpu.pack_format<interleaved>} : vector<32xbf16> -> vector<16xf32>
        %parallel_loop3A_403 = vector.bitcast %parallel_loop3A_399 : vector<16xf32> to vector<32xbf16>
        %parallel_loop3A_404 = tpu.unpack_subelements %parallel_loop3A_403, 0 {pack_format = #tpu.pack_format<interleaved>} : vector<32xbf16> -> vector<16xf32>
        %parallel_loop3A_405 = tpu.unpack_subelements %parallel_loop3A_403, 1 {pack_format = #tpu.pack_format<interleaved>} : vector<32xbf16> -> vector<16xf32>
        %parallel_loop3A_406 = arith.mulf %parallel_loop3A_401, %parallel_loop3A_404 : vector<16xf32>
        %parallel_loop3A_407 = arith.mulf %parallel_loop3A_406, %parallel_loop3A_393 : vector<16xf32>
        %parallel_loop3A_408 = arith.index_cast %parallel_loop3A_330 : i32 to index
        %parallel_loop3A_409 = arith.constant 0 : index
        %parallel_loop3A_410 = tpu.vector_load %arg12[%parallel_loop3A_408, %parallel_loop3A_409] {strides = array<i32>} : memref<32x144xf32, #tpu.memory_space<vmem>>, vector<16xf32>,
        tpu.vector_store %arg12[%parallel_loop3A_408, %parallel_loop3A_409], %parallel_loop3A_407 {strides = array<i32>} : memref<32x144xf32, #tpu.memory_space<vmem>>, vector<16xf32>,
        %parallel_loop3A_411 = arith.mulf %parallel_loop3A_402, %parallel_loop3A_405 : vector<16xf32>
        %parallel_loop3A_412 = arith.mulf %parallel_loop3A_411, %parallel_loop3A_393 : vector<16xf32>
        %parallel_loop3A_413 = arith.index_cast %parallel_loop3A_330 : i32 to index
        %parallel_loop3A_414 = arith.constant 16 : index
        %parallel_loop3A_415 = tpu.vector_load %arg12[%parallel_loop3A_413, %parallel_loop3A_414] {strides = array<i32>} : memref<32x144xf32, #tpu.memory_space<vmem>>, vector<16xf32>,
        tpu.vector_store %arg12[%parallel_loop3A_413, %parallel_loop3A_414], %parallel_loop3A_412 {strides = array<i32>} : memref<32x144xf32, #tpu.memory_space<vmem>>, vector<16xf32>,
        %parallel_loop3A_416 = arith.index_cast %parallel_loop3A_330 : i32 to index
        %parallel_loop3A_417 = arith.constant 16 : index
        %parallel_loop3A_418 = tpu.vector_load %arg8[%parallel_loop3A_416, %parallel_loop3A_417] {strides = array<i32>} : memref<32x96xf32, #tpu.memory_space<vmem>>, vector<16xf32>,
        %parallel_loop3A_419 = arith.index_cast %parallel_loop3A_330 : i32 to index
        %parallel_loop3A_420 = arith.constant 16 : index
        %parallel_loop3A_421 = tpu.vector_load %arg10[%parallel_loop3A_419, %parallel_loop3A_420] {strides = array<i32>} : memref<32x96xf32, #tpu.memory_space<vmem>>, vector<16xf32>,
        %parallel_loop3A_422 = vector.bitcast %parallel_loop3A_418 : vector<16xf32> to vector<32xbf16>
        %parallel_loop3A_423 = tpu.unpack_subelements %parallel_loop3A_422, 0 {pack_format = #tpu.pack_format<interleaved>} : vector<32xbf16> -> vector<16xf32>
        %parallel_loop3A_424 = tpu.unpack_subelements %parallel_loop3A_422, 1 {pack_format = #tpu.pack_format<interleaved>} : vector<32xbf16> -> vector<16xf32>
        %parallel_loop3A_425 = vector.bitcast %parallel_loop3A_421 : vector<16xf32> to vector<32xbf16>
        %parallel_loop3A_426 = tpu.unpack_subelements %parallel_loop3A_425, 0 {pack_format = #tpu.pack_format<interleaved>} : vector<32xbf16> -> vector<16xf32>
        %parallel_loop3A_427 = tpu.unpack_subelements %parallel_loop3A_425, 1 {pack_format = #tpu.pack_format<interleaved>} : vector<32xbf16> -> vector<16xf32>
        %parallel_loop3A_428 = arith.mulf %parallel_loop3A_423, %parallel_loop3A_426 : vector<16xf32>
        %parallel_loop3A_429 = arith.mulf %parallel_loop3A_428, %parallel_loop3A_393 : vector<16xf32>
        %parallel_loop3A_430 = arith.index_cast %parallel_loop3A_330 : i32 to index
        %parallel_loop3A_431 = arith.constant 32 : index
        %parallel_loop3A_432 = tpu.vector_load %arg12[%parallel_loop3A_430, %parallel_loop3A_431] {strides = array<i32>} : memref<32x144xf32, #tpu.memory_space<vmem>>, vector<16xf32>,
        tpu.vector_store %arg12[%parallel_loop3A_430, %parallel_loop3A_431], %parallel_loop3A_429 {strides = array<i32>} : memref<32x144xf32, #tpu.memory_space<vmem>>, vector<16xf32>,
        %parallel_loop3A_433 = arith.mulf %parallel_loop3A_424, %parallel_loop3A_427 : vector<16xf32>
        %parallel_loop3A_434 = arith.mulf %parallel_loop3A_433, %parallel_loop3A_393 : vector<16xf32>
        %parallel_loop3A_435 = arith.index_cast %parallel_loop3A_330 : i32 to index
        %parallel_loop3A_436 = arith.constant 48 : index
        %parallel_loop3A_437 = tpu.vector_load %arg12[%parallel_loop3A_435, %parallel_loop3A_436] {strides = array<i32>} : memref<32x144xf32, #tpu.memory_space<vmem>>, vector<16xf32>,
        tpu.vector_store %arg12[%parallel_loop3A_435, %parallel_loop3A_436], %parallel_loop3A_434 {strides = array<i32>} : memref<32x144xf32, #tpu.memory_space<vmem>>, vector<16xf32>,
        %parallel_loop3A_438 = arith.index_cast %parallel_loop3A_330 : i32 to index
        %parallel_loop3A_439 = arith.constant 32 : index
        %parallel_loop3A_440 = tpu.vector_load %arg8[%parallel_loop3A_438, %parallel_loop3A_439] {strides = array<i32>} : memref<32x96xf32, #tpu.memory_space<vmem>>, vector<16xf32>,
        %parallel_loop3A_441 = arith.index_cast %parallel_loop3A_330 : i32 to index
        %parallel_loop3A_442 = arith.constant 32 : index
        %parallel_loop3A_443 = tpu.vector_load %arg10[%parallel_loop3A_441, %parallel_loop3A_442] {strides = array<i32>} : memref<32x96xf32, #tpu.memory_space<vmem>>, vector<16xf32>,
        %parallel_loop3A_444 = vector.bitcast %parallel_loop3A_440 : vector<16xf32> to vector<32xbf16>
        %parallel_loop3A_445 = tpu.unpack_subelements %parallel_loop3A_444, 0 {pack_format = #tpu.pack_format<interleaved>} : vector<32xbf16> -> vector<16xf32>
        %parallel_loop3A_446 = tpu.unpack_subelements %parallel_loop3A_444, 1 {pack_format = #tpu.pack_format<interleaved>} : vector<32xbf16> -> vector<16xf32>
        %parallel_loop3A_447 = vector.bitcast %parallel_loop3A_443 : vector<16xf32> to vector<32xbf16>
        %parallel_loop3A_448 = tpu.unpack_subelements %parallel_loop3A_447, 0 {pack_format = #tpu.pack_format<interleaved>} : vector<32xbf16> -> vector<16xf32>
        %parallel_loop3A_449 = tpu.unpack_subelements %parallel_loop3A_447, 1 {pack_format = #tpu.pack_format<interleaved>} : vector<32xbf16> -> vector<16xf32>
        %parallel_loop3A_450 = arith.mulf %parallel_loop3A_445, %parallel_loop3A_448 : vector<16xf32>
        %parallel_loop3A_451 = arith.mulf %parallel_loop3A_450, %parallel_loop3A_393 : vector<16xf32>
        %parallel_loop3A_452 = arith.index_cast %parallel_loop3A_330 : i32 to index
        %parallel_loop3A_453 = arith.constant 64 : index
        %parallel_loop3A_454 = tpu.vector_load %arg12[%parallel_loop3A_452, %parallel_loop3A_453] {strides = array<i32>} : memref<32x144xf32, #tpu.memory_space<vmem>>, vector<16xf32>,
        tpu.vector_store %arg12[%parallel_loop3A_452, %parallel_loop3A_453], %parallel_loop3A_451 {strides = array<i32>} : memref<32x144xf32, #tpu.memory_space<vmem>>, vector<16xf32>,
        %parallel_loop3A_455 = arith.mulf %parallel_loop3A_446, %parallel_loop3A_449 : vector<16xf32>
        %parallel_loop3A_456 = arith.mulf %parallel_loop3A_455, %parallel_loop3A_393 : vector<16xf32>
        %parallel_loop3A_457 = arith.index_cast %parallel_loop3A_330 : i32 to index
        %parallel_loop3A_458 = arith.constant 80 : index
        %parallel_loop3A_459 = tpu.vector_load %arg12[%parallel_loop3A_457, %parallel_loop3A_458] {strides = array<i32>} : memref<32x144xf32, #tpu.memory_space<vmem>>, vector<16xf32>,
        tpu.vector_store %arg12[%parallel_loop3A_457, %parallel_loop3A_458], %parallel_loop3A_456 {strides = array<i32>} : memref<32x144xf32, #tpu.memory_space<vmem>>, vector<16xf32>,
        %parallel_loop3A_460 = arith.index_cast %parallel_loop3A_330 : i32 to index
        %parallel_loop3A_461 = arith.constant 48 : index
        %parallel_loop3A_462 = tpu.vector_load %arg8[%parallel_loop3A_460, %parallel_loop3A_461] {strides = array<i32>} : memref<32x96xf32, #tpu.memory_space<vmem>>, vector<16xf32>,
        %parallel_loop3A_463 = arith.index_cast %parallel_loop3A_330 : i32 to index
        %parallel_loop3A_464 = arith.constant 48 : index
        %parallel_loop3A_465 = tpu.vector_load %arg10[%parallel_loop3A_463, %parallel_loop3A_464] {strides = array<i32>} : memref<32x96xf32, #tpu.memory_space<vmem>>, vector<16xf32>,
        %parallel_loop3A_466 = vector.bitcast %parallel_loop3A_462 : vector<16xf32> to vector<32xbf16>
        %parallel_loop3A_467 = tpu.unpack_subelements %parallel_loop3A_466, 0 {pack_format = #tpu.pack_format<interleaved>} : vector<32xbf16> -> vector<16xf32>
        %parallel_loop3A_468 = tpu.unpack_subelements %parallel_loop3A_466, 1 {pack_format = #tpu.pack_format<interleaved>} : vector<32xbf16> -> vector<16xf32>
        %parallel_loop3A_469 = vector.bitcast %parallel_loop3A_465 : vector<16xf32> to vector<32xbf16>
        %parallel_loop3A_470 = tpu.unpack_subelements %parallel_loop3A_469, 0 {pack_format = #tpu.pack_format<interleaved>} : vector<32xbf16> -> vector<16xf32>
        %parallel_loop3A_471 = tpu.unpack_subelements %parallel_loop3A_469, 1 {pack_format = #tpu.pack_format<interleaved>} : vector<32xbf16> -> vector<16xf32>
        %parallel_loop3A_472 = arith.mulf %parallel_loop3A_467, %parallel_loop3A_470 : vector<16xf32>
        %parallel_loop3A_473 = arith.mulf %parallel_loop3A_472, %parallel_loop3A_393 : vector<16xf32>
        %parallel_loop3A_474 = arith.index_cast %parallel_loop3A_330 : i32 to index
        %parallel_loop3A_475 = arith.constant 96 : index
        %parallel_loop3A_476 = tpu.vector_load %arg12[%parallel_loop3A_474, %parallel_loop3A_475] {strides = array<i32>} : memref<32x144xf32, #tpu.memory_space<vmem>>, vector<16xf32>,
        tpu.vector_store %arg12[%parallel_loop3A_474, %parallel_loop3A_475], %parallel_loop3A_473 {strides = array<i32>} : memref<32x144xf32, #tpu.memory_space<vmem>>, vector<16xf32>,
        %parallel_loop3A_477 = arith.mulf %parallel_loop3A_468, %parallel_loop3A_471 : vector<16xf32>
        %parallel_loop3A_478 = arith.mulf %parallel_loop3A_477, %parallel_loop3A_393 : vector<16xf32>
        %parallel_loop3A_479 = arith.index_cast %parallel_loop3A_330 : i32 to index
        %parallel_loop3A_480 = arith.constant 112 : index
        %parallel_loop3A_481 = tpu.vector_load %arg12[%parallel_loop3A_479, %parallel_loop3A_480] {strides = array<i32>} : memref<32x144xf32, #tpu.memory_space<vmem>>, vector<16xf32>,
        tpu.vector_store %arg12[%parallel_loop3A_479, %parallel_loop3A_480], %parallel_loop3A_478 {strides = array<i32>} : memref<32x144xf32, #tpu.memory_space<vmem>>, vector<16xf32>,
      } {sc.loop_unroll_factor = 4 : i64, sc.parallel_access}
      %dma_start3A_261 = arith.constant 0 : i32
      %dma_start3A_262 = arith.constant 0 : i32
      %dma_start3A_263 = tpu.memref_slice %arg17[%dma_start3A_261, %dma_start3A_262] : memref<10112x144xf32, #tpu.memory_space<vmem_shared>> -> memref<10112x144xf32, #tpu.memory_space<vmem_shared>>
      tpu.enqueue_indirect_dma source(%arg12 : memref<32x144xf32, #tpu.memory_space<vmem>>) target(%dma_start3A_263 : memref<10112x144xf32, #tpu.memory_space<vmem_shared>>) offsets(%arg14 : memref<32xi32, #tpu.memory_space<vmem>>) semaphore(%arg20 : memref<!tpu.dma_semaphore, #tpu.memory_space<semaphore_mem>>) {add = true}
      %mul3A_264 = arith.constant 2 : i32
      %mul3A_265 = arith.muli %mul3A_264, %while3A_205 : i32
      %add3A_266 = arith.constant 1 : i32
      %add3A_267 = arith.addi %mul3A_265, %add3A_266 : i32
      %dma_wait3A_268 = arith.constant 0 : i32
      %dma_wait3A_269 = arith.constant 0 : i32
      %dma_wait3A_270 = tpu.memref_slice %arg3[%dma_wait3A_268, %dma_wait3A_269] : memref<10000x96xf32, #tpu.memory_space<hbm>> -> memref<32x96xf32, #tpu.memory_space<hbm>>
      %dma_wait3A_271 = arith.constant 0 : i32
      %dma_wait3A_272 = arith.constant 0 : i32
      %dma_wait3A_273 = tpu.memref_slice %arg3[%dma_wait3A_271, %dma_wait3A_272] : memref<10000x96xf32, #tpu.memory_space<hbm>> -> memref<32x96xf32, #tpu.memory_space<hbm>>
      tpu.wait_dma2 semaphore(%arg19 : memref<!tpu.dma_semaphore, #tpu.memory_space<semaphore_mem>>) src(%dma_wait3A_273 : memref<32x96xf32, #tpu.memory_space<hbm>>) dst(%arg9 : memref<32x96xf32, #tpu.memory_space<vmem>>)
      %dma_wait3A_274 = arith.constant 0 : i32
      %dma_wait3A_275 = arith.constant 0 : i32
      %dma_wait3A_276 = tpu.memref_slice %arg3[%dma_wait3A_274, %dma_wait3A_275] : memref<10000x96xf32, #tpu.memory_space<hbm>> -> memref<32x96xf32, #tpu.memory_space<hbm>>
      %dma_wait3A_277 = arith.constant 0 : i32
      %dma_wait3A_278 = arith.constant 0 : i32
      %dma_wait3A_279 = tpu.memref_slice %arg3[%dma_wait3A_277, %dma_wait3A_278] : memref<10000x96xf32, #tpu.memory_space<hbm>> -> memref<32x96xf32, #tpu.memory_space<hbm>>
      tpu.wait_dma2 semaphore(%arg19 : memref<!tpu.dma_semaphore, #tpu.memory_space<semaphore_mem>>) src(%dma_wait3A_279 : memref<32x96xf32, #tpu.memory_space<hbm>>) dst(%arg11 : memref<32x96xf32, #tpu.memory_space<vmem>>)
      %ge3A_280 = arith.constant 1 : i32
      %ge3A_281 = arith.cmpi sge, %while3A_205, %ge3A_280 : i32
      %convert_element_type3A_282 = arith.extui %ge3A_281 : i1 to i32
      %cond3A_283 = arith.constant 0 : i32
      %cond3A_284 = arith.cmpi ne, %convert_element_type3A_282, %cond3A_283 : i32
      scf.if %cond3A_284 {
        %dma_wait3A_330 = arith.constant 0 : i32
        %dma_wait3A_331 = arith.constant 0 : i32
        %dma_wait3A_332 = tpu.memref_slice %arg17[%dma_wait3A_330, %dma_wait3A_331] : memref<10112x144xf32, #tpu.memory_space<vmem_shared>> -> memref<10112x144xf32, #tpu.memory_space<vmem_shared>>
        tpu.wait_indirect_dma semaphore(%arg21 : memref<!tpu.dma_semaphore, #tpu.memory_space<semaphore_mem>>) src(%arg13 : memref<32x144xf32, #tpu.memory_space<vmem>>) dst(%dma_wait3A_332 : memref<10112x144xf32, #tpu.memory_space<vmem_shared>>)
      } else {
      }
      %rem3A_285 = arith.constant 8 : i32
      %rem3A_286 = arith.remsi %add3A_267, %rem3A_285 : i32
      %mul3A_287 = arith.constant 32 : i32
      %mul3A_288 = arith.muli %rem3A_286, %mul3A_287 : i32
      %add3A_289 = arith.constant 0 : i32
      %add3A_290 = arith.addi %mul3A_288, %add3A_289 : i32
      %get3A_291 = arith.constant 2 : i32
      %get3A_292 = arith.index_cast %get3A_291 : i32 to index
      %get3A_293 = arith.index_cast %add3A_290 : i32 to index
      %get3A_294 = tpu.vector_load %arg7[%get3A_292, %get3A_293] {strides = array<i32>} : memref<3x256xi32, #tpu.memory_space<vmem>>, vector<16xi32>,
      %swap3A_295 = arith.constant 0 : index
      %swap3A_296 = tpu.vector_load %arg15[%swap3A_295] {strides = array<i32>} : memref<32xi32, #tpu.memory_space<vmem>>, vector<16xi32>,
      tpu.vector_store %arg15[%swap3A_295], %get3A_294 {strides = array<i32>} : memref<32xi32, #tpu.memory_space<vmem>>, vector<16xi32>,
      %add3A_297 = arith.constant 16 : i32
      %add3A_298 = arith.addi %mul3A_288, %add3A_297 : i32
      %get3A_299 = arith.constant 2 : i32
      %get3A_300 = arith.index_cast %get3A_299 : i32 to index
      %get3A_301 = arith.index_cast %add3A_298 : i32 to index
      %get3A_302 = tpu.vector_load %arg7[%get3A_300, %get3A_301] {strides = array<i32>} : memref<3x256xi32, #tpu.memory_space<vmem>>, vector<16xi32>,
      %swap3A_303 = arith.constant 16 : index
      %swap3A_304 = tpu.vector_load %arg15[%swap3A_303] {strides = array<i32>} : memref<32xi32, #tpu.memory_space<vmem>>, vector<16xi32>,
      tpu.vector_store %arg15[%swap3A_303], %get3A_302 {strides = array<i32>} : memref<32xi32, #tpu.memory_space<vmem>>, vector<16xi32>,
      %add3A_305 = arith.constant 1 : i32
      %add3A_306 = arith.addi %add3A_267, %add3A_305 : i32
      %rem3A_307 = arith.constant 8 : i32
      %rem3A_308 = arith.remsi %add3A_306, %rem3A_307 : i32
      %eq3A_309 = arith.constant 0 : i32
      %eq3A_310 = arith.cmpi eq, %rem3A_308, %eq3A_309 : i32
      %add3A_311 = arith.constant 1 : i32
      %add3A_312 = arith.addi %add3A_267, %add3A_311 : i32
      %lt3A_313 = arith.cmpi slt, %add3A_312, %select_n3A : i32
      %and3A_314 = arith.andi %eq3A_310, %lt3A_313 : i1
      %convert_element_type3A_315 = arith.extui %and3A_314 : i1 to i32
      %cond3A_316 = arith.constant 0 : i32
      %cond3A_317 = arith.cmpi ne, %convert_element_type3A_315, %cond3A_316 : i32
      scf.if %cond3A_317 {
        %add3A_330 = arith.constant 1 : i32
        %add3A_331 = arith.addi %add3A_267, %add3A_330 : i32
        %jit3A_332 = arith.constant 8 : i32
        %div3A_333 = arith.divsi %add3A_331, %jit3A_332 : i32
        %sign3A_334 = arith.constant 0 : i32
        %sign3A_335 = arith.cmpi sgt, %add3A_331, %sign3A_334 : i32
        %sign3A_336 = arith.extui %sign3A_335 : i1 to i32
        %sign3A_337 = arith.constant 0 : i32
        %sign3A_338 = arith.cmpi slt, %add3A_331, %sign3A_337 : i32
        %sign3A_339 = arith.extui %sign3A_338 : i1 to i32
        %sign3A_340 = arith.subi %sign3A_336, %sign3A_339 : i32
        %sign3A_341 = arith.constant 0 : i32
        %sign3A_342 = arith.cmpi sgt, %jit3A_332, %sign3A_341 : i32
        %sign3A_343 = arith.extui %sign3A_342 : i1 to i32
        %sign3A_344 = arith.constant 0 : i32
        %sign3A_345 = arith.cmpi slt, %jit3A_332, %sign3A_344 : i32
        %sign3A_346 = arith.extui %sign3A_345 : i1 to i32
        %sign3A_347 = arith.subi %sign3A_343, %sign3A_346 : i32
        %ne3A_348 = arith.cmpi ne, %sign3A_340, %sign3A_347 : i32
        %rem3A_349 = arith.remsi %add3A_331, %jit3A_332 : i32
        %ne3A_350 = arith.constant 0 : i32
        %ne3A_351 = arith.cmpi ne, %rem3A_349, %ne3A_350 : i32
        %and3A_352 = arith.andi %ne3A_348, %ne3A_351 : i1
        %sub3A_353 = arith.constant 1 : i32
        %sub3A_354 = arith.subi %div3A_333, %sub3A_353 : i32
        %select_n3A_355 = arith.select %and3A_352, %sub3A_354, %div3A_333 : i32
        %mul3A_356 = arith.constant 256 : i32
        %mul3A_357 = arith.muli %select_n3A_355, %mul3A_356 : i32
        %add3A_358 = arith.addi %select_n3A_73, %mul3A_357 : i32
        "tpu.region"() ({
          %run_scoped3A = tpu.sem_alloc : memref<!tpu.dma_semaphore, #tpu.memory_space<semaphore_mem>>
          %dma_start3A_359 = arith.constant 0 : i32
          %dma_start3A_360 = tpu.memref_slice %arg2[%dma_start3A_359, %add3A_358] : memref<3x327680xi32, #tpu.memory_space<hbm>> -> memref<3x256xi32, #tpu.memory_space<hbm>>
          %dma_start3A_361 = arith.constant 0 : i32
          %dma_start3A_362 = tpu.memref_slice %arg2[%dma_start3A_361, %add3A_358] : memref<3x327680xi32, #tpu.memory_space<hbm>> -> memref<3x256xi32, #tpu.memory_space<hbm>>
          tpu.enqueue_dma source(%dma_start3A_362 : memref<3x256xi32, #tpu.memory_space<hbm>>) target(%arg7 : memref<3x256xi32, #tpu.memory_space<vmem>>) target_semaphore(%run_scoped3A : memref<!tpu.dma_semaphore, #tpu.memory_space<semaphore_mem>>)
          %dma_wait3A_363 = arith.constant 0 : i32
          %dma_wait3A_364 = tpu.memref_slice %arg2[%dma_wait3A_363, %add3A_358] : memref<3x327680xi32, #tpu.memory_space<hbm>> -> memref<3x256xi32, #tpu.memory_space<hbm>>
          %dma_wait3A_365 = arith.constant 0 : i32
          %dma_wait3A_366 = tpu.memref_slice %arg2[%dma_wait3A_365, %add3A_358] : memref<3x327680xi32, #tpu.memory_space<hbm>> -> memref<3x256xi32, #tpu.memory_space<hbm>>
          tpu.wait_dma2 semaphore(%run_scoped3A : memref<!tpu.dma_semaphore, #tpu.memory_space<semaphore_mem>>) src(%dma_wait3A_366 : memref<3x256xi32, #tpu.memory_space<hbm>>) dst(%arg7 : memref<3x256xi32, #tpu.memory_space<vmem>>)
          tpu.yield
        }) : () -> ()
      } else {
      }
      %add3A_318 = arith.constant 1 : i32
      %add3A_319 = arith.addi %add3A_267, %add3A_318 : i32
      %lt3A_320 = arith.cmpi slt, %add3A_319, %select_n3A : i32
      %convert_element_type3A_321 = arith.extui %lt3A_320 : i1 to i32
      %cond3A_322 = arith.constant 0 : i32
      %cond3A_323 = arith.cmpi ne, %convert_element_type3A_321, %cond3A_322 : i32
      scf.if %cond3A_323 {
        %add3A_330 = arith.constant 1 : i32
        %add3A_331 = arith.addi %add3A_267, %add3A_330 : i32
        %rem3A_332 = arith.constant 8 : i32
        %rem3A_333 = arith.remsi %add3A_331, %rem3A_332 : i32
        %mul3A_334 = arith.constant 32 : i32
        %mul3A_335 = arith.muli %rem3A_333, %mul3A_334 : i32
        %add3A_336 = arith.constant 0 : i32
        %add3A_337 = arith.addi %mul3A_335, %add3A_336 : i32
        %dma_start3A_338 = arith.constant 0 : i32
        %dma_start3A_339 = arith.constant 0 : i32
        %dma_start3A_340 = arith.constant 0 : i32
        %dma_start3A_341 = tpu.memref_slice %arg8[%dma_start3A_339, %dma_start3A_340] : memref<32x96xf32, #tpu.memory_space<vmem>> -> memref<8x96xf32, #tpu.memory_space<vmem>>
        %dma_start3A_342 = tpu.memref_slice %arg7[%dma_start3A_338, %add3A_337] : memref<3x256xi32, #tpu.memory_space<vmem>> -> memref<1x8xi32, #tpu.memory_space<vmem>>
        %dma_start3A_343 = tpu.memref_squeeze %dma_start3A_342 : memref<1x8xi32, #tpu.memory_space<vmem>> -> memref<8xi32, #tpu.memory_space<vmem>>
        %dma_start3A_344 = arith.constant 0 : i32
        %dma_start3A_345 = arith.constant 0 : i32
        %dma_start3A_346 = tpu.memref_slice %arg3[%dma_start3A_344, %dma_start3A_345] : memref<10000x96xf32, #tpu.memory_space<hbm>> -> memref<10000x96xf32, #tpu.memory_space<hbm>>
        tpu.enqueue_indirect_dma source(%dma_start3A_346 : memref<10000x96xf32, #tpu.memory_space<hbm>>) target(%dma_start3A_341 : memref<8x96xf32, #tpu.memory_space<vmem>>) offsets(%dma_start3A_343 : memref<8xi32, #tpu.memory_space<vmem>>) semaphore(%arg18 : memref<!tpu.dma_semaphore, #tpu.memory_space<semaphore_mem>>)
        %add3A_347 = arith.constant 0 : i32
        %add3A_348 = arith.addi %mul3A_335, %add3A_347 : i32
        %dma_start3A_349 = arith.constant 1 : i32
        %dma_start3A_350 = arith.constant 0 : i32
        %dma_start3A_351 = arith.constant 0 : i32
        %dma_start3A_352 = tpu.memref_slice %arg10[%dma_start3A_350, %dma_start3A_351] : memref<32x96xf32, #tpu.memory_space<vmem>> -> memref<8x96xf32, #tpu.memory_space<vmem>>
        %dma_start3A_353 = tpu.memref_slice %arg7[%dma_start3A_349, %add3A_348] : memref<3x256xi32, #tpu.memory_space<vmem>> -> memref<1x8xi32, #tpu.memory_space<vmem>>
        %dma_start3A_354 = tpu.memref_squeeze %dma_start3A_353 : memref<1x8xi32, #tpu.memory_space<vmem>> -> memref<8xi32, #tpu.memory_space<vmem>>
        %dma_start3A_355 = arith.constant 0 : i32
        %dma_start3A_356 = arith.constant 0 : i32
        %dma_start3A_357 = tpu.memref_slice %arg4[%dma_start3A_355, %dma_start3A_356] : memref<401x96xf32, #tpu.memory_space<hbm>> -> memref<401x96xf32, #tpu.memory_space<hbm>>
        tpu.enqueue_indirect_dma source(%dma_start3A_357 : memref<401x96xf32, #tpu.memory_space<hbm>>) target(%dma_start3A_352 : memref<8x96xf32, #tpu.memory_space<vmem>>) offsets(%dma_start3A_354 : memref<8xi32, #tpu.memory_space<vmem>>) semaphore(%arg18 : memref<!tpu.dma_semaphore, #tpu.memory_space<semaphore_mem>>)
        %add3A_358 = arith.constant 8 : i32
        %add3A_359 = arith.addi %mul3A_335, %add3A_358 : i32
        %dma_start3A_360 = arith.constant 0 : i32
        %dma_start3A_361 = arith.constant 8 : i32
        %dma_start3A_362 = arith.constant 0 : i32
        %dma_start3A_363 = tpu.memref_slice %arg8[%dma_start3A_361, %dma_start3A_362] : memref<32x96xf32, #tpu.memory_space<vmem>> -> memref<8x96xf32, #tpu.memory_space<vmem>>
        %dma_start3A_364 = tpu.memref_slice %arg7[%dma_start3A_360, %add3A_359] : memref<3x256xi32, #tpu.memory_space<vmem>> -> memref<1x8xi32, #tpu.memory_space<vmem>>
        %dma_start3A_365 = tpu.memref_squeeze %dma_start3A_364 : memref<1x8xi32, #tpu.memory_space<vmem>> -> memref<8xi32, #tpu.memory_space<vmem>>
        %dma_start3A_366 = arith.constant 0 : i32
        %dma_start3A_367 = arith.constant 0 : i32
        %dma_start3A_368 = tpu.memref_slice %arg3[%dma_start3A_366, %dma_start3A_367] : memref<10000x96xf32, #tpu.memory_space<hbm>> -> memref<10000x96xf32, #tpu.memory_space<hbm>>
        tpu.enqueue_indirect_dma source(%dma_start3A_368 : memref<10000x96xf32, #tpu.memory_space<hbm>>) target(%dma_start3A_363 : memref<8x96xf32, #tpu.memory_space<vmem>>) offsets(%dma_start3A_365 : memref<8xi32, #tpu.memory_space<vmem>>) semaphore(%arg18 : memref<!tpu.dma_semaphore, #tpu.memory_space<semaphore_mem>>)
        %add3A_369 = arith.constant 8 : i32
        %add3A_370 = arith.addi %mul3A_335, %add3A_369 : i32
        %dma_start3A_371 = arith.constant 1 : i32
        %dma_start3A_372 = arith.constant 8 : i32
        %dma_start3A_373 = arith.constant 0 : i32
        %dma_start3A_374 = tpu.memref_slice %arg10[%dma_start3A_372, %dma_start3A_373] : memref<32x96xf32, #tpu.memory_space<vmem>> -> memref<8x96xf32, #tpu.memory_space<vmem>>
        %dma_start3A_375 = tpu.memref_slice %arg7[%dma_start3A_371, %add3A_370] : memref<3x256xi32, #tpu.memory_space<vmem>> -> memref<1x8xi32, #tpu.memory_space<vmem>>
        %dma_start3A_376 = tpu.memref_squeeze %dma_start3A_375 : memref<1x8xi32, #tpu.memory_space<vmem>> -> memref<8xi32, #tpu.memory_space<vmem>>
        %dma_start3A_377 = arith.constant 0 : i32
        %dma_start3A_378 = arith.constant 0 : i32
        %dma_start3A_379 = tpu.memref_slice %arg4[%dma_start3A_377, %dma_start3A_378] : memref<401x96xf32, #tpu.memory_space<hbm>> -> memref<401x96xf32, #tpu.memory_space<hbm>>
        tpu.enqueue_indirect_dma source(%dma_start3A_379 : memref<401x96xf32, #tpu.memory_space<hbm>>) target(%dma_start3A_374 : memref<8x96xf32, #tpu.memory_space<vmem>>) offsets(%dma_start3A_376 : memref<8xi32, #tpu.memory_space<vmem>>) semaphore(%arg18 : memref<!tpu.dma_semaphore, #tpu.memory_space<semaphore_mem>>)
        %add3A_380 = arith.constant 16 : i32
        %add3A_381 = arith.addi %mul3A_335, %add3A_380 : i32
        %dma_start3A_382 = arith.constant 0 : i32
        %dma_start3A_383 = arith.constant 16 : i32
        %dma_start3A_384 = arith.constant 0 : i32
        %dma_start3A_385 = tpu.memref_slice %arg8[%dma_start3A_383, %dma_start3A_384] : memref<32x96xf32, #tpu.memory_space<vmem>> -> memref<8x96xf32, #tpu.memory_space<vmem>>
        %dma_start3A_386 = tpu.memref_slice %arg7[%dma_start3A_382, %add3A_381] : memref<3x256xi32, #tpu.memory_space<vmem>> -> memref<1x8xi32, #tpu.memory_space<vmem>>
        %dma_start3A_387 = tpu.memref_squeeze %dma_start3A_386 : memref<1x8xi32, #tpu.memory_space<vmem>> -> memref<8xi32, #tpu.memory_space<vmem>>
        %dma_start3A_388 = arith.constant 0 : i32
        %dma_start3A_389 = arith.constant 0 : i32
        %dma_start3A_390 = tpu.memref_slice %arg3[%dma_start3A_388, %dma_start3A_389] : memref<10000x96xf32, #tpu.memory_space<hbm>> -> memref<10000x96xf32, #tpu.memory_space<hbm>>
        tpu.enqueue_indirect_dma source(%dma_start3A_390 : memref<10000x96xf32, #tpu.memory_space<hbm>>) target(%dma_start3A_385 : memref<8x96xf32, #tpu.memory_space<vmem>>) offsets(%dma_start3A_387 : memref<8xi32, #tpu.memory_space<vmem>>) semaphore(%arg18 : memref<!tpu.dma_semaphore, #tpu.memory_space<semaphore_mem>>)
        %add3A_391 = arith.constant 16 : i32
        %add3A_392 = arith.addi %mul3A_335, %add3A_391 : i32
        %dma_start3A_393 = arith.constant 1 : i32
        %dma_start3A_394 = arith.constant 16 : i32
        %dma_start3A_395 = arith.constant 0 : i32
        %dma_start3A_396 = tpu.memref_slice %arg10[%dma_start3A_394, %dma_start3A_395] : memref<32x96xf32, #tpu.memory_space<vmem>> -> memref<8x96xf32, #tpu.memory_space<vmem>>
        %dma_start3A_397 = tpu.memref_slice %arg7[%dma_start3A_393, %add3A_392] : memref<3x256xi32, #tpu.memory_space<vmem>> -> memref<1x8xi32, #tpu.memory_space<vmem>>
        %dma_start3A_398 = tpu.memref_squeeze %dma_start3A_397 : memref<1x8xi32, #tpu.memory_space<vmem>> -> memref<8xi32, #tpu.memory_space<vmem>>
        %dma_start3A_399 = arith.constant 0 : i32
        %dma_start3A_400 = arith.constant 0 : i32
        %dma_start3A_401 = tpu.memref_slice %arg4[%dma_start3A_399, %dma_start3A_400] : memref<401x96xf32, #tpu.memory_space<hbm>> -> memref<401x96xf32, #tpu.memory_space<hbm>>
        tpu.enqueue_indirect_dma source(%dma_start3A_401 : memref<401x96xf32, #tpu.memory_space<hbm>>) target(%dma_start3A_396 : memref<8x96xf32, #tpu.memory_space<vmem>>) offsets(%dma_start3A_398 : memref<8xi32, #tpu.memory_space<vmem>>) semaphore(%arg18 : memref<!tpu.dma_semaphore, #tpu.memory_space<semaphore_mem>>)
        %add3A_402 = arith.constant 24 : i32
        %add3A_403 = arith.addi %mul3A_335, %add3A_402 : i32
        %dma_start3A_404 = arith.constant 0 : i32
        %dma_start3A_405 = arith.constant 24 : i32
        %dma_start3A_406 = arith.constant 0 : i32
        %dma_start3A_407 = tpu.memref_slice %arg8[%dma_start3A_405, %dma_start3A_406] : memref<32x96xf32, #tpu.memory_space<vmem>> -> memref<8x96xf32, #tpu.memory_space<vmem>>
        %dma_start3A_408 = tpu.memref_slice %arg7[%dma_start3A_404, %add3A_403] : memref<3x256xi32, #tpu.memory_space<vmem>> -> memref<1x8xi32, #tpu.memory_space<vmem>>
        %dma_start3A_409 = tpu.memref_squeeze %dma_start3A_408 : memref<1x8xi32, #tpu.memory_space<vmem>> -> memref<8xi32, #tpu.memory_space<vmem>>
        %dma_start3A_410 = arith.constant 0 : i32
        %dma_start3A_411 = arith.constant 0 : i32
        %dma_start3A_412 = tpu.memref_slice %arg3[%dma_start3A_410, %dma_start3A_411] : memref<10000x96xf32, #tpu.memory_space<hbm>> -> memref<10000x96xf32, #tpu.memory_space<hbm>>
        tpu.enqueue_indirect_dma source(%dma_start3A_412 : memref<10000x96xf32, #tpu.memory_space<hbm>>) target(%dma_start3A_407 : memref<8x96xf32, #tpu.memory_space<vmem>>) offsets(%dma_start3A_409 : memref<8xi32, #tpu.memory_space<vmem>>) semaphore(%arg18 : memref<!tpu.dma_semaphore, #tpu.memory_space<semaphore_mem>>)
        %add3A_413 = arith.constant 24 : i32
        %add3A_414 = arith.addi %mul3A_335, %add3A_413 : i32
        %dma_start3A_415 = arith.constant 1 : i32
        %dma_start3A_416 = arith.constant 24 : i32
        %dma_start3A_417 = arith.constant 0 : i32
        %dma_start3A_418 = tpu.memref_slice %arg10[%dma_start3A_416, %dma_start3A_417] : memref<32x96xf32, #tpu.memory_space<vmem>> -> memref<8x96xf32, #tpu.memory_space<vmem>>
        %dma_start3A_419 = tpu.memref_slice %arg7[%dma_start3A_415, %add3A_414] : memref<3x256xi32, #tpu.memory_space<vmem>> -> memref<1x8xi32, #tpu.memory_space<vmem>>
        %dma_start3A_420 = tpu.memref_squeeze %dma_start3A_419 : memref<1x8xi32, #tpu.memory_space<vmem>> -> memref<8xi32, #tpu.memory_space<vmem>>
        %dma_start3A_421 = arith.constant 0 : i32
        %dma_start3A_422 = arith.constant 0 : i32
        %dma_start3A_423 = tpu.memref_slice %arg4[%dma_start3A_421, %dma_start3A_422] : memref<401x96xf32, #tpu.memory_space<hbm>> -> memref<401x96xf32, #tpu.memory_space<hbm>>
        tpu.enqueue_indirect_dma source(%dma_start3A_423 : memref<401x96xf32, #tpu.memory_space<hbm>>) target(%dma_start3A_418 : memref<8x96xf32, #tpu.memory_space<vmem>>) offsets(%dma_start3A_420 : memref<8xi32, #tpu.memory_space<vmem>>) semaphore(%arg18 : memref<!tpu.dma_semaphore, #tpu.memory_space<semaphore_mem>>)
      } else {
      }
      %parallel_loop3A_324 = arith.constant 0 : i32
      %parallel_loop3A_325 = arith.constant 32 : i32
      %parallel_loop3A_326 = arith.constant 1 : i32
      scf.for %parallel_loop3A_330 = %parallel_loop3A_324 to %parallel_loop3A_325 step %parallel_loop3A_326  : i32 {
        %parallel_loop3A_331 = arith.index_cast %parallel_loop3A_330 : i32 to index
        %parallel_loop3A_332 = arith.constant 64 : index
        %parallel_loop3A_333 = tpu.vector_load %arg9[%parallel_loop3A_331, %parallel_loop3A_332] {strides = array<i32>} : memref<32x96xf32, #tpu.memory_space<vmem>>, vector<16xf32>,
        %parallel_loop3A_334 = arith.index_cast %parallel_loop3A_330 : i32 to index
        %parallel_loop3A_335 = arith.constant 64 : index
        %parallel_loop3A_336 = tpu.vector_load %arg11[%parallel_loop3A_334, %parallel_loop3A_335] {strides = array<i32>} : memref<32x96xf32, #tpu.memory_space<vmem>>, vector<16xf32>,
        %parallel_loop3A_337 = vector.bitcast %parallel_loop3A_333 : vector<16xf32> to vector<32xbf16>
        %parallel_loop3A_338 = tpu.unpack_subelements %parallel_loop3A_337, 0 {pack_format = #tpu.pack_format<interleaved>} : vector<32xbf16> -> vector<16xf32>
        %parallel_loop3A_339 = tpu.unpack_subelements %parallel_loop3A_337, 1 {pack_format = #tpu.pack_format<interleaved>} : vector<32xbf16> -> vector<16xf32>
        %parallel_loop3A_340 = vector.bitcast %parallel_loop3A_336 : vector<16xf32> to vector<32xbf16>
        %parallel_loop3A_341 = tpu.unpack_subelements %parallel_loop3A_340, 0 {pack_format = #tpu.pack_format<interleaved>} : vector<32xbf16> -> vector<16xf32>
        %parallel_loop3A_342 = tpu.unpack_subelements %parallel_loop3A_340, 1 {pack_format = #tpu.pack_format<interleaved>} : vector<32xbf16> -> vector<16xf32>
        %parallel_loop3A_343 = arith.addf %parallel_loop3A_338, %parallel_loop3A_341 : vector<16xf32>
        %parallel_loop3A_344 = arith.constant 0.000000e+00 : f32
        %parallel_loop3A_345 = vector.broadcast %parallel_loop3A_344 : f32 to vector<16xf32>
        %parallel_loop3A_346 = arith.maximumf %parallel_loop3A_343, %parallel_loop3A_345 : vector<16xf32>
        %parallel_loop3A_347 = arith.mulf %parallel_loop3A_346, %get3A_54 : vector<16xf32>
        %parallel_loop3A_348 = arith.addf %parallel_loop3A_339, %parallel_loop3A_342 : vector<16xf32>
        %parallel_loop3A_349 = arith.constant 0.000000e+00 : f32
        %parallel_loop3A_350 = vector.broadcast %parallel_loop3A_349 : f32 to vector<16xf32>
        %parallel_loop3A_351 = arith.maximumf %parallel_loop3A_348, %parallel_loop3A_350 : vector<16xf32>
        %parallel_loop3A_352 = arith.mulf %parallel_loop3A_351, %get3A_56 : vector<16xf32>
        %parallel_loop3A_353 = arith.addf %parallel_loop3A_347, %parallel_loop3A_352 : vector<16xf32>
        %parallel_loop3A_354 = arith.index_cast %parallel_loop3A_330 : i32 to index
        %parallel_loop3A_355 = arith.constant 80 : index
        %parallel_loop3A_356 = tpu.vector_load %arg9[%parallel_loop3A_354, %parallel_loop3A_355] {strides = array<i32>} : memref<32x96xf32, #tpu.memory_space<vmem>>, vector<16xf32>,
        %parallel_loop3A_357 = arith.index_cast %parallel_loop3A_330 : i32 to index
        %parallel_loop3A_358 = arith.constant 80 : index
        %parallel_loop3A_359 = tpu.vector_load %arg11[%parallel_loop3A_357, %parallel_loop3A_358] {strides = array<i32>} : memref<32x96xf32, #tpu.memory_space<vmem>>, vector<16xf32>,
        %parallel_loop3A_360 = vector.bitcast %parallel_loop3A_356 : vector<16xf32> to vector<32xbf16>
        %parallel_loop3A_361 = tpu.unpack_subelements %parallel_loop3A_360, 0 {pack_format = #tpu.pack_format<interleaved>} : vector<32xbf16> -> vector<16xf32>
        %parallel_loop3A_362 = tpu.unpack_subelements %parallel_loop3A_360, 1 {pack_format = #tpu.pack_format<interleaved>} : vector<32xbf16> -> vector<16xf32>
        %parallel_loop3A_363 = vector.bitcast %parallel_loop3A_359 : vector<16xf32> to vector<32xbf16>
        %parallel_loop3A_364 = tpu.unpack_subelements %parallel_loop3A_363, 0 {pack_format = #tpu.pack_format<interleaved>} : vector<32xbf16> -> vector<16xf32>
        %parallel_loop3A_365 = tpu.unpack_subelements %parallel_loop3A_363, 1 {pack_format = #tpu.pack_format<interleaved>} : vector<32xbf16> -> vector<16xf32>
        %parallel_loop3A_366 = arith.addf %parallel_loop3A_361, %parallel_loop3A_364 : vector<16xf32>
        %parallel_loop3A_367 = arith.constant 0.000000e+00 : f32
        %parallel_loop3A_368 = vector.broadcast %parallel_loop3A_367 : f32 to vector<16xf32>
        %parallel_loop3A_369 = arith.maximumf %parallel_loop3A_366, %parallel_loop3A_368 : vector<16xf32>
        %parallel_loop3A_370 = arith.mulf %parallel_loop3A_369, %get3A_58 : vector<16xf32>
        %parallel_loop3A_371 = arith.addf %parallel_loop3A_353, %parallel_loop3A_370 : vector<16xf32>
        %parallel_loop3A_372 = arith.addf %parallel_loop3A_362, %parallel_loop3A_365 : vector<16xf32>
        %parallel_loop3A_373 = arith.constant 0.000000e+00 : f32
        %parallel_loop3A_374 = vector.broadcast %parallel_loop3A_373 : f32 to vector<16xf32>
        %parallel_loop3A_375 = arith.maximumf %parallel_loop3A_372, %parallel_loop3A_374 : vector<16xf32>
        %parallel_loop3A_376 = arith.mulf %parallel_loop3A_375, %get3A_60 : vector<16xf32>
        %parallel_loop3A_377 = arith.addf %parallel_loop3A_371, %parallel_loop3A_376 : vector<16xf32>
        %parallel_loop3A_378 = arith.constant true
        %parallel_loop3A_379 = vector.broadcast %parallel_loop3A_378 : i1 to vector<16xi1>
        %parallel_loop3A_380 = tpu.scan <sum>, %parallel_loop3A_377 masked %parallel_loop3A_379 : vector<16xf32>, vector<16xi1> -> vector<16xf32>
        %parallel_loop3A_381 = vector.shape_cast %broadcast_in_dim3A_62 : vector<16xi32> to vector<16x1xi32>
        %parallel_loop3A_382 = vector.shape_cast %parallel_loop3A_381 : vector<16x1xi32> to vector<16xi32>
        %parallel_loop3A_383 = tpu.dynamic_gather %parallel_loop3A_380[%parallel_loop3A_382] in [0] : vector<16xf32>, vector<16xi32> -> vector<16xf32>
        %parallel_loop3A_384 = arith.constant 0.000000e+00 : f32
        %parallel_loop3A_385 = vector.broadcast %parallel_loop3A_384 : f32 to vector<16xf32>
        %parallel_loop3A_386 = arith.subf %parallel_loop3A_385, %parallel_loop3A_383 : vector<16xf32>
        %parallel_loop3A_387 = math.exp %parallel_loop3A_386 : vector<16xf32>
        %parallel_loop3A_388 = arith.constant 1.000000e+00 : f32
        %parallel_loop3A_389 = vector.broadcast %parallel_loop3A_388 : f32 to vector<16xf32>
        %parallel_loop3A_390 = arith.addf %parallel_loop3A_389, %parallel_loop3A_387 : vector<16xf32>
        %parallel_loop3A_391 = arith.constant 1.000000e+00 : f32
        %parallel_loop3A_392 = vector.broadcast %parallel_loop3A_391 : f32 to vector<16xf32>
        %parallel_loop3A_393 = arith.divf %parallel_loop3A_392, %parallel_loop3A_390 : vector<16xf32>
        %parallel_loop3A_394 = arith.index_cast %parallel_loop3A_330 : i32 to index
        %parallel_loop3A_395 = arith.constant 0 : index
        %parallel_loop3A_396 = tpu.vector_load %arg9[%parallel_loop3A_394, %parallel_loop3A_395] {strides = array<i32>} : memref<32x96xf32, #tpu.memory_space<vmem>>, vector<16xf32>,
        %parallel_loop3A_397 = arith.index_cast %parallel_loop3A_330 : i32 to index
        %parallel_loop3A_398 = arith.constant 0 : index
        %parallel_loop3A_399 = tpu.vector_load %arg11[%parallel_loop3A_397, %parallel_loop3A_398] {strides = array<i32>} : memref<32x96xf32, #tpu.memory_space<vmem>>, vector<16xf32>,
        %parallel_loop3A_400 = vector.bitcast %parallel_loop3A_396 : vector<16xf32> to vector<32xbf16>
        %parallel_loop3A_401 = tpu.unpack_subelements %parallel_loop3A_400, 0 {pack_format = #tpu.pack_format<interleaved>} : vector<32xbf16> -> vector<16xf32>
        %parallel_loop3A_402 = tpu.unpack_subelements %parallel_loop3A_400, 1 {pack_format = #tpu.pack_format<interleaved>} : vector<32xbf16> -> vector<16xf32>
        %parallel_loop3A_403 = vector.bitcast %parallel_loop3A_399 : vector<16xf32> to vector<32xbf16>
        %parallel_loop3A_404 = tpu.unpack_subelements %parallel_loop3A_403, 0 {pack_format = #tpu.pack_format<interleaved>} : vector<32xbf16> -> vector<16xf32>
        %parallel_loop3A_405 = tpu.unpack_subelements %parallel_loop3A_403, 1 {pack_format = #tpu.pack_format<interleaved>} : vector<32xbf16> -> vector<16xf32>
        %parallel_loop3A_406 = arith.mulf %parallel_loop3A_401, %parallel_loop3A_404 : vector<16xf32>
        %parallel_loop3A_407 = arith.mulf %parallel_loop3A_406, %parallel_loop3A_393 : vector<16xf32>
        %parallel_loop3A_408 = arith.index_cast %parallel_loop3A_330 : i32 to index
        %parallel_loop3A_409 = arith.constant 0 : index
        %parallel_loop3A_410 = tpu.vector_load %arg13[%parallel_loop3A_408, %parallel_loop3A_409] {strides = array<i32>} : memref<32x144xf32, #tpu.memory_space<vmem>>, vector<16xf32>,
        tpu.vector_store %arg13[%parallel_loop3A_408, %parallel_loop3A_409], %parallel_loop3A_407 {strides = array<i32>} : memref<32x144xf32, #tpu.memory_space<vmem>>, vector<16xf32>,
        %parallel_loop3A_411 = arith.mulf %parallel_loop3A_402, %parallel_loop3A_405 : vector<16xf32>
        %parallel_loop3A_412 = arith.mulf %parallel_loop3A_411, %parallel_loop3A_393 : vector<16xf32>
        %parallel_loop3A_413 = arith.index_cast %parallel_loop3A_330 : i32 to index
        %parallel_loop3A_414 = arith.constant 16 : index
        %parallel_loop3A_415 = tpu.vector_load %arg13[%parallel_loop3A_413, %parallel_loop3A_414] {strides = array<i32>} : memref<32x144xf32, #tpu.memory_space<vmem>>, vector<16xf32>,
        tpu.vector_store %arg13[%parallel_loop3A_413, %parallel_loop3A_414], %parallel_loop3A_412 {strides = array<i32>} : memref<32x144xf32, #tpu.memory_space<vmem>>, vector<16xf32>,
        %parallel_loop3A_416 = arith.index_cast %parallel_loop3A_330 : i32 to index
        %parallel_loop3A_417 = arith.constant 16 : index
        %parallel_loop3A_418 = tpu.vector_load %arg9[%parallel_loop3A_416, %parallel_loop3A_417] {strides = array<i32>} : memref<32x96xf32, #tpu.memory_space<vmem>>, vector<16xf32>,
        %parallel_loop3A_419 = arith.index_cast %parallel_loop3A_330 : i32 to index
        %parallel_loop3A_420 = arith.constant 16 : index
        %parallel_loop3A_421 = tpu.vector_load %arg11[%parallel_loop3A_419, %parallel_loop3A_420] {strides = array<i32>} : memref<32x96xf32, #tpu.memory_space<vmem>>, vector<16xf32>,
        %parallel_loop3A_422 = vector.bitcast %parallel_loop3A_418 : vector<16xf32> to vector<32xbf16>
        %parallel_loop3A_423 = tpu.unpack_subelements %parallel_loop3A_422, 0 {pack_format = #tpu.pack_format<interleaved>} : vector<32xbf16> -> vector<16xf32>
        %parallel_loop3A_424 = tpu.unpack_subelements %parallel_loop3A_422, 1 {pack_format = #tpu.pack_format<interleaved>} : vector<32xbf16> -> vector<16xf32>
        %parallel_loop3A_425 = vector.bitcast %parallel_loop3A_421 : vector<16xf32> to vector<32xbf16>
        %parallel_loop3A_426 = tpu.unpack_subelements %parallel_loop3A_425, 0 {pack_format = #tpu.pack_format<interleaved>} : vector<32xbf16> -> vector<16xf32>
        %parallel_loop3A_427 = tpu.unpack_subelements %parallel_loop3A_425, 1 {pack_format = #tpu.pack_format<interleaved>} : vector<32xbf16> -> vector<16xf32>
        %parallel_loop3A_428 = arith.mulf %parallel_loop3A_423, %parallel_loop3A_426 : vector<16xf32>
        %parallel_loop3A_429 = arith.mulf %parallel_loop3A_428, %parallel_loop3A_393 : vector<16xf32>
        %parallel_loop3A_430 = arith.index_cast %parallel_loop3A_330 : i32 to index
        %parallel_loop3A_431 = arith.constant 32 : index
        %parallel_loop3A_432 = tpu.vector_load %arg13[%parallel_loop3A_430, %parallel_loop3A_431] {strides = array<i32>} : memref<32x144xf32, #tpu.memory_space<vmem>>, vector<16xf32>,
        tpu.vector_store %arg13[%parallel_loop3A_430, %parallel_loop3A_431], %parallel_loop3A_429 {strides = array<i32>} : memref<32x144xf32, #tpu.memory_space<vmem>>, vector<16xf32>,
        %parallel_loop3A_433 = arith.mulf %parallel_loop3A_424, %parallel_loop3A_427 : vector<16xf32>
        %parallel_loop3A_434 = arith.mulf %parallel_loop3A_433, %parallel_loop3A_393 : vector<16xf32>
        %parallel_loop3A_435 = arith.index_cast %parallel_loop3A_330 : i32 to index
        %parallel_loop3A_436 = arith.constant 48 : index
        %parallel_loop3A_437 = tpu.vector_load %arg13[%parallel_loop3A_435, %parallel_loop3A_436] {strides = array<i32>} : memref<32x144xf32, #tpu.memory_space<vmem>>, vector<16xf32>,
        tpu.vector_store %arg13[%parallel_loop3A_435, %parallel_loop3A_436], %parallel_loop3A_434 {strides = array<i32>} : memref<32x144xf32, #tpu.memory_space<vmem>>, vector<16xf32>,
        %parallel_loop3A_438 = arith.index_cast %parallel_loop3A_330 : i32 to index
        %parallel_loop3A_439 = arith.constant 32 : index
        %parallel_loop3A_440 = tpu.vector_load %arg9[%parallel_loop3A_438, %parallel_loop3A_439] {strides = array<i32>} : memref<32x96xf32, #tpu.memory_space<vmem>>, vector<16xf32>,
        %parallel_loop3A_441 = arith.index_cast %parallel_loop3A_330 : i32 to index
        %parallel_loop3A_442 = arith.constant 32 : index
        %parallel_loop3A_443 = tpu.vector_load %arg11[%parallel_loop3A_441, %parallel_loop3A_442] {strides = array<i32>} : memref<32x96xf32, #tpu.memory_space<vmem>>, vector<16xf32>,
        %parallel_loop3A_444 = vector.bitcast %parallel_loop3A_440 : vector<16xf32> to vector<32xbf16>
        %parallel_loop3A_445 = tpu.unpack_subelements %parallel_loop3A_444, 0 {pack_format = #tpu.pack_format<interleaved>} : vector<32xbf16> -> vector<16xf32>
        %parallel_loop3A_446 = tpu.unpack_subelements %parallel_loop3A_444, 1 {pack_format = #tpu.pack_format<interleaved>} : vector<32xbf16> -> vector<16xf32>
        %parallel_loop3A_447 = vector.bitcast %parallel_loop3A_443 : vector<16xf32> to vector<32xbf16>
        %parallel_loop3A_448 = tpu.unpack_subelements %parallel_loop3A_447, 0 {pack_format = #tpu.pack_format<interleaved>} : vector<32xbf16> -> vector<16xf32>
        %parallel_loop3A_449 = tpu.unpack_subelements %parallel_loop3A_447, 1 {pack_format = #tpu.pack_format<interleaved>} : vector<32xbf16> -> vector<16xf32>
        %parallel_loop3A_450 = arith.mulf %parallel_loop3A_445, %parallel_loop3A_448 : vector<16xf32>
        %parallel_loop3A_451 = arith.mulf %parallel_loop3A_450, %parallel_loop3A_393 : vector<16xf32>
        %parallel_loop3A_452 = arith.index_cast %parallel_loop3A_330 : i32 to index
        %parallel_loop3A_453 = arith.constant 64 : index
        %parallel_loop3A_454 = tpu.vector_load %arg13[%parallel_loop3A_452, %parallel_loop3A_453] {strides = array<i32>} : memref<32x144xf32, #tpu.memory_space<vmem>>, vector<16xf32>,
        tpu.vector_store %arg13[%parallel_loop3A_452, %parallel_loop3A_453], %parallel_loop3A_451 {strides = array<i32>} : memref<32x144xf32, #tpu.memory_space<vmem>>, vector<16xf32>,
        %parallel_loop3A_455 = arith.mulf %parallel_loop3A_446, %parallel_loop3A_449 : vector<16xf32>
        %parallel_loop3A_456 = arith.mulf %parallel_loop3A_455, %parallel_loop3A_393 : vector<16xf32>
        %parallel_loop3A_457 = arith.index_cast %parallel_loop3A_330 : i32 to index
        %parallel_loop3A_458 = arith.constant 80 : index
        %parallel_loop3A_459 = tpu.vector_load %arg13[%parallel_loop3A_457, %parallel_loop3A_458] {strides = array<i32>} : memref<32x144xf32, #tpu.memory_space<vmem>>, vector<16xf32>,
        tpu.vector_store %arg13[%parallel_loop3A_457, %parallel_loop3A_458], %parallel_loop3A_456 {strides = array<i32>} : memref<32x144xf32, #tpu.memory_space<vmem>>, vector<16xf32>,
        %parallel_loop3A_460 = arith.index_cast %parallel_loop3A_330 : i32 to index
        %parallel_loop3A_461 = arith.constant 48 : index
        %parallel_loop3A_462 = tpu.vector_load %arg9[%parallel_loop3A_460, %parallel_loop3A_461] {strides = array<i32>} : memref<32x96xf32, #tpu.memory_space<vmem>>, vector<16xf32>,
        %parallel_loop3A_463 = arith.index_cast %parallel_loop3A_330 : i32 to index
        %parallel_loop3A_464 = arith.constant 48 : index
        %parallel_loop3A_465 = tpu.vector_load %arg11[%parallel_loop3A_463, %parallel_loop3A_464] {strides = array<i32>} : memref<32x96xf32, #tpu.memory_space<vmem>>, vector<16xf32>,
        %parallel_loop3A_466 = vector.bitcast %parallel_loop3A_462 : vector<16xf32> to vector<32xbf16>
        %parallel_loop3A_467 = tpu.unpack_subelements %parallel_loop3A_466, 0 {pack_format = #tpu.pack_format<interleaved>} : vector<32xbf16> -> vector<16xf32>
        %parallel_loop3A_468 = tpu.unpack_subelements %parallel_loop3A_466, 1 {pack_format = #tpu.pack_format<interleaved>} : vector<32xbf16> -> vector<16xf32>
        %parallel_loop3A_469 = vector.bitcast %parallel_loop3A_465 : vector<16xf32> to vector<32xbf16>
        %parallel_loop3A_470 = tpu.unpack_subelements %parallel_loop3A_469, 0 {pack_format = #tpu.pack_format<interleaved>} : vector<32xbf16> -> vector<16xf32>
        %parallel_loop3A_471 = tpu.unpack_subelements %parallel_loop3A_469, 1 {pack_format = #tpu.pack_format<interleaved>} : vector<32xbf16> -> vector<16xf32>
        %parallel_loop3A_472 = arith.mulf %parallel_loop3A_467, %parallel_loop3A_470 : vector<16xf32>
        %parallel_loop3A_473 = arith.mulf %parallel_loop3A_472, %parallel_loop3A_393 : vector<16xf32>
        %parallel_loop3A_474 = arith.index_cast %parallel_loop3A_330 : i32 to index
        %parallel_loop3A_475 = arith.constant 96 : index
        %parallel_loop3A_476 = tpu.vector_load %arg13[%parallel_loop3A_474, %parallel_loop3A_475] {strides = array<i32>} : memref<32x144xf32, #tpu.memory_space<vmem>>, vector<16xf32>,
        tpu.vector_store %arg13[%parallel_loop3A_474, %parallel_loop3A_475], %parallel_loop3A_473 {strides = array<i32>} : memref<32x144xf32, #tpu.memory_space<vmem>>, vector<16xf32>,
        %parallel_loop3A_477 = arith.mulf %parallel_loop3A_468, %parallel_loop3A_471 : vector<16xf32>
        %parallel_loop3A_478 = arith.mulf %parallel_loop3A_477, %parallel_loop3A_393 : vector<16xf32>
        %parallel_loop3A_479 = arith.index_cast %parallel_loop3A_330 : i32 to index
        %parallel_loop3A_480 = arith.constant 112 : index
        %parallel_loop3A_481 = tpu.vector_load %arg13[%parallel_loop3A_479, %parallel_loop3A_480] {strides = array<i32>} : memref<32x144xf32, #tpu.memory_space<vmem>>, vector<16xf32>,
        tpu.vector_store %arg13[%parallel_loop3A_479, %parallel_loop3A_480], %parallel_loop3A_478 {strides = array<i32>} : memref<32x144xf32, #tpu.memory_space<vmem>>, vector<16xf32>,
      } {sc.loop_unroll_factor = 4 : i64, sc.parallel_access}
      %dma_start3A_327 = arith.constant 0 : i32
      %dma_start3A_328 = arith.constant 0 : i32
      %dma_start3A_329 = tpu.memref_slice %arg17[%dma_start3A_327, %dma_start3A_328] : memref<10112x144xf32, #tpu.memory_space<vmem_shared>> -> memref<10112x144xf32, #tpu.memory_space<vmem_shared>>
      tpu.enqueue_indirect_dma source(%arg13 : memref<32x144xf32, #tpu.memory_space<vmem>>) target(%dma_start3A_329 : memref<10112x144xf32, #tpu.memory_space<vmem_shared>>) offsets(%arg15 : memref<32xi32, #tpu.memory_space<vmem>>) semaphore(%arg21 : memref<!tpu.dma_semaphore, #tpu.memory_space<semaphore_mem>>) {add = true}
    }
    %dma_wait3A = arith.constant 0 : i32
    %dma_wait3A_195 = arith.constant 0 : i32
    %dma_wait3A_196 = tpu.memref_slice %arg17[%dma_wait3A, %dma_wait3A_195] : memref<10112x144xf32, #tpu.memory_space<vmem_shared>> -> memref<10112x144xf32, #tpu.memory_space<vmem_shared>>
    tpu.wait_indirect_dma semaphore(%arg20 : memref<!tpu.dma_semaphore, #tpu.memory_space<semaphore_mem>>) src(%arg12 : memref<32x144xf32, #tpu.memory_space<vmem>>) dst(%dma_wait3A_196 : memref<10112x144xf32, #tpu.memory_space<vmem_shared>>)
    %dma_wait3A_197 = arith.constant 0 : i32
    %dma_wait3A_198 = arith.constant 0 : i32
    %dma_wait3A_199 = tpu.memref_slice %arg17[%dma_wait3A_197, %dma_wait3A_198] : memref<10112x144xf32, #tpu.memory_space<vmem_shared>> -> memref<10112x144xf32, #tpu.memory_space<vmem_shared>>
    tpu.wait_indirect_dma semaphore(%arg21 : memref<!tpu.dma_semaphore, #tpu.memory_space<semaphore_mem>>) src(%arg13 : memref<32x144xf32, #tpu.memory_space<vmem>>) dst(%dma_wait3A_199 : memref<10112x144xf32, #tpu.memory_space<vmem_shared>>)
    %barrier3A_200 = arith.constant 0 : index
    tpu.barrier barrier_id(%barrier3A_200)
    %mul3A_201 = arith.constant 632 : i32
    %mul3A_202 = arith.muli %arg1, %mul3A_201 : i32
    %mul3A_203 = arith.constant 632 : i32
    %mul3A_204 = arith.muli %arg1, %mul3A_203 : i32
    "tpu.region"() ({
      %run_scoped3A = tpu.sem_alloc : memref<!tpu.dma_semaphore, #tpu.memory_space<semaphore_mem>>
      %dma_start3A_205 = arith.constant 0 : i32
      %dma_start3A_206 = tpu.memref_slice %arg6[%arg0, %mul3A_204, %dma_start3A_205] : memref<2x10112x144xf32, #tpu.memory_space<hbm>> -> memref<1x632x144xf32, #tpu.memory_space<hbm>>
      %dma_start3A_207 = tpu.memref_squeeze %dma_start3A_206 : memref<1x632x144xf32, #tpu.memory_space<hbm>> -> memref<632x144xf32, #tpu.memory_space<hbm>>
      %dma_start3A_208 = arith.constant 0 : i32
      %dma_start3A_209 = tpu.memref_slice %arg17[%mul3A_202, %dma_start3A_208] : memref<10112x144xf32, #tpu.memory_space<vmem_shared>> -> memref<632x144xf32, #tpu.memory_space<vmem_shared>>
      tpu.enqueue_dma source(%dma_start3A_209 : memref<632x144xf32, #tpu.memory_space<vmem_shared>>) target(%dma_start3A_207 : memref<632x144xf32, #tpu.memory_space<hbm>>) target_semaphore(%run_scoped3A : memref<!tpu.dma_semaphore, #tpu.memory_space<semaphore_mem>>)
      %dma_wait3A_210 = arith.constant 0 : i32
      %dma_wait3A_211 = tpu.memref_slice %arg6[%arg0, %mul3A_204, %dma_wait3A_210] : memref<2x10112x144xf32, #tpu.memory_space<hbm>> -> memref<1x632x144xf32, #tpu.memory_space<hbm>>
      %dma_wait3A_212 = tpu.memref_squeeze %dma_wait3A_211 : memref<1x632x144xf32, #tpu.memory_space<hbm>> -> memref<632x144xf32, #tpu.memory_space<hbm>>
      %dma_wait3A_213 = arith.constant 0 : i32
      %dma_wait3A_214 = tpu.memref_slice %arg17[%mul3A_202, %dma_wait3A_213] : memref<10112x144xf32, #tpu.memory_space<vmem_shared>> -> memref<632x144xf32, #tpu.memory_space<vmem_shared>>
      tpu.wait_dma2 semaphore(%run_scoped3A : memref<!tpu.dma_semaphore, #tpu.memory_space<semaphore_mem>>) src(%dma_wait3A_214 : memref<632x144xf32, #tpu.memory_space<vmem_shared>>) dst(%dma_wait3A_212 : memref<632x144xf32, #tpu.memory_space<hbm>>)
      tpu.yield
    }) : () -> ()
    return
  }
}

module attributes {stable_mosaic.version = 14 : i64} {
  func.func @_head_body(%arg0: i32, %arg1: memref<1x2500x128xf32, #tpu.memory_space<vmem>>, %arg2: memref<4x128xf32, #tpu.memory_space<vmem>>, %arg3: memref<128x64xf32, #tpu.memory_space<vmem>>, %arg4: memref<128x64xf32, #tpu.memory_space<vmem>>, %arg5: memref<1x64xf32, #tpu.memory_space<vmem>>, %arg6: memref<401x128xf32, #tpu.memory_space<vmem>>, %arg7: memref<128x64xf32, #tpu.memory_space<vmem>>, %arg8: memref<1x2500x192xf32, #tpu.memory_space<vmem>>, %arg9: memref<401x192xf32, #tpu.memory_space<vmem>>) attributes {dimension_semantics = [#tpu.dimension_semantics<arbitrary>], iteration_bounds = array<i64: 4>, scalar_prefetch = 0 : i64, scratch_operands = 0 : i64, tpu.core_type = #tpu.core_type<tc>, window_params = [{transform_indices = @transform_0, window_bounds = array<i64: 1, 2500, 128>}, {pipeline_mode = #tpu.pipeline_mode<synchronous>, transform_indices = @transform_1, window_bounds = array<i64: 4, 128>}, {pipeline_mode = #tpu.pipeline_mode<synchronous>, transform_indices = @transform_2, window_bounds = array<i64: 128, 64>}, {pipeline_mode = #tpu.pipeline_mode<synchronous>, transform_indices = @transform_3, window_bounds = array<i64: 128, 64>}, {pipeline_mode = #tpu.pipeline_mode<synchronous>, transform_indices = @transform_4, window_bounds = array<i64: 1, 64>}, {pipeline_mode = #tpu.pipeline_mode<synchronous>, transform_indices = @transform_5, window_bounds = array<i64: 401, 128>}, {pipeline_mode = #tpu.pipeline_mode<synchronous>, transform_indices = @transform_6, window_bounds = array<i64: 128, 64>}, {transform_indices = @transform_7, window_bounds = array<i64: 1, 2500, 192>}, {pipeline_mode = #tpu.pipeline_mode<synchronous>, transform_indices = @transform_8, window_bounds = array<i64: 401, 192>}]} {
    %get3A = arith.constant 0 : index
    %get3A_0 = arith.constant 0 : index
    %get3A_1 = arith.constant 0 : index
    %get3A_2 = vector.load %arg1[%get3A, %get3A_0, %get3A_1] : memref<1x2500x128xf32, #tpu.memory_space<vmem>>, vector<1x2500x128xf32>
    %get3A_3 = vector.shape_cast %get3A_2 : vector<1x2500x128xf32> to vector<2500x128xf32>
    %get3A_4 = arith.constant 0 : index
    %get3A_5 = arith.constant 0 : index
    %get3A_6 = vector.load %arg3[%get3A_4, %get3A_5] : memref<128x64xf32, #tpu.memory_space<vmem>>, vector<128x64xf32>
    %dot_general3A = arith.constant dense<0.000000e+00> : vector<2500x64xf32>
    %dot_general3A_7 = tpu.matmul %get3A_3, %get3A_6, %dot_general3A {dimension_numbers = #tpu.dot_dimension_numbers<[1], [0], [0], [1], [0, 0, 1, 1], [], []>, precision = #tpu.contract_precision<fp32>, transpose_lhs_hint = false} : vector<2500x128xf32>, vector<128x64xf32>, vector<2500x64xf32> -> vector<2500x64xf32>
    %get3A_8 = arith.constant 0 : index
    %get3A_9 = arith.constant 0 : index
    %get3A_10 = vector.load %arg2[%get3A_8, %get3A_9] : memref<4x128xf32, #tpu.memory_space<vmem>>, vector<4x128xf32>
    %get3A_11 = arith.constant 0 : index
    %get3A_12 = arith.constant 0 : index
    %get3A_13 = vector.load %arg4[%get3A_11, %get3A_12] : memref<128x64xf32, #tpu.memory_space<vmem>>, vector<128x64xf32>
    %dot_general3A_14 = arith.constant dense<0.000000e+00> : vector<4x64xf32>
    %dot_general3A_15 = tpu.matmul %get3A_10, %get3A_13, %dot_general3A_14 {dimension_numbers = #tpu.dot_dimension_numbers<[1], [0], [0], [1], [0, 0, 1, 1], [], []>, precision = #tpu.contract_precision<fp32>, transpose_lhs_hint = false} : vector<4x128xf32>, vector<128x64xf32>, vector<4x64xf32> -> vector<4x64xf32>
    %get3A_16 = arith.constant 0 : index
    %get3A_17 = arith.constant 0 : index
    %get3A_18 = vector.load %arg5[%get3A_16, %get3A_17] : memref<1x64xf32, #tpu.memory_space<vmem>>, vector<1x64xf32>
    %add3A = vector.broadcast %get3A_18 : vector<1x64xf32> to vector<4x64xf32>
    %add3A_19 = arith.addf %dot_general3A_15, %add3A : vector<4x64xf32>
    %iota3A = tpu.iota {dimensions = array<i32: 0>} : vector<4x64xi32>
    %eq3A = vector.broadcast %arg0 : i32 to vector<4x64xi32>
    %eq3A_20 = arith.cmpi eq, %iota3A, %eq3A : vector<4x64xi32>
    %jit3A = arith.constant 0.000000e+00 : f32
    %broadcast_in_dim3A = vector.broadcast %jit3A : f32 to vector<4x64xf32>
    %select_n3A = arith.select %eq3A_20, %add3A_19, %broadcast_in_dim3A : vector<4x64xi1>, vector<4x64xf32>
    %reduce_sum3A = arith.constant dense<0.000000e+00> : vector<64xf32>
    %reduce_sum3A_21 = vector.multi_reduction <add>, %select_n3A, %reduce_sum3A [0] : vector<4x64xf32> to vector<64xf32>
    %broadcast_in_dim3A_22 = vector.shape_cast %reduce_sum3A_21 : vector<64xf32> to vector<1x64xf32>
    %swap3A = arith.constant 0 : index
    %swap3A_23 = arith.constant 0 : index
    %swap3A_24 = arith.constant 0 : index
    %swap3A_25 = vector.load %arg8[%swap3A, %swap3A_23, %swap3A_24] : memref<1x2500x192xf32, #tpu.memory_space<vmem>>, vector<1x2500x128xf32>
    %swap3A_26 = vector.shape_cast %swap3A_25 : vector<1x2500x128xf32> to vector<2500x128xf32>
    %swap3A_27 = vector.shape_cast %get3A_3 : vector<2500x128xf32> to vector<1x2500x128xf32>
    tpu.vector_store %arg8[%swap3A, %swap3A_23, %swap3A_24], %swap3A_27 {strides = array<i32>} : memref<1x2500x192xf32, #tpu.memory_space<vmem>>, vector<1x2500x128xf32>,
    %add3A_28 = vector.broadcast %broadcast_in_dim3A_22 : vector<1x64xf32> to vector<2500x64xf32>
    %add3A_29 = arith.addf %dot_general3A_7, %add3A_28 : vector<2500x64xf32>
    %swap3A_30 = arith.constant 0 : index
    %swap3A_31 = arith.constant 0 : index
    %swap3A_32 = arith.constant 128 : index
    %swap3A_33 = vector.load %arg8[%swap3A_30, %swap3A_31, %swap3A_32] : memref<1x2500x192xf32, #tpu.memory_space<vmem>>, vector<1x2500x64xf32>
    %swap3A_34 = vector.shape_cast %swap3A_33 : vector<1x2500x64xf32> to vector<2500x64xf32>
    %swap3A_35 = vector.shape_cast %add3A_29 : vector<2500x64xf32> to vector<1x2500x64xf32>
    tpu.vector_store %arg8[%swap3A_30, %swap3A_31, %swap3A_32], %swap3A_35 {strides = array<i32>} : memref<1x2500x192xf32, #tpu.memory_space<vmem>>, vector<1x2500x64xf32>,
    %eq3A_36 = arith.constant 0 : i32
    %eq3A_37 = arith.cmpi eq, %arg0, %eq3A_36 : i32
    %convert_element_type3A = arith.extui %eq3A_37 : i1 to i32
    %cond3A = arith.constant 0 : i32
    %cond3A_38 = arith.cmpi ne, %convert_element_type3A, %cond3A : i32
    scf.if %cond3A_38 {
      %get3A_39 = arith.constant 0 : index
      %get3A_40 = arith.constant 0 : index
      %get3A_41 = vector.load %arg6[%get3A_39, %get3A_40] : memref<401x128xf32, #tpu.memory_space<vmem>>, vector<401x128xf32>
      %swap3A_42 = arith.constant 0 : index
      %swap3A_43 = arith.constant 0 : index
      %swap3A_44 = vector.load %arg9[%swap3A_42, %swap3A_43] : memref<401x192xf32, #tpu.memory_space<vmem>>, vector<401x128xf32>
      tpu.vector_store %arg9[%swap3A_42, %swap3A_43], %get3A_41 {strides = array<i32>} : memref<401x192xf32, #tpu.memory_space<vmem>>, vector<401x128xf32>,
      %get3A_45 = arith.constant 0 : index
      %get3A_46 = arith.constant 0 : index
      %get3A_47 = vector.load %arg7[%get3A_45, %get3A_46] : memref<128x64xf32, #tpu.memory_space<vmem>>, vector<128x64xf32>
      %dot_general3A_48 = arith.constant dense<0.000000e+00> : vector<401x64xf32>
      %dot_general3A_49 = tpu.matmul %get3A_41, %get3A_47, %dot_general3A_48 {dimension_numbers = #tpu.dot_dimension_numbers<[1], [0], [0], [1], [0, 0, 1, 1], [], []>, precision = #tpu.contract_precision<fp32>, transpose_lhs_hint = false} : vector<401x128xf32>, vector<128x64xf32>, vector<401x64xf32> -> vector<401x64xf32>
      %swap3A_50 = arith.constant 0 : index
      %swap3A_51 = arith.constant 128 : index
      %swap3A_52 = vector.load %arg9[%swap3A_50, %swap3A_51] : memref<401x192xf32, #tpu.memory_space<vmem>>, vector<401x64xf32>
      tpu.vector_store %arg9[%swap3A_50, %swap3A_51], %dot_general3A_49 {strides = array<i32>} : memref<401x192xf32, #tpu.memory_space<vmem>>, vector<401x64xf32>,
    } else {
    }
    return
  }
  func.func @transform_0(%arg0: i32) -> (i32, i32, i32) {
    %c0_i32 = arith.constant 0 : i32
    %c0_i32_0 = arith.constant 0 : i32
    %c0_i32_1 = arith.constant 0 : i32
    return %arg0, %c0_i32, %c0_i32_0 : i32, i32, i32
  }
  func.func @transform_1(%arg0: i32) -> (i32, i32) {
    %c0_i32 = arith.constant 0 : i32
    %c0_i32_0 = arith.constant 0 : i32
    %c0_i32_1 = arith.constant 0 : i32
    return %c0_i32, %c0_i32_0 : i32, i32
  }
  func.func @transform_2(%arg0: i32) -> (i32, i32) {
    %c0_i32 = arith.constant 0 : i32
    %c0_i32_0 = arith.constant 0 : i32
    %c0_i32_1 = arith.constant 0 : i32
    return %c0_i32, %c0_i32_0 : i32, i32
  }
  func.func @transform_3(%arg0: i32) -> (i32, i32) {
    %c0_i32 = arith.constant 0 : i32
    %c0_i32_0 = arith.constant 0 : i32
    %c0_i32_1 = arith.constant 0 : i32
    return %c0_i32, %c0_i32_0 : i32, i32
  }
  func.func @transform_4(%arg0: i32) -> (i32, i32) {
    %c0_i32 = arith.constant 0 : i32
    %c0_i32_0 = arith.constant 0 : i32
    %c0_i32_1 = arith.constant 0 : i32
    return %c0_i32, %c0_i32_0 : i32, i32
  }
  func.func @transform_5(%arg0: i32) -> (i32, i32) {
    %c0_i32 = arith.constant 0 : i32
    %c0_i32_0 = arith.constant 0 : i32
    %c0_i32_1 = arith.constant 0 : i32
    return %c0_i32, %c0_i32_0 : i32, i32
  }
  func.func @transform_6(%arg0: i32) -> (i32, i32) {
    %c0_i32 = arith.constant 0 : i32
    %c0_i32_0 = arith.constant 0 : i32
    %c0_i32_1 = arith.constant 0 : i32
    return %c0_i32, %c0_i32_0 : i32, i32
  }
  func.func @transform_7(%arg0: i32) -> (i32, i32, i32) {
    %c0_i32 = arith.constant 0 : i32
    %c0_i32_0 = arith.constant 0 : i32
    %c0_i32_1 = arith.constant 0 : i32
    return %arg0, %c0_i32, %c0_i32_0 : i32, i32, i32
  }
  func.func @transform_8(%arg0: i32) -> (i32, i32) {
    %c0_i32 = arith.constant 0 : i32
    %c0_i32_0 = arith.constant 0 : i32
    %c0_i32_1 = arith.constant 0 : i32
    return %c0_i32, %c0_i32_0 : i32, i32
  }
}

module attributes {stable_mosaic.version = 14 : i64} {
  func.func @_post_body(%arg0: i32, %arg1: memref<1x1000x144xf32, #tpu.memory_space<vmem>>, %arg2: memref<1x1000x144xf32, #tpu.memory_space<vmem>>, %arg3: memref<128x128xf32, #tpu.memory_space<vmem>>, %arg4: memref<1x128xf32, #tpu.memory_space<vmem>>, %arg5: memref<128x128xf32, #tpu.memory_space<vmem>>, %arg6: memref<1x128xf32, #tpu.memory_space<vmem>>, %arg7: memref<1000x128xf32, #tpu.memory_space<vmem>>) attributes {dimension_semantics = [#tpu.dimension_semantics<arbitrary>], iteration_bounds = array<i64: 10>, scalar_prefetch = 0 : i64, scratch_operands = 0 : i64, tpu.core_type = #tpu.core_type<tc>, window_params = [{transform_indices = @transform_0, window_bounds = array<i64: 1, 1000, 144>}, {transform_indices = @transform_1, window_bounds = array<i64: 1, 1000, 144>}, {pipeline_mode = #tpu.pipeline_mode<synchronous>, transform_indices = @transform_2, window_bounds = array<i64: 128, 128>}, {pipeline_mode = #tpu.pipeline_mode<synchronous>, transform_indices = @transform_3, window_bounds = array<i64: 1, 128>}, {pipeline_mode = #tpu.pipeline_mode<synchronous>, transform_indices = @transform_4, window_bounds = array<i64: 128, 128>}, {pipeline_mode = #tpu.pipeline_mode<synchronous>, transform_indices = @transform_5, window_bounds = array<i64: 1, 128>}, {transform_indices = @transform_6, window_bounds = array<i64: 1000, 128>}]} {
    %get3A = arith.constant 0 : index
    %get3A_0 = arith.constant 0 : index
    %get3A_1 = arith.constant 0 : index
    %get3A_2 = vector.load %arg1[%get3A, %get3A_0, %get3A_1] : memref<1x1000x144xf32, #tpu.memory_space<vmem>>, vector<1x1000x144xf32>
    %get3A_3 = vector.shape_cast %get3A_2 : vector<1x1000x144xf32> to vector<1000x144xf32>
    %get3A_4 = arith.constant 0 : index
    %get3A_5 = arith.constant 0 : index
    %get3A_6 = arith.constant 0 : index
    %get3A_7 = vector.load %arg2[%get3A_4, %get3A_5, %get3A_6] : memref<1x1000x144xf32, #tpu.memory_space<vmem>>, vector<1x1000x144xf32>
    %get3A_8 = vector.shape_cast %get3A_7 : vector<1x1000x144xf32> to vector<1000x144xf32>
    %slice3A = vector.extract_strided_slice %get3A_3 {offsets = [0, 0], sizes = [1000, 128], strides = [1, 1]} : vector<1000x144xf32> to vector<1000x128xf32>
    %slice3A_9 = vector.extract_strided_slice %get3A_8 {offsets = [0, 0], sizes = [1000, 128], strides = [1, 1]} : vector<1000x144xf32> to vector<1000x128xf32>
    %add3A = arith.addf %slice3A, %slice3A_9 : vector<1000x128xf32>
    %slice3A_10 = vector.extract_strided_slice %get3A_3 {offsets = [0, 128], sizes = [1000, 1], strides = [1, 1]} : vector<1000x144xf32> to vector<1000x1xf32>
    %slice3A_11 = vector.extract_strided_slice %get3A_8 {offsets = [0, 128], sizes = [1000, 1], strides = [1, 1]} : vector<1000x144xf32> to vector<1000x1xf32>
    %add3A_12 = arith.addf %slice3A_10, %slice3A_11 : vector<1000x1xf32>
    %get3A_13 = arith.constant 0 : index
    %get3A_14 = arith.constant 0 : index
    %get3A_15 = vector.load %arg3[%get3A_13, %get3A_14] : memref<128x128xf32, #tpu.memory_space<vmem>>, vector<128x128xf32>
    %dot_general3A = arith.constant dense<0.000000e+00> : vector<1000x128xf32>
    %dot_general3A_16 = tpu.matmul %add3A, %get3A_15, %dot_general3A {dimension_numbers = #tpu.dot_dimension_numbers<[1], [0], [0], [1], [0, 0, 1, 1], [], []>, precision = #tpu.contract_precision<fp32>, transpose_lhs_hint = false} : vector<1000x128xf32>, vector<128x128xf32>, vector<1000x128xf32> -> vector<1000x128xf32>
    %get3A_17 = arith.constant 0 : index
    %get3A_18 = arith.constant 0 : index
    %get3A_19 = vector.load %arg4[%get3A_17, %get3A_18] : memref<1x128xf32, #tpu.memory_space<vmem>>, vector<1x128xf32>
    %add3A_20 = vector.broadcast %get3A_19 : vector<1x128xf32> to vector<1000x128xf32>
    %add3A_21 = arith.addf %dot_general3A_16, %add3A_20 : vector<1000x128xf32>
    %get3A_22 = arith.constant 0 : index
    %get3A_23 = arith.constant 0 : index
    %get3A_24 = vector.load %arg5[%get3A_22, %get3A_23] : memref<128x128xf32, #tpu.memory_space<vmem>>, vector<128x128xf32>
    %dot_general3A_25 = arith.constant dense<0.000000e+00> : vector<1000x128xf32>
    %dot_general3A_26 = tpu.matmul %add3A_21, %get3A_24, %dot_general3A_25 {dimension_numbers = #tpu.dot_dimension_numbers<[1], [0], [0], [1], [0, 0, 1, 1], [], []>, precision = #tpu.contract_precision<fp32>, transpose_lhs_hint = false} : vector<1000x128xf32>, vector<128x128xf32>, vector<1000x128xf32> -> vector<1000x128xf32>
    %get3A_27 = arith.constant 0 : index
    %get3A_28 = arith.constant 0 : index
    %get3A_29 = vector.load %arg6[%get3A_27, %get3A_28] : memref<1x128xf32, #tpu.memory_space<vmem>>, vector<1x128xf32>
    %add3A_30 = vector.broadcast %get3A_29 : vector<1x128xf32> to vector<1000x128xf32>
    %add3A_31 = arith.addf %dot_general3A_26, %add3A_30 : vector<1000x128xf32>
    %max3A = arith.constant 0.000000e+00 : f32
    %max3A_32 = vector.broadcast %max3A : f32 to vector<1000x128xf32>
    %max3A_33 = arith.maximumf %add3A_31, %max3A_32 : vector<1000x128xf32>
    %gt3A = arith.constant 0.000000e+00 : f32
    %gt3A_34 = vector.broadcast %gt3A : f32 to vector<1000x1xf32>
    %gt3A_35 = arith.cmpf ogt, %add3A_12, %gt3A_34 : vector<1000x1xf32>
    %jit3A = arith.constant 0.000000e+00 : f32
    %broadcast_in_dim3A = vector.shape_cast %gt3A_35 : vector<1000x1xi1> to vector<1000x1xi1>
    %broadcast_in_dim3A_36 = vector.broadcast %broadcast_in_dim3A : vector<1000x1xi1> to vector<1000x128xi1>
    %broadcast_in_dim3A_37 = vector.broadcast %jit3A : f32 to vector<1000x128xf32>
    %select_n3A = arith.select %broadcast_in_dim3A_36, %max3A_33, %broadcast_in_dim3A_37 : vector<1000x128xi1>, vector<1000x128xf32>
    %swap3A = arith.constant 0 : index
    %swap3A_38 = arith.constant 0 : index
    %swap3A_39 = vector.load %arg7[%swap3A, %swap3A_38] : memref<1000x128xf32, #tpu.memory_space<vmem>>, vector<1000x128xf32>
    tpu.vector_store %arg7[%swap3A, %swap3A_38], %select_n3A {strides = array<i32>} : memref<1000x128xf32, #tpu.memory_space<vmem>>, vector<1000x128xf32>,
    return
  }
  func.func @transform_0(%arg0: i32) -> (i32, i32, i32) {
    %c0_i32 = arith.constant 0 : i32
    %c0_i32_0 = arith.constant 0 : i32
    %c0_i32_1 = arith.constant 0 : i32
    return %c0_i32, %arg0, %c0_i32_0 : i32, i32, i32
  }
  func.func @transform_1(%arg0: i32) -> (i32, i32, i32) {
    %c1_i32 = arith.constant 1 : i32
    %c0_i32 = arith.constant 0 : i32
    %c0_i32_0 = arith.constant 0 : i32
    return %c1_i32, %arg0, %c0_i32 : i32, i32, i32
  }
  func.func @transform_2(%arg0: i32) -> (i32, i32) {
    %c0_i32 = arith.constant 0 : i32
    %c0_i32_0 = arith.constant 0 : i32
    %c0_i32_1 = arith.constant 0 : i32
    return %c0_i32, %c0_i32_0 : i32, i32
  }
  func.func @transform_3(%arg0: i32) -> (i32, i32) {
    %c0_i32 = arith.constant 0 : i32
    %c0_i32_0 = arith.constant 0 : i32
    %c0_i32_1 = arith.constant 0 : i32
    return %c0_i32, %c0_i32_0 : i32, i32
  }
  func.func @transform_4(%arg0: i32) -> (i32, i32) {
    %c0_i32 = arith.constant 0 : i32
    %c0_i32_0 = arith.constant 0 : i32
    %c0_i32_1 = arith.constant 0 : i32
    return %c0_i32, %c0_i32_0 : i32, i32
  }
  func.func @transform_5(%arg0: i32) -> (i32, i32) {
    %c0_i32 = arith.constant 0 : i32
    %c0_i32_0 = arith.constant 0 : i32
    %c0_i32_1 = arith.constant 0 : i32
    return %c0_i32, %c0_i32_0 : i32, i32
  }
  func.func @transform_6(%arg0: i32) -> (i32, i32) {
    %c0_i32 = arith.constant 0 : i32
    %c0_i32_0 = arith.constant 0 : i32
    return %arg0, %c0_i32 : i32, i32
  }
}

</mosaic_0001>

<sc_bundles>
// kernel: kernel.5.cloned.1.call-start
scs
__scs_entry_jumppad:
0x0: {  	(pc) =	sbr.rel $0x88, $3  }
0x1: {  	(tag) =	ssettag $0x0;
	lr =	simm.s32 $0x1  }
0x2: {  	[smem:$0x3F94] =	sst lr;
	_ =	strace $0xD0000000  }
0x3: {  	_ = 	snop  }
0x4: {  	_ = 	snop  }
0x5: {  	_ = 	snop  }
0x6: {  	_ = 	snop  }
0x7: {  	_ = 	snop  }
__scs_overlays_trampoline_lowered:
0x8: {  	[smem:$0x3FA3] =	sst s0  }
0x9: {  	[smem:$0x3FA4] =	sst s1  }
0xa: {  	[smem:$0x3FA5] =	sst s2  }
0xb: {  	[smem:$0x3FA6] =	sst s3  }
0xc: {  	[smem:$0x3FA7] =	sst s4  }
0xd: {  	[smem:$0x3FA8] =	sst s5  }
0xe: {  	[smem:$0x3FA9] =	sst s6  }
0xf: {  	[smem:$0x3FAA] =	sst s7  }
0x10: {  	[smem:$0x3FAB] =	sst s8  }
0x11: {  	[smem:$0x3FAC] =	sst s9;
	s0 =	simm.s32 @!p0 $0x0  }
0x12: {  	s1 =	sld [smem:$0x3F92];
	s0 =	simm.s32 @p0 $0x1  }
0x13: {  	[smem:$0x3FAD] =	sst s0;
	s0 =	simm.s32 @!p1 $0x0  }
0x14: {  	s2 =	sld [smem:$0x3F91];
	s0 =	simm.s32 @p1 $0x1  }
0x15: {  	[smem:$0x3FAE] =	sst s0;
	s0 =	simm.s32 @!p2 $0x0  }
0x16: {  	s3 =	sld [smem:$0x3FDB];
	s0 =	simm.s32 @p2 $0x1  }
0x17: {  	s4 =	simm.s32 $0x1BF5;
	[smem:$0x3FB0] =	sst s0  }
0x18: {  	s0 =	sld [smem:$0x3F93];
	_ =	swait.ge [sflag:s4], $0x0  }
0x19: {  	s7 =	sld [smem:$0x3F94]  }
0x1a: {  	s8 =	sadd.s32 $0xFFFFE003, lr  }
0x1b: {  	s9 =	sadd.s32 $0xFFFFFEF7, lr;
	s5 =	simm.s32 $0xFFFFFFFF;
	p2 =	slt.u32 s8, $0xFFFFF086  }
0x1c: {  	p1 =	slt.u32 s9, $0xF7A;
	s5 =	simm.s32 @!p2 $0x0  }
0x1d: {  	s5 =	simm.s32 @p1 $0x1;
	p0 =	seq.s32 s7, s2  }
0x1e: {  	s7 =	smul.u32 @!p0 $0xF7A, s2;
	p2 =	seq.s32 @!p0 s5, $0x0  }
0x1f: {  	s9 =	smul.u32 $0xF7A, s1;
	s8 =	simm.s32 @!p0 $0x1BF5;
	p2 =	por !p2, p0  }
0x20: {  	[sflag:s8] =	ssyncset.s32 @!p0 $0xFFFFF086;
	s6 =	sadd.s32 @!p0 s3, s7;
	s7 =	simm.s32 @!p0 $0x108  }
0x21: {  	s3 =	sadd.s32 s3, s9;
	s6 =	sadd.s32 @!p0 $0x88, s6;
	s7 =	simm.s32 @p2 $0x1082  }
0x22: {  	[simem:s7], [sflag:s8] =	dma.local @!p0 [hbm:s6], $0xF7A  }
0x23: {  	s9 =	sor.u32 $0xD0000000, s2;
	s6 =	simm.s32 $0x108;
	_ =	swait.ge @!p0 [sflag:s8], $0x0  }
0x24: {  	s3 =	sadd.s32 $0x88, s3;
	s6 =	simm.s32 @!p1 $0x1082;
	[sflag:s4] =	ssyncset.s32 $0xFFFFF086  }
0x25: {  	[simem:s6], [sflag:s4] =	dma.local [hbm:s3], $0xF7A  }
0x26: {  	[smem:$0x3F94] =	sst s1;
	(tag) =	ssettag s2;
	_ =	strace s9  }
0x27: {  	s1 =	sld [smem:$0x3FA4]  }
0x28: {  	s2 =	sld [smem:$0x3FA5]  }
0x29: {  	s4 =	sld [smem:$0x3FA7]  }
0x2a: {  	p0 =	seq.s32 s5, $0x0;
	s5 =	sld [smem:$0x3FA8]  }
0x2b: {  	s6 =	sld [smem:$0x3FA9]  }
0x2c: {  	s7 =	sld [smem:$0x3FAA]  }
0x2d: {  	s3 =	simm.s32 $0x108;
	s8 =	sld [smem:$0x3FAB]  }
0x2e: {  	s3 =	simm.s32 @!p0 $0x1082;
	s9 =	sld [smem:$0x3FAC]  }
0x2f: {  	lr =	sadd.s32 s0, s3;
	s0 =	sld [smem:$0x3FA3]  }
0x30: {  	s3 =	sld [smem:$0x3FA6]  }
0x31: {  	[smem:$0x3FAF] =	sst s10  }
0x32: {  	s10 =	sld [smem:$0x3FAD];
	_ =	sdelay $0x3  }
0x33: {  	p0 =	seq.s32 s10, $0x1;
	s10 =	sld [smem:$0x3FAF];
	_ =	sdelay $0x3  }
0x34: {  	[smem:$0x3FAF] =	sst s10  }
0x35: {  	s10 =	sld [smem:$0x3FAE];
	_ =	sdelay $0x3  }
0x36: {  	p1 =	seq.s32 s10, $0x1;
	s10 =	sld [smem:$0x3FAF];
	_ =	sdelay $0x3  }
0x37: {  	[smem:$0x3FAF] =	sst s10  }
0x38: {  	s10 =	sld [smem:$0x3FB0]  }
0x39: {  	_ = 	snop;
	(pc) =	sbr.ind lr, $3  }
0x3a: {  	_ = 	snop  }
0x3b: {  	_ = 	snop  }
0x3c: {  	p2 =	seq.s32 s10, $0x1;
	s10 =	sld [smem:$0x3FAF]  }
0x3d: {  	_ =	shalt  }
0x3e: {  	_ =	shalt  }
0x3f: {  	_ =	shalt  }
0x40: {  	_ =	shalt  }
0x41: {  	_ =	shalt  }
0x42: {  	_ =	shalt  }
0x43: {  	_ =	shalt  }
0x44: {  	_ =	shalt  }
0x45: {  	_ =	shalt  }
0x46: {  	_ =	shalt  }
0x47: {  	_ =	shalt  }
0x48: {  	_ =	shalt  }
0x49: {  	_ =	shalt  }
0x4a: {  	_ =	shalt  }
0x4b: {  	_ =	shalt  }
0x4c: {  	_ =	shalt  }
0x4d: {  	_ =	shalt  }
0x4e: {  	_ =	shalt  }
0x4f: {  	_ =	shalt  }
0x50: {  	_ =	shalt  }
0x51: {  	_ =	shalt  }
0x52: {  	_ =	shalt  }
0x53: {  	_ =	shalt  }
0x54: {  	_ =	shalt  }
0x55: {  	_ =	shalt  }
0x56: {  	_ =	shalt  }
0x57: {  	_ =	shalt  }
0x58: {  	_ =	shalt  }
0x59: {  	_ =	shalt  }
0x5a: {  	_ =	shalt  }
0x5b: {  	_ =	shalt  }
0x5c: {  	_ =	shalt  }
0x5d: {  	_ =	shalt  }
0x5e: {  	_ =	shalt  }
0x5f: {  	_ =	shalt  }
0x60: {  	_ =	shalt  }
0x61: {  	_ =	shalt  }
0x62: {  	_ =	shalt  }
0x63: {  	_ =	shalt  }
0x64: {  	_ =	shalt  }
0x65: {  	_ =	shalt  }
0x66: {  	_ =	shalt  }
0x67: {  	_ =	shalt  }
0x68: {  	_ =	shalt  }
0x69: {  	_ =	shalt  }
0x6a: {  	_ =	shalt  }
0x6b: {  	_ =	shalt  }
0x6c: {  	_ =	shalt  }
0x6d: {  	_ =	shalt  }
0x6e: {  	_ =	shalt  }
0x6f: {  	_ =	shalt  }
0x70: {  	_ =	shalt  }
0x71: {  	_ =	shalt  }
0x72: {  	_ =	shalt  }
0x73: {  	_ =	shalt  }
0x74: {  	_ =	shalt  }
0x75: {  	_ =	shalt  }
0x76: {  	_ =	shalt  }
0x77: {  	_ =	shalt  }
0x78: {  	_ =	shalt  }
0x79: {  	_ =	shalt  }
0x7a: {  	_ =	shalt  }
0x7b: {  	_ =	shalt  }
0x7c: {  	_ =	shalt  }
0x7d: {  	_ =	shalt  }
0x7e: {  	_ =	shalt  }
0x7f: {  	_ =	shalt  }
0x80: {  	_ =	shalt  }
0x81: {  	_ =	shalt  }
0x82: {  	_ =	shalt  }
0x83: {  	_ =	shalt  }
0x84: {  	_ =	shalt  }
0x85: {  	_ =	shalt  }
0x86: {  	_ =	shalt  }
0x87: {  	_ =	shalt  }
.Lfunc_end0:
.L_simem_size_0:
called_computation_lowered:
.L_overlay_start_0:
0x88: {  	s2 =	sld [smem:$0x3FD9]  }
0x89: {  	s3 =	sld [smem:$0x3FFE];
	_ =	sdelay $0x1  }
0x8a: {  	s1 =	srdreg.scid  }
0x8b: {  	s0 =	sand.u32 $0x1, s1  }
0x8c: {  	s17 =	sshll.u32 s0, $0xA;
	s2 =	sadd.s32 s3, s2  }
0x8d: {  	s2 =	sadd.s32 s2, s17  }
0x8e: {  	[smem:$0x3FBB] =	sst s2  }
0x8f: {  	_ = 	snop  }
0x90: {  	s2 =	sld [smem:$0x3FC1]  }
0x91: {  	s18 =	sld [smem:$0x3FD0];
	(tm) =	ssettm $0x1  }
0x92: {  	s4 =	sld [smem:$0x3FFB];
	_ =	sdelay $0x3  }
0x93: {  	_ =	strace s4  }
0x94: {  	s4 =	sld [smem:$0x3FFC];
	_ =	sdelay $0x3  }
0x95: {  	_ =	strace s4  }
0x96: {  	s4 =	sld [smem:$0x3FFD];
	_ =	sdelay $0x3  }
0x97: {  	_ =	strace s4  }
0x98: {  	_ =	strace $0x8FFFFFFF  }
0x99: {  	s19 =	sld [smem:$0x3FDB];
	_ =	sdelay $0x1  }
0x9a: {  	s5 =	simm.s32 $_scs_section_size  }
0x9b: {  	s6 =	simm.s32 $_size__tile_overlayer_lowered;
	s7 =	simm.s32 $_tile_overlayer_lowered  }
0x9c: {  	s22 =	simm.s32 $0x1BFF;
	s21 =	sshll.u32 s7, $0x1;
	s4 =	sadd.s32 s5, s19  }
0x9d: {  	s8 =	simm.s32 $0x0;
	s20 =	sshll.u32 s6, $0x1;
	s6 =	sadd.s32 s21, s4  }
0x9e: {  	[timem:s8], [sflag:s22] =	dma.local [hbm:s6], s20  }
0x9f: {  	_ =	swait.ge [sflag:s22], s20  }
0xa0: {  	s5 =	ssub.s32 $0x0, s20;
	[sflag:s22] =	ssyncset.done $0x0  }
0xa1: {  	[sflag:s22] =	ssyncadd.s32 s5;
	_ =	sdelay $0x1  }
0xa2: {  	s23 =	simm.s32 $0x1B8B  }
0xa3: {  	_ =	swait.ge [sflag:s23], $0x1  }
0xa4: {  	[sflag:s23] =	ssyncset.done $0x0  }
0xa5: {  	s25 =	simm.s32 $0x1B8E;
	s24 =	sld [smem:$0x3FFE];
	[sflag:s23] =	ssyncadd.s32 $0xFFFFFFFF  }
0xa6: {  	s26 =	simm.s32 $execute0_lowered;
	[smem:$0x3FD2] =	sst s25  }
0xa7: {  	s6 =	sshll.u32 s26, $0x1;
	_ =	strace $0x80000046;
	[dreg:$0x1] =	wrdreg $0xFFFFFFFF  }
0xa8: {  	s28 =	simm.s32 $_size_execute0_lowered;
	s4 =	sadd.s32 s4, s6;
	[dreg:$0x0] =	wrdreg $0x0  }
0xa9: {  	s6 =	sshll.u32 s28, $0x1;
	[dreg:$0x2] =	wrdreg s4  }
0xaa: {  	[dreg:$0x3] =	wrdreg s6  }
0xab: {  	[dreg:$0x4] =	wrdreg $0xC0  }
0xac: {  	_ =	task [dreg:s8], $0x5FFFF  }
0xad: {  	[dreg:$0x1] =	wrdreg $0xFFFFFFFF  }
0xae: {  	[dreg:$0x0] =	wrdreg $0x60  }
0xaf: {  	[dreg:$0x2] =	wrdreg s18  }
0xb0: {  	[dreg:$0x3] =	wrdreg s24  }
0xb1: {  	[dreg:$0x4] =	wrdreg s2  }
0xb2: {  	[dreg:$0x5] =	wrdreg $0x57800  }
0xb3: {  	[dreg:$0x6] =	wrdreg $0x9  }
0xb4: {  	_ =	task.clear_ibuf [dreg:s8], $0x7FFFF;
	_ =	strace $0x90000046  }
0xb5: {  	s29 =	simm.s32 $0x9;
	_ =	strace $0x80000048  }
0xb6: {  	_ =	swait.ge [sflag:s29], $0x1  }
0xb7: {  	[sflag:s29] =	ssyncadd.s32 $0xFFFFFFFF  }
0xb8: {  	_ =	strace $0x90000048  }
0xb9: {  	_ =	sfence  }
0xba: {  	s30 =	sld [smem:$0x0];
	_ =	sdelay $0x2  }
0xbb: {  	s31 =	sshll.u32 s1, $0xD;
	s1 =	sshrl.u32 s1, $0x2  }
0xbc: {  	s3 =	sand.u32 $0x4000, s31;
	s1 =	sadd.s32 s1, s30  }
0xbd: {  	s0 =	sor.u32 s3, s0;
	s1 =	sshll.u32 s1, $0x11  }
0xbe: {  	s0 =	sor.u32 s1, s0  }
0xbf: {  	s0 =	sadd.s32 $0x8F2B, s0  }
0xc0: {  	[sflag:s0] =	ssyncadd.remote.s32 $0x1  }
0xc1: {  	_ =	sfence.sel $0xFFFF  }
0xc2: {  	[dreg:$0x0] =	wrdreg $0xFFFFFFFF;
	(pc) =	sbr.abs _section_cstart, $3  }
0xc3: {  	[dreg:$0x1] =	wrdreg $0xFFFFFFFF  }
0xc4: {  	_ =	task.clear_ibuf [dreg:s8], $0x2FFFF;
	_ =	strace $0x9FFFFFFF  }
0xc5: {  	(tm) =	ssettm $0x7FFFFFFF  }
tec
execute0_lowered:
.L_overlay_start_1:
0x0: {  	(tag) =	ssettag $0x1  }
0x1: {  	s1 =	rddreg [dreg:$0x0];
	s9 =	stileid.u32  }
0x2: {  	s2 =	rddreg [dreg:$0x1];
	s26 =	smul.u32 $0x58E00, s9  }
0x3: {  	s5 =	rddreg [dreg:$0x3];
	s6 =	simm.s32 $0x0  }
0x4: {  	s0 =	srdreg.scid;
	[smem:$0x7FF] =	sst s6;
	s6 =	sshrl.u32 s26, $0x2  }
0x5: {  	s28 =	simm.s32 $0x1B0;
	s3 =	smul.u32 $0x16380, s9;
	s29 =	sadd.s32 s6, s5  }
0x6: {  	s0 =	sand.u32 $0x1, s0;
	s15 =	smul.u32 $0x1A00, s9;
	s6 =	sadd.s32 $0x1200, s29  }
0x7: {  	_ =	strace $0x80000047;
	s30 =	sadd.s32 $0x2400, s29;
	[dreg:$0x5] =	wrdreg s6  }
0x8: {  	s9 =	smul.u32 $0x3600, s9;
	s31 =	sadd.s32 $0x3600, s29;
	[dreg:$0x6] =	wrdreg s30  }
0x9: {  	s4 =	smul.u32 $0x163800, s0;
	s10 =	sadd.s32 $0x4800, s29;
	[dreg:$0x7] =	wrdreg s31  }
0xa: {  	s7 =	ssub.s32 $0x2, s0;
	s11 =	sadd.s32 $0x5A00, s29;
	[dreg:$0x8] =	wrdreg s10  }
0xb: {  	p0 =	seq.s32 s0, $0x0;
	s12 =	sadd.s32 $0x6C00, s29;
	[dreg:$0x9] =	wrdreg s11  }
0xc: {  	s8 =	sshrl.u32 s7, $0x1;
	s13 =	sadd.s32 $0x7E00, s29;
	[dreg:$0xa] =	wrdreg s12  }
0xd: {  	s19 =	sadd.s32 $0x36000, s15;
	s14 =	sadd.s32 $0x9000, s29;
	[dreg:$0xb] =	wrdreg s13  }
0xe: {  	s28 =	simm.s32 @!p0 $0xD0;
	s16 =	sadd.s32 $0xB400, s29;
	[dreg:$0xc] =	wrdreg s14  }
0xf: {  	s15 =	simm.s32 $0x5720;
	s17 =	sadd.s32 $0xC600, s29;
	[dreg:$0xe] =	wrdreg s16  }
0x10: {  	s4 =	sadd.s32 s3, s4;
	s18 =	sadd.s32 $0xD800, s29;
	[dreg:$0xf] =	wrdreg s17  }
0x11: {  	s8 =	ssub.s32 s7, s8;
	s20 =	sadd.s32 $0xEA00, s29;
	[dreg:$0x10] =	wrdreg s18  }
0x12: {  	s7 =	sadd.s32 s3, s5;
	s21 =	sadd.s32 $0xFC00, s29;
	[dreg:$0x11] =	wrdreg s20  }
0x13: {  	s19 =	smov.u32 @p0 s9;
	s22 =	sadd.s32 $0x10E00, s29;
	[dreg:$0x12] =	wrdreg s21  }
0x14: {  	s9 =	simm.s32 $0x4500;
	s23 =	sadd.s32 $0x12000, s29;
	[dreg:$0x13] =	wrdreg s22  }
0x15: {  	s4 =	sshrl.u32 s4, $0x3;
	s24 =	sadd.s32 $0x13200, s29;
	[dreg:$0x14] =	wrdreg s23  }
0x16: {  	s25 =	sadd.s32 $0x14400, s29;
	s26 =	sadd.s32 $0x15600, s29;
	[dreg:$0x15] =	wrdreg s24  }
0x17: {  	s4 =	sadd.s32 s4, s2;
	s10 =	sadd.s32 $0xA200, s29;
	[dreg:$0x16] =	wrdreg s25  }
0x18: {  	[dreg:$0x17] =	wrdreg s26;
	s29 =	sshrl.u32 s19, $0x3;
	s31 =	smax.u32 s8, $0x1  }
0x19: {  	s6 =	sshrl.u32 s28, $0x1;
	s8 =	simm.s32 $0x3300;
	s11 =	simm.s32 $0x1  }
0x1a: {  	s12 =	simm.s32 $0x20;
	s13 =	simm.s32 $0x5700;
	s14 =	simm.s32 $0x2  }
0x1b: {  	s16 =	simm.s32 $0x3;
	s17 =	simm.s32 $0x4;
	[dreg:$0xd] =	wrdreg s10  }
0x1c: {  	s18 =	simm.s32 $0x0;
	s0 =	sadd.s32 s1, s29;
	[dreg:$0x1a] =	wrdreg s31  }
0x1d: {  	s30 =	sadd.s32 $0x1EA00, s4;
	s4 =	sadd.s32 $0x1400, s2;
	[dreg:$0x18] =	wrdreg s0  }
0x1e: {  	v0 =	vimm.f32 $0.0e+00;
	v1 =	vimm.f32 $1.000000000e+00;
	v2 =	vimm.s32 $0xF;
	s10 =	simm.s32 $0x8;
	[dreg:$0x19] =	wrdreg s30;
	s0 =	simm.s32 $0x5  }
.LBB2_1:
0x1f: {  	s3 =	rddreg [dreg:$0x2];
	s20 =	simm.s32 $0x0;
	s21 =	simm.s32 $0x5740  }
0x20: {  	[tilespmem:s21], [sflag:$0x5] =	stream.linear.gather [hbm4b:s3+s20], $0x40, $0x38;
	[tilespmem:$0x1BB00] =	vst v63  }
0x21: {  	_ =	swait.ge [sflag:s0], $0x40  }
0x22: {  	[sflag:s0] =	ssyncset.done $0x0  }
0x23: {  	s3 =	simm.s32 $0x0;
	s20 =	simm.s32 $0x240;
	[sflag:s0] =	ssyncadd.s32 $0xFFFFFFC0  }
.LBB2_2:
0x24: {  	p0 =	sne.s32 s20, $0x45C0;
	[tilespmem:s3+$0x4580] =	vst v0  }
0x25: {  	[tilespmem:s3+$0x3300] =	vst v0  }
0x26: {  	[tilespmem:s3+$0x4500] =	vst v0  }
0x27: {  	[tilespmem:s3+$0x3310] =	vst v0  }
0x28: {  	[tilespmem:s3+$0x4510] =	vst v0  }
0x29: {  	[tilespmem:s3+$0x3320] =	vst v0  }
0x2a: {  	[tilespmem:s3+$0x4520] =	vst v0  }
0x2b: {  	[tilespmem:s3+$0x3330] =	vst v0  }
0x2c: {  	[tilespmem:s3+$0x4530] =	vst v0  }
0x2d: {  	[tilespmem:s3+$0x3340] =	vst v0  }
0x2e: {  	[tilespmem:s3+$0x4540] =	vst v0  }
0x2f: {  	[tilespmem:s3+$0x3350] =	vst v0  }
0x30: {  	[tilespmem:s3+$0x4550] =	vst v0  }
.Ltmp0:
0x31: {  	[tilespmem:s3+$0x3360] =	vst v0;
	(pc) =	sbr.rel @p0 .LBB2_2-.Ltmp0, $4  }
0x32: {  	[tilespmem:s3+$0x4560] =	vst v0  }
0x33: {  	[tilespmem:s3+$0x3370] =	vst v0  }
0x34: {  	[tilespmem:s3+$0x4570] =	vst v0  }
0x35: {  	[tilespmem:s3+$0x3380] =	vst v0;
	s3 =	sshra.s32 s20, $0x2;
	s20 =	sadd.s32 $0x240, s20  }
0x36: {  	[tilespmem:s3+$0x4580] =	vst v0  }
0x37: {  	[tilespmem:s3+$0x3300] =	vst v0  }
0x38: {  	[tilespmem:s3+$0x4500] =	vst v0  }
0x39: {  	[tilespmem:s3+$0x3310] =	vst v0  }
0x3a: {  	[tilespmem:s3+$0x4510] =	vst v0  }
0x3b: {  	[tilespmem:s3+$0x3320] =	vst v0  }
0x3c: {  	[tilespmem:s3+$0x4520] =	vst v0  }
0x3d: {  	[tilespmem:s3+$0x3330] =	vst v0  }
0x3e: {  	[tilespmem:s3+$0x4530] =	vst v0  }
0x3f: {  	[tilespmem:s3+$0x3340] =	vst v0  }
0x40: {  	[tilespmem:s3+$0x4540] =	vst v0  }
0x41: {  	[tilespmem:s3+$0x3350] =	vst v0  }
0x42: {  	[tilespmem:s3+$0x4550] =	vst v0  }
0x43: {  	[tilespmem:s3+$0x3360] =	vst v0  }
0x44: {  	[tilespmem:s3+$0x4560] =	vst v0  }
0x45: {  	[tilespmem:s3+$0x3370] =	vst v0  }
0x46: {  	[tilespmem:s3+$0x4570] =	vst v0  }
0x47: {  	[tilespmem:s3+$0x3380] =	vst v0  }
0x48: {  	[spmem:s7] =	stream.linear.scatter [tilespmem:s8], [sflag:$0x5], $0x1200, $0x38;
	[tilespmem:$0x1BB00] =	vst v63  }
0x49: {  	_ =	swait.ge [sflag:s0], $0x1200  }
0x4a: {  	[sflag:s0] =	ssyncset.done $0x0  }
0x4b: {  	s21 =	rddreg [dreg:$0x5];
	[sflag:s0] =	ssyncadd.s32 $0xFFFFEE00  }
0x4c: {  	[spmem:s21] =	stream.linear.scatter [tilespmem:s9], [sflag:$0x5], $0x1200, $0x38;
	[tilespmem:$0x1BB00] =	vst v63  }
0x4d: {  	_ =	swait.ge [sflag:s0], $0x1200  }
0x4e: {  	[sflag:s0] =	ssyncset.done $0x0  }
0x4f: {  	s22 =	rddreg [dreg:$0x6];
	[sflag:s0] =	ssyncadd.s32 $0xFFFFEE00  }
0x50: {  	[spmem:s22] =	stream.linear.scatter [tilespmem:s8], [sflag:$0x5], $0x1200, $0x38;
	[tilespmem:$0x1BB00] =	vst v63  }
0x51: {  	_ =	swait.ge [sflag:s0], $0x1200  }
0x52: {  	[sflag:s0] =	ssyncset.done $0x0  }
0x53: {  	s23 =	rddreg [dreg:$0x7];
	[sflag:s0] =	ssyncadd.s32 $0xFFFFEE00  }
0x54: {  	[spmem:s23] =	stream.linear.scatter [tilespmem:s9], [sflag:$0x5], $0x1200, $0x38;
	[tilespmem:$0x1BB00] =	vst v63  }
0x55: {  	_ =	swait.ge [sflag:s0], $0x1200  }
0x56: {  	[sflag:s0] =	ssyncset.done $0x0  }
0x57: {  	s24 =	rddreg [dreg:$0x8];
	[sflag:s0] =	ssyncadd.s32 $0xFFFFEE00  }
0x58: {  	[spmem:s24] =	stream.linear.scatter [tilespmem:s8], [sflag:$0x5], $0x1200, $0x38;
	[tilespmem:$0x1BB00] =	vst v63  }
0x59: {  	_ =	swait.ge [sflag:s0], $0x1200  }
0x5a: {  	[sflag:s0] =	ssyncset.done $0x0  }
0x5b: {  	s25 =	rddreg [dreg:$0x9];
	[sflag:s0] =	ssyncadd.s32 $0xFFFFEE00  }
0x5c: {  	[spmem:s25] =	stream.linear.scatter [tilespmem:s9], [sflag:$0x5], $0x1200, $0x38;
	[tilespmem:$0x1BB00] =	vst v63  }
0x5d: {  	_ =	swait.ge [sflag:s0], $0x1200  }
0x5e: {  	[sflag:s0] =	ssyncset.done $0x0  }
0x5f: {  	s26 =	rddreg [dreg:$0xa];
	[sflag:s0] =	ssyncadd.s32 $0xFFFFEE00  }
0x60: {  	[spmem:s26] =	stream.linear.scatter [tilespmem:s8], [sflag:$0x5], $0x1200, $0x38;
	[tilespmem:$0x1BB00] =	vst v63  }
0x61: {  	_ =	swait.ge [sflag:s0], $0x1200  }
0x62: {  	[sflag:s0] =	ssyncset.done $0x0  }
0x63: {  	s29 =	rddreg [dreg:$0xb];
	[sflag:s0] =	ssyncadd.s32 $0xFFFFEE00  }
0x64: {  	[spmem:s29] =	stream.linear.scatter [tilespmem:s9], [sflag:$0x5], $0x1200, $0x38;
	[tilespmem:$0x1BB00] =	vst v63  }
0x65: {  	_ =	swait.ge [sflag:s0], $0x1200  }
0x66: {  	[sflag:s0] =	ssyncset.done $0x0  }
0x67: {  	s30 =	rddreg [dreg:$0xc];
	[sflag:s0] =	ssyncadd.s32 $0xFFFFEE00  }
0x68: {  	[spmem:s30] =	stream.linear.scatter [tilespmem:s8], [sflag:$0x5], $0x1200, $0x38;
	[tilespmem:$0x1BB00] =	vst v63  }
0x69: {  	_ =	swait.ge [sflag:s0], $0x1200  }
0x6a: {  	[sflag:s0] =	ssyncset.done $0x0  }
0x6b: {  	s31 =	rddreg [dreg:$0xd];
	[sflag:s0] =	ssyncadd.s32 $0xFFFFEE00  }
0x6c: {  	[spmem:s31] =	stream.linear.scatter [tilespmem:s9], [sflag:$0x5], $0x1200, $0x38;
	[tilespmem:$0x1BB00] =	vst v63  }
0x6d: {  	_ =	swait.ge [sflag:s0], $0x1200  }
0x6e: {  	[sflag:s0] =	ssyncset.done $0x0  }
0x6f: {  	s20 =	rddreg [dreg:$0xe];
	[sflag:s0] =	ssyncadd.s32 $0xFFFFEE00  }
0x70: {  	[spmem:s20] =	stream.linear.scatter [tilespmem:s8], [sflag:$0x5], $0x1200, $0x38;
	[tilespmem:$0x1BB00] =	vst v63  }
0x71: {  	_ =	swait.ge [sflag:s0], $0x1200  }
0x72: {  	[sflag:s0] =	ssyncset.done $0x0  }
0x73: {  	s21 =	rddreg [dreg:$0xf];
	[sflag:s0] =	ssyncadd.s32 $0xFFFFEE00  }
0x74: {  	[spmem:s21] =	stream.linear.scatter [tilespmem:s9], [sflag:$0x5], $0x1200, $0x38;
	[tilespmem:$0x1BB00] =	vst v63  }
0x75: {  	_ =	swait.ge [sflag:s0], $0x1200  }
0x76: {  	[sflag:s0] =	ssyncset.done $0x0  }
0x77: {  	s22 =	rddreg [dreg:$0x10];
	[sflag:s0] =	ssyncadd.s32 $0xFFFFEE00  }
0x78: {  	[spmem:s22] =	stream.linear.scatter [tilespmem:s8], [sflag:$0x5], $0x1200, $0x38;
	[tilespmem:$0x1BB00] =	vst v63  }
0x79: {  	_ =	swait.ge [sflag:s0], $0x1200  }
0x7a: {  	[sflag:s0] =	ssyncset.done $0x0  }
0x7b: {  	s23 =	rddreg [dreg:$0x11];
	[sflag:s0] =	ssyncadd.s32 $0xFFFFEE00  }
0x7c: {  	[spmem:s23] =	stream.linear.scatter [tilespmem:s9], [sflag:$0x5], $0x1200, $0x38;
	[tilespmem:$0x1BB00] =	vst v63  }
0x7d: {  	_ =	swait.ge [sflag:s0], $0x1200  }
0x7e: {  	[sflag:s0] =	ssyncset.done $0x0  }
0x7f: {  	s24 =	rddreg [dreg:$0x12];
	[sflag:s0] =	ssyncadd.s32 $0xFFFFEE00  }
0x80: {  	[spmem:s24] =	stream.linear.scatter [tilespmem:s8], [sflag:$0x5], $0x1200, $0x38;
	[tilespmem:$0x1BB00] =	vst v63  }
0x81: {  	_ =	swait.ge [sflag:s0], $0x1200  }
0x82: {  	[sflag:s0] =	ssyncset.done $0x0  }
0x83: {  	s25 =	rddreg [dreg:$0x13];
	[sflag:s0] =	ssyncadd.s32 $0xFFFFEE00  }
0x84: {  	[spmem:s25] =	stream.linear.scatter [tilespmem:s9], [sflag:$0x5], $0x1200, $0x38;
	[tilespmem:$0x1BB00] =	vst v63  }
0x85: {  	_ =	swait.ge [sflag:s0], $0x1200  }
0x86: {  	[sflag:s0] =	ssyncset.done $0x0  }
0x87: {  	s26 =	rddreg [dreg:$0x14];
	[sflag:s0] =	ssyncadd.s32 $0xFFFFEE00  }
0x88: {  	[spmem:s26] =	stream.linear.scatter [tilespmem:s8], [sflag:$0x5], $0x1200, $0x38;
	[tilespmem:$0x1BB00] =	vst v63  }
0x89: {  	_ =	swait.ge [sflag:s0], $0x1200  }
0x8a: {  	[sflag:s0] =	ssyncset.done $0x0  }
0x8b: {  	s29 =	rddreg [dreg:$0x15];
	[sflag:s0] =	ssyncadd.s32 $0xFFFFEE00  }
0x8c: {  	[spmem:s29] =	stream.linear.scatter [tilespmem:s9], [sflag:$0x5], $0x1200, $0x38;
	[tilespmem:$0x1BB00] =	vst v63  }
0x8d: {  	_ =	swait.ge [sflag:s0], $0x1200  }
0x8e: {  	[sflag:s0] =	ssyncset.done $0x0  }
0x8f: {  	s30 =	rddreg [dreg:$0x16];
	[sflag:s0] =	ssyncadd.s32 $0xFFFFEE00  }
0x90: {  	[spmem:s30] =	stream.linear.scatter [tilespmem:s8], [sflag:$0x5], $0x1200, $0x38;
	[tilespmem:$0x1BB00] =	vst v63  }
0x91: {  	_ =	swait.ge [sflag:s0], $0x1200  }
0x92: {  	[sflag:s0] =	ssyncset.done $0x0  }
0x93: {  	s31 =	rddreg [dreg:$0x17];
	[sflag:s0] =	ssyncadd.s32 $0xFFFFEE00  }
0x94: {  	[spmem:s31] =	stream.linear.scatter [tilespmem:s9], [sflag:$0x5], $0xD80, $0x38;
	[tilespmem:$0x1BB00] =	vst v63  }
0x95: {  	_ =	swait.ge [sflag:s0], $0xD80  }
0x96: {  	[sflag:s0] =	ssyncset.done $0x0  }
0x97: {  	[sflag:s0] =	ssyncadd.s32 $0xFFFFF280  }
0x98: {  	s3 =	simm.s32 $0x440;
	s20 =	simm.s32 $0x80;
	[bflag:$0x0] =	sbarrier.arrive $0xFFFF  }
.LBB2_4:
0x99: {  	p0 =	sne.s32 s3, $0x47C0;
	[tilespmem:s20+$0x3300] =	vst v1;
	s21 =	smov.u32 s3;
	s3 =	sadd.s32 $0x240, s3  }
.Ltmp1:
0x9a: {  	[tilespmem:s20+$0x4500] =	vst v1;
	(pc) =	sbr.rel @p0 .LBB2_4-.Ltmp1, $2  }
0x9b: {  	_ =	sdelay $0x2  }
0x9c: {  	s20 =	sshra.s32 s21, $0x2  }
0x9d: {  	[tilespmem:s20+$0x3300] =	vst v1  }
0x9e: {  	[tilespmem:s20+$0x4500] =	vst v1  }
0x9f: {  	v3 =	vld [tilespmem:$0x5740]  }
0xa0: {  	s20 =	simm.s32 $0x0;
	v4 =	vld [tilespmem:$0x5750]  }
0xa1: {  	s3 =	rddreg [dreg:$0x18];
	s21 =	simm.s32 $0x100;
	s22 =	simm.s32 $0x50000;
	v5 =	vld [tilespmem:$0x5760]  }
0xa2: {  	v6 =	vld [tilespmem:$0x5770];
	[tilespmem:s20], [sflag:$0x5] =	stream.strided.gather [hbm4b:s3+s21], $0x300, s22, s21, $0x38  }
0xa3: {  	_ =	swait.ge [sflag:s0], $0x300  }
0xa4: {  	[sflag:s0] =	ssyncset.done $0x0  }
0xa5: {  	s25 =	simm.s32 $0x300;
	[sflag:s0] =	ssyncadd.s32 $0xFFFFFD00  }
0xa6: {  	[tilespmem:s25], [sflag:$0x1] =	stream.indirect.gather [hbm4b:s4+s10], $0x60, s20, s10, $0xb8;
	[tilespmem:$0x1BB00] =	vst v63  }
0xa7: {  	s26 =	simm.s32 $0x1B00  }
0xa8: {  	[tilespmem:s26], [sflag:$0x1] =	stream.indirect.gather [hbm4b:s2+s10], $0x60, s21, s10, $0xb8;
	[tilespmem:$0x1BB00] =	vst v63  }
0xa9: {  	s29 =	simm.s32 $0x600  }
0xaa: {  	[tilespmem:s29], [sflag:$0x1] =	stream.indirect.gather [hbm4b:s4+s10], $0x60, s10, s10, $0xb8;
	[tilespmem:$0x1BB00] =	vst v63  }
0xab: {  	s30 =	simm.s32 $0x108;
	s31 =	simm.s32 $0x1E00  }
0xac: {  	[tilespmem:s31], [sflag:$0x1] =	stream.indirect.gather [hbm4b:s2+s10], $0x60, s30, s10, $0xb8;
	[tilespmem:$0x1BB00] =	vst v63  }
0xad: {  	s23 =	simm.s32 $0x900;
	s22 =	simm.s32 $0x10  }
0xae: {  	[tilespmem:s23], [sflag:$0x1] =	stream.indirect.gather [hbm4b:s4+s10], $0x60, s22, s10, $0xb8;
	[tilespmem:$0x1BB00] =	vst v63  }
0xaf: {  	s24 =	simm.s32 $0x110;
	s25 =	simm.s32 $0x2100  }
0xb0: {  	[tilespmem:s25], [sflag:$0x1] =	stream.indirect.gather [hbm4b:s2+s10], $0x60, s24, s10, $0xb8;
	[tilespmem:$0x1BB00] =	vst v63  }
0xb1: {  	s26 =	simm.s32 $0x18;
	s29 =	simm.s32 $0xC00  }
0xb2: {  	[tilespmem:s29], [sflag:$0x1] =	stream.indirect.gather [hbm4b:s4+s10], $0x60, s26, s10, $0xb8;
	[tilespmem:$0x1BB00] =	vst v63  }
0xb3: {  	s30 =	simm.s32 $0x118;
	s31 =	simm.s32 $0x2400  }
0xb4: {  	[tilespmem:s31], [sflag:$0x1] =	stream.indirect.gather [hbm4b:s2+s10], $0x60, s30, s10, $0xb8;
	[tilespmem:$0x1BB00] =	vst v63  }
.LBB2_6:
0xb5: {  	_ =	swait.ge [sflag:s11], $0xC00  }
0xb6: {  	[sflag:s11] =	ssyncset.done $0x0  }
0xb7: {  	[sflag:s11] =	ssyncadd.s32 $0xFFFFF400  }
0xb8: {  	_ =	swait.ge [sflag:s11], $0xC00  }
0xb9: {  	p0 =	seq.s32 s20, $0x0;
	[sflag:s11] =	ssyncset.done $0x0  }
0xba: {  	s3 =	simm.s32 @!p0 $0x3;
	[sflag:s11] =	ssyncadd.s32 $0xFFFFF400  }
0xbb: {  	_ =	swait.ge @!p0 [sflag:s3], $0x1200  }
0xbc: {  	s21 =	sshll.u32 s20, $0x6;
	[sflag:s3] =	ssyncset.done @!p0 $0x0  }
0xbd: {  	s25 =	sand.u32 $0xC0, s21;
	[sflag:s3] =	ssyncadd.s32 @!p0 $0xFFFFEE00  }
0xbe: {  	v7 =	vld [tilespmem:s25+$0x200];
	_ =	sdelay $0x4  }
0xbf: {  	[tilespmem:$0x5700] =	vst v7  }
0xc0: {  	v7 =	vld [tilespmem:s25+$0x210];
	_ =	sdelay $0x1  }
0xc1: {  	s21 =	sshll.u32 s20, $0x1  }
0xc2: {  	s26 =	sor.u32 $0x1, s21  }
0xc3: {  	s22 =	sand.u32 $0x7, s26;
	p1 =	sge.u32 s26, s28  }
0xc4: {  	s23 =	simm.s32 @!p1 $0x8;
	s24 =	simm.s32 @!p1 $0xF00;
	s3 =	sshll.u32 @!p1 s22, $0x5;
	[tilespmem:$0x5710] =	vst v7  }
0xc5: {  	[tilespmem:s24], [sflag:$0x2] =	stream.indirect.gather @!p1 [hbm4b:s4+s23], $0x60, s3, s23, $0xb8;
	[tilespmem:$0x1BB00] =	vst v63  }
0xc6: {  	s25 =	simm.s32 @!p1 $0x2700;
	s24 =	sor.u32 @!p1 $0x100, s3  }
0xc7: {  	[tilespmem:s25], [sflag:$0x2] =	stream.indirect.gather @!p1 [hbm4b:s2+s23], $0x60, s24, s23, $0xb8;
	[tilespmem:$0x1BB00] =	vst v63  }
0xc8: {  	s24 =	sor.u32 @!p1 $0x8, s3;
	s25 =	simm.s32 @!p1 $0x1200  }
0xc9: {  	[tilespmem:s25], [sflag:$0x2] =	stream.indirect.gather @!p1 [hbm4b:s4+s23], $0x60, s24, s23, $0xb8;
	[tilespmem:$0x1BB00] =	vst v63  }
0xca: {  	s24 =	sor.u32 @!p1 $0x108, s3;
	s25 =	simm.s32 @!p1 $0x2A00  }
0xcb: {  	[tilespmem:s25], [sflag:$0x2] =	stream.indirect.gather @!p1 [hbm4b:s2+s23], $0x60, s24, s23, $0xb8;
	[tilespmem:$0x1BB00] =	vst v63  }
0xcc: {  	s24 =	sor.u32 @!p1 $0x10, s3;
	s25 =	simm.s32 @!p1 $0x1500  }
0xcd: {  	[tilespmem:s25], [sflag:$0x2] =	stream.indirect.gather @!p1 [hbm4b:s4+s23], $0x60, s24, s23, $0xb8;
	[tilespmem:$0x1BB00] =	vst v63  }
0xce: {  	s24 =	sor.u32 @!p1 $0x110, s3;
	s25 =	simm.s32 @!p1 $0x2D00  }
0xcf: {  	[tilespmem:s25], [sflag:$0x2] =	stream.indirect.gather @!p1 [hbm4b:s2+s23], $0x60, s24, s23, $0xb8;
	[tilespmem:$0x1BB00] =	vst v63  }
0xd0: {  	s24 =	sor.u32 @!p1 $0x18, s3;
	s25 =	simm.s32 @!p1 $0x1800  }
0xd1: {  	[tilespmem:s25], [sflag:$0x2] =	stream.indirect.gather @!p1 [hbm4b:s4+s23], $0x60, s24, s23, $0xb8;
	[tilespmem:$0x1BB00] =	vst v63  }
0xd2: {  	s30 =	simm.s32 $0x3C0;
	s3 =	sor.u32 @!p1 $0x118, s3;
	s24 =	simm.s32 @!p1 $0x3000  }
0xd3: {  	[tilespmem:s24], [sflag:$0x2] =	stream.indirect.gather @!p1 [hbm4b:s2+s23], $0x60, s3, s23, $0xb8;
	[tilespmem:$0x1BB00] =	vst v63  }
0xd4: {  	s29 =	simm.s32 $0x1BC0;
	v7 =	vld [tilespmem:s30+$0xA0]  }
0xd5: {  	v8 =	vld [tilespmem:s29+$0xA0]  }
0xd6: {  	v9 =	vld [tilespmem:s30+$0xB0]  }
0xd7: {  	v10 =	vld [tilespmem:s29+$0xB0];
	_ =	sdelay $0x1  }
0xd8: {  	v11 =	vunpack.i.l.bf16.f32 v7  }
0xd9: {  	v12 =	vunpack.i.l.bf16.f32 v8;
	v7 =	vunpack.i.u.bf16.f32 v7;
	v8 =	vunpack.i.u.bf16.f32 v8  }
0xda: {  	v11 =	vadd.f32 v12, v11;
	v7 =	vadd.f32 v8, v7  }
0xdb: {  	v8 =	vunpack.i.u.bf16.f32 v9;
	v9 =	vunpack.i.l.bf16.f32 v9;
	v12 =	vunpack.i.l.bf16.f32 v10  }
0xdc: {  	v9 =	vadd.f32 v12, v9;
	v11 =	vmax.f32 v11, $0.0e+00;
	v7 =	vmax.f32 v7, $0.0e+00  }
0xdd: {  	v10 =	vunpack.i.u.bf16.f32 v10;
	v11 =	vmul.f32 v11, v3;
	v7 =	vmul.f32 v7, v4  }
0xde: {  	v8 =	vadd.f32 v10, v8;
	v9 =	vmax.f32 v9, $0.0e+00  }
0xdf: {  	v9 =	vmul.f32 v9, v5;
	v7 =	vadd.f32 v11, v7  }
0xe0: {  	v8 =	vmax.f32 v8, $0.0e+00  }
0xe1: {  	v8 =	vmul.f32 v8, v6;
	v7 =	vadd.f32 v9, v7;
	_ =	sdelay $0x1  }
0xe2: {  	v7 =	vadd.f32 v7, v8;
	_ =	sdelay $0x1  }
0xe3: {  	(xrf2) =	vadd.scan.msk.f32 $0xffff, v7;
	_ =	sdelay $0x1  }
0xe4: {  	v24 =	vld [tilespmem:s29+$0x50]  }
0xe5: {  	v10 =	vld [tilespmem:s30+$0xFFFFFF80]  }
0xe6: {  	v11 =	vld [tilespmem:s30+$0x40]  }
0xe7: {  	v9 =	vld [tilespmem:s29+$0xFFFFFFE0]  }
0xe8: {  	v8 =	vld [tilespmem:s30+$0xFFFFFFE0]  }
0xe9: {  	v15 =	vld [tilespmem:s29+$0xFFFFFF90]  }
0xea: {  	v25 =	vunpack.i.l.bf16.f32 v24;
	v7 =	vld [tilespmem:s29+$0xFFFFFF80]  }
0xeb: {  	v12 =	vld [tilespmem:s29+$0x40];
	v18 =	vunpack.i.u.bf16.f32 v10;
	v10 =	vunpack.i.l.bf16.f32 v10;
	v23 =	vunpack.i.u.bf16.f32 v11  }
0xec: {  	v11 =	vunpack.i.l.bf16.f32 v11;
	v20 =	vunpack.i.u.bf16.f32 v9;
	v9 =	vunpack.i.l.bf16.f32 v9;
	v21, _, _ =	vpop (xrf2)  }
0xed: {  	v13 =	vld [tilespmem:s30+$0xFFFFFF90];
	v17 =	vunpack.i.u.bf16.f32 v8;
	v8 =	vunpack.i.l.bf16.f32 v8;
	v21 =	vperm.xlane v21, v2  }
0xee: {  	v16 =	vld [tilespmem:s30+$0xFFFFFFF0];
	v8 =	vadd.f32 v9, v8;
	v9 =	vunpack.i.l.bf16.f32 v15;
	v17 =	vadd.f32 v20, v17  }
0xef: {  	v22 =	vld [tilespmem:s30+$0x50];
	v14 =	vunpack.i.u.bf16.f32 v7;
	v7 =	vunpack.i.l.bf16.f32 v7;
	v21 =	vsub.f32 $0.0e+00, v21  }
0xf0: {  	v15 =	vunpack.i.u.bf16.f32 v15;
	v7 =	vadd.f32 v7, v10;
	v10 =	vunpack.i.u.bf16.f32 v12  }
0xf1: {  	v12 =	vunpack.i.l.bf16.f32 v12;
	v14 =	vadd.f32 v14, v18;
	v20 =	vmul.f32 $1.442695020e+00, v21  }
0xf2: {  	v18 =	vunpack.i.l.bf16.f32 v13;
	v8 =	vmax.f32 v8, $0.0e+00;
	v17 =	vmax.f32 v17, $0.0e+00  }
0xf3: {  	v13 =	vunpack.i.u.bf16.f32 v13;
	v11 =	vadd.f32 v12, v11;
	(erf) = vpow2.f32 v20  }
0xf4: {  	v19 =	vld [tilespmem:s29+$0xFFFFFFF0];
	v12 =	vunpack.i.l.bf16.f32 v16;
	v10 =	vadd.f32 v10, v23;
	v23 =	vunpack.i.l.bf16.f32 v22  }
0xf5: {  	v9 =	vadd.f32 v9, v18;
	v8 =	vmul.f32 v8, v3;
	v13 =	vadd.f32 v15, v13  }
0xf6: {  	v15 =	vmul.f32 v17, v4;
	v7 =	vmax.f32 v7, $0.0e+00;
	v14 =	vmax.f32 v14, $0.0e+00  }
0xf7: {  	v7 =	vmul.f32 v7, v3;
	v14 =	vmul.f32 v14, v4;
	v9 =	vmax.f32 v9, $0.0e+00  }
0xf8: {  	v18 =	vadd.f32 v25, v23;
	v11 =	vmax.f32 v11, $0.0e+00;
	v9 =	vmul.f32 v9, v5  }
0xf9: {  	v7 =	vadd.f32 v7, v14;
	v14 =	vunpack.i.u.bf16.f32 v16;
	v16 =	vunpack.i.u.bf16.f32 v19  }
0xfa: {  	v10 =	vmax.f32 v10, $0.0e+00;
	v13 =	vmax.f32 v13, $0.0e+00;
	v8 =	vadd.f32 v8, v15  }
0xfb: {  	v7 =	vadd.f32 v9, v7;
	v9 =	vmul.f32 v13, v6;
	v21 =	vunpack.i.l.bf16.f32 v19  }
0xfc: {  	v11 =	vmul.f32 v11, v3;
	v14 =	vadd.f32 v16, v14;
	v12 =	vadd.f32 v21, v12;
	v16 =	vpop (erf)  }
0xfd: {  	v10 =	vmul.f32 v10, v4;
	v7 =	vadd.f32 v7, v9;
	v9 =	vadd.f32 $1.000000000e+00, v16  }
0xfe: {  	v15 =	vmax.f32 v18, $0.0e+00;
	v13 =	vunpack.i.u.bf16.f32 v22;
	v12 =	vmax.f32 v12, $0.0e+00  }
0xff: {  	v12 =	vmul.f32 v12, v5;
	v16 =	vunpack.i.u.bf16.f32 v24;
	(erf) = vrcp.f32 v9  }
0x100: {  	v10 =	vadd.f32 v11, v10;
	v11 =	vld [tilespmem:s29+$0x60];
	v14 =	vmax.f32 v14, $0.0e+00;
	(xrf2) =	vadd.scan.msk.f32 $0xffff, v7;
	v7 =	vadd.f32 v16, v13  }
0x101: {  	v8 =	vadd.f32 v12, v8;
	v12 =	vld [tilespmem:s30+$0x60];
	v13 =	vmul.f32 v15, v5;
	v9 =	vmul.f32 v14, v6  }
0x102: {  	v7 =	vmax.f32 v7, $0.0e+00  }
0x103: {  	v8 =	vadd.f32 v8, v9;
	v9 =	vadd.f32 v13, v10;
	v7 =	vmul.f32 v7, v6;
	_ =	sdelay $0x1  }
0x104: {  	v10 =	vunpack.i.u.bf16.f32 v11;
	(xrf2) =	vadd.scan.msk.f32 $0xffff, v8;
	v7 =	vadd.f32 v9, v7  }
0x105: {  	v8 =	vunpack.i.l.bf16.f32 v12;
	v9 =	vunpack.i.l.bf16.f32 v11  }
0x106: {  	v8 =	vmul.f32 v9, v8;
	(xrf2) =	vadd.scan.msk.f32 $0xffff, v7;
	v7 =	vunpack.i.u.bf16.f32 v12  }
0x107: {  	v7 =	vmul.f32 v10, v7;
	v10 =	vpop (erf)  }
0x108: {  	v8 =	vmul.f32 v8, v10  }
0x109: {  	s23 =	simm.s32 $0x3420;
	v9, _, _ =	vpop (xrf2);
	v7 =	vmul.f32 v7, v10  }
0x10a: {  	v9 =	vperm.xlane v9, v2;
	[tilespmem:s23+$0x90] =	vst v8  }
0x10b: {  	[tilespmem:s23+$0xA0] =	vst v7  }
0x10c: {  	v7 =	vld [tilespmem:s30+$0x70]  }
0x10d: {  	v8 =	vsub.f32 $0.0e+00, v9;
	v11 =	vld [tilespmem:s29+$0x70]  }
0x10e: {  	v9, _, _ =	vpop (xrf2)  }
0x10f: {  	v8 =	vmul.f32 $1.442695020e+00, v8;
	v9 =	vperm.xlane v9, v2  }
0x110: {  	s24 =	simm.s32 $0x540  }
0x111: {  	v26 =	vld [tilespmem:s24+$0x40];
	(erf) = vpow2.f32 v8;
	v8 =	vsub.f32 $0.0e+00, v9  }
0x112: {  	v29 =	vld [tilespmem:s24+$0xFFFFFF80];
	v12 =	vunpack.i.l.bf16.f32 v7;
	v13 =	vunpack.i.l.bf16.f32 v11;
	v7 =	vunpack.i.u.bf16.f32 v7  }
0x113: {  	s25 =	simm.s32 $0x1D40;
	v47 =	vld [tilespmem:s24+$0xFFFFFF90];
	v11 =	vunpack.i.u.bf16.f32 v11;
	v9, _, _ =	vpop (xrf2);
	v8 =	vmul.f32 $1.442695020e+00, v8;
	v12 =	vmul.f32 v13, v12  }
0x114: {  	v32 =	vld [tilespmem:s25+$0xFFFFFFF0];
	v7 =	vmul.f32 v11, v7;
	v9 =	vperm.xlane v9, v2  }
0x115: {  	v34 =	vld [tilespmem:s24+$0x50];
	(erf) = vpow2.f32 v8;
	v8 =	vmul.f32 v12, v10  }
0x116: {  	v14 =	vld [tilespmem:s29+$0xFFFFFFA0];
	v7 =	vmul.f32 v7, v10;
	v9 =	vsub.f32 $0.0e+00, v9  }
0x117: {  	v13 =	vld [tilespmem:s30+$0xFFFFFF40];
	[tilespmem:s23+$0xB0] =	vst v8  }
0x118: {  	v11 =	vld [tilespmem:s29+$0xFFFFFF40];
	[tilespmem:s23+$0xC0] =	vst v7;
	v9 =	vmul.f32 $1.442695020e+00, v9  }
0x119: {  	v33 =	vunpack.i.u.bf16.f32 v29;
	v16 =	vld [tilespmem:s29+$0x80]  }
0x11a: {  	v29 =	vunpack.i.l.bf16.f32 v29;
	v36 =	vunpack.i.u.bf16.f32 v26;
	(erf) = vpow2.f32 v9;
	v9 =	vld [tilespmem:s30+$0x80]  }
0x11b: {  	v26 =	vunpack.i.l.bf16.f32 v26;
	v49 =	vunpack.i.l.bf16.f32 v47;
	v50 =	vunpack.i.l.bf16.f32 v32  }
0x11c: {  	v51 =	vunpack.i.l.bf16.f32 v34;
	v19 =	vunpack.i.u.bf16.f32 v14;
	v14 =	vunpack.i.l.bf16.f32 v14;
	v12 =	vld [tilespmem:s30+$0xFFFFFFA0];
	v15 =	vpop (erf)  }
0x11d: {  	v17 =	vunpack.i.u.bf16.f32 v11;
	v7 =	vadd.f32 $1.000000000e+00, v15;
	v15 =	vunpack.i.u.bf16.f32 v13  }
0x11e: {  	v8 =	vld [tilespmem:s30+$0x0];
	v11 =	vunpack.i.l.bf16.f32 v11;
	v13 =	vunpack.i.l.bf16.f32 v13;
	v15 =	vmul.f32 v17, v15  }
0x11f: {  	(erf) = vrcp.f32 v7;
	v7 =	vld [tilespmem:s29+$0x0];
	v21 =	vunpack.i.l.bf16.f32 v16;
	v17 =	vunpack.i.l.bf16.f32 v9  }
0x120: {  	v16 =	vunpack.i.u.bf16.f32 v16;
	v9 =	vunpack.i.u.bf16.f32 v9;
	v17 =	vmul.f32 v21, v17;
	v21 =	vld [tilespmem:s24+$0xA0]  }
0x121: {  	v18 =	vunpack.i.u.bf16.f32 v12;
	v12 =	vunpack.i.l.bf16.f32 v12;
	v9 =	vmul.f32 v16, v9;
	v16 =	vld [tilespmem:s25+$0xA0]  }
0x122: {  	v32 =	vunpack.i.u.bf16.f32 v32;
	v23 =	vld [tilespmem:s24+$0xB0];
	v13 =	vmul.f32 v11, v13;
	v12 =	vmul.f32 v14, v12  }
0x123: {  	v24 =	vld [tilespmem:s25+$0xB0];
	v20 =	vunpack.i.u.bf16.f32 v8;
	v8 =	vunpack.i.l.bf16.f32 v8;
	v14 =	vmul.f32 v17, v10  }
0x124: {  	v11 =	vpop (erf);
	v22 =	vunpack.i.u.bf16.f32 v7;
	v7 =	vunpack.i.l.bf16.f32 v7;
	v9 =	vmul.f32 v9, v10  }
0x125: {  	v11 =	vadd.f32 $1.000000000e+00, v11;
	v25 =	vmul.f32 v7, v8;
	[tilespmem:s23+$0xD0] =	vst v14;
	v7 =	vunpack.i.l.bf16.f32 v21  }
0x126: {  	[tilespmem:s23+$0xE0] =	vst v9;
	v8 =	vunpack.i.l.bf16.f32 v16;
	v9 =	vunpack.i.u.bf16.f32 v21;
	v14 =	vunpack.i.u.bf16.f32 v16  }
0x127: {  	(erf) = vrcp.f32 v11;
	v7 =	vadd.f32 v8, v7;
	v8 =	vadd.f32 v14, v9  }
0x128: {  	v56 =	vld [tilespmem:s25+$0xFFFFFF40];
	v16 =	vunpack.i.l.bf16.f32 v23;
	v21 =	vunpack.i.l.bf16.f32 v24;
	v14 =	vunpack.i.u.bf16.f32 v23  }
0x129: {  	v57 =	vld [tilespmem:s25+$0xFFFFFFA0];
	v16 =	vadd.f32 v21, v16;
	v7 =	vmax.f32 v7, $0.0e+00;
	v23 =	vmax.f32 v8, $0.0e+00  }
0x12a: {  	v40 =	vld [tilespmem:s25+$0x60];
	v11 =	vpop (erf);
	v24 =	vunpack.i.u.bf16.f32 v24;
	v7 =	vmul.f32 v7, v3;
	v23 =	vmul.f32 v23, v4  }
0x12b: {  	v17 =	vadd.f32 $1.000000000e+00, v11;
	v14 =	vadd.f32 v24, v14;
	v16 =	vmax.f32 v16, $0.0e+00  }
0x12c: {  	v19 =	vmul.f32 v19, v18;
	v18 =	vld [tilespmem:s29+$0x90];
	v16 =	vmul.f32 v16, v5;
	v23 =	vadd.f32 v7, v23  }
0x12d: {  	v34 =	vunpack.i.u.bf16.f32 v34;
	(erf) = vrcp.f32 v17;
	v17 =	vld [tilespmem:s30+$0x90];
	v14 =	vmax.f32 v14, $0.0e+00  }
0x12e: {  	v59 =	vunpack.i.u.bf16.f32 v56;
	v24 =	vld [tilespmem:s25+$0x40];
	v14 =	vmul.f32 v14, v6;
	v23 =	vadd.f32 v16, v23  }
0x12f: {  	v60 =	vunpack.i.l.bf16.f32 v56;
	v61 =	vunpack.i.l.bf16.f32 v57;
	v46 =	vunpack.i.l.bf16.f32 v40;
	v11 =	vpop (erf);
	v21 =	vld [tilespmem:s25+$0xFFFFFFE0]  }
0x130: {  	v31 =	vld [tilespmem:s24+$0xFFFFFFF0];
	v20 =	vmul.f32 v22, v20;
	v13 =	vmul.f32 v13, v11;
	v14 =	vadd.f32 v23, v14  }
0x131: {  	v15 =	vmul.f32 v15, v11;
	v9 =	vld [tilespmem:s25+$0xFFFFFF80];
	v8 =	vpop (erf);
	v28 =	vunpack.i.u.bf16.f32 v18;
	v18 =	vunpack.i.l.bf16.f32 v18  }
0x132: {  	v22 =	vld [tilespmem:s24+$0xFFFFFFE0];
	v12 =	vmul.f32 v12, v8;
	v19 =	vmul.f32 v19, v8;
	v27 =	vunpack.i.u.bf16.f32 v17;
	(xrf2) =	vadd.scan.msk.f32 $0xffff, v14  }
0x133: {  	v27 =	vmul.f32 v28, v27;
	v48 =	vunpack.i.u.bf16.f32 v24;
	v24 =	vunpack.i.l.bf16.f32 v24  }
0x134: {  	v35 =	vunpack.i.u.bf16.f32 v21;
	v28 =	vunpack.i.u.bf16.f32 v47;
	v24 =	vadd.f32 v24, v26  }
0x135: {  	v26 =	vunpack.i.l.bf16.f32 v31;
	v31 =	vunpack.i.u.bf16.f32 v31;
	v16 =	vmul.f32 v27, v10  }
0x136: {  	v27 =	vunpack.i.u.bf16.f32 v9;
	v9 =	vunpack.i.l.bf16.f32 v9;
	v26 =	vadd.f32 v50, v26  }
0x137: {  	v30 =	vld [tilespmem:s25+$0xFFFFFF90];
	v55 =	vadd.f32 v32, v31;
	v23 =	vunpack.i.u.bf16.f32 v22;
	v22 =	vunpack.i.l.bf16.f32 v22  }
0x138: {  	v9 =	vadd.f32 v9, v29;
	v27 =	vadd.f32 v27, v33;
	v24 =	vmax.f32 v24, $0.0e+00  }
0x139: {  	v29 =	vadd.f32 v48, v36;
	v23 =	vadd.f32 v35, v23;
	v24 =	vmul.f32 v24, v3  }
0x13a: {  	v26 =	vmax.f32 v26, $0.0e+00;
	v14 =	vunpack.i.l.bf16.f32 v21;
	v9 =	vmax.f32 v9, $0.0e+00  }
0x13b: {  	v27 =	vmax.f32 v27, $0.0e+00;
	v29 =	vmax.f32 v29, $0.0e+00;
	v26 =	vmul.f32 v26, v5  }
0x13c: {  	v21 =	vld [tilespmem:s25+$0x50];
	v14 =	vadd.f32 v14, v22;
	v22 =	vunpack.i.l.bf16.f32 v30;
	v9 =	vmul.f32 v9, v3;
	v53, _, _ =	vpop (xrf2)  }
0x13d: {  	v23 =	vmax.f32 v23, $0.0e+00;
	v27 =	vmul.f32 v27, v4;
	v35 =	vperm.xlane v53, v2  }
0x13e: {  	v30 =	vunpack.i.u.bf16.f32 v30;
	v29 =	vmul.f32 v29, v4;
	v22 =	vadd.f32 v22, v49  }
0x13f: {  	v23 =	vmul.f32 v23, v4;
	v28 =	vadd.f32 v30, v28;
	v35 =	vsub.f32 $0.0e+00, v35  }
0x140: {  	v14 =	vmax.f32 v14, $0.0e+00;
	v9 =	vadd.f32 v9, v27;
	v22 =	vmax.f32 v22, $0.0e+00  }
0x141: {  	v37 =	vunpack.i.l.bf16.f32 v21;
	v22 =	vmul.f32 v22, v5;
	v35 =	vmul.f32 $1.442695020e+00, v35  }
0x142: {  	v14 =	vmul.f32 v14, v3;
	v28 =	vmax.f32 v28, $0.0e+00;
	v52 =	vadd.f32 v37, v51  }
0x143: {  	v9 =	vadd.f32 v22, v9;
	v22 =	vmul.f32 v28, v6;
	(erf) = vpow2.f32 v35  }
0x144: {  	v54 =	vld [tilespmem:s24+$0xFFFFFF40];
	[tilespmem:s23+$0xFFFFFEF0] =	vst v15;
	v24 =	vadd.f32 v24, v29;
	v21 =	vunpack.i.u.bf16.f32 v21;
	v33 =	vmax.f32 v52, $0.0e+00  }
0x145: {  	v15 =	vld [tilespmem:s25+$0x0];
	[tilespmem:s23+$0xFFFFFF70] =	vst v12;
	v14 =	vadd.f32 v14, v23;
	v23 =	vmul.f32 v33, v5;
	v9 =	vadd.f32 v9, v22  }
0x146: {  	v17 =	vunpack.i.l.bf16.f32 v17;
	[tilespmem:s23+$0xFFFFFF80] =	vst v19;
	v58 =	vmax.f32 v55, $0.0e+00;
	v21 =	vadd.f32 v21, v34  }
0x147: {  	v7 =	vpop (erf);
	v27 =	vld [tilespmem:s24+$0xFFFFFFA0];
	v14 =	vadd.f32 v26, v14;
	v23 =	vadd.f32 v23, v24;
	v24 =	vmul.f32 v58, v6;
	(xrf2) =	vadd.scan.msk.f32 $0xffff, v9  }
0x148: {  	[tilespmem:s23+$0xFFFFFEE0] =	vst v13;
	v17 =	vmul.f32 v18, v17;
	v63 =	vld [tilespmem:s29+$0xFFFFFFB0];
	v25 =	vmul.f32 v25, v7;
	v21 =	vmax.f32 v21, $0.0e+00  }
0x149: {  	v20 =	vmul.f32 v20, v7;
	v26 =	vld [tilespmem:s30+$0xFFFFFF50];
	v21 =	vmul.f32 v21, v6;
	v14 =	vadd.f32 v14, v24  }
0x14a: {  	v12 =	vunpack.i.u.bf16.f32 v54;
	v36 =	vunpack.i.u.bf16.f32 v15;
	[tilespmem:s23+$0x0] =	vst v25;
	v25 =	vunpack.i.u.bf16.f32 v57;
	v9 =	vld [tilespmem:s29+$0xFFFFFF50]  }
0x14b: {  	[tilespmem:s23+$0x10] =	vst v20;
	v20 =	vmul.f32 v59, v12;
	v21 =	vadd.f32 v23, v21;
	v23 =	vld [tilespmem:s30+$0xFFFFFFB0];
	(xrf2) =	vadd.scan.msk.f32 $0xffff, v14  }
0x14c: {  	v37 =	vunpack.i.l.bf16.f32 v15;
	v22 =	vunpack.i.l.bf16.f32 v54;
	v24 =	vunpack.i.u.bf16.f32 v27;
	v15 =	vpop (erf)  }
0x14d: {  	v19 =	vmul.f32 v60, v22;
	v14 =	vmul.f32 v25, v24;
	v24 =	vld [tilespmem:s29+$0x10];
	v22 =	vadd.f32 $1.000000000e+00, v15  }
0x14e: {  	v41 =	vunpack.i.l.bf16.f32 v63;
	v39 =	vunpack.i.u.bf16.f32 v26;
	v25 =	vunpack.i.l.bf16.f32 v26;
	(xrf2) =	vadd.scan.msk.f32 $0xffff, v21;
	v21 =	vld [tilespmem:s24+$0x60]  }
0x14f: {  	(erf) = vrcp.f32 v22;
	v22 =	vunpack.i.u.bf16.f32 v9;
	v9 =	vunpack.i.l.bf16.f32 v9  }
0x150: {  	v38 =	vld [tilespmem:s30+$0x10];
	v26 =	vunpack.i.u.bf16.f32 v23;
	v23 =	vunpack.i.l.bf16.f32 v23;
	v9 =	vmul.f32 v9, v25  }
0x151: {  	v27 =	vunpack.i.l.bf16.f32 v27;
	v23 =	vmul.f32 v41, v23;
	v42, _, _ =	vpop (xrf2);
	v22 =	vmul.f32 v22, v39  }
0x152: {  	v44 =	vunpack.i.l.bf16.f32 v24;
	v43 =	vperm.xlane v42, v2;
	v9 =	vmul.f32 v9, v11  }
0x153: {  	v23 =	vmul.f32 v23, v8;
	v45 =	vunpack.i.l.bf16.f32 v21;
	v22 =	vmul.f32 v22, v11  }
0x154: {  	v13 =	vld [tilespmem:s24+$0x0];
	v28 =	vsub.f32 $0.0e+00, v43;
	v15 =	vmul.f32 v61, v27;
	v27 =	vunpack.i.u.bf16.f32 v63;
	[tilespmem:s23+$0xFFFFFF00] =	vst v9  }
0x155: {  	v47, _, _ =	vpop (xrf2);
	v26 =	vmul.f32 v27, v26;
	v27 =	vunpack.i.l.bf16.f32 v38;
	v9 =	vunpack.i.u.bf16.f32 v21;
	[tilespmem:s23+$0xFFFFFF10] =	vst v22  }
0x156: {  	v49 =	vperm.xlane v47, v2;
	v22 =	vunpack.i.u.bf16.f32 v24;
	v24 =	vmul.f32 v44, v27;
	v27 =	vld [tilespmem:s30+$0xFFFFFF60]  }
0x157: {  	v48 =	vmul.f32 v46, v45;
	v28 =	vmul.f32 $1.442695020e+00, v28;
	v21 =	vunpack.i.u.bf16.f32 v40;
	v52 =	vld [tilespmem:s29+$0xFFFFFF60]  }
0x158: {  	v50 =	vsub.f32 $0.0e+00, v49;
	v26 =	vmul.f32 v26, v8;
	v21 =	vmul.f32 v21, v9;
	v9 =	vpop (erf)  }
0x159: {  	v62 =	vunpack.i.u.bf16.f32 v13;
	[tilespmem:s23+$0xFFFFFF90] =	vst v23;
	(erf) = vpow2.f32 v28;
	v23 =	vmul.f32 v48, v9  }
0x15a: {  	s26 =	simm.s32 $0x3660;
	v51, _, _ =	vpop (xrf2);
	v25 =	vunpack.i.u.bf16.f32 v38;
	[tilespmem:s23+$0xFFFFFFA0] =	vst v26;
	v26 =	vmul.f32 $1.442695020e+00, v50;
	v21 =	vmul.f32 v21, v9  }
0x15b: {  	v13 =	vunpack.i.l.bf16.f32 v13;
	v54 =	vld [tilespmem:s29+$0xFFFFFFC0];
	v22 =	vmul.f32 v22, v25;
	v25 =	vperm.xlane v51, v2;
	[tilespmem:s26+$0x90] =	vst v23  }
0x15c: {  	(erf) = vpow2.f32 v26;
	v26 =	vunpack.i.l.bf16.f32 v27;
	v53 =	vunpack.i.l.bf16.f32 v52;
	v23 =	vld [tilespmem:s30+$0xFFFFFFC0];
	[tilespmem:s26+$0xA0] =	vst v21  }
0x15d: {  	v21 =	vmul.f32 v24, v7;
	v24 =	vsub.f32 $0.0e+00, v25;
	v26 =	vmul.f32 v53, v26;
	v25 =	vld [tilespmem:s24+$0x70]  }
0x15e: {  	v12 =	vmul.f32 v37, v13;
	v22 =	vmul.f32 v22, v7;
	v27 =	vunpack.i.u.bf16.f32 v27;
	v18 =	vld [tilespmem:s25+$0x70]  }
0x15f: {  	v24 =	vmul.f32 $1.442695020e+00, v24;
	[tilespmem:s23+$0x20] =	vst v21;
	v21 =	vunpack.i.u.bf16.f32 v52;
	v26 =	vmul.f32 v26, v11  }
0x160: {  	v13 =	vmul.f32 v36, v62;
	[tilespmem:s23+$0x30] =	vst v22;
	v21 =	vmul.f32 v21, v27  }
0x161: {  	v29 =	vunpack.i.l.bf16.f32 v54;
	(erf) = vpow2.f32 v24;
	[tilespmem:s23+$0xFFFFFF20] =	vst v26;
	v26 =	vunpack.i.u.bf16.f32 v54  }
0x162: {  	v27 =	vld [tilespmem:s29+$0x20];
	v22 =	vunpack.i.u.bf16.f32 v23;
	v23 =	vunpack.i.l.bf16.f32 v23;
	v21 =	vmul.f32 v21, v11  }
0x163: {  	v24 =	vld [tilespmem:s30+$0x20];
	v55 =	vunpack.i.l.bf16.f32 v25;
	v56 =	vunpack.i.l.bf16.f32 v18;
	v25 =	vunpack.i.u.bf16.f32 v25  }
0x164: {  	v57 =	vpop (erf);
	v18 =	vunpack.i.u.bf16.f32 v18;
	v22 =	vmul.f32 v26, v22;
	v28 =	vmul.f32 v56, v55  }
0x165: {  	v59 =	vpop (erf);
	v18 =	vmul.f32 v18, v25;
	[tilespmem:s23+$0xFFFFFF30] =	vst v21;
	v21 =	vmul.f32 v29, v23  }
0x166: {  	v23 =	vadd.f32 $1.000000000e+00, v57;
	v29 =	vadd.f32 $1.000000000e+00, v59;
	v58 =	vld [tilespmem:s30+$0xFFFFFF70];
	v25 =	vmul.f32 v28, v9  }
0x167: {  	v60 =	vld [tilespmem:s29+$0xFFFFFF70];
	v61 =	vunpack.i.u.bf16.f32 v27;
	v22 =	vmul.f32 v22, v8;
	v18 =	vmul.f32 v18, v9  }
0x168: {  	v26 =	vunpack.i.u.bf16.f32 v24;
	(erf) = vrcp.f32 v23;
	v23 =	vunpack.i.l.bf16.f32 v24;
	[tilespmem:s26+$0xB0] =	vst v25  }
0x169: {  	v21 =	vmul.f32 v21, v8;
	v24 =	vmul.f32 v61, v26;
	[tilespmem:s26+$0xC0] =	vst v18;
	v18 =	vunpack.i.l.bf16.f32 v27  }
0x16a: {  	(erf) = vrcp.f32 v29;
	v26 =	vld [tilespmem:s24+$0x80];
	v18 =	vmul.f32 v18, v23;
	v25 =	vpop (erf)  }
0x16b: {  	[tilespmem:s23+$0xFFFFFFB0] =	vst v21;
	v21 =	vmul.f32 v24, v7;
	v24 =	vld [tilespmem:s25+$0x80];
	v27 =	vunpack.i.l.bf16.f32 v58;
	v23 =	vadd.f32 $1.000000000e+00, v25  }
0x16c: {  	[tilespmem:s23+$0xFFFFFFC0] =	vst v22;
	v62 =	vunpack.i.l.bf16.f32 v60;
	v22 =	vunpack.i.u.bf16.f32 v60;
	v18 =	vmul.f32 v18, v7  }
0x16d: {  	v25 =	vunpack.i.u.bf16.f32 v58;
	v27 =	vmul.f32 v62, v27;
	(erf) = vrcp.f32 v23  }
0x16e: {  	[tilespmem:s23+$0x100] =	vst v16;
	v63 =	vld [tilespmem:s30+$0xFFFFFFD0];
	v16 =	vmul.f32 v22, v25  }
0x16f: {  	v25 =	vmul.f32 v17, v10;
	[tilespmem:s23+$0x40] =	vst v18;
	v18 =	vmul.f32 v27, v11  }
0x170: {  	[tilespmem:s23+$0x50] =	vst v21;
	v17 =	vld [tilespmem:s29+$0xFFFFFFD0];
	v21 =	vmul.f32 v16, v11;
	v11 =	vunpack.i.l.bf16.f32 v26;
	v16 =	vunpack.i.l.bf16.f32 v24  }
0x171: {  	v22 =	vunpack.i.u.bf16.f32 v26;
	v26 =	vmul.f32 v16, v11;
	v16 =	vld [tilespmem:s30+$0x30]  }
0x172: {  	v23 =	vunpack.i.u.bf16.f32 v24;
	[tilespmem:s23+$0xF0] =	vst v25;
	v10 =	vpop (erf)  }
0x173: {  	s31 =	simm.s32 $0x4;
	[tilespmem:s23+$0xFFFFFF40] =	vst v18;
	v23 =	vmul.f32 v23, v22;
	v18 =	vld [tilespmem:s29+$0x30];
	v22 =	vunpack.i.l.bf16.f32 v63;
	v11 =	vmul.f32 v19, v10  }
0x174: {  	s3 =	simm.s32 $0x6C0;
	s30 =	simm.s32 $0x1D40;
	s29 =	simm.s32 $0x3660;
	[tilespmem:s23+$0xFFFFFF50] =	vst v21;
	v21 =	vunpack.i.u.bf16.f32 v63;
	v19 =	vpop (erf);
	v24 =	vmul.f32 v20, v10;
	v20 =	vmul.f32 v26, v9  }
.LBB2_7:
0x175: {  	v25 =	vld [tilespmem:s3+$0xB0];
	[tilespmem:s26+$0xFFFFFEE0] =	vst v11;
	v15 =	vmul.f32 v15, v19;
	v23 =	vmul.f32 v23, v9;
	v26 =	vunpack.i.u.bf16.f32 v17  }
0x176: {  	v14 =	vmul.f32 v14, v19;
	s25 =	sadd.s32 $0x180, s25;
	v28 =	vunpack.i.u.bf16.f32 v16;
	v27 =	vld [tilespmem:s3+$0xA0];
	[tilespmem:s26+$0xD0] =	vst v20;
	v11 =	vpop (erf);
	v20 =	vunpack.i.l.bf16.f32 v17  }
0x177: {  	v16 =	vunpack.i.l.bf16.f32 v16;
	v29 =	vld [tilespmem:s25+$0xA0];
	v12 =	vmul.f32 v12, v11;
	v13 =	vmul.f32 v13, v11;
	[tilespmem:s26+$0xE0] =	vst v23  }
0x178: {  	v20 =	vmul.f32 v20, v22;
	v22 =	vunpack.i.u.bf16.f32 v18;
	v23 =	vunpack.i.l.bf16.f32 v18;
	[tilespmem:s26+$0xFFFFFEF0] =	vst v24;
	v17 =	vld [tilespmem:s24+$0x90]  }
0x179: {  	[tilespmem:s26+$0xFFFFFF70] =	vst v15;
	v18 =	vld [tilespmem:s30+$0x90];
	v15 =	vmul.f32 v26, v21;
	v21 =	vmul.f32 v23, v16  }
0x17a: {  	v16 =	vmul.f32 v22, v28;
	v23 =	vld [tilespmem:s25+$0xB0];
	[tilespmem:s26+$0xFFFFFF80] =	vst v14;
	v14 =	vmul.f32 v20, v8  }
0x17b: {  	v22 =	vunpack.i.u.bf16.f32 v25;
	v20 =	vld [tilespmem:s25+$0xFFFFFF80];
	[tilespmem:s26+$0x0] =	vst v12;
	v12 =	vmul.f32 v15, v8;
	v15 =	vmul.f32 v21, v7;
	v8 =	vmovc v19  }
0x17c: {  	v25 =	vunpack.i.l.bf16.f32 v25;
	v21 =	vunpack.i.l.bf16.f32 v27;
	v19 =	vld [tilespmem:s3+$0xFFFFFFE0];
	v24 =	vunpack.i.l.bf16.f32 v29;
	[tilespmem:s26+$0x10] =	vst v13  }
0x17d: {  	v26 =	vunpack.i.u.bf16.f32 v27;
	v27 =	vunpack.i.u.bf16.f32 v29;
	v13 =	vld [tilespmem:s25+$0xFFFFFFE0];
	v21 =	vadd.f32 v24, v21;
	[tilespmem:s23+$0xFFFFFFD0] =	vst v14  }
0x17e: {  	s31 =	sadd.s32 $0x4, s31;
	v24 =	vadd.f32 v27, v26;
	v26 =	vunpack.i.u.bf16.f32 v17;
	v14 =	vld [tilespmem:s3+$0x40];
	v27 =	vunpack.i.u.bf16.f32 v18;
	[tilespmem:s23+$0xFFFFFFE0] =	vst v12  }
0x17f: {  	p1 =	slt.u32 s31, $0x1C;
	v12 =	vld [tilespmem:s25+$0x40];
	v21 =	vmax.f32 v21, $0.0e+00;
	v28 =	vunpack.i.l.bf16.f32 v23;
	v26 =	vmul.f32 v27, v26;
	[tilespmem:s23+$0x60] =	vst v15  }
0x180: {  	v24 =	vmax.f32 v24, $0.0e+00;
	v15 =	vld [tilespmem:s3+$0xFFFFFF80];
	v21 =	vmul.f32 v21, v3;
	v25 =	vadd.f32 v28, v25  }
0x181: {  	v23 =	vunpack.i.u.bf16.f32 v23;
	v24 =	vmul.f32 v24, v4;
	v27 =	vld [tilespmem:s3+$0xFFFFFF90];
	v26 =	vmul.f32 v26, v9  }
0x182: {  	v28 =	vunpack.i.u.bf16.f32 v20;
	v22 =	vadd.f32 v23, v22;
	v29 =	vld [tilespmem:s25+$0xFFFFFF90];
	v25 =	vmax.f32 v25, $0.0e+00  }
0x183: {  	v20 =	vunpack.i.l.bf16.f32 v20;
	v21 =	vadd.f32 v21, v24;
	v23 =	vld [tilespmem:s3+$0xFFFFFFF0];
	v24 =	vmul.f32 v25, v5;
	[tilespmem:s26+$0x100] =	vst v26  }
0x184: {  	v22 =	vmax.f32 v22, $0.0e+00;
	v25 =	vunpack.i.u.bf16.f32 v19;
	v19 =	vunpack.i.l.bf16.f32 v19;
	v26 =	vld [tilespmem:s25+$0xFFFFFFF0]  }
0x185: {  	v22 =	vmul.f32 v22, v6;
	v30 =	vunpack.i.u.bf16.f32 v15;
	v31 =	vld [tilespmem:s3+$0x50];
	v21 =	vadd.f32 v24, v21  }
0x186: {  	v15 =	vunpack.i.l.bf16.f32 v15;
	v24 =	vunpack.i.u.bf16.f32 v13;
	v13 =	vunpack.i.l.bf16.f32 v13;
	v32 =	vld [tilespmem:s25+$0x50]  }
0x187: {  	v34 =	vunpack.i.u.bf16.f32 v14;
	v14 =	vunpack.i.l.bf16.f32 v14;
	v33 =	vld [tilespmem:s3+$0xFFFFFF40];
	v21 =	vadd.f32 v21, v22  }
0x188: {  	v15 =	vadd.f32 v20, v15;
	v22 =	vunpack.i.u.bf16.f32 v12;
	v12 =	vunpack.i.l.bf16.f32 v12;
	v20 =	vld [tilespmem:s25+$0xFFFFFF40]  }
0x189: {  	v28 =	vadd.f32 v28, v30;
	v30 =	vunpack.i.l.bf16.f32 v27;
	v13 =	vadd.f32 v13, v19;
	v19 =	vld [tilespmem:s3+$0xFFFFFFA0];
	(xrf2) =	vadd.scan.msk.f32 $0xffff, v21  }
0x18a: {  	v24 =	vadd.f32 v24, v25;
	v12 =	vadd.f32 v12, v14;
	v21 =	vunpack.i.l.bf16.f32 v29;
	v25 =	vld [tilespmem:s25+$0xFFFFFFA0]  }
0x18b: {  	v14 =	vunpack.i.l.bf16.f32 v23;
	v22 =	vadd.f32 v22, v34;
	v35 =	vunpack.i.l.bf16.f32 v26;
	v34 =	vld [tilespmem:s3+$0x0]  }
0x18c: {  	v15 =	vmax.f32 v15, $0.0e+00;
	v36 =	vunpack.i.l.bf16.f32 v31;
	v37 =	vunpack.i.l.bf16.f32 v32;
	v38 =	vld [tilespmem:s25+$0x0]  }
0x18d: {  	v28 =	vmax.f32 v28, $0.0e+00;
	v13 =	vmax.f32 v13, $0.0e+00;
	v24 =	vmax.f32 v24, $0.0e+00;
	v39 =	vld [tilespmem:s24+$0xFFFFFF50]  }
0x18e: {  	v21 =	vadd.f32 v21, v30;
	v12 =	vmax.f32 v12, $0.0e+00;
	v22 =	vmax.f32 v22, $0.0e+00;
	v30 =	vld [tilespmem:s30+$0xFFFFFF50]  }
0x18f: {  	v15 =	vmul.f32 v15, v3;
	v14 =	vadd.f32 v35, v14;
	v35 =	vadd.f32 v37, v36;
	v36 =	vld [tilespmem:s24+$0xFFFFFFB0]  }
0x190: {  	v27 =	vunpack.i.u.bf16.f32 v27;
	v28 =	vmul.f32 v28, v4;
	v13 =	vmul.f32 v13, v3;
	v37 =	vld [tilespmem:s30+$0xFFFFFFB0]  }
0x191: {  	v29 =	vunpack.i.u.bf16.f32 v29;
	v24 =	vmul.f32 v24, v4;
	v12 =	vmul.f32 v12, v3;
	v40 =	vld [tilespmem:s24+$0x10]  }
0x192: {  	v23 =	vunpack.i.u.bf16.f32 v23;
	v26 =	vunpack.i.u.bf16.f32 v26;
	v22 =	vmul.f32 v22, v4;
	v41 =	vld [tilespmem:s30+$0x10]  }
0x193: {  	v31 =	vunpack.i.u.bf16.f32 v31;
	v32 =	vunpack.i.u.bf16.f32 v32;
	v21 =	vmax.f32 v21, $0.0e+00;
	v42, _, _ =	vpop (xrf2)  }
0x194: {  	v14 =	vmax.f32 v14, $0.0e+00;
	v35 =	vmax.f32 v35, $0.0e+00;
	v42 =	vperm.xlane v42, v2  }
0x195: {  	v27 =	vadd.f32 v29, v27;
	v23 =	vadd.f32 v26, v23;
	v21 =	vmul.f32 v21, v5  }
0x196: {  	v26 =	vadd.f32 v32, v31;
	v14 =	vmul.f32 v14, v5;
	v29 =	vsub.f32 $0.0e+00, v42  }
0x197: {  	v15 =	vadd.f32 v15, v28;
	v13 =	vadd.f32 v13, v24;
	v24 =	vmul.f32 v35, v5  }
0x198: {  	v27 =	vmax.f32 v27, $0.0e+00;
	v12 =	vadd.f32 v12, v22;
	v22 =	vmul.f32 $1.442695020e+00, v29  }
0x199: {  	v15 =	vadd.f32 v21, v15;
	v21 =	vmax.f32 v23, $0.0e+00;
	v23 =	vmax.f32 v26, $0.0e+00  }
0x19a: {  	v13 =	vadd.f32 v14, v13;
	v12 =	vadd.f32 v24, v12;
	(erf) = vpow2.f32 v22  }
0x19b: {  	v14 =	vmul.f32 v27, v6;
	v21 =	vmul.f32 v21, v6;
	v22 =	vunpack.i.u.bf16.f32 v33  }
0x19c: {  	v26 =	vunpack.i.u.bf16.f32 v20;
	v23 =	vmul.f32 v23, v6;
	v24 =	vunpack.i.l.bf16.f32 v33  }
0x19d: {  	v14 =	vadd.f32 v15, v14;
	v15 =	vunpack.i.l.bf16.f32 v20;
	v13 =	vadd.f32 v13, v21  }
0x19e: {  	v27 =	vunpack.i.l.bf16.f32 v19;
	v21 =	vunpack.i.u.bf16.f32 v19;
	v23 =	vadd.f32 v12, v23  }
0x19f: {  	v28 =	vunpack.i.u.bf16.f32 v34;
	v12 =	vunpack.i.u.bf16.f32 v25;
	v25 =	vunpack.i.l.bf16.f32 v25;
	(xrf2) =	vadd.scan.msk.f32 $0xffff, v14  }
0x1a0: {  	v31 =	vunpack.i.u.bf16.f32 v38;
	v32 =	vunpack.i.l.bf16.f32 v38;
	v29 =	vunpack.i.l.bf16.f32 v34  }
0x1a1: {  	v19 =	vmul.f32 v15, v24;
	v20 =	vmul.f32 v26, v22;
	v22 =	vunpack.i.u.bf16.f32 v39  }
0x1a2: {  	v15 =	vmul.f32 v25, v27;
	v14 =	vmul.f32 v12, v21;
	v21 =	vunpack.i.l.bf16.f32 v39;
	(xrf2) =	vadd.scan.msk.f32 $0xffff, v13  }
0x1a3: {  	v25 =	vunpack.i.u.bf16.f32 v30;
	v12 =	vmul.f32 v32, v29;
	v13 =	vmul.f32 v31, v28;
	v24 =	vpop (erf)  }
0x1a4: {  	v27 =	vunpack.i.u.bf16.f32 v36;
	v26 =	vunpack.i.l.bf16.f32 v30;
	v24 =	vadd.f32 $1.000000000e+00, v24  }
0x1a5: {  	v30 =	vunpack.i.l.bf16.f32 v37;
	v29 =	vunpack.i.u.bf16.f32 v37;
	v28 =	vunpack.i.l.bf16.f32 v36  }
0x1a6: {  	(xrf2) =	vadd.scan.msk.f32 $0xffff, v23;
	(erf) = vrcp.f32 v24;
	v23 =	vunpack.i.u.bf16.f32 v40;
	v24 =	vunpack.i.l.bf16.f32 v40  }
0x1a7: {  	v32 =	vunpack.i.l.bf16.f32 v41;
	v21 =	vmul.f32 v26, v21;
	v26 =	vunpack.i.u.bf16.f32 v41;
	v31 =	vld [tilespmem:s3+$0x60]  }
0x1a8: {  	v17 =	vunpack.i.l.bf16.f32 v17;
	v22 =	vmul.f32 v25, v22;
	v25 =	vmul.f32 v30, v28;
	v33 =	vld [tilespmem:s25+$0x60]  }
0x1a9: {  	v18 =	vunpack.i.l.bf16.f32 v18;
	v27 =	vmul.f32 v29, v27;
	v24 =	vmul.f32 v32, v24;
	v28, _, _ =	vpop (xrf2)  }
0x1aa: {  	v23 =	vmul.f32 v26, v23;
	v29 =	vperm.xlane v28, v2  }
0x1ab: {  	v22 =	vmul.f32 v22, v10;
	v21 =	vmul.f32 v21, v10  }
0x1ac: {  	v27 =	vmul.f32 v27, v8;
	v25 =	vmul.f32 v25, v8;
	v26 =	vsub.f32 $0.0e+00, v29;
	v28, _, _ =	vpop (xrf2)  }
0x1ad: {  	v29 =	vunpack.i.l.bf16.f32 v31;
	v32 =	vperm.xlane v28, v2;
	v30 =	vunpack.i.l.bf16.f32 v33;
	[tilespmem:s26+$0xFFFFFF00] =	vst v21  }
0x1ae: {  	v21 =	vunpack.i.u.bf16.f32 v31;
	v31 =	vunpack.i.u.bf16.f32 v33;
	v33 =	vmul.f32 v30, v29;
	[tilespmem:s26+$0xFFFFFF10] =	vst v22  }
0x1af: {  	v22 =	vmul.f32 $1.442695020e+00, v26;
	v21 =	vmul.f32 v31, v21;
	v26 =	vsub.f32 $0.0e+00, v32;
	v28 =	vpop (erf);
	v30 =	vld [tilespmem:s24+$0xFFFFFF60];
	[tilespmem:s26+$0xFFFFFF90] =	vst v25  }
0x1b0: {  	v24 =	vmul.f32 v24, v11;
	v25 =	vmul.f32 v33, v28;
	v29, _, _ =	vpop (xrf2);
	v31 =	vld [tilespmem:s30+$0xFFFFFF60];
	[tilespmem:s26+$0xFFFFFFA0] =	vst v27  }
0x1b1: {  	v21 =	vmul.f32 v21, v28;
	s26 =	sadd.s32 $0x240, s26;
	v27 =	vperm.xlane v29, v2;
	v29 =	vld [tilespmem:s24+$0xFFFFFFC0]  }
0x1b2: {  	v26 =	vmul.f32 $1.442695020e+00, v26;
	[tilespmem:s26+$0x90] =	vst v25;
	(erf) = vpow2.f32 v22;
	v22 =	vld [tilespmem:s30+$0xFFFFFFC0]  }
0x1b3: {  	v18 =	vmul.f32 v18, v17;
	v25 =	vsub.f32 $0.0e+00, v27;
	[tilespmem:s26+$0xA0] =	vst v21;
	v21 =	vmul.f32 v23, v11  }
0x1b4: {  	v17 =	vld [tilespmem:s3+$0x70];
	(erf) = vpow2.f32 v26;
	v23 =	vunpack.i.u.bf16.f32 v30;
	v26 =	vunpack.i.l.bf16.f32 v30;
	[tilespmem:s29+$0x20] =	vst v24  }
0x1b5: {  	v24 =	vmul.f32 $1.442695020e+00, v25;
	v25 =	vld [tilespmem:s25+$0x70];
	v27 =	vunpack.i.u.bf16.f32 v31;
	v30 =	vunpack.i.l.bf16.f32 v31;
	[tilespmem:s29+$0x30] =	vst v21  }
0x1b6: {  	v21 =	vmul.f32 v30, v26;
	v26 =	vunpack.i.u.bf16.f32 v29;
	v29 =	vunpack.i.l.bf16.f32 v29;
	v30 =	vld [tilespmem:s24+$0x20]  }
0x1b7: {  	(erf) = vpow2.f32 v24;
	v24 =	vunpack.i.u.bf16.f32 v22;
	v22 =	vunpack.i.l.bf16.f32 v22;
	v31 =	vld [tilespmem:s30+$0x20]  }
0x1b8: {  	v23 =	vmul.f32 v27, v23;
	v22 =	vmul.f32 v22, v29  }
0x1b9: {  	v21 =	vmul.f32 v21, v10;
	v24 =	vmul.f32 v24, v26  }
0x1ba: {  	v23 =	vmul.f32 v23, v10;
	v26 =	vunpack.i.l.bf16.f32 v17;
	v29 =	vunpack.i.l.bf16.f32 v25  }
0x1bb: {  	v17 =	vunpack.i.u.bf16.f32 v17;
	v25 =	vunpack.i.u.bf16.f32 v25;
	v29 =	vmul.f32 v29, v26;
	v27 =	vpop (erf);
	[tilespmem:s29+$0xFFFFFF20] =	vst v21  }
0x1bc: {  	v17 =	vmul.f32 v25, v17;
	v21 =	vadd.f32 $1.000000000e+00, v27;
	[tilespmem:s29+$0xFFFFFF30] =	vst v23;
	v23 =	vunpack.i.u.bf16.f32 v30  }
0x1bd: {  	v25 =	vmul.f32 v29, v28;
	v26 =	vpop (erf);
	v27 =	vld [tilespmem:s24+$0xFFFFFF70];
	v29 =	vunpack.i.l.bf16.f32 v30;
	v30 =	vunpack.i.u.bf16.f32 v31  }
0x1be: {  	v32 =	vmul.f32 v17, v28;
	v26 =	vadd.f32 $1.000000000e+00, v26;
	(erf) = vrcp.f32 v21;
	v21 =	vld [tilespmem:s30+$0xFFFFFF70]  }
0x1bf: {  	v22 =	vmul.f32 v22, v8;
	v23 =	vmul.f32 v30, v23;
	[tilespmem:s26+$0xB0] =	vst v25;
	v25 =	vunpack.i.l.bf16.f32 v31  }
0x1c0: {  	[tilespmem:s26+$0xC0] =	vst v32;
	(erf) = vrcp.f32 v26;
	v17 =	vpop (erf);
	v25 =	vmul.f32 v25, v29  }
0x1c1: {  	v23 =	vmul.f32 v23, v11;
	v17 =	vadd.f32 $1.000000000e+00, v17;
	v26 =	vld [tilespmem:s3+$0x80];
	[tilespmem:s29+$0xFFFFFFB0] =	vst v22;
	v22 =	vmul.f32 v24, v8  }
0x1c2: {  	v24 =	vld [tilespmem:s25+$0x80];
	v29 =	vunpack.i.u.bf16.f32 v27;
	v27 =	vunpack.i.l.bf16.f32 v27;
	v25 =	vmul.f32 v25, v11  }
0x1c3: {  	(erf) = vrcp.f32 v17;
	v17 =	vunpack.i.u.bf16.f32 v21;
	v21 =	vunpack.i.l.bf16.f32 v21;
	[tilespmem:s29+$0xFFFFFFC0] =	vst v22  }
0x1c4: {  	v21 =	vmul.f32 v21, v27;
	v22 =	vmul.f32 v17, v29;
	v27 =	vld [tilespmem:s24+$0xFFFFFFD0];
	[tilespmem:s29+$0x40] =	vst v25  }
0x1c5: {  	v25 =	vmul.f32 v18, v9;
	v9 =	vmovc v28;
	v17 =	vld [tilespmem:s30+$0xFFFFFFD0];
	[tilespmem:s29+$0x50] =	vst v23;
	v23 =	vmul.f32 v16, v7;
	v7 =	vmov v11  }
.Ltmp2:
0x1c6: {  	v11 =	vmul.f32 v21, v10;
	v21 =	vmul.f32 v22, v10;
	v16 =	vld [tilespmem:s24+$0x30];
	s24 =	smov.u32 s3;
	(pc) =	sbr.rel @p1 .LBB2_7-.Ltmp2, $4  }
0x1c7: {  	v22 =	vunpack.i.l.bf16.f32 v26;
	v28 =	vunpack.i.l.bf16.f32 v24;
	v10 =	vpop (erf);
	v18 =	vld [tilespmem:s30+$0x30];
	[tilespmem:s23+$0x70] =	vst v23;
	s30 =	smov.u32 s25;
	s23 =	smov.u32 s29;
	s29 =	smov.u32 s26  }
0x1c8: {  	v23 =	vunpack.i.u.bf16.f32 v26;
	v24 =	vunpack.i.u.bf16.f32 v24;
	v22 =	vmul.f32 v28, v22;
	[tilespmem:s23+$0xFFFFFF40] =	vst v11  }
0x1c9: {  	v11 =	vmul.f32 v19, v10;
	v23 =	vmul.f32 v24, v23;
	v19 =	vpop (erf);
	[tilespmem:s23+$0xFFFFFF50] =	vst v21;
	v21 =	vunpack.i.u.bf16.f32 v27  }
0x1ca: {  	s3 =	sadd.s32 $0x180, s3;
	v24 =	vmul.f32 v20, v10;
	v20 =	vmul.f32 v22, v9;
	v22 =	vunpack.i.l.bf16.f32 v27;
	[tilespmem:s23+$0xF0] =	vst v25  }
0x1cb: {  	[tilespmem:s26+$0xFFFFFEE0] =	vst v11  }
0x1cc: {  	[tilespmem:s26+$0xFFFFFEF0] =	vst v24  }
0x1cd: {  	v15 =	vmul.f32 v15, v19;
	v24 =	vld [tilespmem:s24+$0xFFFFFF50]  }
0x1ce: {  	v14 =	vmul.f32 v14, v19;
	v11 =	vpop (erf);
	v25 =	vld [tilespmem:s30+$0xFFFFFF50]  }
0x1cf: {  	v12 =	vmul.f32 v12, v11;
	[tilespmem:s26+$0xFFFFFF70] =	vst v15  }
0x1d0: {  	v13 =	vmul.f32 v13, v11;
	[tilespmem:s26+$0xFFFFFF80] =	vst v14  }
0x1d1: {  	[tilespmem:s26+$0x0] =	vst v12;
	v12 =	vld [tilespmem:s24+$0xFFFFFFB0]  }
0x1d2: {  	[tilespmem:s26+$0x10] =	vst v13;
	v13 =	vld [tilespmem:s30+$0xFFFFFFB0]  }
0x1d3: {  	v14 =	vld [tilespmem:s24+$0x10];
	v15 =	vunpack.i.l.bf16.f32 v24;
	v26 =	vunpack.i.l.bf16.f32 v25  }
0x1d4: {  	v27 =	vld [tilespmem:s30+$0x10];
	v24 =	vunpack.i.u.bf16.f32 v24;
	v25 =	vunpack.i.u.bf16.f32 v25;
	v15 =	vmul.f32 v26, v15  }
0x1d5: {  	v24 =	vmul.f32 v25, v24  }
0x1d6: {  	v23 =	vmul.f32 v23, v9;
	v25 =	vunpack.i.u.bf16.f32 v12;
	v15 =	vmul.f32 v15, v10  }
0x1d7: {  	v12 =	vunpack.i.l.bf16.f32 v12;
	v26 =	vunpack.i.l.bf16.f32 v13;
	v24 =	vmul.f32 v24, v10  }
0x1d8: {  	v13 =	vunpack.i.u.bf16.f32 v13;
	v28 =	vunpack.i.u.bf16.f32 v14;
	v12 =	vmul.f32 v26, v12;
	[tilespmem:s26+$0xFFFFFF00] =	vst v15  }
0x1d9: {  	v14 =	vunpack.i.l.bf16.f32 v14;
	v13 =	vmul.f32 v13, v25;
	v15 =	vunpack.i.l.bf16.f32 v27;
	[tilespmem:s26+$0xFFFFFF10] =	vst v24  }
0x1da: {  	v24 =	vunpack.i.u.bf16.f32 v27;
	v12 =	vmul.f32 v12, v19;
	v14 =	vmul.f32 v15, v14;
	v15 =	vld [tilespmem:s24+$0xFFFFFF60]  }
0x1db: {  	v13 =	vmul.f32 v13, v19;
	v24 =	vmul.f32 v24, v28;
	v25 =	vld [tilespmem:s30+$0xFFFFFF60]  }
0x1dc: {  	v26 =	vunpack.i.u.bf16.f32 v17;
	v17 =	vunpack.i.l.bf16.f32 v17;
	[tilespmem:s26+$0xFFFFFF90] =	vst v12;
	v12 =	vmul.f32 v14, v11  }
0x1dd: {  	v17 =	vmul.f32 v17, v22;
	v22 =	vunpack.i.l.bf16.f32 v18;
	[tilespmem:s26+$0xFFFFFFA0] =	vst v13;
	v13 =	vmul.f32 v24, v11  }
0x1de: {  	v21 =	vmul.f32 v26, v21;
	v14 =	vunpack.i.u.bf16.f32 v16;
	v16 =	vunpack.i.l.bf16.f32 v16;
	v24 =	vld [tilespmem:s24+$0xFFFFFFC0];
	[tilespmem:s29+$0x20] =	vst v12  }
0x1df: {  	v17 =	vmul.f32 v17, v8;
	v16 =	vmul.f32 v22, v16;
	v12 =	vunpack.i.u.bf16.f32 v18;
	v18 =	vld [tilespmem:s30+$0xFFFFFFC0];
	[tilespmem:s29+$0x30] =	vst v13  }
0x1e0: {  	v12 =	vmul.f32 v12, v14;
	v13 =	vunpack.i.l.bf16.f32 v15;
	v14 =	vunpack.i.l.bf16.f32 v25;
	v22 =	vld [tilespmem:s24+$0x20]  }
0x1e1: {  	[tilespmem:s26+$0xD0] =	vst v20;
	v15 =	vunpack.i.u.bf16.f32 v15;
	v20 =	vunpack.i.u.bf16.f32 v25;
	v13 =	vmul.f32 v14, v13;
	v14 =	vld [tilespmem:s30+$0x20]  }
0x1e2: {  	[tilespmem:s26+$0xE0] =	vst v23;
	v8 =	vmul.f32 v21, v8;
	v15 =	vmul.f32 v20, v15  }
0x1e3: {  	v20 =	vld [tilespmem:s24+$0x90];
	v21 =	vunpack.i.u.bf16.f32 v24;
	v23 =	vunpack.i.l.bf16.f32 v24;
	v13 =	vmul.f32 v13, v10  }
0x1e4: {  	v24 =	vld [tilespmem:s30+$0x90];
	v15 =	vmul.f32 v15, v10;
	v25 =	vunpack.i.u.bf16.f32 v18;
	v18 =	vunpack.i.l.bf16.f32 v18  }
0x1e5: {  	v18 =	vmul.f32 v18, v23;
	v21 =	vmul.f32 v25, v21;
	[tilespmem:s29+$0xFFFFFF20] =	vst v13  }
0x1e6: {  	[tilespmem:s29+$0xFFFFFF30] =	vst v15;
	v13 =	vunpack.i.u.bf16.f32 v22;
	v15 =	vunpack.i.l.bf16.f32 v22;
	v22 =	vunpack.i.l.bf16.f32 v14  }
0x1e7: {  	v23 =	vld [tilespmem:s24+$0xFFFFFF70];
	v14 =	vunpack.i.u.bf16.f32 v14;
	v18 =	vmul.f32 v18, v19;
	v15 =	vmul.f32 v22, v15  }
0x1e8: {  	v22 =	vld [tilespmem:s30+$0xFFFFFF70];
	v13 =	vmul.f32 v14, v13;
	v14 =	vmul.f32 v21, v19  }
0x1e9: {  	v21 =	vunpack.i.u.bf16.f32 v20;
	v25 =	vunpack.i.u.bf16.f32 v24;
	[tilespmem:s29+$0xFFFFFFB0] =	vst v18;
	v15 =	vmul.f32 v15, v11  }
0x1ea: {  	v18 =	vmul.f32 v25, v21;
	v13 =	vmul.f32 v13, v11;
	[tilespmem:s29+$0xFFFFFFC0] =	vst v14  }
0x1eb: {  	v14 =	vmul.f32 v16, v7;
	v16 =	vunpack.i.l.bf16.f32 v20;
	v20 =	vunpack.i.l.bf16.f32 v24;
	v21 =	vld [tilespmem:s24+$0xFFFFFFD0];
	[tilespmem:s29+$0x40] =	vst v15  }
0x1ec: {  	v16 =	vmul.f32 v20, v16;
	v20 =	vld [tilespmem:s30+$0xFFFFFFD0];
	v15 =	vmul.f32 v18, v9;
	v18 =	vunpack.i.u.bf16.f32 v23;
	[tilespmem:s29+$0x50] =	vst v13  }
0x1ed: {  	v13 =	vunpack.i.l.bf16.f32 v23;
	v23 =	vunpack.i.u.bf16.f32 v22;
	v22 =	vunpack.i.l.bf16.f32 v22;
	v24 =	vld [tilespmem:s24+$0x30]  }
0x1ee: {  	[tilespmem:s23+$0xFFFFFFD0] =	vst v17;
	v13 =	vmul.f32 v22, v13;
	v17 =	vmul.f32 v23, v18;
	v18 =	vld [tilespmem:s30+$0x30]  }
0x1ef: {  	[tilespmem:s23+$0xFFFFFFE0] =	vst v8;
	v7 =	vmul.f32 v12, v7;
	v8 =	vmul.f32 v16, v9  }
0x1f0: {  	[tilespmem:s23+$0x60] =	vst v14;
	v9 =	vmul.f32 v13, v10;
	v10 =	vmul.f32 v17, v10;
	v12 =	vunpack.i.u.bf16.f32 v21  }
0x1f1: {  	[tilespmem:s23+$0x70] =	vst v7;
	v13 =	vunpack.i.l.bf16.f32 v21;
	v14 =	vunpack.i.l.bf16.f32 v20;
	v7 =	vunpack.i.u.bf16.f32 v20  }
0x1f2: {  	[tilespmem:s26+$0x100] =	vst v15;
	v13 =	vmul.f32 v14, v13;
	v7 =	vmul.f32 v7, v12  }
0x1f3: {  	v15 =	vunpack.i.u.bf16.f32 v24;
	[tilespmem:s29+$0xFFFFFF40] =	vst v9;
	v9 =	vunpack.i.l.bf16.f32 v24;
	v14 =	vunpack.i.l.bf16.f32 v18  }
0x1f4: {  	[tilespmem:s29+$0xFFFFFF50] =	vst v10;
	v10 =	vunpack.i.u.bf16.f32 v18;
	v12 =	vmul.f32 v13, v19;
	v9 =	vmul.f32 v14, v9  }
0x1f5: {  	[tilespmem:s29+$0xF0] =	vst v8;
	v7 =	vmul.f32 v7, v19;
	v8 =	vmul.f32 v10, v15  }
0x1f6: {  	[tilespmem:s29+$0xFFFFFFD0] =	vst v12;
	v9 =	vmul.f32 v9, v11  }
0x1f7: {  	[tilespmem:s29+$0xFFFFFFE0] =	vst v7;
	v7 =	vmul.f32 v8, v11  }
0x1f8: {  	[tilespmem:s29+$0x60] =	vst v9  }
0x1f9: {  	[tilespmem:s29+$0x70] =	vst v7  }
0x1fa: {  	[spmem:s5] =	stream.indirect.scatter.add.f32 [tilespmem:s8], [sflag:$0x3], $0x90, s13, s12, $0xb8;
	[tilespmem:$0x1BB00] =	vst v63  }
0x1fb: {  	_ =	swait.ge [sflag:s14], $0xC00  }
0x1fc: {  	[sflag:s14] =	ssyncset.done $0x0  }
0x1fd: {  	[sflag:s14] =	ssyncadd.s32 $0xFFFFF400  }
0x1fe: {  	_ =	swait.ge [sflag:s14], $0xC00  }
0x1ff: {  	[sflag:s14] =	ssyncset.done $0x0  }
0x200: {  	s3 =	simm.s32 @!p0 $0x4;
	[sflag:s14] =	ssyncadd.s32 $0xFFFFF400  }
0x201: {  	_ =	swait.ge @!p0 [sflag:s3], $0x1200  }
0x202: {  	[sflag:s3] =	ssyncset.done @!p0 $0x0  }
0x203: {  	s30 =	sshll.u32 s22, $0x5;
	[sflag:s3] =	ssyncadd.s32 @!p0 $0xFFFFEE00  }
0x204: {  	v7 =	vld [tilespmem:s30+$0x200];
	_ =	sdelay $0x3  }
0x205: {  	s21 =	sadd.s32 $0x2, s21  }
0x206: {  	s22 =	sand.u32 $0x6, s21;
	p0 =	sge.u32 s21, s28;
	[tilespmem:$0x5720] =	vst v7  }
0x207: {  	p1 =	sne.s32 @!p0 s22, $0x0;
	v7 =	vld [tilespmem:s30+$0x210]  }
0x208: {  	p1 =	por p1, p0  }
0x209: {  	s3 =	sshll.u32 @!p1 s21, $0x5  }
0x20a: {  	s3 =	sadd.s32 @!p1 s19, s3  }
0x20b: {  	s21 =	simm.s32 @!p1 $0x100;
	s3 =	sshrl.u32 @!p1 s3, $0x3  }
0x20c: {  	s23 =	simm.s32 @!p1 $0x50000;
	s24 =	simm.s32 @!p1 $0x0;
	s3 =	sadd.s32 @!p1 s1, s3;
	[tilespmem:$0x5730] =	vst v7  }
0x20d: {  	[tilespmem:s24], [sflag:$0x5] =	stream.strided.gather @!p1 [hbm4b:s3+s21], $0x300, s23, s21, $0x38;
	[tilespmem:$0x1BB00] =	vst v63  }
0x20e: {  	s3 =	simm.s32 @!p1 $0x5  }
0x20f: {  	_ =	swait.ge @!p1 [sflag:s3], $0x300  }
0x210: {  	s21 =	simm.s32 @!p0 $0x8;
	[sflag:s3] =	ssyncset.done @!p1 $0x0  }
0x211: {  	[sflag:s3] =	ssyncadd.s32 @!p1 $0xFFFFFD00;
	s3 =	sshll.u32 @!p0 s22, $0x5;
	s22 =	simm.s32 @!p0 $0x300  }
0x212: {  	[tilespmem:s22], [sflag:$0x1] =	stream.indirect.gather @!p0 [hbm4b:s4+s21], $0x60, s3, s21, $0xb8;
	[tilespmem:$0x1BB00] =	vst v63  }
0x213: {  	s23 =	simm.s32 @!p0 $0x1B00;
	s22 =	sor.u32 @!p0 $0x100, s3  }
0x214: {  	[tilespmem:s23], [sflag:$0x1] =	stream.indirect.gather @!p0 [hbm4b:s2+s21], $0x60, s22, s21, $0xb8;
	[tilespmem:$0x1BB00] =	vst v63  }
0x215: {  	s22 =	sor.u32 @!p0 $0x8, s3;
	s23 =	simm.s32 @!p0 $0x600  }
0x216: {  	[tilespmem:s23], [sflag:$0x1] =	stream.indirect.gather @!p0 [hbm4b:s4+s21], $0x60, s22, s21, $0xb8;
	[tilespmem:$0x1BB00] =	vst v63  }
0x217: {  	s22 =	sor.u32 @!p0 $0x108, s3;
	s23 =	simm.s32 @!p0 $0x1E00  }
0x218: {  	[tilespmem:s23], [sflag:$0x1] =	stream.indirect.gather @!p0 [hbm4b:s2+s21], $0x60, s22, s21, $0xb8;
	[tilespmem:$0x1BB00] =	vst v63  }
0x219: {  	s22 =	sor.u32 @!p0 $0x10, s3;
	s23 =	simm.s32 @!p0 $0x900  }
0x21a: {  	[tilespmem:s23], [sflag:$0x1] =	stream.indirect.gather @!p0 [hbm4b:s4+s21], $0x60, s22, s21, $0xb8;
	[tilespmem:$0x1BB00] =	vst v63  }
0x21b: {  	s22 =	sor.u32 @!p0 $0x110, s3;
	s23 =	simm.s32 @!p0 $0x2100  }
0x21c: {  	[tilespmem:s23], [sflag:$0x1] =	stream.indirect.gather @!p0 [hbm4b:s2+s21], $0x60, s22, s21, $0xb8;
	[tilespmem:$0x1BB00] =	vst v63  }
0x21d: {  	s22 =	sor.u32 @!p0 $0x18, s3;
	s23 =	simm.s32 @!p0 $0xC00  }
0x21e: {  	[tilespmem:s23], [sflag:$0x1] =	stream.indirect.gather @!p0 [hbm4b:s4+s21], $0x60, s22, s21, $0xb8;
	[tilespmem:$0x1BB00] =	vst v63  }
0x21f: {  	s31 =	simm.s32 $0xFC0;
	s3 =	sor.u32 @!p0 $0x118, s3;
	s22 =	simm.s32 @!p0 $0x2400  }
0x220: {  	[tilespmem:s22], [sflag:$0x1] =	stream.indirect.gather @!p0 [hbm4b:s2+s21], $0x60, s3, s21, $0xb8;
	[tilespmem:$0x1BB00] =	vst v63  }
0x221: {  	s25 =	simm.s32 $0x27C0;
	v7 =	vld [tilespmem:s31+$0xA0]  }
0x222: {  	v8 =	vld [tilespmem:s25+$0xA0]  }
0x223: {  	v9 =	vld [tilespmem:s31+$0xB0]  }
0x224: {  	v10 =	vld [tilespmem:s25+$0xB0];
	_ =	sdelay $0x1  }
0x225: {  	v11 =	vunpack.i.l.bf16.f32 v7  }
0x226: {  	v12 =	vunpack.i.l.bf16.f32 v8;
	v7 =	vunpack.i.u.bf16.f32 v7;
	v8 =	vunpack.i.u.bf16.f32 v8  }
0x227: {  	v11 =	vadd.f32 v12, v11;
	v7 =	vadd.f32 v8, v7  }
0x228: {  	v8 =	vunpack.i.u.bf16.f32 v9;
	v9 =	vunpack.i.l.bf16.f32 v9;
	v12 =	vunpack.i.l.bf16.f32 v10  }
0x229: {  	v9 =	vadd.f32 v12, v9;
	v11 =	vmax.f32 v11, $0.0e+00;
	v7 =	vmax.f32 v7, $0.0e+00  }
0x22a: {  	v10 =	vunpack.i.u.bf16.f32 v10;
	v11 =	vmul.f32 v11, v3;
	v7 =	vmul.f32 v7, v4  }
0x22b: {  	v8 =	vadd.f32 v10, v8;
	v9 =	vmax.f32 v9, $0.0e+00  }
0x22c: {  	v9 =	vmul.f32 v9, v5;
	v7 =	vadd.f32 v11, v7  }
0x22d: {  	v8 =	vmax.f32 v8, $0.0e+00  }
0x22e: {  	v8 =	vmul.f32 v8, v6;
	v7 =	vadd.f32 v9, v7;
	_ =	sdelay $0x1  }
0x22f: {  	v7 =	vadd.f32 v7, v8;
	_ =	sdelay $0x1  }
0x230: {  	(xrf2) =	vadd.scan.msk.f32 $0xffff, v7;
	_ =	sdelay $0x1  }
0x231: {  	v24 =	vld [tilespmem:s25+$0x50]  }
0x232: {  	v10 =	vld [tilespmem:s31+$0xFFFFFF80]  }
0x233: {  	v11 =	vld [tilespmem:s31+$0x40]  }
0x234: {  	v9 =	vld [tilespmem:s25+$0xFFFFFFE0]  }
0x235: {  	v8 =	vld [tilespmem:s31+$0xFFFFFFE0]  }
0x236: {  	v15 =	vld [tilespmem:s25+$0xFFFFFF90]  }
0x237: {  	v25 =	vunpack.i.l.bf16.f32 v24;
	v7 =	vld [tilespmem:s25+$0xFFFFFF80]  }
0x238: {  	v12 =	vld [tilespmem:s25+$0x40];
	v18 =	vunpack.i.u.bf16.f32 v10;
	v10 =	vunpack.i.l.bf16.f32 v10;
	v23 =	vunpack.i.u.bf16.f32 v11  }
0x239: {  	v11 =	vunpack.i.l.bf16.f32 v11;
	v20 =	vunpack.i.u.bf16.f32 v9;
	v9 =	vunpack.i.l.bf16.f32 v9;
	v21, _, _ =	vpop (xrf2)  }
0x23a: {  	v13 =	vld [tilespmem:s31+$0xFFFFFF90];
	v17 =	vunpack.i.u.bf16.f32 v8;
	v8 =	vunpack.i.l.bf16.f32 v8;
	v21 =	vperm.xlane v21, v2  }
0x23b: {  	v16 =	vld [tilespmem:s31+$0xFFFFFFF0];
	v8 =	vadd.f32 v9, v8;
	v9 =	vunpack.i.l.bf16.f32 v15;
	v17 =	vadd.f32 v20, v17  }
0x23c: {  	v22 =	vld [tilespmem:s31+$0x50];
	v14 =	vunpack.i.u.bf16.f32 v7;
	v7 =	vunpack.i.l.bf16.f32 v7;
	v21 =	vsub.f32 $0.0e+00, v21  }
0x23d: {  	v15 =	vunpack.i.u.bf16.f32 v15;
	v7 =	vadd.f32 v7, v10;
	v10 =	vunpack.i.u.bf16.f32 v12  }
0x23e: {  	v12 =	vunpack.i.l.bf16.f32 v12;
	v14 =	vadd.f32 v14, v18;
	v20 =	vmul.f32 $1.442695020e+00, v21  }
0x23f: {  	v18 =	vunpack.i.l.bf16.f32 v13;
	v8 =	vmax.f32 v8, $0.0e+00;
	v17 =	vmax.f32 v17, $0.0e+00  }
0x240: {  	v13 =	vunpack.i.u.bf16.f32 v13;
	v11 =	vadd.f32 v12, v11;
	(erf) = vpow2.f32 v20  }
0x241: {  	v19 =	vld [tilespmem:s25+$0xFFFFFFF0];
	v12 =	vunpack.i.l.bf16.f32 v16;
	v10 =	vadd.f32 v10, v23;
	v23 =	vunpack.i.l.bf16.f32 v22  }
0x242: {  	v9 =	vadd.f32 v9, v18;
	v8 =	vmul.f32 v8, v3;
	v13 =	vadd.f32 v15, v13  }
0x243: {  	v15 =	vmul.f32 v17, v4;
	v7 =	vmax.f32 v7, $0.0e+00;
	v14 =	vmax.f32 v14, $0.0e+00  }
0x244: {  	v7 =	vmul.f32 v7, v3;
	v14 =	vmul.f32 v14, v4;
	v9 =	vmax.f32 v9, $0.0e+00  }
0x245: {  	v18 =	vadd.f32 v25, v23;
	v11 =	vmax.f32 v11, $0.0e+00;
	v9 =	vmul.f32 v9, v5  }
0x246: {  	v7 =	vadd.f32 v7, v14;
	v14 =	vunpack.i.u.bf16.f32 v16;
	v16 =	vunpack.i.u.bf16.f32 v19  }
0x247: {  	v10 =	vmax.f32 v10, $0.0e+00;
	v13 =	vmax.f32 v13, $0.0e+00;
	v8 =	vadd.f32 v8, v15  }
0x248: {  	v7 =	vadd.f32 v9, v7;
	v9 =	vmul.f32 v13, v6;
	v21 =	vunpack.i.l.bf16.f32 v19  }
0x249: {  	v11 =	vmul.f32 v11, v3;
	v14 =	vadd.f32 v16, v14;
	v12 =	vadd.f32 v21, v12;
	v16 =	vpop (erf)  }
0x24a: {  	v10 =	vmul.f32 v10, v4;
	v7 =	vadd.f32 v7, v9;
	v9 =	vadd.f32 $1.000000000e+00, v16  }
0x24b: {  	v15 =	vmax.f32 v18, $0.0e+00;
	v13 =	vunpack.i.u.bf16.f32 v22;
	v12 =	vmax.f32 v12, $0.0e+00  }
0x24c: {  	v12 =	vmul.f32 v12, v5;
	v16 =	vunpack.i.u.bf16.f32 v24;
	(erf) = vrcp.f32 v9  }
0x24d: {  	v10 =	vadd.f32 v11, v10;
	v11 =	vld [tilespmem:s25+$0x60];
	v14 =	vmax.f32 v14, $0.0e+00;
	(xrf2) =	vadd.scan.msk.f32 $0xffff, v7;
	v7 =	vadd.f32 v16, v13  }
0x24e: {  	v8 =	vadd.f32 v12, v8;
	v12 =	vld [tilespmem:s31+$0x60];
	v13 =	vmul.f32 v15, v5;
	v9 =	vmul.f32 v14, v6  }
0x24f: {  	v7 =	vmax.f32 v7, $0.0e+00  }
0x250: {  	v8 =	vadd.f32 v8, v9;
	v9 =	vadd.f32 v13, v10;
	v7 =	vmul.f32 v7, v6;
	_ =	sdelay $0x1  }
0x251: {  	v10 =	vunpack.i.u.bf16.f32 v11;
	(xrf2) =	vadd.scan.msk.f32 $0xffff, v8;
	v7 =	vadd.f32 v9, v7  }
0x252: {  	v8 =	vunpack.i.l.bf16.f32 v12;
	v9 =	vunpack.i.l.bf16.f32 v11  }
0x253: {  	v8 =	vmul.f32 v9, v8;
	(xrf2) =	vadd.scan.msk.f32 $0xffff, v7;
	v7 =	vunpack.i.u.bf16.f32 v12  }
0x254: {  	v7 =	vmul.f32 v10, v7;
	v10 =	vpop (erf)  }
0x255: {  	v8 =	vmul.f32 v8, v10  }
0x256: {  	s21 =	simm.s32 $0x4620;
	v9, _, _ =	vpop (xrf2);
	v7 =	vmul.f32 v7, v10  }
0x257: {  	v9 =	vperm.xlane v9, v2;
	[tilespmem:s21+$0x90] =	vst v8  }
0x258: {  	[tilespmem:s21+$0xA0] =	vst v7  }
0x259: {  	v7 =	vld [tilespmem:s31+$0x70]  }
0x25a: {  	v8 =	vsub.f32 $0.0e+00, v9;
	v11 =	vld [tilespmem:s25+$0x70]  }
0x25b: {  	v9, _, _ =	vpop (xrf2)  }
0x25c: {  	v8 =	vmul.f32 $1.442695020e+00, v8;
	v9 =	vperm.xlane v9, v2  }
0x25d: {  	s22 =	simm.s32 $0x1140  }
0x25e: {  	v26 =	vld [tilespmem:s22+$0x40];
	(erf) = vpow2.f32 v8;
	v8 =	vsub.f32 $0.0e+00, v9  }
0x25f: {  	v29 =	vld [tilespmem:s22+$0xFFFFFF80];
	v12 =	vunpack.i.l.bf16.f32 v7;
	v13 =	vunpack.i.l.bf16.f32 v11;
	v7 =	vunpack.i.u.bf16.f32 v7  }
0x260: {  	s23 =	simm.s32 $0x2940;
	v47 =	vld [tilespmem:s22+$0xFFFFFF90];
	v11 =	vunpack.i.u.bf16.f32 v11;
	v9, _, _ =	vpop (xrf2);
	v8 =	vmul.f32 $1.442695020e+00, v8;
	v12 =	vmul.f32 v13, v12  }
0x261: {  	v32 =	vld [tilespmem:s23+$0xFFFFFFF0];
	v7 =	vmul.f32 v11, v7;
	v9 =	vperm.xlane v9, v2  }
0x262: {  	v34 =	vld [tilespmem:s22+$0x50];
	(erf) = vpow2.f32 v8;
	v8 =	vmul.f32 v12, v10  }
0x263: {  	v14 =	vld [tilespmem:s25+$0xFFFFFFA0];
	v7 =	vmul.f32 v7, v10;
	v9 =	vsub.f32 $0.0e+00, v9  }
0x264: {  	v13 =	vld [tilespmem:s31+$0xFFFFFF40];
	[tilespmem:s21+$0xB0] =	vst v8  }
0x265: {  	v11 =	vld [tilespmem:s25+$0xFFFFFF40];
	[tilespmem:s21+$0xC0] =	vst v7;
	v9 =	vmul.f32 $1.442695020e+00, v9  }
0x266: {  	v33 =	vunpack.i.u.bf16.f32 v29;
	v16 =	vld [tilespmem:s25+$0x80]  }
0x267: {  	v29 =	vunpack.i.l.bf16.f32 v29;
	v36 =	vunpack.i.u.bf16.f32 v26;
	(erf) = vpow2.f32 v9;
	v9 =	vld [tilespmem:s31+$0x80]  }
0x268: {  	v26 =	vunpack.i.l.bf16.f32 v26;
	v49 =	vunpack.i.l.bf16.f32 v47;
	v50 =	vunpack.i.l.bf16.f32 v32  }
0x269: {  	v51 =	vunpack.i.l.bf16.f32 v34;
	v19 =	vunpack.i.u.bf16.f32 v14;
	v14 =	vunpack.i.l.bf16.f32 v14;
	v12 =	vld [tilespmem:s31+$0xFFFFFFA0];
	v15 =	vpop (erf)  }
0x26a: {  	v17 =	vunpack.i.u.bf16.f32 v11;
	v7 =	vadd.f32 $1.000000000e+00, v15;
	v15 =	vunpack.i.u.bf16.f32 v13  }
0x26b: {  	v8 =	vld [tilespmem:s31+$0x0];
	v11 =	vunpack.i.l.bf16.f32 v11;
	v13 =	vunpack.i.l.bf16.f32 v13;
	v15 =	vmul.f32 v17, v15  }
0x26c: {  	(erf) = vrcp.f32 v7;
	v7 =	vld [tilespmem:s25+$0x0];
	v21 =	vunpack.i.l.bf16.f32 v16;
	v17 =	vunpack.i.l.bf16.f32 v9  }
0x26d: {  	v16 =	vunpack.i.u.bf16.f32 v16;
	v9 =	vunpack.i.u.bf16.f32 v9;
	v17 =	vmul.f32 v21, v17;
	v21 =	vld [tilespmem:s22+$0xA0]  }
0x26e: {  	v18 =	vunpack.i.u.bf16.f32 v12;
	v12 =	vunpack.i.l.bf16.f32 v12;
	v9 =	vmul.f32 v16, v9;
	v16 =	vld [tilespmem:s23+$0xA0]  }
0x26f: {  	v28 =	vunpack.i.u.bf16.f32 v47;
	v23 =	vld [tilespmem:s22+$0xB0];
	v13 =	vmul.f32 v11, v13;
	v12 =	vmul.f32 v14, v12  }
0x270: {  	v24 =	vld [tilespmem:s23+$0xB0];
	v20 =	vunpack.i.u.bf16.f32 v8;
	v8 =	vunpack.i.l.bf16.f32 v8;
	v14 =	vmul.f32 v17, v10  }
0x271: {  	v11 =	vpop (erf);
	v22 =	vunpack.i.u.bf16.f32 v7;
	v7 =	vunpack.i.l.bf16.f32 v7;
	v9 =	vmul.f32 v9, v10  }
0x272: {  	v11 =	vadd.f32 $1.000000000e+00, v11;
	v25 =	vmul.f32 v7, v8;
	[tilespmem:s21+$0xD0] =	vst v14;
	v7 =	vunpack.i.l.bf16.f32 v21  }
0x273: {  	[tilespmem:s21+$0xE0] =	vst v9;
	v8 =	vunpack.i.l.bf16.f32 v16;
	v9 =	vunpack.i.u.bf16.f32 v21;
	v14 =	vunpack.i.u.bf16.f32 v16  }
0x274: {  	(erf) = vrcp.f32 v11;
	v7 =	vadd.f32 v8, v7;
	v8 =	vadd.f32 v14, v9  }
0x275: {  	v16 =	vunpack.i.l.bf16.f32 v23;
	v21 =	vunpack.i.l.bf16.f32 v24;
	v14 =	vunpack.i.u.bf16.f32 v23  }
0x276: {  	v56 =	vld [tilespmem:s23+$0xFFFFFF40];
	v16 =	vadd.f32 v21, v16;
	v7 =	vmax.f32 v7, $0.0e+00;
	v23 =	vmax.f32 v8, $0.0e+00  }
0x277: {  	v57 =	vld [tilespmem:s23+$0xFFFFFFA0];
	v11 =	vpop (erf);
	v24 =	vunpack.i.u.bf16.f32 v24;
	v7 =	vmul.f32 v7, v3;
	v23 =	vmul.f32 v23, v4  }
0x278: {  	v17 =	vadd.f32 $1.000000000e+00, v11;
	v14 =	vadd.f32 v24, v14;
	v16 =	vmax.f32 v16, $0.0e+00  }
0x279: {  	v19 =	vmul.f32 v19, v18;
	v18 =	vld [tilespmem:s25+$0x90];
	v16 =	vmul.f32 v16, v5;
	v23 =	vadd.f32 v7, v23  }
0x27a: {  	v32 =	vunpack.i.u.bf16.f32 v32;
	(erf) = vrcp.f32 v17;
	v17 =	vld [tilespmem:s31+$0x90];
	v14 =	vmax.f32 v14, $0.0e+00  }
0x27b: {  	v34 =	vunpack.i.u.bf16.f32 v34;
	v24 =	vld [tilespmem:s23+$0x40];
	v14 =	vmul.f32 v14, v6;
	v23 =	vadd.f32 v16, v23  }
0x27c: {  	v59 =	vunpack.i.u.bf16.f32 v56;
	v60 =	vunpack.i.l.bf16.f32 v56;
	v61 =	vunpack.i.l.bf16.f32 v57;
	v11 =	vpop (erf);
	v21 =	vld [tilespmem:s23+$0xFFFFFFE0]  }
0x27d: {  	v31 =	vld [tilespmem:s22+$0xFFFFFFF0];
	v20 =	vmul.f32 v22, v20;
	v13 =	vmul.f32 v13, v11;
	v14 =	vadd.f32 v23, v14  }
0x27e: {  	v15 =	vmul.f32 v15, v11;
	v9 =	vld [tilespmem:s23+$0xFFFFFF80];
	v8 =	vpop (erf);
	v46 =	vunpack.i.u.bf16.f32 v18;
	v18 =	vunpack.i.l.bf16.f32 v18  }
0x27f: {  	v22 =	vld [tilespmem:s22+$0xFFFFFFE0];
	v12 =	vmul.f32 v12, v8;
	v19 =	vmul.f32 v19, v8;
	v27 =	vunpack.i.u.bf16.f32 v17;
	(xrf2) =	vadd.scan.msk.f32 $0xffff, v14  }
0x280: {  	v27 =	vmul.f32 v46, v27;
	v48 =	vunpack.i.u.bf16.f32 v24;
	v24 =	vunpack.i.l.bf16.f32 v24  }
0x281: {  	v35 =	vunpack.i.u.bf16.f32 v21;
	v17 =	vunpack.i.l.bf16.f32 v17;
	v24 =	vadd.f32 v24, v26  }
0x282: {  	v26 =	vunpack.i.l.bf16.f32 v31;
	v31 =	vunpack.i.u.bf16.f32 v31;
	v16 =	vmul.f32 v27, v10  }
0x283: {  	v27 =	vunpack.i.u.bf16.f32 v9;
	v9 =	vunpack.i.l.bf16.f32 v9;
	v26 =	vadd.f32 v50, v26  }
0x284: {  	v30 =	vld [tilespmem:s23+$0xFFFFFF90];
	v55 =	vadd.f32 v32, v31;
	v23 =	vunpack.i.u.bf16.f32 v22;
	v22 =	vunpack.i.l.bf16.f32 v22  }
0x285: {  	v9 =	vadd.f32 v9, v29;
	v27 =	vadd.f32 v27, v33;
	v24 =	vmax.f32 v24, $0.0e+00  }
0x286: {  	v29 =	vadd.f32 v48, v36;
	v23 =	vadd.f32 v35, v23;
	v24 =	vmul.f32 v24, v3  }
0x287: {  	v26 =	vmax.f32 v26, $0.0e+00;
	v14 =	vunpack.i.l.bf16.f32 v21;
	v9 =	vmax.f32 v9, $0.0e+00  }
0x288: {  	v27 =	vmax.f32 v27, $0.0e+00;
	v29 =	vmax.f32 v29, $0.0e+00;
	v26 =	vmul.f32 v26, v5  }
0x289: {  	v21 =	vld [tilespmem:s23+$0x50];
	v14 =	vadd.f32 v14, v22;
	v22 =	vunpack.i.l.bf16.f32 v30;
	v9 =	vmul.f32 v9, v3;
	v53, _, _ =	vpop (xrf2)  }
0x28a: {  	v23 =	vmax.f32 v23, $0.0e+00;
	v27 =	vmul.f32 v27, v4;
	v35 =	vperm.xlane v53, v2  }
0x28b: {  	v30 =	vunpack.i.u.bf16.f32 v30;
	v29 =	vmul.f32 v29, v4;
	v22 =	vadd.f32 v22, v49  }
0x28c: {  	v23 =	vmul.f32 v23, v4;
	v28 =	vadd.f32 v30, v28;
	v35 =	vsub.f32 $0.0e+00, v35  }
0x28d: {  	v14 =	vmax.f32 v14, $0.0e+00;
	v9 =	vadd.f32 v9, v27;
	v22 =	vmax.f32 v22, $0.0e+00  }
0x28e: {  	v40 =	vld [tilespmem:s23+$0x60];
	v37 =	vunpack.i.l.bf16.f32 v21;
	v22 =	vmul.f32 v22, v5;
	v35 =	vmul.f32 $1.442695020e+00, v35  }
0x28f: {  	v14 =	vmul.f32 v14, v3;
	v28 =	vmax.f32 v28, $0.0e+00;
	v52 =	vadd.f32 v37, v51  }
0x290: {  	v9 =	vadd.f32 v22, v9;
	v22 =	vmul.f32 v28, v6;
	(erf) = vpow2.f32 v35  }
0x291: {  	v54 =	vld [tilespmem:s22+$0xFFFFFF40];
	[tilespmem:s21+$0xFFFFFEF0] =	vst v15;
	v24 =	vadd.f32 v24, v29;
	v21 =	vunpack.i.u.bf16.f32 v21;
	v33 =	vmax.f32 v52, $0.0e+00  }
0x292: {  	v15 =	vld [tilespmem:s23+$0x0];
	[tilespmem:s21+$0xFFFFFF70] =	vst v12;
	v14 =	vadd.f32 v14, v23;
	v23 =	vmul.f32 v33, v5;
	v9 =	vadd.f32 v9, v22  }
0x293: {  	v46 =	vunpack.i.l.bf16.f32 v40;
	[tilespmem:s21+$0xFFFFFF80] =	vst v19;
	v58 =	vmax.f32 v55, $0.0e+00;
	v21 =	vadd.f32 v21, v34  }
0x294: {  	v7 =	vpop (erf);
	v27 =	vld [tilespmem:s22+$0xFFFFFFA0];
	v14 =	vadd.f32 v26, v14;
	v23 =	vadd.f32 v23, v24;
	v24 =	vmul.f32 v58, v6;
	(xrf2) =	vadd.scan.msk.f32 $0xffff, v9  }
0x295: {  	[tilespmem:s21+$0xFFFFFEE0] =	vst v13;
	v17 =	vmul.f32 v18, v17;
	v63 =	vld [tilespmem:s25+$0xFFFFFFB0];
	v25 =	vmul.f32 v25, v7;
	v21 =	vmax.f32 v21, $0.0e+00  }
0x296: {  	v20 =	vmul.f32 v20, v7;
	v26 =	vld [tilespmem:s31+$0xFFFFFF50];
	v21 =	vmul.f32 v21, v6;
	v14 =	vadd.f32 v14, v24  }
0x297: {  	v12 =	vunpack.i.u.bf16.f32 v54;
	v36 =	vunpack.i.u.bf16.f32 v15;
	[tilespmem:s21+$0x0] =	vst v25;
	v25 =	vunpack.i.u.bf16.f32 v57;
	v9 =	vld [tilespmem:s25+$0xFFFFFF50]  }
0x298: {  	[tilespmem:s21+$0x10] =	vst v20;
	v20 =	vmul.f32 v59, v12;
	v21 =	vadd.f32 v23, v21;
	v23 =	vld [tilespmem:s31+$0xFFFFFFB0];
	(xrf2) =	vadd.scan.msk.f32 $0xffff, v14  }
0x299: {  	v37 =	vunpack.i.l.bf16.f32 v15;
	v22 =	vunpack.i.l.bf16.f32 v54;
	v24 =	vunpack.i.u.bf16.f32 v27;
	v15 =	vpop (erf)  }
0x29a: {  	v19 =	vmul.f32 v60, v22;
	v14 =	vmul.f32 v25, v24;
	v24 =	vld [tilespmem:s25+$0x10];
	v22 =	vadd.f32 $1.000000000e+00, v15  }
0x29b: {  	v41 =	vunpack.i.l.bf16.f32 v63;
	v39 =	vunpack.i.u.bf16.f32 v26;
	v25 =	vunpack.i.l.bf16.f32 v26;
	(xrf2) =	vadd.scan.msk.f32 $0xffff, v21;
	v21 =	vld [tilespmem:s22+$0x60]  }
0x29c: {  	(erf) = vrcp.f32 v22;
	v22 =	vunpack.i.u.bf16.f32 v9;
	v9 =	vunpack.i.l.bf16.f32 v9  }
0x29d: {  	v38 =	vld [tilespmem:s31+$0x10];
	v26 =	vunpack.i.u.bf16.f32 v23;
	v23 =	vunpack.i.l.bf16.f32 v23;
	v9 =	vmul.f32 v9, v25  }
0x29e: {  	v27 =	vunpack.i.l.bf16.f32 v27;
	v23 =	vmul.f32 v41, v23;
	v42, _, _ =	vpop (xrf2);
	v22 =	vmul.f32 v22, v39  }
0x29f: {  	v44 =	vunpack.i.l.bf16.f32 v24;
	v43 =	vperm.xlane v42, v2;
	v9 =	vmul.f32 v9, v11  }
0x2a0: {  	v23 =	vmul.f32 v23, v8;
	v45 =	vunpack.i.l.bf16.f32 v21;
	v22 =	vmul.f32 v22, v11  }
0x2a1: {  	v13 =	vld [tilespmem:s22+$0x0];
	v28 =	vsub.f32 $0.0e+00, v43;
	v15 =	vmul.f32 v61, v27;
	v27 =	vunpack.i.u.bf16.f32 v63;
	[tilespmem:s21+$0xFFFFFF00] =	vst v9  }
0x2a2: {  	v47, _, _ =	vpop (xrf2);
	v26 =	vmul.f32 v27, v26;
	v27 =	vunpack.i.l.bf16.f32 v38;
	v9 =	vunpack.i.u.bf16.f32 v21;
	[tilespmem:s21+$0xFFFFFF10] =	vst v22  }
0x2a3: {  	v49 =	vperm.xlane v47, v2;
	v22 =	vunpack.i.u.bf16.f32 v24;
	v24 =	vmul.f32 v44, v27;
	v27 =	vld [tilespmem:s31+$0xFFFFFF60]  }
0x2a4: {  	v48 =	vmul.f32 v46, v45;
	v28 =	vmul.f32 $1.442695020e+00, v28;
	v21 =	vunpack.i.u.bf16.f32 v40;
	v52 =	vld [tilespmem:s25+$0xFFFFFF60]  }
0x2a5: {  	v50 =	vsub.f32 $0.0e+00, v49;
	v26 =	vmul.f32 v26, v8;
	v21 =	vmul.f32 v21, v9;
	v9 =	vpop (erf)  }
0x2a6: {  	v62 =	vunpack.i.u.bf16.f32 v13;
	[tilespmem:s21+$0xFFFFFF90] =	vst v23;
	(erf) = vpow2.f32 v28;
	v23 =	vmul.f32 v48, v9  }
0x2a7: {  	s24 =	simm.s32 $0x4860;
	v51, _, _ =	vpop (xrf2);
	v25 =	vunpack.i.u.bf16.f32 v38;
	[tilespmem:s21+$0xFFFFFFA0] =	vst v26;
	v26 =	vmul.f32 $1.442695020e+00, v50;
	v21 =	vmul.f32 v21, v9  }
0x2a8: {  	v13 =	vunpack.i.l.bf16.f32 v13;
	v54 =	vld [tilespmem:s25+$0xFFFFFFC0];
	v22 =	vmul.f32 v22, v25;
	v25 =	vperm.xlane v51, v2;
	[tilespmem:s24+$0x90] =	vst v23  }
0x2a9: {  	(erf) = vpow2.f32 v26;
	v26 =	vunpack.i.l.bf16.f32 v27;
	v53 =	vunpack.i.l.bf16.f32 v52;
	v23 =	vld [tilespmem:s31+$0xFFFFFFC0];
	[tilespmem:s24+$0xA0] =	vst v21  }
0x2aa: {  	v21 =	vmul.f32 v24, v7;
	v24 =	vsub.f32 $0.0e+00, v25;
	v26 =	vmul.f32 v53, v26;
	v25 =	vld [tilespmem:s22+$0x70]  }
0x2ab: {  	v12 =	vmul.f32 v37, v13;
	v22 =	vmul.f32 v22, v7;
	v27 =	vunpack.i.u.bf16.f32 v27;
	v18 =	vld [tilespmem:s23+$0x70]  }
0x2ac: {  	v24 =	vmul.f32 $1.442695020e+00, v24;
	[tilespmem:s21+$0x20] =	vst v21;
	v21 =	vunpack.i.u.bf16.f32 v52;
	v26 =	vmul.f32 v26, v11  }
0x2ad: {  	v13 =	vmul.f32 v36, v62;
	[tilespmem:s21+$0x30] =	vst v22;
	v21 =	vmul.f32 v21, v27  }
0x2ae: {  	v29 =	vunpack.i.l.bf16.f32 v54;
	(erf) = vpow2.f32 v24;
	[tilespmem:s21+$0xFFFFFF20] =	vst v26;
	v26 =	vunpack.i.u.bf16.f32 v54  }
0x2af: {  	v27 =	vld [tilespmem:s25+$0x20];
	v22 =	vunpack.i.u.bf16.f32 v23;
	v23 =	vunpack.i.l.bf16.f32 v23;
	v21 =	vmul.f32 v21, v11  }
0x2b0: {  	v24 =	vld [tilespmem:s31+$0x20];
	v55 =	vunpack.i.l.bf16.f32 v25;
	v56 =	vunpack.i.l.bf16.f32 v18;
	v25 =	vunpack.i.u.bf16.f32 v25  }
0x2b1: {  	v57 =	vpop (erf);
	v18 =	vunpack.i.u.bf16.f32 v18;
	v22 =	vmul.f32 v26, v22;
	v28 =	vmul.f32 v56, v55  }
0x2b2: {  	v59 =	vpop (erf);
	v18 =	vmul.f32 v18, v25;
	[tilespmem:s21+$0xFFFFFF30] =	vst v21;
	v21 =	vmul.f32 v29, v23  }
0x2b3: {  	v23 =	vadd.f32 $1.000000000e+00, v57;
	v29 =	vadd.f32 $1.000000000e+00, v59;
	v58 =	vld [tilespmem:s31+$0xFFFFFF70];
	v25 =	vmul.f32 v28, v9  }
0x2b4: {  	v60 =	vld [tilespmem:s25+$0xFFFFFF70];
	v61 =	vunpack.i.u.bf16.f32 v27;
	v22 =	vmul.f32 v22, v8;
	v18 =	vmul.f32 v18, v9  }
0x2b5: {  	v26 =	vunpack.i.u.bf16.f32 v24;
	(erf) = vrcp.f32 v23;
	v23 =	vunpack.i.l.bf16.f32 v24;
	[tilespmem:s24+$0xB0] =	vst v25  }
0x2b6: {  	v21 =	vmul.f32 v21, v8;
	v24 =	vmul.f32 v61, v26;
	[tilespmem:s24+$0xC0] =	vst v18;
	v18 =	vunpack.i.l.bf16.f32 v27  }
0x2b7: {  	(erf) = vrcp.f32 v29;
	v26 =	vld [tilespmem:s22+$0x80];
	v18 =	vmul.f32 v18, v23;
	v25 =	vpop (erf)  }
0x2b8: {  	[tilespmem:s21+$0xFFFFFFB0] =	vst v21;
	v21 =	vmul.f32 v24, v7;
	v24 =	vld [tilespmem:s23+$0x80];
	v27 =	vunpack.i.l.bf16.f32 v58;
	v23 =	vadd.f32 $1.000000000e+00, v25  }
0x2b9: {  	[tilespmem:s21+$0xFFFFFFC0] =	vst v22;
	v62 =	vunpack.i.l.bf16.f32 v60;
	v22 =	vunpack.i.u.bf16.f32 v60;
	v18 =	vmul.f32 v18, v7  }
0x2ba: {  	v25 =	vunpack.i.u.bf16.f32 v58;
	v27 =	vmul.f32 v62, v27;
	(erf) = vrcp.f32 v23  }
0x2bb: {  	[tilespmem:s21+$0x100] =	vst v16;
	v63 =	vld [tilespmem:s31+$0xFFFFFFD0];
	v16 =	vmul.f32 v22, v25  }
0x2bc: {  	v25 =	vmul.f32 v17, v10;
	[tilespmem:s21+$0x40] =	vst v18;
	v18 =	vmul.f32 v27, v11  }
0x2bd: {  	[tilespmem:s21+$0x50] =	vst v21;
	v17 =	vld [tilespmem:s25+$0xFFFFFFD0];
	v21 =	vmul.f32 v16, v11;
	v11 =	vunpack.i.l.bf16.f32 v26;
	v16 =	vunpack.i.l.bf16.f32 v24  }
0x2be: {  	v22 =	vunpack.i.u.bf16.f32 v26;
	v26 =	vmul.f32 v16, v11;
	v16 =	vld [tilespmem:s31+$0x30]  }
0x2bf: {  	v23 =	vunpack.i.u.bf16.f32 v24;
	[tilespmem:s21+$0xF0] =	vst v25;
	v10 =	vpop (erf)  }
0x2c0: {  	s26 =	simm.s32 $0x2940;
	[tilespmem:s21+$0xFFFFFF40] =	vst v18;
	v23 =	vmul.f32 v23, v22;
	v18 =	vld [tilespmem:s25+$0x30];
	v22 =	vunpack.i.l.bf16.f32 v63;
	v11 =	vmul.f32 v19, v10  }
0x2c1: {  	s29 =	simm.s32 $0x4;
	s3 =	simm.s32 $0x12C0;
	s25 =	simm.s32 $0x4860;
	[tilespmem:s21+$0xFFFFFF50] =	vst v21;
	v21 =	vunpack.i.u.bf16.f32 v63;
	v19 =	vpop (erf);
	v24 =	vmul.f32 v20, v10;
	v20 =	vmul.f32 v26, v9  }
.LBB2_9:
0x2c2: {  	v25 =	vld [tilespmem:s3+$0xB0];
	[tilespmem:s24+$0xFFFFFEE0] =	vst v11;
	v15 =	vmul.f32 v15, v19;
	v23 =	vmul.f32 v23, v9;
	v26 =	vunpack.i.u.bf16.f32 v17  }
0x2c3: {  	v14 =	vmul.f32 v14, v19;
	s23 =	sadd.s32 $0x180, s23;
	v28 =	vunpack.i.u.bf16.f32 v16;
	v27 =	vld [tilespmem:s3+$0xA0];
	[tilespmem:s24+$0xD0] =	vst v20;
	v11 =	vpop (erf);
	v20 =	vunpack.i.l.bf16.f32 v17  }
0x2c4: {  	v16 =	vunpack.i.l.bf16.f32 v16;
	v29 =	vld [tilespmem:s23+$0xA0];
	v12 =	vmul.f32 v12, v11;
	v13 =	vmul.f32 v13, v11;
	[tilespmem:s24+$0xE0] =	vst v23  }
0x2c5: {  	v20 =	vmul.f32 v20, v22;
	v22 =	vunpack.i.u.bf16.f32 v18;
	v23 =	vunpack.i.l.bf16.f32 v18;
	[tilespmem:s24+$0xFFFFFEF0] =	vst v24;
	v17 =	vld [tilespmem:s22+$0x90]  }
0x2c6: {  	[tilespmem:s24+$0xFFFFFF70] =	vst v15;
	v18 =	vld [tilespmem:s26+$0x90];
	v15 =	vmul.f32 v26, v21;
	v21 =	vmul.f32 v23, v16  }
0x2c7: {  	v16 =	vmul.f32 v22, v28;
	v23 =	vld [tilespmem:s23+$0xB0];
	[tilespmem:s24+$0xFFFFFF80] =	vst v14;
	v14 =	vmul.f32 v20, v8  }
0x2c8: {  	v22 =	vunpack.i.u.bf16.f32 v25;
	v20 =	vld [tilespmem:s23+$0xFFFFFF80];
	[tilespmem:s24+$0x0] =	vst v12;
	v12 =	vmul.f32 v15, v8;
	v15 =	vmul.f32 v21, v7;
	v8 =	vmovc v19  }
0x2c9: {  	v25 =	vunpack.i.l.bf16.f32 v25;
	v21 =	vunpack.i.l.bf16.f32 v27;
	v19 =	vld [tilespmem:s3+$0xFFFFFFE0];
	v24 =	vunpack.i.l.bf16.f32 v29;
	[tilespmem:s24+$0x10] =	vst v13  }
0x2ca: {  	v26 =	vunpack.i.u.bf16.f32 v27;
	v27 =	vunpack.i.u.bf16.f32 v29;
	v13 =	vld [tilespmem:s23+$0xFFFFFFE0];
	v21 =	vadd.f32 v24, v21;
	[tilespmem:s21+$0xFFFFFFD0] =	vst v14  }
0x2cb: {  	s29 =	sadd.s32 $0x4, s29;
	v24 =	vadd.f32 v27, v26;
	v26 =	vunpack.i.u.bf16.f32 v17;
	v14 =	vld [tilespmem:s3+$0x40];
	v27 =	vunpack.i.u.bf16.f32 v18;
	[tilespmem:s21+$0xFFFFFFE0] =	vst v12  }
0x2cc: {  	p0 =	slt.u32 s29, $0x1C;
	v12 =	vld [tilespmem:s23+$0x40];
	v21 =	vmax.f32 v21, $0.0e+00;
	v28 =	vunpack.i.l.bf16.f32 v23;
	v26 =	vmul.f32 v27, v26;
	[tilespmem:s21+$0x60] =	vst v15  }
0x2cd: {  	v24 =	vmax.f32 v24, $0.0e+00;
	v15 =	vld [tilespmem:s3+$0xFFFFFF80];
	v21 =	vmul.f32 v21, v3;
	v25 =	vadd.f32 v28, v25  }
0x2ce: {  	v23 =	vunpack.i.u.bf16.f32 v23;
	v24 =	vmul.f32 v24, v4;
	v27 =	vld [tilespmem:s3+$0xFFFFFF90];
	v26 =	vmul.f32 v26, v9  }
0x2cf: {  	v28 =	vunpack.i.u.bf16.f32 v20;
	v22 =	vadd.f32 v23, v22;
	v29 =	vld [tilespmem:s23+$0xFFFFFF90];
	v25 =	vmax.f32 v25, $0.0e+00  }
0x2d0: {  	v20 =	vunpack.i.l.bf16.f32 v20;
	v21 =	vadd.f32 v21, v24;
	v23 =	vld [tilespmem:s3+$0xFFFFFFF0];
	v24 =	vmul.f32 v25, v5;
	[tilespmem:s24+$0x100] =	vst v26  }
0x2d1: {  	v22 =	vmax.f32 v22, $0.0e+00;
	v25 =	vunpack.i.u.bf16.f32 v19;
	v19 =	vunpack.i.l.bf16.f32 v19;
	v26 =	vld [tilespmem:s23+$0xFFFFFFF0]  }
0x2d2: {  	v22 =	vmul.f32 v22, v6;
	v30 =	vunpack.i.u.bf16.f32 v15;
	v31 =	vld [tilespmem:s3+$0x50];
	v21 =	vadd.f32 v24, v21  }
0x2d3: {  	v15 =	vunpack.i.l.bf16.f32 v15;
	v24 =	vunpack.i.u.bf16.f32 v13;
	v13 =	vunpack.i.l.bf16.f32 v13;
	v32 =	vld [tilespmem:s23+$0x50]  }
0x2d4: {  	v34 =	vunpack.i.u.bf16.f32 v14;
	v14 =	vunpack.i.l.bf16.f32 v14;
	v33 =	vld [tilespmem:s3+$0xFFFFFF40];
	v21 =	vadd.f32 v21, v22  }
0x2d5: {  	v15 =	vadd.f32 v20, v15;
	v22 =	vunpack.i.u.bf16.f32 v12;
	v12 =	vunpack.i.l.bf16.f32 v12;
	v20 =	vld [tilespmem:s23+$0xFFFFFF40]  }
0x2d6: {  	v28 =	vadd.f32 v28, v30;
	v30 =	vunpack.i.l.bf16.f32 v27;
	v13 =	vadd.f32 v13, v19;
	v19 =	vld [tilespmem:s3+$0xFFFFFFA0];
	(xrf2) =	vadd.scan.msk.f32 $0xffff, v21  }
0x2d7: {  	v24 =	vadd.f32 v24, v25;
	v12 =	vadd.f32 v12, v14;
	v21 =	vunpack.i.l.bf16.f32 v29;
	v25 =	vld [tilespmem:s23+$0xFFFFFFA0]  }
0x2d8: {  	v14 =	vunpack.i.l.bf16.f32 v23;
	v22 =	vadd.f32 v22, v34;
	v35 =	vunpack.i.l.bf16.f32 v26;
	v34 =	vld [tilespmem:s3+$0x0]  }
0x2d9: {  	v15 =	vmax.f32 v15, $0.0e+00;
	v36 =	vunpack.i.l.bf16.f32 v31;
	v37 =	vunpack.i.l.bf16.f32 v32;
	v38 =	vld [tilespmem:s23+$0x0]  }
0x2da: {  	v28 =	vmax.f32 v28, $0.0e+00;
	v13 =	vmax.f32 v13, $0.0e+00;
	v24 =	vmax.f32 v24, $0.0e+00;
	v39 =	vld [tilespmem:s22+$0xFFFFFF50]  }
0x2db: {  	v21 =	vadd.f32 v21, v30;
	v12 =	vmax.f32 v12, $0.0e+00;
	v22 =	vmax.f32 v22, $0.0e+00;
	v30 =	vld [tilespmem:s26+$0xFFFFFF50]  }
0x2dc: {  	v15 =	vmul.f32 v15, v3;
	v14 =	vadd.f32 v35, v14;
	v35 =	vadd.f32 v37, v36;
	v36 =	vld [tilespmem:s22+$0xFFFFFFB0]  }
0x2dd: {  	v27 =	vunpack.i.u.bf16.f32 v27;
	v28 =	vmul.f32 v28, v4;
	v13 =	vmul.f32 v13, v3;
	v37 =	vld [tilespmem:s26+$0xFFFFFFB0]  }
0x2de: {  	v29 =	vunpack.i.u.bf16.f32 v29;
	v24 =	vmul.f32 v24, v4;
	v12 =	vmul.f32 v12, v3;
	v40 =	vld [tilespmem:s22+$0x10]  }
0x2df: {  	v23 =	vunpack.i.u.bf16.f32 v23;
	v26 =	vunpack.i.u.bf16.f32 v26;
	v22 =	vmul.f32 v22, v4;
	v41 =	vld [tilespmem:s26+$0x10]  }
0x2e0: {  	v31 =	vunpack.i.u.bf16.f32 v31;
	v32 =	vunpack.i.u.bf16.f32 v32;
	v21 =	vmax.f32 v21, $0.0e+00;
	v42, _, _ =	vpop (xrf2)  }
0x2e1: {  	v14 =	vmax.f32 v14, $0.0e+00;
	v35 =	vmax.f32 v35, $0.0e+00;
	v42 =	vperm.xlane v42, v2  }
0x2e2: {  	v27 =	vadd.f32 v29, v27;
	v23 =	vadd.f32 v26, v23;
	v21 =	vmul.f32 v21, v5  }
0x2e3: {  	v26 =	vadd.f32 v32, v31;
	v14 =	vmul.f32 v14, v5;
	v29 =	vsub.f32 $0.0e+00, v42  }
0x2e4: {  	v15 =	vadd.f32 v15, v28;
	v13 =	vadd.f32 v13, v24;
	v24 =	vmul.f32 v35, v5  }
0x2e5: {  	v27 =	vmax.f32 v27, $0.0e+00;
	v12 =	vadd.f32 v12, v22;
	v22 =	vmul.f32 $1.442695020e+00, v29  }
0x2e6: {  	v15 =	vadd.f32 v21, v15;
	v21 =	vmax.f32 v23, $0.0e+00;
	v23 =	vmax.f32 v26, $0.0e+00  }
0x2e7: {  	v13 =	vadd.f32 v14, v13;
	v12 =	vadd.f32 v24, v12;
	(erf) = vpow2.f32 v22  }
0x2e8: {  	v14 =	vmul.f32 v27, v6;
	v21 =	vmul.f32 v21, v6;
	v22 =	vunpack.i.u.bf16.f32 v33  }
0x2e9: {  	v26 =	vunpack.i.u.bf16.f32 v20;
	v23 =	vmul.f32 v23, v6;
	v24 =	vunpack.i.l.bf16.f32 v33  }
0x2ea: {  	v14 =	vadd.f32 v15, v14;
	v15 =	vunpack.i.l.bf16.f32 v20;
	v13 =	vadd.f32 v13, v21  }
0x2eb: {  	v27 =	vunpack.i.l.bf16.f32 v19;
	v21 =	vunpack.i.u.bf16.f32 v19;
	v23 =	vadd.f32 v12, v23  }
0x2ec: {  	v28 =	vunpack.i.u.bf16.f32 v34;
	v12 =	vunpack.i.u.bf16.f32 v25;
	v25 =	vunpack.i.l.bf16.f32 v25;
	(xrf2) =	vadd.scan.msk.f32 $0xffff, v14  }
0x2ed: {  	v31 =	vunpack.i.u.bf16.f32 v38;
	v32 =	vunpack.i.l.bf16.f32 v38;
	v29 =	vunpack.i.l.bf16.f32 v34  }
0x2ee: {  	v19 =	vmul.f32 v15, v24;
	v20 =	vmul.f32 v26, v22;
	v22 =	vunpack.i.u.bf16.f32 v39  }
0x2ef: {  	v15 =	vmul.f32 v25, v27;
	v14 =	vmul.f32 v12, v21;
	v21 =	vunpack.i.l.bf16.f32 v39;
	(xrf2) =	vadd.scan.msk.f32 $0xffff, v13  }
0x2f0: {  	v25 =	vunpack.i.u.bf16.f32 v30;
	v12 =	vmul.f32 v32, v29;
	v13 =	vmul.f32 v31, v28;
	v24 =	vpop (erf)  }
0x2f1: {  	v27 =	vunpack.i.u.bf16.f32 v36;
	v26 =	vunpack.i.l.bf16.f32 v30;
	v24 =	vadd.f32 $1.000000000e+00, v24  }
0x2f2: {  	v30 =	vunpack.i.l.bf16.f32 v37;
	v29 =	vunpack.i.u.bf16.f32 v37;
	v28 =	vunpack.i.l.bf16.f32 v36  }
0x2f3: {  	(xrf2) =	vadd.scan.msk.f32 $0xffff, v23;
	(erf) = vrcp.f32 v24;
	v23 =	vunpack.i.u.bf16.f32 v40;
	v24 =	vunpack.i.l.bf16.f32 v40  }
0x2f4: {  	v32 =	vunpack.i.l.bf16.f32 v41;
	v21 =	vmul.f32 v26, v21;
	v26 =	vunpack.i.u.bf16.f32 v41;
	v31 =	vld [tilespmem:s3+$0x60]  }
0x2f5: {  	v17 =	vunpack.i.l.bf16.f32 v17;
	v22 =	vmul.f32 v25, v22;
	v25 =	vmul.f32 v30, v28;
	v33 =	vld [tilespmem:s23+$0x60]  }
0x2f6: {  	v18 =	vunpack.i.l.bf16.f32 v18;
	v27 =	vmul.f32 v29, v27;
	v24 =	vmul.f32 v32, v24;
	v28, _, _ =	vpop (xrf2)  }
0x2f7: {  	v23 =	vmul.f32 v26, v23;
	v29 =	vperm.xlane v28, v2  }
0x2f8: {  	v22 =	vmul.f32 v22, v10;
	v21 =	vmul.f32 v21, v10  }
0x2f9: {  	v27 =	vmul.f32 v27, v8;
	v25 =	vmul.f32 v25, v8;
	v26 =	vsub.f32 $0.0e+00, v29;
	v28, _, _ =	vpop (xrf2)  }
0x2fa: {  	v29 =	vunpack.i.l.bf16.f32 v31;
	v32 =	vperm.xlane v28, v2;
	v30 =	vunpack.i.l.bf16.f32 v33;
	[tilespmem:s24+$0xFFFFFF00] =	vst v21  }
0x2fb: {  	v21 =	vunpack.i.u.bf16.f32 v31;
	v31 =	vunpack.i.u.bf16.f32 v33;
	v33 =	vmul.f32 v30, v29;
	[tilespmem:s24+$0xFFFFFF10] =	vst v22  }
0x2fc: {  	v22 =	vmul.f32 $1.442695020e+00, v26;
	v21 =	vmul.f32 v31, v21;
	v26 =	vsub.f32 $0.0e+00, v32;
	v28 =	vpop (erf);
	v30 =	vld [tilespmem:s22+$0xFFFFFF60];
	[tilespmem:s24+$0xFFFFFF90] =	vst v25  }
0x2fd: {  	v24 =	vmul.f32 v24, v11;
	v25 =	vmul.f32 v33, v28;
	v29, _, _ =	vpop (xrf2);
	v31 =	vld [tilespmem:s26+$0xFFFFFF60];
	[tilespmem:s24+$0xFFFFFFA0] =	vst v27  }
0x2fe: {  	v21 =	vmul.f32 v21, v28;
	s24 =	sadd.s32 $0x240, s24;
	v27 =	vperm.xlane v29, v2;
	v29 =	vld [tilespmem:s22+$0xFFFFFFC0]  }
0x2ff: {  	v26 =	vmul.f32 $1.442695020e+00, v26;
	[tilespmem:s24+$0x90] =	vst v25;
	(erf) = vpow2.f32 v22;
	v22 =	vld [tilespmem:s26+$0xFFFFFFC0]  }
0x300: {  	v18 =	vmul.f32 v18, v17;
	v25 =	vsub.f32 $0.0e+00, v27;
	[tilespmem:s24+$0xA0] =	vst v21;
	v21 =	vmul.f32 v23, v11  }
0x301: {  	v17 =	vld [tilespmem:s3+$0x70];
	(erf) = vpow2.f32 v26;
	v23 =	vunpack.i.u.bf16.f32 v30;
	v26 =	vunpack.i.l.bf16.f32 v30;
	[tilespmem:s25+$0x20] =	vst v24  }
0x302: {  	v24 =	vmul.f32 $1.442695020e+00, v25;
	v25 =	vld [tilespmem:s23+$0x70];
	v27 =	vunpack.i.u.bf16.f32 v31;
	v30 =	vunpack.i.l.bf16.f32 v31;
	[tilespmem:s25+$0x30] =	vst v21  }
0x303: {  	v21 =	vmul.f32 v30, v26;
	v26 =	vunpack.i.u.bf16.f32 v29;
	v29 =	vunpack.i.l.bf16.f32 v29;
	v30 =	vld [tilespmem:s22+$0x20]  }
0x304: {  	(erf) = vpow2.f32 v24;
	v24 =	vunpack.i.u.bf16.f32 v22;
	v22 =	vunpack.i.l.bf16.f32 v22;
	v31 =	vld [tilespmem:s26+$0x20]  }
0x305: {  	v23 =	vmul.f32 v27, v23;
	v22 =	vmul.f32 v22, v29  }
0x306: {  	v21 =	vmul.f32 v21, v10;
	v24 =	vmul.f32 v24, v26  }
0x307: {  	v23 =	vmul.f32 v23, v10;
	v26 =	vunpack.i.l.bf16.f32 v17;
	v29 =	vunpack.i.l.bf16.f32 v25  }
0x308: {  	v17 =	vunpack.i.u.bf16.f32 v17;
	v25 =	vunpack.i.u.bf16.f32 v25;
	v29 =	vmul.f32 v29, v26;
	v27 =	vpop (erf);
	[tilespmem:s25+$0xFFFFFF20] =	vst v21  }
0x309: {  	v17 =	vmul.f32 v25, v17;
	v21 =	vadd.f32 $1.000000000e+00, v27;
	[tilespmem:s25+$0xFFFFFF30] =	vst v23;
	v23 =	vunpack.i.u.bf16.f32 v30  }
0x30a: {  	v25 =	vmul.f32 v29, v28;
	v26 =	vpop (erf);
	v27 =	vld [tilespmem:s22+$0xFFFFFF70];
	v29 =	vunpack.i.l.bf16.f32 v30;
	v30 =	vunpack.i.u.bf16.f32 v31  }
0x30b: {  	v32 =	vmul.f32 v17, v28;
	v26 =	vadd.f32 $1.000000000e+00, v26;
	(erf) = vrcp.f32 v21;
	v21 =	vld [tilespmem:s26+$0xFFFFFF70]  }
0x30c: {  	v22 =	vmul.f32 v22, v8;
	v23 =	vmul.f32 v30, v23;
	[tilespmem:s24+$0xB0] =	vst v25;
	v25 =	vunpack.i.l.bf16.f32 v31  }
0x30d: {  	[tilespmem:s24+$0xC0] =	vst v32;
	(erf) = vrcp.f32 v26;
	v17 =	vpop (erf);
	v25 =	vmul.f32 v25, v29  }
0x30e: {  	v23 =	vmul.f32 v23, v11;
	v17 =	vadd.f32 $1.000000000e+00, v17;
	v26 =	vld [tilespmem:s3+$0x80];
	[tilespmem:s25+$0xFFFFFFB0] =	vst v22;
	v22 =	vmul.f32 v24, v8  }
0x30f: {  	v24 =	vld [tilespmem:s23+$0x80];
	v29 =	vunpack.i.u.bf16.f32 v27;
	v27 =	vunpack.i.l.bf16.f32 v27;
	v25 =	vmul.f32 v25, v11  }
0x310: {  	(erf) = vrcp.f32 v17;
	v17 =	vunpack.i.u.bf16.f32 v21;
	v21 =	vunpack.i.l.bf16.f32 v21;
	[tilespmem:s25+$0xFFFFFFC0] =	vst v22  }
0x311: {  	v21 =	vmul.f32 v21, v27;
	v22 =	vmul.f32 v17, v29;
	v27 =	vld [tilespmem:s22+$0xFFFFFFD0];
	[tilespmem:s25+$0x40] =	vst v25  }
0x312: {  	v25 =	vmul.f32 v18, v9;
	v9 =	vmovc v28;
	v17 =	vld [tilespmem:s26+$0xFFFFFFD0];
	[tilespmem:s25+$0x50] =	vst v23;
	v23 =	vmul.f32 v16, v7;
	v7 =	vmov v11  }
.Ltmp3:
0x313: {  	v11 =	vmul.f32 v21, v10;
	v21 =	vmul.f32 v22, v10;
	v16 =	vld [tilespmem:s22+$0x30];
	s22 =	smov.u32 s3;
	(pc) =	sbr.rel @p0 .LBB2_9-.Ltmp3, $4  }
0x314: {  	v22 =	vunpack.i.l.bf16.f32 v26;
	v28 =	vunpack.i.l.bf16.f32 v24;
	v10 =	vpop (erf);
	v18 =	vld [tilespmem:s26+$0x30];
	[tilespmem:s21+$0x70] =	vst v23;
	s26 =	smov.u32 s23;
	s21 =	smov.u32 s25;
	s25 =	smov.u32 s24  }
0x315: {  	v23 =	vunpack.i.u.bf16.f32 v26;
	v24 =	vunpack.i.u.bf16.f32 v24;
	v22 =	vmul.f32 v28, v22;
	[tilespmem:s21+$0xFFFFFF40] =	vst v11  }
0x316: {  	v11 =	vmul.f32 v19, v10;
	v23 =	vmul.f32 v24, v23;
	v19 =	vpop (erf);
	[tilespmem:s21+$0xFFFFFF50] =	vst v21;
	v21 =	vunpack.i.u.bf16.f32 v27  }
0x317: {  	s3 =	sadd.s32 $0x180, s3;
	v24 =	vmul.f32 v20, v10;
	v20 =	vmul.f32 v22, v9;
	v22 =	vunpack.i.l.bf16.f32 v27;
	[tilespmem:s21+$0xF0] =	vst v25  }
0x318: {  	[tilespmem:s24+$0xFFFFFEE0] =	vst v11;
	v42 =	vmul.f32 v15, v19  }
0x319: {  	v14 =	vmul.f32 v14, v19;
	[tilespmem:s24+$0xFFFFFEF0] =	vst v24  }
0x31a: {  	v11 =	vpop (erf);
	[tilespmem:s24+$0xFFFFFF70] =	vst v42;
	v43 =	vld [tilespmem:s22+$0xFFFFFF50]  }
0x31b: {  	[tilespmem:s24+$0xFFFFFF80] =	vst v14;
	v44 =	vld [tilespmem:s26+$0xFFFFFF50];
	v12 =	vmul.f32 v12, v11  }
0x31c: {  	v13 =	vmul.f32 v13, v11;
	v45 =	vld [tilespmem:s22+$0xFFFFFFB0]  }
0x31d: {  	v25 =	vld [tilespmem:s26+$0xFFFFFFB0];
	[tilespmem:s24+$0x0] =	vst v12  }
0x31e: {  	[tilespmem:s24+$0x10] =	vst v13  }
0x31f: {  	v12 =	vld [tilespmem:s22+$0x10]  }
0x320: {  	v27 =	vld [tilespmem:s26+$0x10];
	v46 =	vunpack.i.l.bf16.f32 v43;
	v26 =	vunpack.i.l.bf16.f32 v44;
	v15 =	vunpack.i.u.bf16.f32 v43  }
0x321: {  	v14 =	vunpack.i.u.bf16.f32 v44;
	v13 =	vmul.f32 v26, v46;
	v47 =	vunpack.i.l.bf16.f32 v45  }
0x322: {  	v14 =	vmul.f32 v14, v15;
	v48 =	vunpack.i.l.bf16.f32 v25;
	v24 =	vunpack.i.u.bf16.f32 v45  }
0x323: {  	v25 =	vunpack.i.u.bf16.f32 v25;
	v15 =	vmul.f32 v48, v47;
	v13 =	vmul.f32 v13, v10  }
0x324: {  	v24 =	vmul.f32 v25, v24;
	v14 =	vmul.f32 v14, v10;
	v49 =	vunpack.i.u.bf16.f32 v12  }
0x325: {  	v12 =	vunpack.i.l.bf16.f32 v12;
	v50 =	vunpack.i.l.bf16.f32 v27;
	v52 =	vmul.f32 v15, v19;
	[tilespmem:s24+$0xFFFFFF00] =	vst v13  }
0x326: {  	v51 =	vunpack.i.u.bf16.f32 v27;
	v12 =	vmul.f32 v50, v12;
	v24 =	vmul.f32 v24, v19;
	[tilespmem:s24+$0xFFFFFF10] =	vst v14  }
0x327: {  	v13 =	vmul.f32 v51, v49;
	v53 =	vld [tilespmem:s22+$0xFFFFFF60];
	[tilespmem:s24+$0xFFFFFF90] =	vst v52  }
0x328: {  	v23 =	vmul.f32 v23, v9;
	v54 =	vld [tilespmem:s26+$0xFFFFFF60];
	v12 =	vmul.f32 v12, v11;
	[tilespmem:s24+$0xFFFFFFA0] =	vst v24  }
0x329: {  	v55 =	vunpack.i.u.bf16.f32 v17;
	v56 =	vunpack.i.l.bf16.f32 v17;
	v13 =	vmul.f32 v13, v11;
	v60 =	vld [tilespmem:s22+$0xFFFFFFC0]  }
0x32a: {  	v17 =	vmul.f32 v56, v22;
	v14 =	vmul.f32 v55, v21;
	v62 =	vld [tilespmem:s26+$0xFFFFFFC0];
	[tilespmem:s25+$0x20] =	vst v12  }
0x32b: {  	v57 =	vunpack.i.u.bf16.f32 v16;
	v58 =	vunpack.i.l.bf16.f32 v16;
	v59 =	vunpack.i.l.bf16.f32 v18;
	[tilespmem:s25+$0x30] =	vst v13  }
0x32c: {  	v17 =	vmul.f32 v17, v8;
	v8 =	vmul.f32 v14, v8;
	v29 =	vld [tilespmem:s22+$0x20];
	v63 =	vunpack.i.l.bf16.f32 v53  }
0x32d: {  	[tilespmem:s24+$0xD0] =	vst v20;
	v31 =	vld [tilespmem:s26+$0x20];
	v28 =	vunpack.i.l.bf16.f32 v54;
	v15 =	vunpack.i.u.bf16.f32 v53;
	v30 =	vunpack.i.u.bf16.f32 v54  }
0x32e: {  	v61 =	vunpack.i.u.bf16.f32 v18;
	[tilespmem:s24+$0xE0] =	vst v23;
	v13 =	vmul.f32 v28, v63;
	v32 =	vmul.f32 v30, v15  }
0x32f: {  	v33 =	vld [tilespmem:s22+$0x90];
	v34 =	vunpack.i.u.bf16.f32 v60;
	v21 =	vunpack.i.l.bf16.f32 v60;
	v18 =	vunpack.i.l.bf16.f32 v62  }
0x330: {  	v23 =	vld [tilespmem:s26+$0x90];
	v35 =	vunpack.i.u.bf16.f32 v62;
	v18 =	vmul.f32 v18, v21;
	v13 =	vmul.f32 v13, v10  }
0x331: {  	v20 =	vmul.f32 v35, v34;
	v14 =	vmul.f32 v32, v10;
	v36 =	vunpack.i.u.bf16.f32 v29  }
0x332: {  	v37 =	vunpack.i.l.bf16.f32 v29;
	v38 =	vunpack.i.l.bf16.f32 v31;
	v18 =	vmul.f32 v18, v19;
	[tilespmem:s25+$0xFFFFFF20] =	vst v13  }
0x333: {  	v22 =	vunpack.i.u.bf16.f32 v31;
	v20 =	vmul.f32 v20, v19;
	[tilespmem:s25+$0xFFFFFF30] =	vst v14;
	v14 =	vmul.f32 v38, v37  }
0x334: {  	v16 =	vmul.f32 v59, v58;
	v41 =	vunpack.i.u.bf16.f32 v33;
	v13 =	vmul.f32 v22, v36;
	v39 =	vld [tilespmem:s22+$0xFFFFFF70];
	[tilespmem:s25+$0xFFFFFFB0] =	vst v18  }
0x335: {  	v42 =	vunpack.i.u.bf16.f32 v23;
	v44 =	vunpack.i.l.bf16.f32 v23;
	v40 =	vld [tilespmem:s26+$0xFFFFFF70];
	[tilespmem:s25+$0xFFFFFFC0] =	vst v20;
	v14 =	vmul.f32 v14, v11  }
0x336: {  	v43 =	vmul.f32 v42, v41;
	v15 =	vunpack.i.l.bf16.f32 v33;
	v13 =	vmul.f32 v13, v11;
	v45 =	vld [tilespmem:s22+$0xFFFFFFD0]  }
0x337: {  	v12 =	vmul.f32 v61, v57;
	v15 =	vmul.f32 v44, v15;
	v48 =	vld [tilespmem:s26+$0xFFFFFFD0];
	[tilespmem:s25+$0x40] =	vst v14  }
0x338: {  	v16 =	vmul.f32 v16, v7;
	v46 =	vmul.f32 v43, v9;
	[tilespmem:s25+$0x50] =	vst v13  }
0x339: {  	[tilespmem:s21+$0xFFFFFFE0] =	vst v8;
	v7 =	vmul.f32 v12, v7;
	v8 =	vmul.f32 v15, v9;
	v51 =	vld [tilespmem:s22+$0x30];
	v47 =	vunpack.i.u.bf16.f32 v39  }
0x33a: {  	v53 =	vld [tilespmem:s26+$0x30];
	v49 =	vunpack.i.l.bf16.f32 v39;
	v50 =	vunpack.i.u.bf16.f32 v40;
	v21 =	vunpack.i.l.bf16.f32 v40  }
0x33b: {  	[tilespmem:s21+$0xFFFFFFD0] =	vst v17;
	v13 =	vmul.f32 v21, v49;
	v52 =	vmul.f32 v50, v47  }
0x33c: {  	[tilespmem:s21+$0x70] =	vst v7;
	v56 =	vunpack.i.u.bf16.f32 v45;
	v57 =	vunpack.i.l.bf16.f32 v45;
	v7 =	vunpack.i.u.bf16.f32 v48  }
0x33d: {  	[tilespmem:s21+$0x60] =	vst v16;
	v58 =	vunpack.i.l.bf16.f32 v48;
	v7 =	vmul.f32 v7, v56;
	v54 =	vmul.f32 v13, v10  }
0x33e: {  	[tilespmem:s24+$0x100] =	vst v46;
	v55 =	vmul.f32 v52, v10;
	v13 =	vmul.f32 v58, v57  }
0x33f: {  	[tilespmem:s25+$0xF0] =	vst v8;
	v59 =	vunpack.i.u.bf16.f32 v51;
	v60 =	vunpack.i.l.bf16.f32 v51;
	v61 =	vunpack.i.l.bf16.f32 v53  }
0x340: {  	s20 =	sadd.s32 $0x1, s20;
	v62 =	vunpack.i.u.bf16.f32 v53;
	v7 =	vmul.f32 v7, v19;
	[tilespmem:s25+$0xFFFFFF40] =	vst v54;
	v9 =	vmul.f32 v61, v60  }
0x341: {  	p0 =	sne.s32 s20, s6;
	[tilespmem:s25+$0xFFFFFF50] =	vst v55;
	v63 =	vmul.f32 v13, v19;
	v8 =	vmul.f32 v62, v59  }
.Ltmp4:
0x342: {  	[tilespmem:s25+$0xFFFFFFE0] =	vst v7;
	v9 =	vmul.f32 v9, v11;
	(pc) =	sbr.rel @p0 .LBB2_6-.Ltmp4, $4  }
0x343: {  	[tilespmem:s25+$0xFFFFFFD0] =	vst v63;
	v7 =	vmul.f32 v8, v11  }
0x344: {  	[tilespmem:s25+$0x60] =	vst v9  }
0x345: {  	[tilespmem:s25+$0x70] =	vst v7  }
0x346: {  	[spmem:s5] =	stream.indirect.scatter.add.f32 [tilespmem:s9], [sflag:$0x4], $0x90, s15, s12, $0xb8;
	[tilespmem:$0x1BB00] =	vst v63  }
0x347: {  	_ =	swait.ge [sflag:s16], $0x1200  }
0x348: {  	[sflag:s16] =	ssyncset.done $0x0  }
0x349: {  	[sflag:s16] =	ssyncadd.s32 $0xFFFFEE00  }
0x34a: {  	_ =	swait.ge [sflag:s17], $0x1200  }
0x34b: {  	[sflag:s17] =	ssyncset.done $0x0  }
0x34c: {  	s3 =	stileid.u32;
	[sflag:s17] =	ssyncadd.s32 $0xFFFFEE00  }
0x34d: {  	s3 =	sshll.u32 s3, $0x6;
	[bflag:$0x0] =	sbarrier.arrive $0xFFFF  }
0x34e: {  	s20 =	sshrl.u32 s7, $0x3;
	s3 =	sor.u32 $0x1C05, s3;
	s21 =	rddreg [dreg:$0x19]  }
0x34f: {  	[hbm:s21], [sflag:s3] =	dma.local [spmem:s20], $0x2C70  }
0x350: {  	_ =	swait.ge [sflag:s0], $0x2C70  }
0x351: {  	s18 =	sadd.s32 $0x1, s18;
	s31 =	rddreg [dreg:$0x1a]  }
0x352: {  	p0 =	sne.s32 s18, s31  }
.Ltmp5:
0x353: {  	_ = 	snop;
	(pc) =	sbr.rel @p0 .LBB2_1-.Ltmp5, $3  }
0x354: {  	_ =	sdelay $0x1  }
0x355: {  	[sflag:s0] =	ssyncset.done $0x0  }
0x356: {  	[sflag:s0] =	ssyncadd.s32 $0xFFFFD390  }
0x357: {  	_ =	sfence.sel $0x180000  }
0x358: {  	[bflag:$0x0] =	sbarrier.arrive $0xFFFF  }
0x359: {  	_ =	strace $0x90000047  }
0x35a: {  	s0 =	stileid.u32;
	[bflag:$0x2] =	sbarrier.arrive $0xFFFF  }
0x35b: {  	p0 =	sne.s32 s0, $0x0;
	s0 =	rddreg [dreg:$0x4]  }
0x35c: {  	s0 =	sadd.s32 @!p0 $0x100000, s0  }
0x35d: {  	[sflag:s0] =	ssyncadd.tile.s32 @!p0 $0x1;
	_ =	shalt  }
.Lfunc_end2:
_tile_overlayer_lowered:
.L_overlay_start_2:
0x35e: {  	(tag) =	ssettag $0x2  }
0x35f: {  	s0 =	rddreg [dreg:$0x0];
	s2 =	stileid.u32  }
0x360: {  	s1 =	rddreg [dreg:$0x1];
	p0 =	sne.s32 s2, $0x0  }
0x361: {  	s3 =	rddreg [dreg:$0x2];
	[bflag:$0x3] =	sbarrier.arrive $0xFFFF;
	s2 =	simm.s32 @!p0 $0x1C05  }
0x362: {  	[timem:s3], [sflag:s2] =	dma.local @!p0 [hbm:s0], s1  }
0x363: {  	s0 =	simm.s32 @!p0 $0x5  }
0x364: {  	_ =	swait.ge @!p0 [sflag:s0], s1  }
0x365: {  	s1 =	ssub.s32 @!p0 $0x0, s1;
	[sflag:s0] =	ssyncset.done @!p0 $0x0  }
0x366: {  	[sflag:s0] =	ssyncadd.s32 @!p0 s1  }
0x367: {  	[bflag:$0x3] =	sbarrier.arrive $0xFFFF  }
0x368: {  	_ =	shalt  }

</sc_bundles>
